<compile_context>
chip_gen: v7x
topology: tpu7x:2x2x1
jax: 0.10.2.dev20260603
libtpu: 0.0.44.dev20260713+nightly
codegen_flags: <defaults>
</compile_context>

<pallas_src>
import functools

import jax
import jax.numpy as jnp
from jax import lax
from jax.experimental import pallas as pl
from jax.experimental.pallas import tpu as pltpu
from jax.experimental.pallas import tpu_sc as plsc

NC = 2
NS = 16
NW = NC * NS
CH = 80
RN = 80
SUP = 25


def _rr_rows(s, n, copy_one):
    n_chunks = n // RN
    iters = (n_chunks + NS - 1) // NS

    def body(t, carry):
        cid = s + t * NS

        @pl.when(cid < n_chunks)
        def _():
            copy_one(cid * RN)

        return carry

    lax.fori_loop(0, iters, body, 0)


def _segsum_sc(x, src, dst, zeros):
    n, d = x.shape
    e = src.shape[0]
    e_per_w = e // NW
    n_chunks = e_per_w // CH
    mesh = plsc.VectorSubcoreMesh(core_axis_name="c", subcore_axis_name="s")

    @functools.partial(
        pl.kernel,
        out_type=jax.ShapeDtypeStruct((NC, n, d), jnp.float32),
        mesh=mesh,
        scratch_types=[
            pltpu.VMEM((SUP * CH,), jnp.int32),
            pltpu.VMEM((SUP * CH,), jnp.int32),
            pltpu.VMEM((CH, d), jnp.float32),
            pltpu.VMEM((CH, d), jnp.float32),
            pltpu.VMEM((CH, d), jnp.float32),
            pltpu.VMEM_SHARED((n, d), jnp.float32),
            pltpu.SemaphoreType.DMA,
            pltpu.SemaphoreType.DMA,
            pltpu.SemaphoreType.DMA,
        ],
    )
    def k(x_hbm, src_hbm, dst_hbm, zeros_hbm, out_hbm,
          sidx, didx, rows0, rows1, rows2, acc, g0, g1, g2):
        c = lax.axis_index("c")
        s = lax.axis_index("s")
        w = c * NS + s
        rows = (rows0, rows1, rows2)
        gsem = (g0, g1, g2)
        _rr_rows(s, n, lambda r0: pltpu.sync_copy(
            zeros_hbm.at[pl.ds(r0, RN)], acc.at[pl.ds(r0, RN)]))
        plsc.subcore_barrier()

        def start_g(j, k_):
            pltpu.async_copy(x_hbm.at[sidx.at[pl.ds(j * CH, CH)]],
                             rows[k_], gsem[k_])

        def wait_g(k_):
            pltpu.make_async_copy(zeros_hbm.at[pl.ds(0, CH)],
                                  rows[k_], gsem[k_]).wait()

        n_tri = SUP // 3
        tail = SUP - 3 * n_tri

        def super_body(u, carry):
            off = w * e_per_w + u * (SUP * CH)
            pltpu.sync_copy(src_hbm.at[pl.ds(off, SUP * CH)], sidx)
            pltpu.sync_copy(dst_hbm.at[pl.ds(off, SUP * CH)], didx)
            for k_ in range(min(3, SUP)):
                start_g(k_, k_)

            def body(t, carry2):
                a = 3 * t
                for k_ in range(3):
                    wait_g(k_)
                    pltpu.sync_copy(rows[k_],
                                    acc.at[didx.at[pl.ds((a + k_) * CH, CH)]],
                                    add=True)

                    @pl.when(a + k_ + 3 < SUP)
                    def _(k_=k_):
                        start_g(a + k_ + 3, k_)

                return carry2

            lax.fori_loop(0, n_tri, body, 0)
            for k_ in range(tail):
                wait_g(k_)
                pltpu.sync_copy(rows[k_],
                                acc.at[didx.at[pl.ds((3 * n_tri + k_) * CH, CH)]],
                                add=True)
            return carry

        lax.fori_loop(0, n_chunks // SUP, super_body, 0)
        plsc.subcore_barrier()
        _rr_rows(s, n, lambda r0: pltpu.sync_copy(
            acc.at[pl.ds(r0, RN)], out_hbm.at[c, pl.ds(r0, RN)]))

    return k(x, src, dst, zeros)


def _count_sc(dst, zeros, n, d):
    e = dst.shape[0]
    e_per_w = e // NW
    n_chunks = e_per_w // CH
    depth = 4
    mesh = plsc.VectorSubcoreMesh(core_axis_name="c", subcore_axis_name="s")

    @functools.partial(
        pl.kernel,
        out_type=jax.ShapeDtypeStruct((NC, n, d), jnp.float32),
        mesh=mesh,
        scratch_types=[
            pltpu.VMEM((SUP * CH,), jnp.int32),
            pltpu.VMEM((CH, d), jnp.float32),
            pltpu.VMEM_SHARED((n, d), jnp.float32),
            pltpu.SemaphoreType.DMA,
        ],
    )
    def k(dst_hbm, zeros_hbm, out_hbm, didx, ones_v, acc, ssem):
        c = lax.axis_index("c")
        s = lax.axis_index("s")
        w = c * NS + s

        def fill(i, carry):
            for kk in range(d // 16):
                ones_v[i, pl.ds(kk * 16, 16)] = jnp.ones((16,), jnp.float32)
            return carry

        lax.fori_loop(0, CH, fill, 0)
        _rr_rows(s, n, lambda r0: pltpu.sync_copy(
            zeros_hbm.at[pl.ds(r0, RN)], acc.at[pl.ds(r0, RN)]))
        plsc.subcore_barrier()

        def wait_one():
            pltpu.make_async_copy(zeros_hbm.at[pl.ds(0, CH)], ones_v, ssem).wait()

        def super_body(u, carry):
            off = w * e_per_w + u * (SUP * CH)
            pltpu.sync_copy(dst_hbm.at[pl.ds(off, SUP * CH)], didx)

            def body(j, carry2):
                pltpu.async_copy(ones_v, acc.at[didx.at[pl.ds(j * CH, CH)]],
                                 ssem, add=True)

                @pl.when(j >= depth)
                def _():
                    wait_one()

                return carry2

            lax.fori_loop(0, SUP, body, 0)
            for _ in range(min(depth, SUP)):
                wait_one()
            return carry

        lax.fori_loop(0, n_chunks // SUP, super_body, 0)
        plsc.subcore_barrier()
        _rr_rows(s, n, lambda r0: pltpu.sync_copy(
            acc.at[pl.ds(r0, RN)], out_hbm.at[c, pl.ds(r0, RN)]))

    return k(dst, zeros)


def _self_tc(h, wr_t, bl):
    n, d = h.shape
    bn = 1000

    def body(h_ref, wr_ref, bl_ref, o_ref):
        o_ref[...] = (jnp.dot(h_ref[...], wr_ref[...],
                              preferred_element_type=jnp.float32,
                              precision=lax.Precision.HIGHEST)
                      + bl_ref[...])

    return pl.pallas_call(
        body,
        out_shape=jax.ShapeDtypeStruct((n, d), jnp.float32),
        grid=(n // bn,),
        in_specs=[
            pl.BlockSpec((bn, d), lambda i: (i, 0)),
            pl.BlockSpec((d, d), lambda i: (0, 0)),
            pl.BlockSpec((1, d), lambda i: (0, 0)),
        ],
        out_specs=pl.BlockSpec((bn, d), lambda i: (i, 0)),
    )(h, wr_t, bl)


def _combine_tc(aggp, cntp, selfv, wl_t, relu):
    n, d = selfv.shape
    bn = 1000

    def body(ap_ref, cp_ref, sv_ref, wl_ref, o_ref):
        agg = ap_ref[0] + ap_ref[1]
        cnt = cp_ref[0, :, 0:1] + cp_ref[1, :, 0:1]
        mean = agg / jnp.maximum(cnt, 1.0)
        y = (jnp.dot(mean, wl_ref[...], preferred_element_type=jnp.float32,
                     precision=lax.Precision.HIGHEST)
             + sv_ref[...])
        if relu:
            y = jnp.maximum(y, 0.0)
        o_ref[...] = y

    return pl.pallas_call(
        body,
        out_shape=jax.ShapeDtypeStruct((n, d), jnp.float32),
        grid=(n // bn,),
        in_specs=[
            pl.BlockSpec((NC, bn, d), lambda i: (0, i, 0)),
            pl.BlockSpec((NC, bn, d), lambda i: (0, i, 0)),
            pl.BlockSpec((bn, d), lambda i: (i, 0)),
            pl.BlockSpec((d, d), lambda i: (0, 0)),
        ],
        out_specs=pl.BlockSpec((bn, d), lambda i: (i, 0)),
    )(aggp, cntp, selfv, wl_t)


def kernel(x, edge_index, W1l, b1, W1r, W2l, b2, W2r, W3l, b3, W3r):
    n, d = x.shape
    ei = edge_index.astype(jnp.int32)
    src, dst = ei[0], ei[1]
    zeros = jnp.zeros((n, d), jnp.float32)

    cntp = _count_sc(dst, zeros, n, d)

    h = x
    for wl, bl, wr, relu in (
        (W1l, b1, W1r, True),
        (W2l, b2, W2r, True),
        (W3l, b3, W3r, False),
    ):
        selfv = _self_tc(h, wr.T, bl.reshape(1, d))
        aggp = _segsum_sc(h, src, dst, zeros)
        h = _combine_tc(aggp, cntp, selfv, wl.T, relu)
    return h

# --- scband reference (transcript-rebuilt; emitter-appended) ---
"""Pipeline reference for scband-sage-82386062671994 (READ-ONLY COPY).

The authoritative reference and input builder live on the scoring server;
editing this copy changes nothing except your own understanding.
"""

import jax, jax.numpy as jnp
import numpy as np

N_NODES = 10000
N_EDGES = 320000
IN_CH = 128
HIDDEN = 128
OUT_CH = 128


def _glorot(key, shape):
    fan_in, fan_out = shape[1], shape[0]
    limit = (6.0 / (fan_in + fan_out)) ** 0.5
    return jax.random.uniform(key, shape, jnp.float32, -limit, limit)


def setup_inputs(seed: int = 0) -> dict:
    key = jax.random.key(seed)
    ks = jax.random.split(key, 12)
    x = jax.random.normal(ks[0], (N_NODES, IN_CH), jnp.float32)
    edge_index = jax.random.randint(ks[1], (2, N_EDGES), 0, N_NODES, jnp.int64)
    params = {
        'W1l': _glorot(ks[2], (HIDDEN, IN_CH)),
        'b1': jnp.zeros((HIDDEN,), jnp.float32),
        'W1r': _glorot(ks[3], (HIDDEN, IN_CH)),
        'W2l': _glorot(ks[4], (HIDDEN, HIDDEN)),
        'b2': jnp.zeros((HIDDEN,), jnp.float32),
        'W2r': _glorot(ks[5], (HIDDEN, HIDDEN)),
        'W3l': _glorot(ks[6], (OUT_CH, HIDDEN)),
        'b3': jnp.zeros((OUT_CH,), jnp.float32),
        'W3r': _glorot(ks[7], (OUT_CH, HIDDEN)),
    }
    out = {'x': x, 'edge_index': edge_index}
    out.update(params)
    return out


def _sage_conv(x, src, dst, Wl, bl, Wr, n_nodes):
    # PyG SAGEConv: mean aggregation of neighbor messages, then
    # out = lin_l(mean_j x_j) + lin_r(x_i)  (lin_l has bias, lin_r does not)
    msg = jnp.take(x, src, axis=0)                       # gather [E, d]
    agg = jax.ops.segment_sum(msg, dst, num_segments=n_nodes)
    cnt = jax.ops.segment_sum(jnp.ones((src.shape[0], 1), x.dtype), dst, num_segments=n_nodes)
    agg = agg / jnp.maximum(cnt, 1.0)
    return agg @ Wl.T + bl + x @ Wr.T


def reference(x, edge_index, W1l, b1, W1r, W2l, b2, W2r, W3l, b3, W3r):
    src = edge_index[0]
    dst = edge_index[1]
    n = x.shape[0]
    # eval mode: dropout is identity
    h = jax.nn.relu(_sage_conv(x, src, dst, W1l, b1, W1r, n))
    h = jax.nn.relu(_sage_conv(h, src, dst, W2l, b2, W2r, n))
    h = _sage_conv(h, src, dst, W3l, b3, W3r, n)
    return h

if __name__ == "__main__":
    import jax
    _d = setup_inputs()
    print(jax.jit(kernel)(*tuple(_d.values())))

</pallas_src>

<mosaic_0001>
#map = affine_map<(d0, d1) -> (0, 0)>
#map1 = affine_map<(d0, d1) -> (0)>
#map2 = affine_map<(d0, d1) -> (0, 0, 0)>
module attributes {stable_mosaic.version = 14 : i64} {
  func.func @k(%arg0: i32, %arg1: i32, %arg2: memref<10000x128xf32, #tpu.memory_space<hbm>>, %arg3: memref<320000xi32, #tpu.memory_space<hbm>>, %arg4: memref<320000xi32, #tpu.memory_space<hbm>>, %arg5: memref<10000x128xf32, #tpu.memory_space<hbm>>, %arg6: memref<2x10000x128xf32, #tpu.memory_space<hbm>>, %arg7: memref<2000xi32, #tpu.memory_space<vmem>>, %arg8: memref<2000xi32, #tpu.memory_space<vmem>>, %arg9: memref<80x128xf32, #tpu.memory_space<vmem>>, %arg10: memref<80x128xf32, #tpu.memory_space<vmem>>, %arg11: memref<80x128xf32, #tpu.memory_space<vmem>>, %arg12: memref<10000x128xf32, #tpu.memory_space<vmem_shared>>, %arg13: memref<!tpu.dma_semaphore, #tpu.memory_space<semaphore_mem>>, %arg14: memref<!tpu.dma_semaphore, #tpu.memory_space<semaphore_mem>>, %arg15: memref<!tpu.dma_semaphore, #tpu.memory_space<semaphore_mem>>) attributes {dimension_semantics = [#tpu.dimension_semantics<core_parallel>, #tpu.dimension_semantics<subcore_parallel>], iteration_bounds = array<i64: 2, 16>, scalar_prefetch = 0 : i64, scratch_operands = 9 : i64, tpu.core_type = #tpu.core_type<sc_vector_subcore>, window_params = [{transform_indices = #map}, {transform_indices = #map1}, {transform_indices = #map1}, {transform_indices = #map}, {transform_indices = #map2}]} {
    %mul3A = arith.constant 16 : i32
    %mul3A_0 = arith.muli %arg0, %mul3A : i32
    %add3A = arith.addi %mul3A_0, %arg1 : i32
    %scan3A = arith.constant 0 : i32
    %scan3A_1 = arith.constant 0 : i32
    %scan3A_2 = arith.constant 8 : i32
    %scan3A_3 = arith.addi %scan3A_1, %scan3A_2 : i32
    %scan3A_4 = arith.constant 1 : i32
    scf.for %scan3A_19 = %scan3A_1 to %scan3A_3 step %scan3A_4  : i32 {
      %mul3A_20 = arith.constant 16 : i32
      %mul3A_21 = arith.muli %scan3A_19, %mul3A_20 : i32
      %add3A_22 = arith.addi %arg1, %mul3A_21 : i32
      %lt3A = arith.constant 125 : i32
      %lt3A_23 = arith.cmpi slt, %add3A_22, %lt3A : i32
      %convert_element_type3A = arith.extui %lt3A_23 : i1 to i32
      %cond3A = arith.constant 0 : i32
      %cond3A_24 = arith.cmpi ne, %convert_element_type3A, %cond3A : i32
      scf.if %cond3A_24 {
        %mul3A_25 = arith.constant 80 : i32
        %mul3A_26 = arith.muli %add3A_22, %mul3A_25 : i32
        "tpu.region"() ({
          %run_scoped3A = tpu.sem_alloc : memref<!tpu.dma_semaphore, #tpu.memory_space<semaphore_mem>>
          %dma_start3A = arith.constant 0 : i32
          %dma_start3A_27 = tpu.memref_slice %arg12[%mul3A_26, %dma_start3A] : memref<10000x128xf32, #tpu.memory_space<vmem_shared>> -> memref<80x128xf32, #tpu.memory_space<vmem_shared>>
          %dma_start3A_28 = arith.constant 0 : i32
          %dma_start3A_29 = tpu.memref_slice %arg5[%mul3A_26, %dma_start3A_28] : memref<10000x128xf32, #tpu.memory_space<hbm>> -> memref<80x128xf32, #tpu.memory_space<hbm>>
          tpu.enqueue_dma source(%dma_start3A_29 : memref<80x128xf32, #tpu.memory_space<hbm>>) target(%dma_start3A_27 : memref<80x128xf32, #tpu.memory_space<vmem_shared>>) target_semaphore(%run_scoped3A : memref<!tpu.dma_semaphore, #tpu.memory_space<semaphore_mem>>)
          %dma_wait3A = arith.constant 0 : i32
          %dma_wait3A_30 = tpu.memref_slice %arg12[%mul3A_26, %dma_wait3A] : memref<10000x128xf32, #tpu.memory_space<vmem_shared>> -> memref<80x128xf32, #tpu.memory_space<vmem_shared>>
          %dma_wait3A_31 = arith.constant 0 : i32
          %dma_wait3A_32 = tpu.memref_slice %arg5[%mul3A_26, %dma_wait3A_31] : memref<10000x128xf32, #tpu.memory_space<hbm>> -> memref<80x128xf32, #tpu.memory_space<hbm>>
          tpu.wait_dma2 semaphore(%run_scoped3A : memref<!tpu.dma_semaphore, #tpu.memory_space<semaphore_mem>>) src(%dma_wait3A_32 : memref<80x128xf32, #tpu.memory_space<hbm>>) dst(%dma_wait3A_30 : memref<80x128xf32, #tpu.memory_space<vmem_shared>>)
          tpu.yield
        }) : () -> ()
      } else {
      }
    }
    %scan3A_5 = arith.constant 8 : i32
    %barrier3A = arith.constant 0 : index
    tpu.barrier barrier_id(%barrier3A)
    %scan3A_6 = arith.constant 0 : i32
    %scan3A_7 = arith.constant 0 : i32
    %scan3A_8 = arith.constant 5 : i32
    %scan3A_9 = arith.addi %scan3A_7, %scan3A_8 : i32
    %scan3A_10 = arith.constant 1 : i32
    scf.for %scan3A_19 = %scan3A_7 to %scan3A_9 step %scan3A_10  : i32 {
      %mul3A_20 = arith.constant 10000 : i32
      %mul3A_21 = arith.muli %add3A, %mul3A_20 : i32
      %mul3A_22 = arith.constant 2000 : i32
      %mul3A_23 = arith.muli %scan3A_19, %mul3A_22 : i32
      %add3A_24 = arith.addi %mul3A_21, %mul3A_23 : i32
      "tpu.region"() ({
        %run_scoped3A = tpu.sem_alloc : memref<!tpu.dma_semaphore, #tpu.memory_space<semaphore_mem>>
        %dma_start3A_50 = tpu.memref_slice %arg3[%add3A_24] : memref<320000xi32, #tpu.memory_space<hbm>> -> memref<2000xi32, #tpu.memory_space<hbm>>
        %dma_start3A_51 = tpu.memref_slice %arg3[%add3A_24] : memref<320000xi32, #tpu.memory_space<hbm>> -> memref<2000xi32, #tpu.memory_space<hbm>>
        tpu.enqueue_dma source(%dma_start3A_51 : memref<2000xi32, #tpu.memory_space<hbm>>) target(%arg7 : memref<2000xi32, #tpu.memory_space<vmem>>) target_semaphore(%run_scoped3A : memref<!tpu.dma_semaphore, #tpu.memory_space<semaphore_mem>>)
        %dma_wait3A_52 = tpu.memref_slice %arg3[%add3A_24] : memref<320000xi32, #tpu.memory_space<hbm>> -> memref<2000xi32, #tpu.memory_space<hbm>>
        %dma_wait3A_53 = tpu.memref_slice %arg3[%add3A_24] : memref<320000xi32, #tpu.memory_space<hbm>> -> memref<2000xi32, #tpu.memory_space<hbm>>
        tpu.wait_dma2 semaphore(%run_scoped3A : memref<!tpu.dma_semaphore, #tpu.memory_space<semaphore_mem>>) src(%dma_wait3A_53 : memref<2000xi32, #tpu.memory_space<hbm>>) dst(%arg7 : memref<2000xi32, #tpu.memory_space<vmem>>)
        tpu.yield
      }) : () -> ()
      "tpu.region"() ({
        %run_scoped3A = tpu.sem_alloc : memref<!tpu.dma_semaphore, #tpu.memory_space<semaphore_mem>>
        %dma_start3A_50 = tpu.memref_slice %arg4[%add3A_24] : memref<320000xi32, #tpu.memory_space<hbm>> -> memref<2000xi32, #tpu.memory_space<hbm>>
        %dma_start3A_51 = tpu.memref_slice %arg4[%add3A_24] : memref<320000xi32, #tpu.memory_space<hbm>> -> memref<2000xi32, #tpu.memory_space<hbm>>
        tpu.enqueue_dma source(%dma_start3A_51 : memref<2000xi32, #tpu.memory_space<hbm>>) target(%arg8 : memref<2000xi32, #tpu.memory_space<vmem>>) target_semaphore(%run_scoped3A : memref<!tpu.dma_semaphore, #tpu.memory_space<semaphore_mem>>)
        %dma_wait3A_52 = tpu.memref_slice %arg4[%add3A_24] : memref<320000xi32, #tpu.memory_space<hbm>> -> memref<2000xi32, #tpu.memory_space<hbm>>
        %dma_wait3A_53 = tpu.memref_slice %arg4[%add3A_24] : memref<320000xi32, #tpu.memory_space<hbm>> -> memref<2000xi32, #tpu.memory_space<hbm>>
        tpu.wait_dma2 semaphore(%run_scoped3A : memref<!tpu.dma_semaphore, #tpu.memory_space<semaphore_mem>>) src(%dma_wait3A_53 : memref<2000xi32, #tpu.memory_space<hbm>>) dst(%arg8 : memref<2000xi32, #tpu.memory_space<vmem>>)
        tpu.yield
      }) : () -> ()
      %dma_start3A = arith.constant 0 : i32
      %dma_start3A_25 = tpu.memref_slice %arg7[%dma_start3A] : memref<2000xi32, #tpu.memory_space<vmem>> -> memref<80xi32, #tpu.memory_space<vmem>>
      %dma_start3A_26 = arith.constant 0 : i32
      %dma_start3A_27 = arith.constant 0 : i32
      %dma_start3A_28 = tpu.memref_slice %arg2[%dma_start3A_26, %dma_start3A_27] : memref<10000x128xf32, #tpu.memory_space<hbm>> -> memref<10000x128xf32, #tpu.memory_space<hbm>>
      tpu.enqueue_indirect_dma source(%dma_start3A_28 : memref<10000x128xf32, #tpu.memory_space<hbm>>) target(%arg9 : memref<80x128xf32, #tpu.memory_space<vmem>>) offsets(%dma_start3A_25 : memref<80xi32, #tpu.memory_space<vmem>>) semaphore(%arg13 : memref<!tpu.dma_semaphore, #tpu.memory_space<semaphore_mem>>)
      %dma_start3A_29 = arith.constant 80 : i32
      %dma_start3A_30 = tpu.memref_slice %arg7[%dma_start3A_29] : memref<2000xi32, #tpu.memory_space<vmem>> -> memref<80xi32, #tpu.memory_space<vmem>>
      %dma_start3A_31 = arith.constant 0 : i32
      %dma_start3A_32 = arith.constant 0 : i32
      %dma_start3A_33 = tpu.memref_slice %arg2[%dma_start3A_31, %dma_start3A_32] : memref<10000x128xf32, #tpu.memory_space<hbm>> -> memref<10000x128xf32, #tpu.memory_space<hbm>>
      tpu.enqueue_indirect_dma source(%dma_start3A_33 : memref<10000x128xf32, #tpu.memory_space<hbm>>) target(%arg10 : memref<80x128xf32, #tpu.memory_space<vmem>>) offsets(%dma_start3A_30 : memref<80xi32, #tpu.memory_space<vmem>>) semaphore(%arg14 : memref<!tpu.dma_semaphore, #tpu.memory_space<semaphore_mem>>)
      %dma_start3A_34 = arith.constant 160 : i32
      %dma_start3A_35 = tpu.memref_slice %arg7[%dma_start3A_34] : memref<2000xi32, #tpu.memory_space<vmem>> -> memref<80xi32, #tpu.memory_space<vmem>>
      %dma_start3A_36 = arith.constant 0 : i32
      %dma_start3A_37 = arith.constant 0 : i32
      %dma_start3A_38 = tpu.memref_slice %arg2[%dma_start3A_36, %dma_start3A_37] : memref<10000x128xf32, #tpu.memory_space<hbm>> -> memref<10000x128xf32, #tpu.memory_space<hbm>>
      tpu.enqueue_indirect_dma source(%dma_start3A_38 : memref<10000x128xf32, #tpu.memory_space<hbm>>) target(%arg11 : memref<80x128xf32, #tpu.memory_space<vmem>>) offsets(%dma_start3A_35 : memref<80xi32, #tpu.memory_space<vmem>>) semaphore(%arg15 : memref<!tpu.dma_semaphore, #tpu.memory_space<semaphore_mem>>)
      %scan3A_39 = arith.constant 0 : i32
      %scan3A_40 = arith.constant 0 : i32
      %scan3A_41 = arith.constant 8 : i32
      %scan3A_42 = arith.addi %scan3A_40, %scan3A_41 : i32
      %scan3A_43 = arith.constant 1 : i32
      scf.for %scan3A_50 = %scan3A_40 to %scan3A_42 step %scan3A_43  : i32 {
        %mul3A_51 = arith.constant 3 : i32
        %mul3A_52 = arith.muli %mul3A_51, %scan3A_50 : i32
        %dma_wait3A_53 = arith.constant 0 : i32
        %dma_wait3A_54 = arith.constant 0 : i32
        %dma_wait3A_55 = tpu.memref_slice %arg5[%dma_wait3A_53, %dma_wait3A_54] : memref<10000x128xf32, #tpu.memory_space<hbm>> -> memref<80x128xf32, #tpu.memory_space<hbm>>
        %dma_wait3A_56 = arith.constant 0 : i32
        %dma_wait3A_57 = arith.constant 0 : i32
        %dma_wait3A_58 = tpu.memref_slice %arg5[%dma_wait3A_56, %dma_wait3A_57] : memref<10000x128xf32, #tpu.memory_space<hbm>> -> memref<80x128xf32, #tpu.memory_space<hbm>>
        tpu.wait_dma2 semaphore(%arg13 : memref<!tpu.dma_semaphore, #tpu.memory_space<semaphore_mem>>) src(%dma_wait3A_58 : memref<80x128xf32, #tpu.memory_space<hbm>>) dst(%arg9 : memref<80x128xf32, #tpu.memory_space<vmem>>)
        %add3A_59 = arith.constant 0 : i32
        %add3A_60 = arith.addi %mul3A_52, %add3A_59 : i32
        %mul3A_61 = arith.constant 80 : i32
        %mul3A_62 = arith.muli %add3A_60, %mul3A_61 : i32
        "tpu.region"() ({
          %run_scoped3A = tpu.sem_alloc : memref<!tpu.dma_semaphore, #tpu.memory_space<semaphore_mem>>
          %dma_start3A_107 = tpu.memref_slice %arg8[%mul3A_62] : memref<2000xi32, #tpu.memory_space<vmem>> -> memref<80xi32, #tpu.memory_space<vmem>>
          %dma_start3A_108 = arith.constant 0 : i32
          %dma_start3A_109 = arith.constant 0 : i32
          %dma_start3A_110 = tpu.memref_slice %arg12[%dma_start3A_108, %dma_start3A_109] : memref<10000x128xf32, #tpu.memory_space<vmem_shared>> -> memref<10000x128xf32, #tpu.memory_space<vmem_shared>>
          tpu.enqueue_indirect_dma source(%arg9 : memref<80x128xf32, #tpu.memory_space<vmem>>) target(%dma_start3A_110 : memref<10000x128xf32, #tpu.memory_space<vmem_shared>>) offsets(%dma_start3A_107 : memref<80xi32, #tpu.memory_space<vmem>>) semaphore(%run_scoped3A : memref<!tpu.dma_semaphore, #tpu.memory_space<semaphore_mem>>) {add = true}
          %dma_wait3A_111 = tpu.memref_slice %arg8[%mul3A_62] : memref<2000xi32, #tpu.memory_space<vmem>> -> memref<80xi32, #tpu.memory_space<vmem>>
          %dma_wait3A_112 = arith.constant 0 : i32
          %dma_wait3A_113 = arith.constant 0 : i32
          %dma_wait3A_114 = tpu.memref_slice %arg12[%dma_wait3A_112, %dma_wait3A_113] : memref<10000x128xf32, #tpu.memory_space<vmem_shared>> -> memref<10000x128xf32, #tpu.memory_space<vmem_shared>>
          tpu.wait_indirect_dma semaphore(%run_scoped3A : memref<!tpu.dma_semaphore, #tpu.memory_space<semaphore_mem>>) src(%arg9 : memref<80x128xf32, #tpu.memory_space<vmem>>) dst(%dma_wait3A_114 : memref<10000x128xf32, #tpu.memory_space<vmem_shared>>)
          tpu.yield
        }) : () -> ()
        %add3A_63 = arith.constant 0 : i32
        %add3A_64 = arith.addi %mul3A_52, %add3A_63 : i32
        %add3A_65 = arith.constant 3 : i32
        %add3A_66 = arith.addi %add3A_64, %add3A_65 : i32
        %lt3A = arith.constant 25 : i32
        %lt3A_67 = arith.cmpi slt, %add3A_66, %lt3A : i32
        %convert_element_type3A = arith.extui %lt3A_67 : i1 to i32
        %cond3A = arith.constant 0 : i32
        %cond3A_68 = arith.cmpi ne, %convert_element_type3A, %cond3A : i32
        scf.if %cond3A_68 {
          %add3A_107 = arith.constant 0 : i32
          %add3A_108 = arith.addi %mul3A_52, %add3A_107 : i32
          %add3A_109 = arith.constant 3 : i32
          %add3A_110 = arith.addi %add3A_108, %add3A_109 : i32
          %mul3A_111 = arith.constant 80 : i32
          %mul3A_112 = arith.muli %add3A_110, %mul3A_111 : i32
          %dma_start3A_113 = tpu.memref_slice %arg7[%mul3A_112] : memref<2000xi32, #tpu.memory_space<vmem>> -> memref<80xi32, #tpu.memory_space<vmem>>
          %dma_start3A_114 = arith.constant 0 : i32
          %dma_start3A_115 = arith.constant 0 : i32
          %dma_start3A_116 = tpu.memref_slice %arg2[%dma_start3A_114, %dma_start3A_115] : memref<10000x128xf32, #tpu.memory_space<hbm>> -> memref<10000x128xf32, #tpu.memory_space<hbm>>
          tpu.enqueue_indirect_dma source(%dma_start3A_116 : memref<10000x128xf32, #tpu.memory_space<hbm>>) target(%arg9 : memref<80x128xf32, #tpu.memory_space<vmem>>) offsets(%dma_start3A_113 : memref<80xi32, #tpu.memory_space<vmem>>) semaphore(%arg13 : memref<!tpu.dma_semaphore, #tpu.memory_space<semaphore_mem>>)
        } else {
        }
        %dma_wait3A_69 = arith.constant 0 : i32
        %dma_wait3A_70 = arith.constant 0 : i32
        %dma_wait3A_71 = tpu.memref_slice %arg5[%dma_wait3A_69, %dma_wait3A_70] : memref<10000x128xf32, #tpu.memory_space<hbm>> -> memref<80x128xf32, #tpu.memory_space<hbm>>
        %dma_wait3A_72 = arith.constant 0 : i32
        %dma_wait3A_73 = arith.constant 0 : i32
        %dma_wait3A_74 = tpu.memref_slice %arg5[%dma_wait3A_72, %dma_wait3A_73] : memref<10000x128xf32, #tpu.memory_space<hbm>> -> memref<80x128xf32, #tpu.memory_space<hbm>>
        tpu.wait_dma2 semaphore(%arg14 : memref<!tpu.dma_semaphore, #tpu.memory_space<semaphore_mem>>) src(%dma_wait3A_74 : memref<80x128xf32, #tpu.memory_space<hbm>>) dst(%arg10 : memref<80x128xf32, #tpu.memory_space<vmem>>)
        %add3A_75 = arith.constant 1 : i32
        %add3A_76 = arith.addi %mul3A_52, %add3A_75 : i32
        %mul3A_77 = arith.constant 80 : i32
        %mul3A_78 = arith.muli %add3A_76, %mul3A_77 : i32
        "tpu.region"() ({
          %run_scoped3A = tpu.sem_alloc : memref<!tpu.dma_semaphore, #tpu.memory_space<semaphore_mem>>
          %dma_start3A_107 = tpu.memref_slice %arg8[%mul3A_78] : memref<2000xi32, #tpu.memory_space<vmem>> -> memref<80xi32, #tpu.memory_space<vmem>>
          %dma_start3A_108 = arith.constant 0 : i32
          %dma_start3A_109 = arith.constant 0 : i32
          %dma_start3A_110 = tpu.memref_slice %arg12[%dma_start3A_108, %dma_start3A_109] : memref<10000x128xf32, #tpu.memory_space<vmem_shared>> -> memref<10000x128xf32, #tpu.memory_space<vmem_shared>>
          tpu.enqueue_indirect_dma source(%arg10 : memref<80x128xf32, #tpu.memory_space<vmem>>) target(%dma_start3A_110 : memref<10000x128xf32, #tpu.memory_space<vmem_shared>>) offsets(%dma_start3A_107 : memref<80xi32, #tpu.memory_space<vmem>>) semaphore(%run_scoped3A : memref<!tpu.dma_semaphore, #tpu.memory_space<semaphore_mem>>) {add = true}
          %dma_wait3A_111 = tpu.memref_slice %arg8[%mul3A_78] : memref<2000xi32, #tpu.memory_space<vmem>> -> memref<80xi32, #tpu.memory_space<vmem>>
          %dma_wait3A_112 = arith.constant 0 : i32
          %dma_wait3A_113 = arith.constant 0 : i32
          %dma_wait3A_114 = tpu.memref_slice %arg12[%dma_wait3A_112, %dma_wait3A_113] : memref<10000x128xf32, #tpu.memory_space<vmem_shared>> -> memref<10000x128xf32, #tpu.memory_space<vmem_shared>>
          tpu.wait_indirect_dma semaphore(%run_scoped3A : memref<!tpu.dma_semaphore, #tpu.memory_space<semaphore_mem>>) src(%arg10 : memref<80x128xf32, #tpu.memory_space<vmem>>) dst(%dma_wait3A_114 : memref<10000x128xf32, #tpu.memory_space<vmem_shared>>)
          tpu.yield
        }) : () -> ()
        %add3A_79 = arith.constant 1 : i32
        %add3A_80 = arith.addi %mul3A_52, %add3A_79 : i32
        %add3A_81 = arith.constant 3 : i32
        %add3A_82 = arith.addi %add3A_80, %add3A_81 : i32
        %lt3A_83 = arith.constant 25 : i32
        %lt3A_84 = arith.cmpi slt, %add3A_82, %lt3A_83 : i32
        %convert_element_type3A_85 = arith.extui %lt3A_84 : i1 to i32
        %cond3A_86 = arith.constant 0 : i32
        %cond3A_87 = arith.cmpi ne, %convert_element_type3A_85, %cond3A_86 : i32
        scf.if %cond3A_87 {
          %add3A_107 = arith.constant 1 : i32
          %add3A_108 = arith.addi %mul3A_52, %add3A_107 : i32
          %add3A_109 = arith.constant 3 : i32
          %add3A_110 = arith.addi %add3A_108, %add3A_109 : i32
          %mul3A_111 = arith.constant 80 : i32
          %mul3A_112 = arith.muli %add3A_110, %mul3A_111 : i32
          %dma_start3A_113 = tpu.memref_slice %arg7[%mul3A_112] : memref<2000xi32, #tpu.memory_space<vmem>> -> memref<80xi32, #tpu.memory_space<vmem>>
          %dma_start3A_114 = arith.constant 0 : i32
          %dma_start3A_115 = arith.constant 0 : i32
          %dma_start3A_116 = tpu.memref_slice %arg2[%dma_start3A_114, %dma_start3A_115] : memref<10000x128xf32, #tpu.memory_space<hbm>> -> memref<10000x128xf32, #tpu.memory_space<hbm>>
          tpu.enqueue_indirect_dma source(%dma_start3A_116 : memref<10000x128xf32, #tpu.memory_space<hbm>>) target(%arg10 : memref<80x128xf32, #tpu.memory_space<vmem>>) offsets(%dma_start3A_113 : memref<80xi32, #tpu.memory_space<vmem>>) semaphore(%arg14 : memref<!tpu.dma_semaphore, #tpu.memory_space<semaphore_mem>>)
        } else {
        }
        %dma_wait3A_88 = arith.constant 0 : i32
        %dma_wait3A_89 = arith.constant 0 : i32
        %dma_wait3A_90 = tpu.memref_slice %arg5[%dma_wait3A_88, %dma_wait3A_89] : memref<10000x128xf32, #tpu.memory_space<hbm>> -> memref<80x128xf32, #tpu.memory_space<hbm>>
        %dma_wait3A_91 = arith.constant 0 : i32
        %dma_wait3A_92 = arith.constant 0 : i32
        %dma_wait3A_93 = tpu.memref_slice %arg5[%dma_wait3A_91, %dma_wait3A_92] : memref<10000x128xf32, #tpu.memory_space<hbm>> -> memref<80x128xf32, #tpu.memory_space<hbm>>
        tpu.wait_dma2 semaphore(%arg15 : memref<!tpu.dma_semaphore, #tpu.memory_space<semaphore_mem>>) src(%dma_wait3A_93 : memref<80x128xf32, #tpu.memory_space<hbm>>) dst(%arg11 : memref<80x128xf32, #tpu.memory_space<vmem>>)
        %add3A_94 = arith.constant 2 : i32
        %add3A_95 = arith.addi %mul3A_52, %add3A_94 : i32
        %mul3A_96 = arith.constant 80 : i32
        %mul3A_97 = arith.muli %add3A_95, %mul3A_96 : i32
        "tpu.region"() ({
          %run_scoped3A = tpu.sem_alloc : memref<!tpu.dma_semaphore, #tpu.memory_space<semaphore_mem>>
          %dma_start3A_107 = tpu.memref_slice %arg8[%mul3A_97] : memref<2000xi32, #tpu.memory_space<vmem>> -> memref<80xi32, #tpu.memory_space<vmem>>
          %dma_start3A_108 = arith.constant 0 : i32
          %dma_start3A_109 = arith.constant 0 : i32
          %dma_start3A_110 = tpu.memref_slice %arg12[%dma_start3A_108, %dma_start3A_109] : memref<10000x128xf32, #tpu.memory_space<vmem_shared>> -> memref<10000x128xf32, #tpu.memory_space<vmem_shared>>
          tpu.enqueue_indirect_dma source(%arg11 : memref<80x128xf32, #tpu.memory_space<vmem>>) target(%dma_start3A_110 : memref<10000x128xf32, #tpu.memory_space<vmem_shared>>) offsets(%dma_start3A_107 : memref<80xi32, #tpu.memory_space<vmem>>) semaphore(%run_scoped3A : memref<!tpu.dma_semaphore, #tpu.memory_space<semaphore_mem>>) {add = true}
          %dma_wait3A_111 = tpu.memref_slice %arg8[%mul3A_97] : memref<2000xi32, #tpu.memory_space<vmem>> -> memref<80xi32, #tpu.memory_space<vmem>>
          %dma_wait3A_112 = arith.constant 0 : i32
          %dma_wait3A_113 = arith.constant 0 : i32
          %dma_wait3A_114 = tpu.memref_slice %arg12[%dma_wait3A_112, %dma_wait3A_113] : memref<10000x128xf32, #tpu.memory_space<vmem_shared>> -> memref<10000x128xf32, #tpu.memory_space<vmem_shared>>
          tpu.wait_indirect_dma semaphore(%run_scoped3A : memref<!tpu.dma_semaphore, #tpu.memory_space<semaphore_mem>>) src(%arg11 : memref<80x128xf32, #tpu.memory_space<vmem>>) dst(%dma_wait3A_114 : memref<10000x128xf32, #tpu.memory_space<vmem_shared>>)
          tpu.yield
        }) : () -> ()
        %add3A_98 = arith.constant 2 : i32
        %add3A_99 = arith.addi %mul3A_52, %add3A_98 : i32
        %add3A_100 = arith.constant 3 : i32
        %add3A_101 = arith.addi %add3A_99, %add3A_100 : i32
        %lt3A_102 = arith.constant 25 : i32
        %lt3A_103 = arith.cmpi slt, %add3A_101, %lt3A_102 : i32
        %convert_element_type3A_104 = arith.extui %lt3A_103 : i1 to i32
        %cond3A_105 = arith.constant 0 : i32
        %cond3A_106 = arith.cmpi ne, %convert_element_type3A_104, %cond3A_105 : i32
        scf.if %cond3A_106 {
          %add3A_107 = arith.constant 2 : i32
          %add3A_108 = arith.addi %mul3A_52, %add3A_107 : i32
          %add3A_109 = arith.constant 3 : i32
          %add3A_110 = arith.addi %add3A_108, %add3A_109 : i32
          %mul3A_111 = arith.constant 80 : i32
          %mul3A_112 = arith.muli %add3A_110, %mul3A_111 : i32
          %dma_start3A_113 = tpu.memref_slice %arg7[%mul3A_112] : memref<2000xi32, #tpu.memory_space<vmem>> -> memref<80xi32, #tpu.memory_space<vmem>>
          %dma_start3A_114 = arith.constant 0 : i32
          %dma_start3A_115 = arith.constant 0 : i32
          %dma_start3A_116 = tpu.memref_slice %arg2[%dma_start3A_114, %dma_start3A_115] : memref<10000x128xf32, #tpu.memory_space<hbm>> -> memref<10000x128xf32, #tpu.memory_space<hbm>>
          tpu.enqueue_indirect_dma source(%dma_start3A_116 : memref<10000x128xf32, #tpu.memory_space<hbm>>) target(%arg11 : memref<80x128xf32, #tpu.memory_space<vmem>>) offsets(%dma_start3A_113 : memref<80xi32, #tpu.memory_space<vmem>>) semaphore(%arg15 : memref<!tpu.dma_semaphore, #tpu.memory_space<semaphore_mem>>)
        } else {
        }
      }
      %scan3A_44 = arith.constant 8 : i32
      %dma_wait3A = arith.constant 0 : i32
      %dma_wait3A_45 = arith.constant 0 : i32
      %dma_wait3A_46 = tpu.memref_slice %arg5[%dma_wait3A, %dma_wait3A_45] : memref<10000x128xf32, #tpu.memory_space<hbm>> -> memref<80x128xf32, #tpu.memory_space<hbm>>
      %dma_wait3A_47 = arith.constant 0 : i32
      %dma_wait3A_48 = arith.constant 0 : i32
      %dma_wait3A_49 = tpu.memref_slice %arg5[%dma_wait3A_47, %dma_wait3A_48] : memref<10000x128xf32, #tpu.memory_space<hbm>> -> memref<80x128xf32, #tpu.memory_space<hbm>>
      tpu.wait_dma2 semaphore(%arg13 : memref<!tpu.dma_semaphore, #tpu.memory_space<semaphore_mem>>) src(%dma_wait3A_49 : memref<80x128xf32, #tpu.memory_space<hbm>>) dst(%arg9 : memref<80x128xf32, #tpu.memory_space<vmem>>)
      "tpu.region"() ({
        %run_scoped3A = tpu.sem_alloc : memref<!tpu.dma_semaphore, #tpu.memory_space<semaphore_mem>>
        %dma_start3A_50 = arith.constant 1920 : i32
        %dma_start3A_51 = tpu.memref_slice %arg8[%dma_start3A_50] : memref<2000xi32, #tpu.memory_space<vmem>> -> memref<80xi32, #tpu.memory_space<vmem>>
        %dma_start3A_52 = arith.constant 0 : i32
        %dma_start3A_53 = arith.constant 0 : i32
        %dma_start3A_54 = tpu.memref_slice %arg12[%dma_start3A_52, %dma_start3A_53] : memref<10000x128xf32, #tpu.memory_space<vmem_shared>> -> memref<10000x128xf32, #tpu.memory_space<vmem_shared>>
        tpu.enqueue_indirect_dma source(%arg9 : memref<80x128xf32, #tpu.memory_space<vmem>>) target(%dma_start3A_54 : memref<10000x128xf32, #tpu.memory_space<vmem_shared>>) offsets(%dma_start3A_51 : memref<80xi32, #tpu.memory_space<vmem>>) semaphore(%run_scoped3A : memref<!tpu.dma_semaphore, #tpu.memory_space<semaphore_mem>>) {add = true}
        %dma_wait3A_55 = arith.constant 1920 : i32
        %dma_wait3A_56 = tpu.memref_slice %arg8[%dma_wait3A_55] : memref<2000xi32, #tpu.memory_space<vmem>> -> memref<80xi32, #tpu.memory_space<vmem>>
        %dma_wait3A_57 = arith.constant 0 : i32
        %dma_wait3A_58 = arith.constant 0 : i32
        %dma_wait3A_59 = tpu.memref_slice %arg12[%dma_wait3A_57, %dma_wait3A_58] : memref<10000x128xf32, #tpu.memory_space<vmem_shared>> -> memref<10000x128xf32, #tpu.memory_space<vmem_shared>>
        tpu.wait_indirect_dma semaphore(%run_scoped3A : memref<!tpu.dma_semaphore, #tpu.memory_space<semaphore_mem>>) src(%arg9 : memref<80x128xf32, #tpu.memory_space<vmem>>) dst(%dma_wait3A_59 : memref<10000x128xf32, #tpu.memory_space<vmem_shared>>)
        tpu.yield
      }) : () -> ()
    }
    %scan3A_11 = arith.constant 5 : i32
    %barrier3A_12 = arith.constant 0 : index
    tpu.barrier barrier_id(%barrier3A_12)
    %scan3A_13 = arith.constant 0 : i32
    %scan3A_14 = arith.constant 0 : i32
    %scan3A_15 = arith.constant 8 : i32
    %scan3A_16 = arith.addi %scan3A_14, %scan3A_15 : i32
    %scan3A_17 = arith.constant 1 : i32
    scf.for %scan3A_19 = %scan3A_14 to %scan3A_16 step %scan3A_17  : i32 {
      %mul3A_20 = arith.constant 16 : i32
      %mul3A_21 = arith.muli %scan3A_19, %mul3A_20 : i32
      %add3A_22 = arith.addi %arg1, %mul3A_21 : i32
      %lt3A = arith.constant 125 : i32
      %lt3A_23 = arith.cmpi slt, %add3A_22, %lt3A : i32
      %convert_element_type3A = arith.extui %lt3A_23 : i1 to i32
      %cond3A = arith.constant 0 : i32
      %cond3A_24 = arith.cmpi ne, %convert_element_type3A, %cond3A : i32
      scf.if %cond3A_24 {
        %mul3A_25 = arith.constant 80 : i32
        %mul3A_26 = arith.muli %add3A_22, %mul3A_25 : i32
        "tpu.region"() ({
          %run_scoped3A = tpu.sem_alloc : memref<!tpu.dma_semaphore, #tpu.memory_space<semaphore_mem>>
          %dma_start3A = arith.constant 0 : i32
          %dma_start3A_27 = tpu.memref_slice %arg6[%arg0, %mul3A_26, %dma_start3A] : memref<2x10000x128xf32, #tpu.memory_space<hbm>> -> memref<1x80x128xf32, #tpu.memory_space<hbm>>
          %dma_start3A_28 = tpu.memref_squeeze %dma_start3A_27 : memref<1x80x128xf32, #tpu.memory_space<hbm>> -> memref<80x128xf32, #tpu.memory_space<hbm>>
          %dma_start3A_29 = arith.constant 0 : i32
          %dma_start3A_30 = tpu.memref_slice %arg12[%mul3A_26, %dma_start3A_29] : memref<10000x128xf32, #tpu.memory_space<vmem_shared>> -> memref<80x128xf32, #tpu.memory_space<vmem_shared>>
          tpu.enqueue_dma source(%dma_start3A_30 : memref<80x128xf32, #tpu.memory_space<vmem_shared>>) target(%dma_start3A_28 : memref<80x128xf32, #tpu.memory_space<hbm>>) target_semaphore(%run_scoped3A : memref<!tpu.dma_semaphore, #tpu.memory_space<semaphore_mem>>)
          %dma_wait3A = arith.constant 0 : i32
          %dma_wait3A_31 = tpu.memref_slice %arg6[%arg0, %mul3A_26, %dma_wait3A] : memref<2x10000x128xf32, #tpu.memory_space<hbm>> -> memref<1x80x128xf32, #tpu.memory_space<hbm>>
          %dma_wait3A_32 = tpu.memref_squeeze %dma_wait3A_31 : memref<1x80x128xf32, #tpu.memory_space<hbm>> -> memref<80x128xf32, #tpu.memory_space<hbm>>
          %dma_wait3A_33 = arith.constant 0 : i32
          %dma_wait3A_34 = tpu.memref_slice %arg12[%mul3A_26, %dma_wait3A_33] : memref<10000x128xf32, #tpu.memory_space<vmem_shared>> -> memref<80x128xf32, #tpu.memory_space<vmem_shared>>
          tpu.wait_dma2 semaphore(%run_scoped3A : memref<!tpu.dma_semaphore, #tpu.memory_space<semaphore_mem>>) src(%dma_wait3A_34 : memref<80x128xf32, #tpu.memory_space<vmem_shared>>) dst(%dma_wait3A_32 : memref<80x128xf32, #tpu.memory_space<hbm>>)
          tpu.yield
        }) : () -> ()
      } else {
      }
    }
    %scan3A_18 = arith.constant 8 : i32
    return
  }
}

#map = affine_map<(d0, d1) -> (0, 0)>
#map1 = affine_map<(d0, d1) -> (0)>
#map2 = affine_map<(d0, d1) -> (0, 0, 0)>
module attributes {stable_mosaic.version = 14 : i64} {
  func.func @k(%arg0: i32, %arg1: i32, %arg2: memref<10000x128xf32, #tpu.memory_space<hbm>>, %arg3: memref<320000xi32, #tpu.memory_space<hbm>>, %arg4: memref<320000xi32, #tpu.memory_space<hbm>>, %arg5: memref<10000x128xf32, #tpu.memory_space<hbm>>, %arg6: memref<2x10000x128xf32, #tpu.memory_space<hbm>>, %arg7: memref<2000xi32, #tpu.memory_space<vmem>>, %arg8: memref<2000xi32, #tpu.memory_space<vmem>>, %arg9: memref<80x128xf32, #tpu.memory_space<vmem>>, %arg10: memref<80x128xf32, #tpu.memory_space<vmem>>, %arg11: memref<80x128xf32, #tpu.memory_space<vmem>>, %arg12: memref<10000x128xf32, #tpu.memory_space<vmem_shared>>, %arg13: memref<!tpu.dma_semaphore, #tpu.memory_space<semaphore_mem>>, %arg14: memref<!tpu.dma_semaphore, #tpu.memory_space<semaphore_mem>>, %arg15: memref<!tpu.dma_semaphore, #tpu.memory_space<semaphore_mem>>) attributes {dimension_semantics = [#tpu.dimension_semantics<core_parallel>, #tpu.dimension_semantics<subcore_parallel>], iteration_bounds = array<i64: 2, 16>, scalar_prefetch = 0 : i64, scratch_operands = 9 : i64, tpu.core_type = #tpu.core_type<sc_vector_subcore>, window_params = [{transform_indices = #map}, {transform_indices = #map1}, {transform_indices = #map1}, {transform_indices = #map}, {transform_indices = #map2}]} {
    %mul3A = arith.constant 16 : i32
    %mul3A_0 = arith.muli %arg0, %mul3A : i32
    %add3A = arith.addi %mul3A_0, %arg1 : i32
    %scan3A = arith.constant 0 : i32
    %scan3A_1 = arith.constant 0 : i32
    %scan3A_2 = arith.constant 8 : i32
    %scan3A_3 = arith.addi %scan3A_1, %scan3A_2 : i32
    %scan3A_4 = arith.constant 1 : i32
    scf.for %scan3A_19 = %scan3A_1 to %scan3A_3 step %scan3A_4  : i32 {
      %mul3A_20 = arith.constant 16 : i32
      %mul3A_21 = arith.muli %scan3A_19, %mul3A_20 : i32
      %add3A_22 = arith.addi %arg1, %mul3A_21 : i32
      %lt3A = arith.constant 125 : i32
      %lt3A_23 = arith.cmpi slt, %add3A_22, %lt3A : i32
      %convert_element_type3A = arith.extui %lt3A_23 : i1 to i32
      %cond3A = arith.constant 0 : i32
      %cond3A_24 = arith.cmpi ne, %convert_element_type3A, %cond3A : i32
      scf.if %cond3A_24 {
        %mul3A_25 = arith.constant 80 : i32
        %mul3A_26 = arith.muli %add3A_22, %mul3A_25 : i32
        "tpu.region"() ({
          %run_scoped3A = tpu.sem_alloc : memref<!tpu.dma_semaphore, #tpu.memory_space<semaphore_mem>>
          %dma_start3A = arith.constant 0 : i32
          %dma_start3A_27 = tpu.memref_slice %arg12[%mul3A_26, %dma_start3A] : memref<10000x128xf32, #tpu.memory_space<vmem_shared>> -> memref<80x128xf32, #tpu.memory_space<vmem_shared>>
          %dma_start3A_28 = arith.constant 0 : i32
          %dma_start3A_29 = tpu.memref_slice %arg5[%mul3A_26, %dma_start3A_28] : memref<10000x128xf32, #tpu.memory_space<hbm>> -> memref<80x128xf32, #tpu.memory_space<hbm>>
          tpu.enqueue_dma source(%dma_start3A_29 : memref<80x128xf32, #tpu.memory_space<hbm>>) target(%dma_start3A_27 : memref<80x128xf32, #tpu.memory_space<vmem_shared>>) target_semaphore(%run_scoped3A : memref<!tpu.dma_semaphore, #tpu.memory_space<semaphore_mem>>)
          %dma_wait3A = arith.constant 0 : i32
          %dma_wait3A_30 = tpu.memref_slice %arg12[%mul3A_26, %dma_wait3A] : memref<10000x128xf32, #tpu.memory_space<vmem_shared>> -> memref<80x128xf32, #tpu.memory_space<vmem_shared>>
          %dma_wait3A_31 = arith.constant 0 : i32
          %dma_wait3A_32 = tpu.memref_slice %arg5[%mul3A_26, %dma_wait3A_31] : memref<10000x128xf32, #tpu.memory_space<hbm>> -> memref<80x128xf32, #tpu.memory_space<hbm>>
          tpu.wait_dma2 semaphore(%run_scoped3A : memref<!tpu.dma_semaphore, #tpu.memory_space<semaphore_mem>>) src(%dma_wait3A_32 : memref<80x128xf32, #tpu.memory_space<hbm>>) dst(%dma_wait3A_30 : memref<80x128xf32, #tpu.memory_space<vmem_shared>>)
          tpu.yield
        }) : () -> ()
      } else {
      }
    }
    %scan3A_5 = arith.constant 8 : i32
    %barrier3A = arith.constant 0 : index
    tpu.barrier barrier_id(%barrier3A)
    %scan3A_6 = arith.constant 0 : i32
    %scan3A_7 = arith.constant 0 : i32
    %scan3A_8 = arith.constant 5 : i32
    %scan3A_9 = arith.addi %scan3A_7, %scan3A_8 : i32
    %scan3A_10 = arith.constant 1 : i32
    scf.for %scan3A_19 = %scan3A_7 to %scan3A_9 step %scan3A_10  : i32 {
      %mul3A_20 = arith.constant 10000 : i32
      %mul3A_21 = arith.muli %add3A, %mul3A_20 : i32
      %mul3A_22 = arith.constant 2000 : i32
      %mul3A_23 = arith.muli %scan3A_19, %mul3A_22 : i32
      %add3A_24 = arith.addi %mul3A_21, %mul3A_23 : i32
      "tpu.region"() ({
        %run_scoped3A = tpu.sem_alloc : memref<!tpu.dma_semaphore, #tpu.memory_space<semaphore_mem>>
        %dma_start3A_50 = tpu.memref_slice %arg3[%add3A_24] : memref<320000xi32, #tpu.memory_space<hbm>> -> memref<2000xi32, #tpu.memory_space<hbm>>
        %dma_start3A_51 = tpu.memref_slice %arg3[%add3A_24] : memref<320000xi32, #tpu.memory_space<hbm>> -> memref<2000xi32, #tpu.memory_space<hbm>>
        tpu.enqueue_dma source(%dma_start3A_51 : memref<2000xi32, #tpu.memory_space<hbm>>) target(%arg7 : memref<2000xi32, #tpu.memory_space<vmem>>) target_semaphore(%run_scoped3A : memref<!tpu.dma_semaphore, #tpu.memory_space<semaphore_mem>>)
        %dma_wait3A_52 = tpu.memref_slice %arg3[%add3A_24] : memref<320000xi32, #tpu.memory_space<hbm>> -> memref<2000xi32, #tpu.memory_space<hbm>>
        %dma_wait3A_53 = tpu.memref_slice %arg3[%add3A_24] : memref<320000xi32, #tpu.memory_space<hbm>> -> memref<2000xi32, #tpu.memory_space<hbm>>
        tpu.wait_dma2 semaphore(%run_scoped3A : memref<!tpu.dma_semaphore, #tpu.memory_space<semaphore_mem>>) src(%dma_wait3A_53 : memref<2000xi32, #tpu.memory_space<hbm>>) dst(%arg7 : memref<2000xi32, #tpu.memory_space<vmem>>)
        tpu.yield
      }) : () -> ()
      "tpu.region"() ({
        %run_scoped3A = tpu.sem_alloc : memref<!tpu.dma_semaphore, #tpu.memory_space<semaphore_mem>>
        %dma_start3A_50 = tpu.memref_slice %arg4[%add3A_24] : memref<320000xi32, #tpu.memory_space<hbm>> -> memref<2000xi32, #tpu.memory_space<hbm>>
        %dma_start3A_51 = tpu.memref_slice %arg4[%add3A_24] : memref<320000xi32, #tpu.memory_space<hbm>> -> memref<2000xi32, #tpu.memory_space<hbm>>
        tpu.enqueue_dma source(%dma_start3A_51 : memref<2000xi32, #tpu.memory_space<hbm>>) target(%arg8 : memref<2000xi32, #tpu.memory_space<vmem>>) target_semaphore(%run_scoped3A : memref<!tpu.dma_semaphore, #tpu.memory_space<semaphore_mem>>)
        %dma_wait3A_52 = tpu.memref_slice %arg4[%add3A_24] : memref<320000xi32, #tpu.memory_space<hbm>> -> memref<2000xi32, #tpu.memory_space<hbm>>
        %dma_wait3A_53 = tpu.memref_slice %arg4[%add3A_24] : memref<320000xi32, #tpu.memory_space<hbm>> -> memref<2000xi32, #tpu.memory_space<hbm>>
        tpu.wait_dma2 semaphore(%run_scoped3A : memref<!tpu.dma_semaphore, #tpu.memory_space<semaphore_mem>>) src(%dma_wait3A_53 : memref<2000xi32, #tpu.memory_space<hbm>>) dst(%arg8 : memref<2000xi32, #tpu.memory_space<vmem>>)
        tpu.yield
      }) : () -> ()
      %dma_start3A = arith.constant 0 : i32
      %dma_start3A_25 = tpu.memref_slice %arg7[%dma_start3A] : memref<2000xi32, #tpu.memory_space<vmem>> -> memref<80xi32, #tpu.memory_space<vmem>>
      %dma_start3A_26 = arith.constant 0 : i32
      %dma_start3A_27 = arith.constant 0 : i32
      %dma_start3A_28 = tpu.memref_slice %arg2[%dma_start3A_26, %dma_start3A_27] : memref<10000x128xf32, #tpu.memory_space<hbm>> -> memref<10000x128xf32, #tpu.memory_space<hbm>>
      tpu.enqueue_indirect_dma source(%dma_start3A_28 : memref<10000x128xf32, #tpu.memory_space<hbm>>) target(%arg9 : memref<80x128xf32, #tpu.memory_space<vmem>>) offsets(%dma_start3A_25 : memref<80xi32, #tpu.memory_space<vmem>>) semaphore(%arg13 : memref<!tpu.dma_semaphore, #tpu.memory_space<semaphore_mem>>)
      %dma_start3A_29 = arith.constant 80 : i32
      %dma_start3A_30 = tpu.memref_slice %arg7[%dma_start3A_29] : memref<2000xi32, #tpu.memory_space<vmem>> -> memref<80xi32, #tpu.memory_space<vmem>>
      %dma_start3A_31 = arith.constant 0 : i32
      %dma_start3A_32 = arith.constant 0 : i32
      %dma_start3A_33 = tpu.memref_slice %arg2[%dma_start3A_31, %dma_start3A_32] : memref<10000x128xf32, #tpu.memory_space<hbm>> -> memref<10000x128xf32, #tpu.memory_space<hbm>>
      tpu.enqueue_indirect_dma source(%dma_start3A_33 : memref<10000x128xf32, #tpu.memory_space<hbm>>) target(%arg10 : memref<80x128xf32, #tpu.memory_space<vmem>>) offsets(%dma_start3A_30 : memref<80xi32, #tpu.memory_space<vmem>>) semaphore(%arg14 : memref<!tpu.dma_semaphore, #tpu.memory_space<semaphore_mem>>)
      %dma_start3A_34 = arith.constant 160 : i32
      %dma_start3A_35 = tpu.memref_slice %arg7[%dma_start3A_34] : memref<2000xi32, #tpu.memory_space<vmem>> -> memref<80xi32, #tpu.memory_space<vmem>>
      %dma_start3A_36 = arith.constant 0 : i32
      %dma_start3A_37 = arith.constant 0 : i32
      %dma_start3A_38 = tpu.memref_slice %arg2[%dma_start3A_36, %dma_start3A_37] : memref<10000x128xf32, #tpu.memory_space<hbm>> -> memref<10000x128xf32, #tpu.memory_space<hbm>>
      tpu.enqueue_indirect_dma source(%dma_start3A_38 : memref<10000x128xf32, #tpu.memory_space<hbm>>) target(%arg11 : memref<80x128xf32, #tpu.memory_space<vmem>>) offsets(%dma_start3A_35 : memref<80xi32, #tpu.memory_space<vmem>>) semaphore(%arg15 : memref<!tpu.dma_semaphore, #tpu.memory_space<semaphore_mem>>)
      %scan3A_39 = arith.constant 0 : i32
      %scan3A_40 = arith.constant 0 : i32
      %scan3A_41 = arith.constant 8 : i32
      %scan3A_42 = arith.addi %scan3A_40, %scan3A_41 : i32
      %scan3A_43 = arith.constant 1 : i32
      scf.for %scan3A_50 = %scan3A_40 to %scan3A_42 step %scan3A_43  : i32 {
        %mul3A_51 = arith.constant 3 : i32
        %mul3A_52 = arith.muli %mul3A_51, %scan3A_50 : i32
        %dma_wait3A_53 = arith.constant 0 : i32
        %dma_wait3A_54 = arith.constant 0 : i32
        %dma_wait3A_55 = tpu.memref_slice %arg5[%dma_wait3A_53, %dma_wait3A_54] : memref<10000x128xf32, #tpu.memory_space<hbm>> -> memref<80x128xf32, #tpu.memory_space<hbm>>
        %dma_wait3A_56 = arith.constant 0 : i32
        %dma_wait3A_57 = arith.constant 0 : i32
        %dma_wait3A_58 = tpu.memref_slice %arg5[%dma_wait3A_56, %dma_wait3A_57] : memref<10000x128xf32, #tpu.memory_space<hbm>> -> memref<80x128xf32, #tpu.memory_space<hbm>>
        tpu.wait_dma2 semaphore(%arg13 : memref<!tpu.dma_semaphore, #tpu.memory_space<semaphore_mem>>) src(%dma_wait3A_58 : memref<80x128xf32, #tpu.memory_space<hbm>>) dst(%arg9 : memref<80x128xf32, #tpu.memory_space<vmem>>)
        %add3A_59 = arith.constant 0 : i32
        %add3A_60 = arith.addi %mul3A_52, %add3A_59 : i32
        %mul3A_61 = arith.constant 80 : i32
        %mul3A_62 = arith.muli %add3A_60, %mul3A_61 : i32
        "tpu.region"() ({
          %run_scoped3A = tpu.sem_alloc : memref<!tpu.dma_semaphore, #tpu.memory_space<semaphore_mem>>
          %dma_start3A_107 = tpu.memref_slice %arg8[%mul3A_62] : memref<2000xi32, #tpu.memory_space<vmem>> -> memref<80xi32, #tpu.memory_space<vmem>>
          %dma_start3A_108 = arith.constant 0 : i32
          %dma_start3A_109 = arith.constant 0 : i32
          %dma_start3A_110 = tpu.memref_slice %arg12[%dma_start3A_108, %dma_start3A_109] : memref<10000x128xf32, #tpu.memory_space<vmem_shared>> -> memref<10000x128xf32, #tpu.memory_space<vmem_shared>>
          tpu.enqueue_indirect_dma source(%arg9 : memref<80x128xf32, #tpu.memory_space<vmem>>) target(%dma_start3A_110 : memref<10000x128xf32, #tpu.memory_space<vmem_shared>>) offsets(%dma_start3A_107 : memref<80xi32, #tpu.memory_space<vmem>>) semaphore(%run_scoped3A : memref<!tpu.dma_semaphore, #tpu.memory_space<semaphore_mem>>) {add = true}
          %dma_wait3A_111 = tpu.memref_slice %arg8[%mul3A_62] : memref<2000xi32, #tpu.memory_space<vmem>> -> memref<80xi32, #tpu.memory_space<vmem>>
          %dma_wait3A_112 = arith.constant 0 : i32
          %dma_wait3A_113 = arith.constant 0 : i32
          %dma_wait3A_114 = tpu.memref_slice %arg12[%dma_wait3A_112, %dma_wait3A_113] : memref<10000x128xf32, #tpu.memory_space<vmem_shared>> -> memref<10000x128xf32, #tpu.memory_space<vmem_shared>>
          tpu.wait_indirect_dma semaphore(%run_scoped3A : memref<!tpu.dma_semaphore, #tpu.memory_space<semaphore_mem>>) src(%arg9 : memref<80x128xf32, #tpu.memory_space<vmem>>) dst(%dma_wait3A_114 : memref<10000x128xf32, #tpu.memory_space<vmem_shared>>)
          tpu.yield
        }) : () -> ()
        %add3A_63 = arith.constant 0 : i32
        %add3A_64 = arith.addi %mul3A_52, %add3A_63 : i32
        %add3A_65 = arith.constant 3 : i32
        %add3A_66 = arith.addi %add3A_64, %add3A_65 : i32
        %lt3A = arith.constant 25 : i32
        %lt3A_67 = arith.cmpi slt, %add3A_66, %lt3A : i32
        %convert_element_type3A = arith.extui %lt3A_67 : i1 to i32
        %cond3A = arith.constant 0 : i32
        %cond3A_68 = arith.cmpi ne, %convert_element_type3A, %cond3A : i32
        scf.if %cond3A_68 {
          %add3A_107 = arith.constant 0 : i32
          %add3A_108 = arith.addi %mul3A_52, %add3A_107 : i32
          %add3A_109 = arith.constant 3 : i32
          %add3A_110 = arith.addi %add3A_108, %add3A_109 : i32
          %mul3A_111 = arith.constant 80 : i32
          %mul3A_112 = arith.muli %add3A_110, %mul3A_111 : i32
          %dma_start3A_113 = tpu.memref_slice %arg7[%mul3A_112] : memref<2000xi32, #tpu.memory_space<vmem>> -> memref<80xi32, #tpu.memory_space<vmem>>
          %dma_start3A_114 = arith.constant 0 : i32
          %dma_start3A_115 = arith.constant 0 : i32
          %dma_start3A_116 = tpu.memref_slice %arg2[%dma_start3A_114, %dma_start3A_115] : memref<10000x128xf32, #tpu.memory_space<hbm>> -> memref<10000x128xf32, #tpu.memory_space<hbm>>
          tpu.enqueue_indirect_dma source(%dma_start3A_116 : memref<10000x128xf32, #tpu.memory_space<hbm>>) target(%arg9 : memref<80x128xf32, #tpu.memory_space<vmem>>) offsets(%dma_start3A_113 : memref<80xi32, #tpu.memory_space<vmem>>) semaphore(%arg13 : memref<!tpu.dma_semaphore, #tpu.memory_space<semaphore_mem>>)
        } else {
        }
        %dma_wait3A_69 = arith.constant 0 : i32
        %dma_wait3A_70 = arith.constant 0 : i32
        %dma_wait3A_71 = tpu.memref_slice %arg5[%dma_wait3A_69, %dma_wait3A_70] : memref<10000x128xf32, #tpu.memory_space<hbm>> -> memref<80x128xf32, #tpu.memory_space<hbm>>
        %dma_wait3A_72 = arith.constant 0 : i32
        %dma_wait3A_73 = arith.constant 0 : i32
        %dma_wait3A_74 = tpu.memref_slice %arg5[%dma_wait3A_72, %dma_wait3A_73] : memref<10000x128xf32, #tpu.memory_space<hbm>> -> memref<80x128xf32, #tpu.memory_space<hbm>>
        tpu.wait_dma2 semaphore(%arg14 : memref<!tpu.dma_semaphore, #tpu.memory_space<semaphore_mem>>) src(%dma_wait3A_74 : memref<80x128xf32, #tpu.memory_space<hbm>>) dst(%arg10 : memref<80x128xf32, #tpu.memory_space<vmem>>)
        %add3A_75 = arith.constant 1 : i32
        %add3A_76 = arith.addi %mul3A_52, %add3A_75 : i32
        %mul3A_77 = arith.constant 80 : i32
        %mul3A_78 = arith.muli %add3A_76, %mul3A_77 : i32
        "tpu.region"() ({
          %run_scoped3A = tpu.sem_alloc : memref<!tpu.dma_semaphore, #tpu.memory_space<semaphore_mem>>
          %dma_start3A_107 = tpu.memref_slice %arg8[%mul3A_78] : memref<2000xi32, #tpu.memory_space<vmem>> -> memref<80xi32, #tpu.memory_space<vmem>>
          %dma_start3A_108 = arith.constant 0 : i32
          %dma_start3A_109 = arith.constant 0 : i32
          %dma_start3A_110 = tpu.memref_slice %arg12[%dma_start3A_108, %dma_start3A_109] : memref<10000x128xf32, #tpu.memory_space<vmem_shared>> -> memref<10000x128xf32, #tpu.memory_space<vmem_shared>>
          tpu.enqueue_indirect_dma source(%arg10 : memref<80x128xf32, #tpu.memory_space<vmem>>) target(%dma_start3A_110 : memref<10000x128xf32, #tpu.memory_space<vmem_shared>>) offsets(%dma_start3A_107 : memref<80xi32, #tpu.memory_space<vmem>>) semaphore(%run_scoped3A : memref<!tpu.dma_semaphore, #tpu.memory_space<semaphore_mem>>) {add = true}
          %dma_wait3A_111 = tpu.memref_slice %arg8[%mul3A_78] : memref<2000xi32, #tpu.memory_space<vmem>> -> memref<80xi32, #tpu.memory_space<vmem>>
          %dma_wait3A_112 = arith.constant 0 : i32
          %dma_wait3A_113 = arith.constant 0 : i32
          %dma_wait3A_114 = tpu.memref_slice %arg12[%dma_wait3A_112, %dma_wait3A_113] : memref<10000x128xf32, #tpu.memory_space<vmem_shared>> -> memref<10000x128xf32, #tpu.memory_space<vmem_shared>>
          tpu.wait_indirect_dma semaphore(%run_scoped3A : memref<!tpu.dma_semaphore, #tpu.memory_space<semaphore_mem>>) src(%arg10 : memref<80x128xf32, #tpu.memory_space<vmem>>) dst(%dma_wait3A_114 : memref<10000x128xf32, #tpu.memory_space<vmem_shared>>)
          tpu.yield
        }) : () -> ()
        %add3A_79 = arith.constant 1 : i32
        %add3A_80 = arith.addi %mul3A_52, %add3A_79 : i32
        %add3A_81 = arith.constant 3 : i32
        %add3A_82 = arith.addi %add3A_80, %add3A_81 : i32
        %lt3A_83 = arith.constant 25 : i32
        %lt3A_84 = arith.cmpi slt, %add3A_82, %lt3A_83 : i32
        %convert_element_type3A_85 = arith.extui %lt3A_84 : i1 to i32
        %cond3A_86 = arith.constant 0 : i32
        %cond3A_87 = arith.cmpi ne, %convert_element_type3A_85, %cond3A_86 : i32
        scf.if %cond3A_87 {
          %add3A_107 = arith.constant 1 : i32
          %add3A_108 = arith.addi %mul3A_52, %add3A_107 : i32
          %add3A_109 = arith.constant 3 : i32
          %add3A_110 = arith.addi %add3A_108, %add3A_109 : i32
          %mul3A_111 = arith.constant 80 : i32
          %mul3A_112 = arith.muli %add3A_110, %mul3A_111 : i32
          %dma_start3A_113 = tpu.memref_slice %arg7[%mul3A_112] : memref<2000xi32, #tpu.memory_space<vmem>> -> memref<80xi32, #tpu.memory_space<vmem>>
          %dma_start3A_114 = arith.constant 0 : i32
          %dma_start3A_115 = arith.constant 0 : i32
          %dma_start3A_116 = tpu.memref_slice %arg2[%dma_start3A_114, %dma_start3A_115] : memref<10000x128xf32, #tpu.memory_space<hbm>> -> memref<10000x128xf32, #tpu.memory_space<hbm>>
          tpu.enqueue_indirect_dma source(%dma_start3A_116 : memref<10000x128xf32, #tpu.memory_space<hbm>>) target(%arg10 : memref<80x128xf32, #tpu.memory_space<vmem>>) offsets(%dma_start3A_113 : memref<80xi32, #tpu.memory_space<vmem>>) semaphore(%arg14 : memref<!tpu.dma_semaphore, #tpu.memory_space<semaphore_mem>>)
        } else {
        }
        %dma_wait3A_88 = arith.constant 0 : i32
        %dma_wait3A_89 = arith.constant 0 : i32
        %dma_wait3A_90 = tpu.memref_slice %arg5[%dma_wait3A_88, %dma_wait3A_89] : memref<10000x128xf32, #tpu.memory_space<hbm>> -> memref<80x128xf32, #tpu.memory_space<hbm>>
        %dma_wait3A_91 = arith.constant 0 : i32
        %dma_wait3A_92 = arith.constant 0 : i32
        %dma_wait3A_93 = tpu.memref_slice %arg5[%dma_wait3A_91, %dma_wait3A_92] : memref<10000x128xf32, #tpu.memory_space<hbm>> -> memref<80x128xf32, #tpu.memory_space<hbm>>
        tpu.wait_dma2 semaphore(%arg15 : memref<!tpu.dma_semaphore, #tpu.memory_space<semaphore_mem>>) src(%dma_wait3A_93 : memref<80x128xf32, #tpu.memory_space<hbm>>) dst(%arg11 : memref<80x128xf32, #tpu.memory_space<vmem>>)
        %add3A_94 = arith.constant 2 : i32
        %add3A_95 = arith.addi %mul3A_52, %add3A_94 : i32
        %mul3A_96 = arith.constant 80 : i32
        %mul3A_97 = arith.muli %add3A_95, %mul3A_96 : i32
        "tpu.region"() ({
          %run_scoped3A = tpu.sem_alloc : memref<!tpu.dma_semaphore, #tpu.memory_space<semaphore_mem>>
          %dma_start3A_107 = tpu.memref_slice %arg8[%mul3A_97] : memref<2000xi32, #tpu.memory_space<vmem>> -> memref<80xi32, #tpu.memory_space<vmem>>
          %dma_start3A_108 = arith.constant 0 : i32
          %dma_start3A_109 = arith.constant 0 : i32
          %dma_start3A_110 = tpu.memref_slice %arg12[%dma_start3A_108, %dma_start3A_109] : memref<10000x128xf32, #tpu.memory_space<vmem_shared>> -> memref<10000x128xf32, #tpu.memory_space<vmem_shared>>
          tpu.enqueue_indirect_dma source(%arg11 : memref<80x128xf32, #tpu.memory_space<vmem>>) target(%dma_start3A_110 : memref<10000x128xf32, #tpu.memory_space<vmem_shared>>) offsets(%dma_start3A_107 : memref<80xi32, #tpu.memory_space<vmem>>) semaphore(%run_scoped3A : memref<!tpu.dma_semaphore, #tpu.memory_space<semaphore_mem>>) {add = true}
          %dma_wait3A_111 = tpu.memref_slice %arg8[%mul3A_97] : memref<2000xi32, #tpu.memory_space<vmem>> -> memref<80xi32, #tpu.memory_space<vmem>>
          %dma_wait3A_112 = arith.constant 0 : i32
          %dma_wait3A_113 = arith.constant 0 : i32
          %dma_wait3A_114 = tpu.memref_slice %arg12[%dma_wait3A_112, %dma_wait3A_113] : memref<10000x128xf32, #tpu.memory_space<vmem_shared>> -> memref<10000x128xf32, #tpu.memory_space<vmem_shared>>
          tpu.wait_indirect_dma semaphore(%run_scoped3A : memref<!tpu.dma_semaphore, #tpu.memory_space<semaphore_mem>>) src(%arg11 : memref<80x128xf32, #tpu.memory_space<vmem>>) dst(%dma_wait3A_114 : memref<10000x128xf32, #tpu.memory_space<vmem_shared>>)
          tpu.yield
        }) : () -> ()
        %add3A_98 = arith.constant 2 : i32
        %add3A_99 = arith.addi %mul3A_52, %add3A_98 : i32
        %add3A_100 = arith.constant 3 : i32
        %add3A_101 = arith.addi %add3A_99, %add3A_100 : i32
        %lt3A_102 = arith.constant 25 : i32
        %lt3A_103 = arith.cmpi slt, %add3A_101, %lt3A_102 : i32
        %convert_element_type3A_104 = arith.extui %lt3A_103 : i1 to i32
        %cond3A_105 = arith.constant 0 : i32
        %cond3A_106 = arith.cmpi ne, %convert_element_type3A_104, %cond3A_105 : i32
        scf.if %cond3A_106 {
          %add3A_107 = arith.constant 2 : i32
          %add3A_108 = arith.addi %mul3A_52, %add3A_107 : i32
          %add3A_109 = arith.constant 3 : i32
          %add3A_110 = arith.addi %add3A_108, %add3A_109 : i32
          %mul3A_111 = arith.constant 80 : i32
          %mul3A_112 = arith.muli %add3A_110, %mul3A_111 : i32
          %dma_start3A_113 = tpu.memref_slice %arg7[%mul3A_112] : memref<2000xi32, #tpu.memory_space<vmem>> -> memref<80xi32, #tpu.memory_space<vmem>>
          %dma_start3A_114 = arith.constant 0 : i32
          %dma_start3A_115 = arith.constant 0 : i32
          %dma_start3A_116 = tpu.memref_slice %arg2[%dma_start3A_114, %dma_start3A_115] : memref<10000x128xf32, #tpu.memory_space<hbm>> -> memref<10000x128xf32, #tpu.memory_space<hbm>>
          tpu.enqueue_indirect_dma source(%dma_start3A_116 : memref<10000x128xf32, #tpu.memory_space<hbm>>) target(%arg11 : memref<80x128xf32, #tpu.memory_space<vmem>>) offsets(%dma_start3A_113 : memref<80xi32, #tpu.memory_space<vmem>>) semaphore(%arg15 : memref<!tpu.dma_semaphore, #tpu.memory_space<semaphore_mem>>)
        } else {
        }
      }
      %scan3A_44 = arith.constant 8 : i32
      %dma_wait3A = arith.constant 0 : i32
      %dma_wait3A_45 = arith.constant 0 : i32
      %dma_wait3A_46 = tpu.memref_slice %arg5[%dma_wait3A, %dma_wait3A_45] : memref<10000x128xf32, #tpu.memory_space<hbm>> -> memref<80x128xf32, #tpu.memory_space<hbm>>
      %dma_wait3A_47 = arith.constant 0 : i32
      %dma_wait3A_48 = arith.constant 0 : i32
      %dma_wait3A_49 = tpu.memref_slice %arg5[%dma_wait3A_47, %dma_wait3A_48] : memref<10000x128xf32, #tpu.memory_space<hbm>> -> memref<80x128xf32, #tpu.memory_space<hbm>>
      tpu.wait_dma2 semaphore(%arg13 : memref<!tpu.dma_semaphore, #tpu.memory_space<semaphore_mem>>) src(%dma_wait3A_49 : memref<80x128xf32, #tpu.memory_space<hbm>>) dst(%arg9 : memref<80x128xf32, #tpu.memory_space<vmem>>)
      "tpu.region"() ({
        %run_scoped3A = tpu.sem_alloc : memref<!tpu.dma_semaphore, #tpu.memory_space<semaphore_mem>>
        %dma_start3A_50 = arith.constant 1920 : i32
        %dma_start3A_51 = tpu.memref_slice %arg8[%dma_start3A_50] : memref<2000xi32, #tpu.memory_space<vmem>> -> memref<80xi32, #tpu.memory_space<vmem>>
        %dma_start3A_52 = arith.constant 0 : i32
        %dma_start3A_53 = arith.constant 0 : i32
        %dma_start3A_54 = tpu.memref_slice %arg12[%dma_start3A_52, %dma_start3A_53] : memref<10000x128xf32, #tpu.memory_space<vmem_shared>> -> memref<10000x128xf32, #tpu.memory_space<vmem_shared>>
        tpu.enqueue_indirect_dma source(%arg9 : memref<80x128xf32, #tpu.memory_space<vmem>>) target(%dma_start3A_54 : memref<10000x128xf32, #tpu.memory_space<vmem_shared>>) offsets(%dma_start3A_51 : memref<80xi32, #tpu.memory_space<vmem>>) semaphore(%run_scoped3A : memref<!tpu.dma_semaphore, #tpu.memory_space<semaphore_mem>>) {add = true}
        %dma_wait3A_55 = arith.constant 1920 : i32
        %dma_wait3A_56 = tpu.memref_slice %arg8[%dma_wait3A_55] : memref<2000xi32, #tpu.memory_space<vmem>> -> memref<80xi32, #tpu.memory_space<vmem>>
        %dma_wait3A_57 = arith.constant 0 : i32
        %dma_wait3A_58 = arith.constant 0 : i32
        %dma_wait3A_59 = tpu.memref_slice %arg12[%dma_wait3A_57, %dma_wait3A_58] : memref<10000x128xf32, #tpu.memory_space<vmem_shared>> -> memref<10000x128xf32, #tpu.memory_space<vmem_shared>>
        tpu.wait_indirect_dma semaphore(%run_scoped3A : memref<!tpu.dma_semaphore, #tpu.memory_space<semaphore_mem>>) src(%arg9 : memref<80x128xf32, #tpu.memory_space<vmem>>) dst(%dma_wait3A_59 : memref<10000x128xf32, #tpu.memory_space<vmem_shared>>)
        tpu.yield
      }) : () -> ()
    }
    %scan3A_11 = arith.constant 5 : i32
    %barrier3A_12 = arith.constant 0 : index
    tpu.barrier barrier_id(%barrier3A_12)
    %scan3A_13 = arith.constant 0 : i32
    %scan3A_14 = arith.constant 0 : i32
    %scan3A_15 = arith.constant 8 : i32
    %scan3A_16 = arith.addi %scan3A_14, %scan3A_15 : i32
    %scan3A_17 = arith.constant 1 : i32
    scf.for %scan3A_19 = %scan3A_14 to %scan3A_16 step %scan3A_17  : i32 {
      %mul3A_20 = arith.constant 16 : i32
      %mul3A_21 = arith.muli %scan3A_19, %mul3A_20 : i32
      %add3A_22 = arith.addi %arg1, %mul3A_21 : i32
      %lt3A = arith.constant 125 : i32
      %lt3A_23 = arith.cmpi slt, %add3A_22, %lt3A : i32
      %convert_element_type3A = arith.extui %lt3A_23 : i1 to i32
      %cond3A = arith.constant 0 : i32
      %cond3A_24 = arith.cmpi ne, %convert_element_type3A, %cond3A : i32
      scf.if %cond3A_24 {
        %mul3A_25 = arith.constant 80 : i32
        %mul3A_26 = arith.muli %add3A_22, %mul3A_25 : i32
        "tpu.region"() ({
          %run_scoped3A = tpu.sem_alloc : memref<!tpu.dma_semaphore, #tpu.memory_space<semaphore_mem>>
          %dma_start3A = arith.constant 0 : i32
          %dma_start3A_27 = tpu.memref_slice %arg6[%arg0, %mul3A_26, %dma_start3A] : memref<2x10000x128xf32, #tpu.memory_space<hbm>> -> memref<1x80x128xf32, #tpu.memory_space<hbm>>
          %dma_start3A_28 = tpu.memref_squeeze %dma_start3A_27 : memref<1x80x128xf32, #tpu.memory_space<hbm>> -> memref<80x128xf32, #tpu.memory_space<hbm>>
          %dma_start3A_29 = arith.constant 0 : i32
          %dma_start3A_30 = tpu.memref_slice %arg12[%mul3A_26, %dma_start3A_29] : memref<10000x128xf32, #tpu.memory_space<vmem_shared>> -> memref<80x128xf32, #tpu.memory_space<vmem_shared>>
          tpu.enqueue_dma source(%dma_start3A_30 : memref<80x128xf32, #tpu.memory_space<vmem_shared>>) target(%dma_start3A_28 : memref<80x128xf32, #tpu.memory_space<hbm>>) target_semaphore(%run_scoped3A : memref<!tpu.dma_semaphore, #tpu.memory_space<semaphore_mem>>)
          %dma_wait3A = arith.constant 0 : i32
          %dma_wait3A_31 = tpu.memref_slice %arg6[%arg0, %mul3A_26, %dma_wait3A] : memref<2x10000x128xf32, #tpu.memory_space<hbm>> -> memref<1x80x128xf32, #tpu.memory_space<hbm>>
          %dma_wait3A_32 = tpu.memref_squeeze %dma_wait3A_31 : memref<1x80x128xf32, #tpu.memory_space<hbm>> -> memref<80x128xf32, #tpu.memory_space<hbm>>
          %dma_wait3A_33 = arith.constant 0 : i32
          %dma_wait3A_34 = tpu.memref_slice %arg12[%mul3A_26, %dma_wait3A_33] : memref<10000x128xf32, #tpu.memory_space<vmem_shared>> -> memref<80x128xf32, #tpu.memory_space<vmem_shared>>
          tpu.wait_dma2 semaphore(%run_scoped3A : memref<!tpu.dma_semaphore, #tpu.memory_space<semaphore_mem>>) src(%dma_wait3A_34 : memref<80x128xf32, #tpu.memory_space<vmem_shared>>) dst(%dma_wait3A_32 : memref<80x128xf32, #tpu.memory_space<hbm>>)
          tpu.yield
        }) : () -> ()
      } else {
      }
    }
    %scan3A_18 = arith.constant 8 : i32
    return
  }
}

#map = affine_map<(d0, d1) -> (0, 0)>
#map1 = affine_map<(d0, d1) -> (0)>
#map2 = affine_map<(d0, d1) -> (0, 0, 0)>
module attributes {stable_mosaic.version = 14 : i64} {
  func.func @k(%arg0: i32, %arg1: i32, %arg2: memref<10000x128xf32, #tpu.memory_space<hbm>>, %arg3: memref<320000xi32, #tpu.memory_space<hbm>>, %arg4: memref<320000xi32, #tpu.memory_space<hbm>>, %arg5: memref<10000x128xf32, #tpu.memory_space<hbm>>, %arg6: memref<2x10000x128xf32, #tpu.memory_space<hbm>>, %arg7: memref<2000xi32, #tpu.memory_space<vmem>>, %arg8: memref<2000xi32, #tpu.memory_space<vmem>>, %arg9: memref<80x128xf32, #tpu.memory_space<vmem>>, %arg10: memref<80x128xf32, #tpu.memory_space<vmem>>, %arg11: memref<80x128xf32, #tpu.memory_space<vmem>>, %arg12: memref<10000x128xf32, #tpu.memory_space<vmem_shared>>, %arg13: memref<!tpu.dma_semaphore, #tpu.memory_space<semaphore_mem>>, %arg14: memref<!tpu.dma_semaphore, #tpu.memory_space<semaphore_mem>>, %arg15: memref<!tpu.dma_semaphore, #tpu.memory_space<semaphore_mem>>) attributes {dimension_semantics = [#tpu.dimension_semantics<core_parallel>, #tpu.dimension_semantics<subcore_parallel>], iteration_bounds = array<i64: 2, 16>, scalar_prefetch = 0 : i64, scratch_operands = 9 : i64, tpu.core_type = #tpu.core_type<sc_vector_subcore>, window_params = [{transform_indices = #map}, {transform_indices = #map1}, {transform_indices = #map1}, {transform_indices = #map}, {transform_indices = #map2}]} {
    %mul3A = arith.constant 16 : i32
    %mul3A_0 = arith.muli %arg0, %mul3A : i32
    %add3A = arith.addi %mul3A_0, %arg1 : i32
    %scan3A = arith.constant 0 : i32
    %scan3A_1 = arith.constant 0 : i32
    %scan3A_2 = arith.constant 8 : i32
    %scan3A_3 = arith.addi %scan3A_1, %scan3A_2 : i32
    %scan3A_4 = arith.constant 1 : i32
    scf.for %scan3A_19 = %scan3A_1 to %scan3A_3 step %scan3A_4  : i32 {
      %mul3A_20 = arith.constant 16 : i32
      %mul3A_21 = arith.muli %scan3A_19, %mul3A_20 : i32
      %add3A_22 = arith.addi %arg1, %mul3A_21 : i32
      %lt3A = arith.constant 125 : i32
      %lt3A_23 = arith.cmpi slt, %add3A_22, %lt3A : i32
      %convert_element_type3A = arith.extui %lt3A_23 : i1 to i32
      %cond3A = arith.constant 0 : i32
      %cond3A_24 = arith.cmpi ne, %convert_element_type3A, %cond3A : i32
      scf.if %cond3A_24 {
        %mul3A_25 = arith.constant 80 : i32
        %mul3A_26 = arith.muli %add3A_22, %mul3A_25 : i32
        "tpu.region"() ({
          %run_scoped3A = tpu.sem_alloc : memref<!tpu.dma_semaphore, #tpu.memory_space<semaphore_mem>>
          %dma_start3A = arith.constant 0 : i32
          %dma_start3A_27 = tpu.memref_slice %arg12[%mul3A_26, %dma_start3A] : memref<10000x128xf32, #tpu.memory_space<vmem_shared>> -> memref<80x128xf32, #tpu.memory_space<vmem_shared>>
          %dma_start3A_28 = arith.constant 0 : i32
          %dma_start3A_29 = tpu.memref_slice %arg5[%mul3A_26, %dma_start3A_28] : memref<10000x128xf32, #tpu.memory_space<hbm>> -> memref<80x128xf32, #tpu.memory_space<hbm>>
          tpu.enqueue_dma source(%dma_start3A_29 : memref<80x128xf32, #tpu.memory_space<hbm>>) target(%dma_start3A_27 : memref<80x128xf32, #tpu.memory_space<vmem_shared>>) target_semaphore(%run_scoped3A : memref<!tpu.dma_semaphore, #tpu.memory_space<semaphore_mem>>)
          %dma_wait3A = arith.constant 0 : i32
          %dma_wait3A_30 = tpu.memref_slice %arg12[%mul3A_26, %dma_wait3A] : memref<10000x128xf32, #tpu.memory_space<vmem_shared>> -> memref<80x128xf32, #tpu.memory_space<vmem_shared>>
          %dma_wait3A_31 = arith.constant 0 : i32
          %dma_wait3A_32 = tpu.memref_slice %arg5[%mul3A_26, %dma_wait3A_31] : memref<10000x128xf32, #tpu.memory_space<hbm>> -> memref<80x128xf32, #tpu.memory_space<hbm>>
          tpu.wait_dma2 semaphore(%run_scoped3A : memref<!tpu.dma_semaphore, #tpu.memory_space<semaphore_mem>>) src(%dma_wait3A_32 : memref<80x128xf32, #tpu.memory_space<hbm>>) dst(%dma_wait3A_30 : memref<80x128xf32, #tpu.memory_space<vmem_shared>>)
          tpu.yield
        }) : () -> ()
      } else {
      }
    }
    %scan3A_5 = arith.constant 8 : i32
    %barrier3A = arith.constant 0 : index
    tpu.barrier barrier_id(%barrier3A)
    %scan3A_6 = arith.constant 0 : i32
    %scan3A_7 = arith.constant 0 : i32
    %scan3A_8 = arith.constant 5 : i32
    %scan3A_9 = arith.addi %scan3A_7, %scan3A_8 : i32
    %scan3A_10 = arith.constant 1 : i32
    scf.for %scan3A_19 = %scan3A_7 to %scan3A_9 step %scan3A_10  : i32 {
      %mul3A_20 = arith.constant 10000 : i32
      %mul3A_21 = arith.muli %add3A, %mul3A_20 : i32
      %mul3A_22 = arith.constant 2000 : i32
      %mul3A_23 = arith.muli %scan3A_19, %mul3A_22 : i32
      %add3A_24 = arith.addi %mul3A_21, %mul3A_23 : i32
      "tpu.region"() ({
        %run_scoped3A = tpu.sem_alloc : memref<!tpu.dma_semaphore, #tpu.memory_space<semaphore_mem>>
        %dma_start3A_50 = tpu.memref_slice %arg3[%add3A_24] : memref<320000xi32, #tpu.memory_space<hbm>> -> memref<2000xi32, #tpu.memory_space<hbm>>
        %dma_start3A_51 = tpu.memref_slice %arg3[%add3A_24] : memref<320000xi32, #tpu.memory_space<hbm>> -> memref<2000xi32, #tpu.memory_space<hbm>>
        tpu.enqueue_dma source(%dma_start3A_51 : memref<2000xi32, #tpu.memory_space<hbm>>) target(%arg7 : memref<2000xi32, #tpu.memory_space<vmem>>) target_semaphore(%run_scoped3A : memref<!tpu.dma_semaphore, #tpu.memory_space<semaphore_mem>>)
        %dma_wait3A_52 = tpu.memref_slice %arg3[%add3A_24] : memref<320000xi32, #tpu.memory_space<hbm>> -> memref<2000xi32, #tpu.memory_space<hbm>>
        %dma_wait3A_53 = tpu.memref_slice %arg3[%add3A_24] : memref<320000xi32, #tpu.memory_space<hbm>> -> memref<2000xi32, #tpu.memory_space<hbm>>
        tpu.wait_dma2 semaphore(%run_scoped3A : memref<!tpu.dma_semaphore, #tpu.memory_space<semaphore_mem>>) src(%dma_wait3A_53 : memref<2000xi32, #tpu.memory_space<hbm>>) dst(%arg7 : memref<2000xi32, #tpu.memory_space<vmem>>)
        tpu.yield
      }) : () -> ()
      "tpu.region"() ({
        %run_scoped3A = tpu.sem_alloc : memref<!tpu.dma_semaphore, #tpu.memory_space<semaphore_mem>>
        %dma_start3A_50 = tpu.memref_slice %arg4[%add3A_24] : memref<320000xi32, #tpu.memory_space<hbm>> -> memref<2000xi32, #tpu.memory_space<hbm>>
        %dma_start3A_51 = tpu.memref_slice %arg4[%add3A_24] : memref<320000xi32, #tpu.memory_space<hbm>> -> memref<2000xi32, #tpu.memory_space<hbm>>
        tpu.enqueue_dma source(%dma_start3A_51 : memref<2000xi32, #tpu.memory_space<hbm>>) target(%arg8 : memref<2000xi32, #tpu.memory_space<vmem>>) target_semaphore(%run_scoped3A : memref<!tpu.dma_semaphore, #tpu.memory_space<semaphore_mem>>)
        %dma_wait3A_52 = tpu.memref_slice %arg4[%add3A_24] : memref<320000xi32, #tpu.memory_space<hbm>> -> memref<2000xi32, #tpu.memory_space<hbm>>
        %dma_wait3A_53 = tpu.memref_slice %arg4[%add3A_24] : memref<320000xi32, #tpu.memory_space<hbm>> -> memref<2000xi32, #tpu.memory_space<hbm>>
        tpu.wait_dma2 semaphore(%run_scoped3A : memref<!tpu.dma_semaphore, #tpu.memory_space<semaphore_mem>>) src(%dma_wait3A_53 : memref<2000xi32, #tpu.memory_space<hbm>>) dst(%arg8 : memref<2000xi32, #tpu.memory_space<vmem>>)
        tpu.yield
      }) : () -> ()
      %dma_start3A = arith.constant 0 : i32
      %dma_start3A_25 = tpu.memref_slice %arg7[%dma_start3A] : memref<2000xi32, #tpu.memory_space<vmem>> -> memref<80xi32, #tpu.memory_space<vmem>>
      %dma_start3A_26 = arith.constant 0 : i32
      %dma_start3A_27 = arith.constant 0 : i32
      %dma_start3A_28 = tpu.memref_slice %arg2[%dma_start3A_26, %dma_start3A_27] : memref<10000x128xf32, #tpu.memory_space<hbm>> -> memref<10000x128xf32, #tpu.memory_space<hbm>>
      tpu.enqueue_indirect_dma source(%dma_start3A_28 : memref<10000x128xf32, #tpu.memory_space<hbm>>) target(%arg9 : memref<80x128xf32, #tpu.memory_space<vmem>>) offsets(%dma_start3A_25 : memref<80xi32, #tpu.memory_space<vmem>>) semaphore(%arg13 : memref<!tpu.dma_semaphore, #tpu.memory_space<semaphore_mem>>)
      %dma_start3A_29 = arith.constant 80 : i32
      %dma_start3A_30 = tpu.memref_slice %arg7[%dma_start3A_29] : memref<2000xi32, #tpu.memory_space<vmem>> -> memref<80xi32, #tpu.memory_space<vmem>>
      %dma_start3A_31 = arith.constant 0 : i32
      %dma_start3A_32 = arith.constant 0 : i32
      %dma_start3A_33 = tpu.memref_slice %arg2[%dma_start3A_31, %dma_start3A_32] : memref<10000x128xf32, #tpu.memory_space<hbm>> -> memref<10000x128xf32, #tpu.memory_space<hbm>>
      tpu.enqueue_indirect_dma source(%dma_start3A_33 : memref<10000x128xf32, #tpu.memory_space<hbm>>) target(%arg10 : memref<80x128xf32, #tpu.memory_space<vmem>>) offsets(%dma_start3A_30 : memref<80xi32, #tpu.memory_space<vmem>>) semaphore(%arg14 : memref<!tpu.dma_semaphore, #tpu.memory_space<semaphore_mem>>)
      %dma_start3A_34 = arith.constant 160 : i32
      %dma_start3A_35 = tpu.memref_slice %arg7[%dma_start3A_34] : memref<2000xi32, #tpu.memory_space<vmem>> -> memref<80xi32, #tpu.memory_space<vmem>>
      %dma_start3A_36 = arith.constant 0 : i32
      %dma_start3A_37 = arith.constant 0 : i32
      %dma_start3A_38 = tpu.memref_slice %arg2[%dma_start3A_36, %dma_start3A_37] : memref<10000x128xf32, #tpu.memory_space<hbm>> -> memref<10000x128xf32, #tpu.memory_space<hbm>>
      tpu.enqueue_indirect_dma source(%dma_start3A_38 : memref<10000x128xf32, #tpu.memory_space<hbm>>) target(%arg11 : memref<80x128xf32, #tpu.memory_space<vmem>>) offsets(%dma_start3A_35 : memref<80xi32, #tpu.memory_space<vmem>>) semaphore(%arg15 : memref<!tpu.dma_semaphore, #tpu.memory_space<semaphore_mem>>)
      %scan3A_39 = arith.constant 0 : i32
      %scan3A_40 = arith.constant 0 : i32
      %scan3A_41 = arith.constant 8 : i32
      %scan3A_42 = arith.addi %scan3A_40, %scan3A_41 : i32
      %scan3A_43 = arith.constant 1 : i32
      scf.for %scan3A_50 = %scan3A_40 to %scan3A_42 step %scan3A_43  : i32 {
        %mul3A_51 = arith.constant 3 : i32
        %mul3A_52 = arith.muli %mul3A_51, %scan3A_50 : i32
        %dma_wait3A_53 = arith.constant 0 : i32
        %dma_wait3A_54 = arith.constant 0 : i32
        %dma_wait3A_55 = tpu.memref_slice %arg5[%dma_wait3A_53, %dma_wait3A_54] : memref<10000x128xf32, #tpu.memory_space<hbm>> -> memref<80x128xf32, #tpu.memory_space<hbm>>
        %dma_wait3A_56 = arith.constant 0 : i32
        %dma_wait3A_57 = arith.constant 0 : i32
        %dma_wait3A_58 = tpu.memref_slice %arg5[%dma_wait3A_56, %dma_wait3A_57] : memref<10000x128xf32, #tpu.memory_space<hbm>> -> memref<80x128xf32, #tpu.memory_space<hbm>>
        tpu.wait_dma2 semaphore(%arg13 : memref<!tpu.dma_semaphore, #tpu.memory_space<semaphore_mem>>) src(%dma_wait3A_58 : memref<80x128xf32, #tpu.memory_space<hbm>>) dst(%arg9 : memref<80x128xf32, #tpu.memory_space<vmem>>)
        %add3A_59 = arith.constant 0 : i32
        %add3A_60 = arith.addi %mul3A_52, %add3A_59 : i32
        %mul3A_61 = arith.constant 80 : i32
        %mul3A_62 = arith.muli %add3A_60, %mul3A_61 : i32
        "tpu.region"() ({
          %run_scoped3A = tpu.sem_alloc : memref<!tpu.dma_semaphore, #tpu.memory_space<semaphore_mem>>
          %dma_start3A_107 = tpu.memref_slice %arg8[%mul3A_62] : memref<2000xi32, #tpu.memory_space<vmem>> -> memref<80xi32, #tpu.memory_space<vmem>>
          %dma_start3A_108 = arith.constant 0 : i32
          %dma_start3A_109 = arith.constant 0 : i32
          %dma_start3A_110 = tpu.memref_slice %arg12[%dma_start3A_108, %dma_start3A_109] : memref<10000x128xf32, #tpu.memory_space<vmem_shared>> -> memref<10000x128xf32, #tpu.memory_space<vmem_shared>>
          tpu.enqueue_indirect_dma source(%arg9 : memref<80x128xf32, #tpu.memory_space<vmem>>) target(%dma_start3A_110 : memref<10000x128xf32, #tpu.memory_space<vmem_shared>>) offsets(%dma_start3A_107 : memref<80xi32, #tpu.memory_space<vmem>>) semaphore(%run_scoped3A : memref<!tpu.dma_semaphore, #tpu.memory_space<semaphore_mem>>) {add = true}
          %dma_wait3A_111 = tpu.memref_slice %arg8[%mul3A_62] : memref<2000xi32, #tpu.memory_space<vmem>> -> memref<80xi32, #tpu.memory_space<vmem>>
          %dma_wait3A_112 = arith.constant 0 : i32
          %dma_wait3A_113 = arith.constant 0 : i32
          %dma_wait3A_114 = tpu.memref_slice %arg12[%dma_wait3A_112, %dma_wait3A_113] : memref<10000x128xf32, #tpu.memory_space<vmem_shared>> -> memref<10000x128xf32, #tpu.memory_space<vmem_shared>>
          tpu.wait_indirect_dma semaphore(%run_scoped3A : memref<!tpu.dma_semaphore, #tpu.memory_space<semaphore_mem>>) src(%arg9 : memref<80x128xf32, #tpu.memory_space<vmem>>) dst(%dma_wait3A_114 : memref<10000x128xf32, #tpu.memory_space<vmem_shared>>)
          tpu.yield
        }) : () -> ()
        %add3A_63 = arith.constant 0 : i32
        %add3A_64 = arith.addi %mul3A_52, %add3A_63 : i32
        %add3A_65 = arith.constant 3 : i32
        %add3A_66 = arith.addi %add3A_64, %add3A_65 : i32
        %lt3A = arith.constant 25 : i32
        %lt3A_67 = arith.cmpi slt, %add3A_66, %lt3A : i32
        %convert_element_type3A = arith.extui %lt3A_67 : i1 to i32
        %cond3A = arith.constant 0 : i32
        %cond3A_68 = arith.cmpi ne, %convert_element_type3A, %cond3A : i32
        scf.if %cond3A_68 {
          %add3A_107 = arith.constant 0 : i32
          %add3A_108 = arith.addi %mul3A_52, %add3A_107 : i32
          %add3A_109 = arith.constant 3 : i32
          %add3A_110 = arith.addi %add3A_108, %add3A_109 : i32
          %mul3A_111 = arith.constant 80 : i32
          %mul3A_112 = arith.muli %add3A_110, %mul3A_111 : i32
          %dma_start3A_113 = tpu.memref_slice %arg7[%mul3A_112] : memref<2000xi32, #tpu.memory_space<vmem>> -> memref<80xi32, #tpu.memory_space<vmem>>
          %dma_start3A_114 = arith.constant 0 : i32
          %dma_start3A_115 = arith.constant 0 : i32
          %dma_start3A_116 = tpu.memref_slice %arg2[%dma_start3A_114, %dma_start3A_115] : memref<10000x128xf32, #tpu.memory_space<hbm>> -> memref<10000x128xf32, #tpu.memory_space<hbm>>
          tpu.enqueue_indirect_dma source(%dma_start3A_116 : memref<10000x128xf32, #tpu.memory_space<hbm>>) target(%arg9 : memref<80x128xf32, #tpu.memory_space<vmem>>) offsets(%dma_start3A_113 : memref<80xi32, #tpu.memory_space<vmem>>) semaphore(%arg13 : memref<!tpu.dma_semaphore, #tpu.memory_space<semaphore_mem>>)
        } else {
        }
        %dma_wait3A_69 = arith.constant 0 : i32
        %dma_wait3A_70 = arith.constant 0 : i32
        %dma_wait3A_71 = tpu.memref_slice %arg5[%dma_wait3A_69, %dma_wait3A_70] : memref<10000x128xf32, #tpu.memory_space<hbm>> -> memref<80x128xf32, #tpu.memory_space<hbm>>
        %dma_wait3A_72 = arith.constant 0 : i32
        %dma_wait3A_73 = arith.constant 0 : i32
        %dma_wait3A_74 = tpu.memref_slice %arg5[%dma_wait3A_72, %dma_wait3A_73] : memref<10000x128xf32, #tpu.memory_space<hbm>> -> memref<80x128xf32, #tpu.memory_space<hbm>>
        tpu.wait_dma2 semaphore(%arg14 : memref<!tpu.dma_semaphore, #tpu.memory_space<semaphore_mem>>) src(%dma_wait3A_74 : memref<80x128xf32, #tpu.memory_space<hbm>>) dst(%arg10 : memref<80x128xf32, #tpu.memory_space<vmem>>)
        %add3A_75 = arith.constant 1 : i32
        %add3A_76 = arith.addi %mul3A_52, %add3A_75 : i32
        %mul3A_77 = arith.constant 80 : i32
        %mul3A_78 = arith.muli %add3A_76, %mul3A_77 : i32
        "tpu.region"() ({
          %run_scoped3A = tpu.sem_alloc : memref<!tpu.dma_semaphore, #tpu.memory_space<semaphore_mem>>
          %dma_start3A_107 = tpu.memref_slice %arg8[%mul3A_78] : memref<2000xi32, #tpu.memory_space<vmem>> -> memref<80xi32, #tpu.memory_space<vmem>>
          %dma_start3A_108 = arith.constant 0 : i32
          %dma_start3A_109 = arith.constant 0 : i32
          %dma_start3A_110 = tpu.memref_slice %arg12[%dma_start3A_108, %dma_start3A_109] : memref<10000x128xf32, #tpu.memory_space<vmem_shared>> -> memref<10000x128xf32, #tpu.memory_space<vmem_shared>>
          tpu.enqueue_indirect_dma source(%arg10 : memref<80x128xf32, #tpu.memory_space<vmem>>) target(%dma_start3A_110 : memref<10000x128xf32, #tpu.memory_space<vmem_shared>>) offsets(%dma_start3A_107 : memref<80xi32, #tpu.memory_space<vmem>>) semaphore(%run_scoped3A : memref<!tpu.dma_semaphore, #tpu.memory_space<semaphore_mem>>) {add = true}
          %dma_wait3A_111 = tpu.memref_slice %arg8[%mul3A_78] : memref<2000xi32, #tpu.memory_space<vmem>> -> memref<80xi32, #tpu.memory_space<vmem>>
          %dma_wait3A_112 = arith.constant 0 : i32
          %dma_wait3A_113 = arith.constant 0 : i32
          %dma_wait3A_114 = tpu.memref_slice %arg12[%dma_wait3A_112, %dma_wait3A_113] : memref<10000x128xf32, #tpu.memory_space<vmem_shared>> -> memref<10000x128xf32, #tpu.memory_space<vmem_shared>>
          tpu.wait_indirect_dma semaphore(%run_scoped3A : memref<!tpu.dma_semaphore, #tpu.memory_space<semaphore_mem>>) src(%arg10 : memref<80x128xf32, #tpu.memory_space<vmem>>) dst(%dma_wait3A_114 : memref<10000x128xf32, #tpu.memory_space<vmem_shared>>)
          tpu.yield
        }) : () -> ()
        %add3A_79 = arith.constant 1 : i32
        %add3A_80 = arith.addi %mul3A_52, %add3A_79 : i32
        %add3A_81 = arith.constant 3 : i32
        %add3A_82 = arith.addi %add3A_80, %add3A_81 : i32
        %lt3A_83 = arith.constant 25 : i32
        %lt3A_84 = arith.cmpi slt, %add3A_82, %lt3A_83 : i32
        %convert_element_type3A_85 = arith.extui %lt3A_84 : i1 to i32
        %cond3A_86 = arith.constant 0 : i32
        %cond3A_87 = arith.cmpi ne, %convert_element_type3A_85, %cond3A_86 : i32
        scf.if %cond3A_87 {
          %add3A_107 = arith.constant 1 : i32
          %add3A_108 = arith.addi %mul3A_52, %add3A_107 : i32
          %add3A_109 = arith.constant 3 : i32
          %add3A_110 = arith.addi %add3A_108, %add3A_109 : i32
          %mul3A_111 = arith.constant 80 : i32
          %mul3A_112 = arith.muli %add3A_110, %mul3A_111 : i32
          %dma_start3A_113 = tpu.memref_slice %arg7[%mul3A_112] : memref<2000xi32, #tpu.memory_space<vmem>> -> memref<80xi32, #tpu.memory_space<vmem>>
          %dma_start3A_114 = arith.constant 0 : i32
          %dma_start3A_115 = arith.constant 0 : i32
          %dma_start3A_116 = tpu.memref_slice %arg2[%dma_start3A_114, %dma_start3A_115] : memref<10000x128xf32, #tpu.memory_space<hbm>> -> memref<10000x128xf32, #tpu.memory_space<hbm>>
          tpu.enqueue_indirect_dma source(%dma_start3A_116 : memref<10000x128xf32, #tpu.memory_space<hbm>>) target(%arg10 : memref<80x128xf32, #tpu.memory_space<vmem>>) offsets(%dma_start3A_113 : memref<80xi32, #tpu.memory_space<vmem>>) semaphore(%arg14 : memref<!tpu.dma_semaphore, #tpu.memory_space<semaphore_mem>>)
        } else {
        }
        %dma_wait3A_88 = arith.constant 0 : i32
        %dma_wait3A_89 = arith.constant 0 : i32
        %dma_wait3A_90 = tpu.memref_slice %arg5[%dma_wait3A_88, %dma_wait3A_89] : memref<10000x128xf32, #tpu.memory_space<hbm>> -> memref<80x128xf32, #tpu.memory_space<hbm>>
        %dma_wait3A_91 = arith.constant 0 : i32
        %dma_wait3A_92 = arith.constant 0 : i32
        %dma_wait3A_93 = tpu.memref_slice %arg5[%dma_wait3A_91, %dma_wait3A_92] : memref<10000x128xf32, #tpu.memory_space<hbm>> -> memref<80x128xf32, #tpu.memory_space<hbm>>
        tpu.wait_dma2 semaphore(%arg15 : memref<!tpu.dma_semaphore, #tpu.memory_space<semaphore_mem>>) src(%dma_wait3A_93 : memref<80x128xf32, #tpu.memory_space<hbm>>) dst(%arg11 : memref<80x128xf32, #tpu.memory_space<vmem>>)
        %add3A_94 = arith.constant 2 : i32
        %add3A_95 = arith.addi %mul3A_52, %add3A_94 : i32
        %mul3A_96 = arith.constant 80 : i32
        %mul3A_97 = arith.muli %add3A_95, %mul3A_96 : i32
        "tpu.region"() ({
          %run_scoped3A = tpu.sem_alloc : memref<!tpu.dma_semaphore, #tpu.memory_space<semaphore_mem>>
          %dma_start3A_107 = tpu.memref_slice %arg8[%mul3A_97] : memref<2000xi32, #tpu.memory_space<vmem>> -> memref<80xi32, #tpu.memory_space<vmem>>
          %dma_start3A_108 = arith.constant 0 : i32
          %dma_start3A_109 = arith.constant 0 : i32
          %dma_start3A_110 = tpu.memref_slice %arg12[%dma_start3A_108, %dma_start3A_109] : memref<10000x128xf32, #tpu.memory_space<vmem_shared>> -> memref<10000x128xf32, #tpu.memory_space<vmem_shared>>
          tpu.enqueue_indirect_dma source(%arg11 : memref<80x128xf32, #tpu.memory_space<vmem>>) target(%dma_start3A_110 : memref<10000x128xf32, #tpu.memory_space<vmem_shared>>) offsets(%dma_start3A_107 : memref<80xi32, #tpu.memory_space<vmem>>) semaphore(%run_scoped3A : memref<!tpu.dma_semaphore, #tpu.memory_space<semaphore_mem>>) {add = true}
          %dma_wait3A_111 = tpu.memref_slice %arg8[%mul3A_97] : memref<2000xi32, #tpu.memory_space<vmem>> -> memref<80xi32, #tpu.memory_space<vmem>>
          %dma_wait3A_112 = arith.constant 0 : i32
          %dma_wait3A_113 = arith.constant 0 : i32
          %dma_wait3A_114 = tpu.memref_slice %arg12[%dma_wait3A_112, %dma_wait3A_113] : memref<10000x128xf32, #tpu.memory_space<vmem_shared>> -> memref<10000x128xf32, #tpu.memory_space<vmem_shared>>
          tpu.wait_indirect_dma semaphore(%run_scoped3A : memref<!tpu.dma_semaphore, #tpu.memory_space<semaphore_mem>>) src(%arg11 : memref<80x128xf32, #tpu.memory_space<vmem>>) dst(%dma_wait3A_114 : memref<10000x128xf32, #tpu.memory_space<vmem_shared>>)
          tpu.yield
        }) : () -> ()
        %add3A_98 = arith.constant 2 : i32
        %add3A_99 = arith.addi %mul3A_52, %add3A_98 : i32
        %add3A_100 = arith.constant 3 : i32
        %add3A_101 = arith.addi %add3A_99, %add3A_100 : i32
        %lt3A_102 = arith.constant 25 : i32
        %lt3A_103 = arith.cmpi slt, %add3A_101, %lt3A_102 : i32
        %convert_element_type3A_104 = arith.extui %lt3A_103 : i1 to i32
        %cond3A_105 = arith.constant 0 : i32
        %cond3A_106 = arith.cmpi ne, %convert_element_type3A_104, %cond3A_105 : i32
        scf.if %cond3A_106 {
          %add3A_107 = arith.constant 2 : i32
          %add3A_108 = arith.addi %mul3A_52, %add3A_107 : i32
          %add3A_109 = arith.constant 3 : i32
          %add3A_110 = arith.addi %add3A_108, %add3A_109 : i32
          %mul3A_111 = arith.constant 80 : i32
          %mul3A_112 = arith.muli %add3A_110, %mul3A_111 : i32
          %dma_start3A_113 = tpu.memref_slice %arg7[%mul3A_112] : memref<2000xi32, #tpu.memory_space<vmem>> -> memref<80xi32, #tpu.memory_space<vmem>>
          %dma_start3A_114 = arith.constant 0 : i32
          %dma_start3A_115 = arith.constant 0 : i32
          %dma_start3A_116 = tpu.memref_slice %arg2[%dma_start3A_114, %dma_start3A_115] : memref<10000x128xf32, #tpu.memory_space<hbm>> -> memref<10000x128xf32, #tpu.memory_space<hbm>>
          tpu.enqueue_indirect_dma source(%dma_start3A_116 : memref<10000x128xf32, #tpu.memory_space<hbm>>) target(%arg11 : memref<80x128xf32, #tpu.memory_space<vmem>>) offsets(%dma_start3A_113 : memref<80xi32, #tpu.memory_space<vmem>>) semaphore(%arg15 : memref<!tpu.dma_semaphore, #tpu.memory_space<semaphore_mem>>)
        } else {
        }
      }
      %scan3A_44 = arith.constant 8 : i32
      %dma_wait3A = arith.constant 0 : i32
      %dma_wait3A_45 = arith.constant 0 : i32
      %dma_wait3A_46 = tpu.memref_slice %arg5[%dma_wait3A, %dma_wait3A_45] : memref<10000x128xf32, #tpu.memory_space<hbm>> -> memref<80x128xf32, #tpu.memory_space<hbm>>
      %dma_wait3A_47 = arith.constant 0 : i32
      %dma_wait3A_48 = arith.constant 0 : i32
      %dma_wait3A_49 = tpu.memref_slice %arg5[%dma_wait3A_47, %dma_wait3A_48] : memref<10000x128xf32, #tpu.memory_space<hbm>> -> memref<80x128xf32, #tpu.memory_space<hbm>>
      tpu.wait_dma2 semaphore(%arg13 : memref<!tpu.dma_semaphore, #tpu.memory_space<semaphore_mem>>) src(%dma_wait3A_49 : memref<80x128xf32, #tpu.memory_space<hbm>>) dst(%arg9 : memref<80x128xf32, #tpu.memory_space<vmem>>)
      "tpu.region"() ({
        %run_scoped3A = tpu.sem_alloc : memref<!tpu.dma_semaphore, #tpu.memory_space<semaphore_mem>>
        %dma_start3A_50 = arith.constant 1920 : i32
        %dma_start3A_51 = tpu.memref_slice %arg8[%dma_start3A_50] : memref<2000xi32, #tpu.memory_space<vmem>> -> memref<80xi32, #tpu.memory_space<vmem>>
        %dma_start3A_52 = arith.constant 0 : i32
        %dma_start3A_53 = arith.constant 0 : i32
        %dma_start3A_54 = tpu.memref_slice %arg12[%dma_start3A_52, %dma_start3A_53] : memref<10000x128xf32, #tpu.memory_space<vmem_shared>> -> memref<10000x128xf32, #tpu.memory_space<vmem_shared>>
        tpu.enqueue_indirect_dma source(%arg9 : memref<80x128xf32, #tpu.memory_space<vmem>>) target(%dma_start3A_54 : memref<10000x128xf32, #tpu.memory_space<vmem_shared>>) offsets(%dma_start3A_51 : memref<80xi32, #tpu.memory_space<vmem>>) semaphore(%run_scoped3A : memref<!tpu.dma_semaphore, #tpu.memory_space<semaphore_mem>>) {add = true}
        %dma_wait3A_55 = arith.constant 1920 : i32
        %dma_wait3A_56 = tpu.memref_slice %arg8[%dma_wait3A_55] : memref<2000xi32, #tpu.memory_space<vmem>> -> memref<80xi32, #tpu.memory_space<vmem>>
        %dma_wait3A_57 = arith.constant 0 : i32
        %dma_wait3A_58 = arith.constant 0 : i32
        %dma_wait3A_59 = tpu.memref_slice %arg12[%dma_wait3A_57, %dma_wait3A_58] : memref<10000x128xf32, #tpu.memory_space<vmem_shared>> -> memref<10000x128xf32, #tpu.memory_space<vmem_shared>>
        tpu.wait_indirect_dma semaphore(%run_scoped3A : memref<!tpu.dma_semaphore, #tpu.memory_space<semaphore_mem>>) src(%arg9 : memref<80x128xf32, #tpu.memory_space<vmem>>) dst(%dma_wait3A_59 : memref<10000x128xf32, #tpu.memory_space<vmem_shared>>)
        tpu.yield
      }) : () -> ()
    }
    %scan3A_11 = arith.constant 5 : i32
    %barrier3A_12 = arith.constant 0 : index
    tpu.barrier barrier_id(%barrier3A_12)
    %scan3A_13 = arith.constant 0 : i32
    %scan3A_14 = arith.constant 0 : i32
    %scan3A_15 = arith.constant 8 : i32
    %scan3A_16 = arith.addi %scan3A_14, %scan3A_15 : i32
    %scan3A_17 = arith.constant 1 : i32
    scf.for %scan3A_19 = %scan3A_14 to %scan3A_16 step %scan3A_17  : i32 {
      %mul3A_20 = arith.constant 16 : i32
      %mul3A_21 = arith.muli %scan3A_19, %mul3A_20 : i32
      %add3A_22 = arith.addi %arg1, %mul3A_21 : i32
      %lt3A = arith.constant 125 : i32
      %lt3A_23 = arith.cmpi slt, %add3A_22, %lt3A : i32
      %convert_element_type3A = arith.extui %lt3A_23 : i1 to i32
      %cond3A = arith.constant 0 : i32
      %cond3A_24 = arith.cmpi ne, %convert_element_type3A, %cond3A : i32
      scf.if %cond3A_24 {
        %mul3A_25 = arith.constant 80 : i32
        %mul3A_26 = arith.muli %add3A_22, %mul3A_25 : i32
        "tpu.region"() ({
          %run_scoped3A = tpu.sem_alloc : memref<!tpu.dma_semaphore, #tpu.memory_space<semaphore_mem>>
          %dma_start3A = arith.constant 0 : i32
          %dma_start3A_27 = tpu.memref_slice %arg6[%arg0, %mul3A_26, %dma_start3A] : memref<2x10000x128xf32, #tpu.memory_space<hbm>> -> memref<1x80x128xf32, #tpu.memory_space<hbm>>
          %dma_start3A_28 = tpu.memref_squeeze %dma_start3A_27 : memref<1x80x128xf32, #tpu.memory_space<hbm>> -> memref<80x128xf32, #tpu.memory_space<hbm>>
          %dma_start3A_29 = arith.constant 0 : i32
          %dma_start3A_30 = tpu.memref_slice %arg12[%mul3A_26, %dma_start3A_29] : memref<10000x128xf32, #tpu.memory_space<vmem_shared>> -> memref<80x128xf32, #tpu.memory_space<vmem_shared>>
          tpu.enqueue_dma source(%dma_start3A_30 : memref<80x128xf32, #tpu.memory_space<vmem_shared>>) target(%dma_start3A_28 : memref<80x128xf32, #tpu.memory_space<hbm>>) target_semaphore(%run_scoped3A : memref<!tpu.dma_semaphore, #tpu.memory_space<semaphore_mem>>)
          %dma_wait3A = arith.constant 0 : i32
          %dma_wait3A_31 = tpu.memref_slice %arg6[%arg0, %mul3A_26, %dma_wait3A] : memref<2x10000x128xf32, #tpu.memory_space<hbm>> -> memref<1x80x128xf32, #tpu.memory_space<hbm>>
          %dma_wait3A_32 = tpu.memref_squeeze %dma_wait3A_31 : memref<1x80x128xf32, #tpu.memory_space<hbm>> -> memref<80x128xf32, #tpu.memory_space<hbm>>
          %dma_wait3A_33 = arith.constant 0 : i32
          %dma_wait3A_34 = tpu.memref_slice %arg12[%mul3A_26, %dma_wait3A_33] : memref<10000x128xf32, #tpu.memory_space<vmem_shared>> -> memref<80x128xf32, #tpu.memory_space<vmem_shared>>
          tpu.wait_dma2 semaphore(%run_scoped3A : memref<!tpu.dma_semaphore, #tpu.memory_space<semaphore_mem>>) src(%dma_wait3A_34 : memref<80x128xf32, #tpu.memory_space<vmem_shared>>) dst(%dma_wait3A_32 : memref<80x128xf32, #tpu.memory_space<hbm>>)
          tpu.yield
        }) : () -> ()
      } else {
      }
    }
    %scan3A_18 = arith.constant 8 : i32
    return
  }
}

#map = affine_map<(d0, d1) -> (0)>
#map1 = affine_map<(d0, d1) -> (0, 0)>
#map2 = affine_map<(d0, d1) -> (0, 0, 0)>
module attributes {stable_mosaic.version = 14 : i64} {
  func.func @k(%arg0: i32, %arg1: i32, %arg2: memref<320000xi32, #tpu.memory_space<hbm>>, %arg3: memref<10000x128xf32, #tpu.memory_space<hbm>>, %arg4: memref<2x10000x128xf32, #tpu.memory_space<hbm>>, %arg5: memref<2000xi32, #tpu.memory_space<vmem>>, %arg6: memref<80x128xf32, #tpu.memory_space<vmem>>, %arg7: memref<10000x128xf32, #tpu.memory_space<vmem_shared>>, %arg8: memref<!tpu.dma_semaphore, #tpu.memory_space<semaphore_mem>>) attributes {dimension_semantics = [#tpu.dimension_semantics<core_parallel>, #tpu.dimension_semantics<subcore_parallel>], iteration_bounds = array<i64: 2, 16>, scalar_prefetch = 0 : i64, scratch_operands = 4 : i64, tpu.core_type = #tpu.core_type<sc_vector_subcore>, window_params = [{transform_indices = #map}, {transform_indices = #map1}, {transform_indices = #map2}]} {
    %mul3A = arith.constant 16 : i32
    %mul3A_0 = arith.muli %arg0, %mul3A : i32
    %add3A = arith.addi %mul3A_0, %arg1 : i32
    %scan3A = arith.constant 0 : i32
    %scan3A_1 = arith.constant 0 : i32
    %scan3A_2 = arith.constant 80 : i32
    %scan3A_3 = arith.addi %scan3A_1, %scan3A_2 : i32
    %scan3A_4 = arith.constant 1 : i32
    scf.for %scan3A_25 = %scan3A_1 to %scan3A_3 step %scan3A_4  : i32 {
      %broadcast_in_dim3A = arith.constant 1.000000e+00 : f32
      %broadcast_in_dim3A_26 = vector.broadcast %broadcast_in_dim3A : f32 to vector<16xf32>
      %swap3A = arith.index_cast %scan3A_25 : i32 to index
      %swap3A_27 = arith.constant 0 : index
      %swap3A_28 = tpu.vector_load %arg6[%swap3A, %swap3A_27] {strides = array<i32>} : memref<80x128xf32, #tpu.memory_space<vmem>>, vector<1x16xf32>,
      %swap3A_29 = vector.shape_cast %swap3A_28 : vector<1x16xf32> to vector<16xf32>
      %swap3A_30 = vector.shape_cast %broadcast_in_dim3A_26 : vector<16xf32> to vector<1x16xf32>
      tpu.vector_store %arg6[%swap3A, %swap3A_27], %swap3A_30 {strides = array<i32>} : memref<80x128xf32, #tpu.memory_space<vmem>>, vector<1x16xf32>,
      %broadcast_in_dim3A_31 = arith.constant 1.000000e+00 : f32
      %broadcast_in_dim3A_32 = vector.broadcast %broadcast_in_dim3A_31 : f32 to vector<16xf32>
      %swap3A_33 = arith.index_cast %scan3A_25 : i32 to index
      %swap3A_34 = arith.constant 16 : index
      %swap3A_35 = tpu.vector_load %arg6[%swap3A_33, %swap3A_34] {strides = array<i32>} : memref<80x128xf32, #tpu.memory_space<vmem>>, vector<1x16xf32>,
      %swap3A_36 = vector.shape_cast %swap3A_35 : vector<1x16xf32> to vector<16xf32>
      %swap3A_37 = vector.shape_cast %broadcast_in_dim3A_32 : vector<16xf32> to vector<1x16xf32>
      tpu.vector_store %arg6[%swap3A_33, %swap3A_34], %swap3A_37 {strides = array<i32>} : memref<80x128xf32, #tpu.memory_space<vmem>>, vector<1x16xf32>,
      %broadcast_in_dim3A_38 = arith.constant 1.000000e+00 : f32
      %broadcast_in_dim3A_39 = vector.broadcast %broadcast_in_dim3A_38 : f32 to vector<16xf32>
      %swap3A_40 = arith.index_cast %scan3A_25 : i32 to index
      %swap3A_41 = arith.constant 32 : index
      %swap3A_42 = tpu.vector_load %arg6[%swap3A_40, %swap3A_41] {strides = array<i32>} : memref<80x128xf32, #tpu.memory_space<vmem>>, vector<1x16xf32>,
      %swap3A_43 = vector.shape_cast %swap3A_42 : vector<1x16xf32> to vector<16xf32>
      %swap3A_44 = vector.shape_cast %broadcast_in_dim3A_39 : vector<16xf32> to vector<1x16xf32>
      tpu.vector_store %arg6[%swap3A_40, %swap3A_41], %swap3A_44 {strides = array<i32>} : memref<80x128xf32, #tpu.memory_space<vmem>>, vector<1x16xf32>,
      %broadcast_in_dim3A_45 = arith.constant 1.000000e+00 : f32
      %broadcast_in_dim3A_46 = vector.broadcast %broadcast_in_dim3A_45 : f32 to vector<16xf32>
      %swap3A_47 = arith.index_cast %scan3A_25 : i32 to index
      %swap3A_48 = arith.constant 48 : index
      %swap3A_49 = tpu.vector_load %arg6[%swap3A_47, %swap3A_48] {strides = array<i32>} : memref<80x128xf32, #tpu.memory_space<vmem>>, vector<1x16xf32>,
      %swap3A_50 = vector.shape_cast %swap3A_49 : vector<1x16xf32> to vector<16xf32>
      %swap3A_51 = vector.shape_cast %broadcast_in_dim3A_46 : vector<16xf32> to vector<1x16xf32>
      tpu.vector_store %arg6[%swap3A_47, %swap3A_48], %swap3A_51 {strides = array<i32>} : memref<80x128xf32, #tpu.memory_space<vmem>>, vector<1x16xf32>,
      %broadcast_in_dim3A_52 = arith.constant 1.000000e+00 : f32
      %broadcast_in_dim3A_53 = vector.broadcast %broadcast_in_dim3A_52 : f32 to vector<16xf32>
      %swap3A_54 = arith.index_cast %scan3A_25 : i32 to index
      %swap3A_55 = arith.constant 64 : index
      %swap3A_56 = tpu.vector_load %arg6[%swap3A_54, %swap3A_55] {strides = array<i32>} : memref<80x128xf32, #tpu.memory_space<vmem>>, vector<1x16xf32>,
      %swap3A_57 = vector.shape_cast %swap3A_56 : vector<1x16xf32> to vector<16xf32>
      %swap3A_58 = vector.shape_cast %broadcast_in_dim3A_53 : vector<16xf32> to vector<1x16xf32>
      tpu.vector_store %arg6[%swap3A_54, %swap3A_55], %swap3A_58 {strides = array<i32>} : memref<80x128xf32, #tpu.memory_space<vmem>>, vector<1x16xf32>,
      %broadcast_in_dim3A_59 = arith.constant 1.000000e+00 : f32
      %broadcast_in_dim3A_60 = vector.broadcast %broadcast_in_dim3A_59 : f32 to vector<16xf32>
      %swap3A_61 = arith.index_cast %scan3A_25 : i32 to index
      %swap3A_62 = arith.constant 80 : index
      %swap3A_63 = tpu.vector_load %arg6[%swap3A_61, %swap3A_62] {strides = array<i32>} : memref<80x128xf32, #tpu.memory_space<vmem>>, vector<1x16xf32>,
      %swap3A_64 = vector.shape_cast %swap3A_63 : vector<1x16xf32> to vector<16xf32>
      %swap3A_65 = vector.shape_cast %broadcast_in_dim3A_60 : vector<16xf32> to vector<1x16xf32>
      tpu.vector_store %arg6[%swap3A_61, %swap3A_62], %swap3A_65 {strides = array<i32>} : memref<80x128xf32, #tpu.memory_space<vmem>>, vector<1x16xf32>,
      %broadcast_in_dim3A_66 = arith.constant 1.000000e+00 : f32
      %broadcast_in_dim3A_67 = vector.broadcast %broadcast_in_dim3A_66 : f32 to vector<16xf32>
      %swap3A_68 = arith.index_cast %scan3A_25 : i32 to index
      %swap3A_69 = arith.constant 96 : index
      %swap3A_70 = tpu.vector_load %arg6[%swap3A_68, %swap3A_69] {strides = array<i32>} : memref<80x128xf32, #tpu.memory_space<vmem>>, vector<1x16xf32>,
      %swap3A_71 = vector.shape_cast %swap3A_70 : vector<1x16xf32> to vector<16xf32>
      %swap3A_72 = vector.shape_cast %broadcast_in_dim3A_67 : vector<16xf32> to vector<1x16xf32>
      tpu.vector_store %arg6[%swap3A_68, %swap3A_69], %swap3A_72 {strides = array<i32>} : memref<80x128xf32, #tpu.memory_space<vmem>>, vector<1x16xf32>,
      %broadcast_in_dim3A_73 = arith.constant 1.000000e+00 : f32
      %broadcast_in_dim3A_74 = vector.broadcast %broadcast_in_dim3A_73 : f32 to vector<16xf32>
      %swap3A_75 = arith.index_cast %scan3A_25 : i32 to index
      %swap3A_76 = arith.constant 112 : index
      %swap3A_77 = tpu.vector_load %arg6[%swap3A_75, %swap3A_76] {strides = array<i32>} : memref<80x128xf32, #tpu.memory_space<vmem>>, vector<1x16xf32>,
      %swap3A_78 = vector.shape_cast %swap3A_77 : vector<1x16xf32> to vector<16xf32>
      %swap3A_79 = vector.shape_cast %broadcast_in_dim3A_74 : vector<16xf32> to vector<1x16xf32>
      tpu.vector_store %arg6[%swap3A_75, %swap3A_76], %swap3A_79 {strides = array<i32>} : memref<80x128xf32, #tpu.memory_space<vmem>>, vector<1x16xf32>,
    }
    %scan3A_5 = arith.constant 80 : i32
    %scan3A_6 = arith.constant 0 : i32
    %scan3A_7 = arith.constant 0 : i32
    %scan3A_8 = arith.constant 8 : i32
    %scan3A_9 = arith.addi %scan3A_7, %scan3A_8 : i32
    %scan3A_10 = arith.constant 1 : i32
    scf.for %scan3A_25 = %scan3A_7 to %scan3A_9 step %scan3A_10  : i32 {
      %mul3A_26 = arith.constant 16 : i32
      %mul3A_27 = arith.muli %scan3A_25, %mul3A_26 : i32
      %add3A_28 = arith.addi %arg1, %mul3A_27 : i32
      %lt3A = arith.constant 125 : i32
      %lt3A_29 = arith.cmpi slt, %add3A_28, %lt3A : i32
      %convert_element_type3A = arith.extui %lt3A_29 : i1 to i32
      %cond3A = arith.constant 0 : i32
      %cond3A_30 = arith.cmpi ne, %convert_element_type3A, %cond3A : i32
      scf.if %cond3A_30 {
        %mul3A_31 = arith.constant 80 : i32
        %mul3A_32 = arith.muli %add3A_28, %mul3A_31 : i32
        "tpu.region"() ({
          %run_scoped3A = tpu.sem_alloc : memref<!tpu.dma_semaphore, #tpu.memory_space<semaphore_mem>>
          %dma_start3A = arith.constant 0 : i32
          %dma_start3A_33 = tpu.memref_slice %arg7[%mul3A_32, %dma_start3A] : memref<10000x128xf32, #tpu.memory_space<vmem_shared>> -> memref<80x128xf32, #tpu.memory_space<vmem_shared>>
          %dma_start3A_34 = arith.constant 0 : i32
          %dma_start3A_35 = tpu.memref_slice %arg3[%mul3A_32, %dma_start3A_34] : memref<10000x128xf32, #tpu.memory_space<hbm>> -> memref<80x128xf32, #tpu.memory_space<hbm>>
          tpu.enqueue_dma source(%dma_start3A_35 : memref<80x128xf32, #tpu.memory_space<hbm>>) target(%dma_start3A_33 : memref<80x128xf32, #tpu.memory_space<vmem_shared>>) target_semaphore(%run_scoped3A : memref<!tpu.dma_semaphore, #tpu.memory_space<semaphore_mem>>)
          %dma_wait3A = arith.constant 0 : i32
          %dma_wait3A_36 = tpu.memref_slice %arg7[%mul3A_32, %dma_wait3A] : memref<10000x128xf32, #tpu.memory_space<vmem_shared>> -> memref<80x128xf32, #tpu.memory_space<vmem_shared>>
          %dma_wait3A_37 = arith.constant 0 : i32
          %dma_wait3A_38 = tpu.memref_slice %arg3[%mul3A_32, %dma_wait3A_37] : memref<10000x128xf32, #tpu.memory_space<hbm>> -> memref<80x128xf32, #tpu.memory_space<hbm>>
          tpu.wait_dma2 semaphore(%run_scoped3A : memref<!tpu.dma_semaphore, #tpu.memory_space<semaphore_mem>>) src(%dma_wait3A_38 : memref<80x128xf32, #tpu.memory_space<hbm>>) dst(%dma_wait3A_36 : memref<80x128xf32, #tpu.memory_space<vmem_shared>>)
          tpu.yield
        }) : () -> ()
      } else {
      }
    }
    %scan3A_11 = arith.constant 8 : i32
    %barrier3A = arith.constant 0 : index
    tpu.barrier barrier_id(%barrier3A)
    %scan3A_12 = arith.constant 0 : i32
    %scan3A_13 = arith.constant 0 : i32
    %scan3A_14 = arith.constant 5 : i32
    %scan3A_15 = arith.addi %scan3A_13, %scan3A_14 : i32
    %scan3A_16 = arith.constant 1 : i32
    scf.for %scan3A_25 = %scan3A_13 to %scan3A_15 step %scan3A_16  : i32 {
      %mul3A_26 = arith.constant 10000 : i32
      %mul3A_27 = arith.muli %add3A, %mul3A_26 : i32
      %mul3A_28 = arith.constant 2000 : i32
      %mul3A_29 = arith.muli %scan3A_25, %mul3A_28 : i32
      %add3A_30 = arith.addi %mul3A_27, %mul3A_29 : i32
      "tpu.region"() ({
        %run_scoped3A = tpu.sem_alloc : memref<!tpu.dma_semaphore, #tpu.memory_space<semaphore_mem>>
        %dma_start3A = tpu.memref_slice %arg2[%add3A_30] : memref<320000xi32, #tpu.memory_space<hbm>> -> memref<2000xi32, #tpu.memory_space<hbm>>
        %dma_start3A_60 = tpu.memref_slice %arg2[%add3A_30] : memref<320000xi32, #tpu.memory_space<hbm>> -> memref<2000xi32, #tpu.memory_space<hbm>>
        tpu.enqueue_dma source(%dma_start3A_60 : memref<2000xi32, #tpu.memory_space<hbm>>) target(%arg5 : memref<2000xi32, #tpu.memory_space<vmem>>) target_semaphore(%run_scoped3A : memref<!tpu.dma_semaphore, #tpu.memory_space<semaphore_mem>>)
        %dma_wait3A_61 = tpu.memref_slice %arg2[%add3A_30] : memref<320000xi32, #tpu.memory_space<hbm>> -> memref<2000xi32, #tpu.memory_space<hbm>>
        %dma_wait3A_62 = tpu.memref_slice %arg2[%add3A_30] : memref<320000xi32, #tpu.memory_space<hbm>> -> memref<2000xi32, #tpu.memory_space<hbm>>
        tpu.wait_dma2 semaphore(%run_scoped3A : memref<!tpu.dma_semaphore, #tpu.memory_space<semaphore_mem>>) src(%dma_wait3A_62 : memref<2000xi32, #tpu.memory_space<hbm>>) dst(%arg5 : memref<2000xi32, #tpu.memory_space<vmem>>)
        tpu.yield
      }) : () -> ()
      %scan3A_31 = arith.constant 0 : i32
      %scan3A_32 = arith.constant 0 : i32
      %scan3A_33 = arith.constant 25 : i32
      %scan3A_34 = arith.addi %scan3A_32, %scan3A_33 : i32
      %scan3A_35 = arith.constant 1 : i32
      scf.for %scan3A_60 = %scan3A_32 to %scan3A_34 step %scan3A_35  : i32 {
        %mul3A_61 = arith.constant 80 : i32
        %mul3A_62 = arith.muli %scan3A_60, %mul3A_61 : i32
        %dma_start3A = tpu.memref_slice %arg5[%mul3A_62] : memref<2000xi32, #tpu.memory_space<vmem>> -> memref<80xi32, #tpu.memory_space<vmem>>
        %dma_start3A_63 = arith.constant 0 : i32
        %dma_start3A_64 = arith.constant 0 : i32
        %dma_start3A_65 = tpu.memref_slice %arg7[%dma_start3A_63, %dma_start3A_64] : memref<10000x128xf32, #tpu.memory_space<vmem_shared>> -> memref<10000x128xf32, #tpu.memory_space<vmem_shared>>
        tpu.enqueue_indirect_dma source(%arg6 : memref<80x128xf32, #tpu.memory_space<vmem>>) target(%dma_start3A_65 : memref<10000x128xf32, #tpu.memory_space<vmem_shared>>) offsets(%dma_start3A : memref<80xi32, #tpu.memory_space<vmem>>) semaphore(%arg8 : memref<!tpu.dma_semaphore, #tpu.memory_space<semaphore_mem>>) {add = true}
        %ge3A = arith.constant 4 : i32
        %ge3A_66 = arith.cmpi sge, %scan3A_60, %ge3A : i32
        %convert_element_type3A = arith.extui %ge3A_66 : i1 to i32
        %cond3A = arith.constant 0 : i32
        %cond3A_67 = arith.cmpi ne, %convert_element_type3A, %cond3A : i32
        scf.if %cond3A_67 {
          %dma_wait3A_68 = arith.constant 0 : i32
          %dma_wait3A_69 = arith.constant 0 : i32
          %dma_wait3A_70 = tpu.memref_slice %arg3[%dma_wait3A_68, %dma_wait3A_69] : memref<10000x128xf32, #tpu.memory_space<hbm>> -> memref<80x128xf32, #tpu.memory_space<hbm>>
          %dma_wait3A_71 = arith.constant 0 : i32
          %dma_wait3A_72 = arith.constant 0 : i32
          %dma_wait3A_73 = tpu.memref_slice %arg3[%dma_wait3A_71, %dma_wait3A_72] : memref<10000x128xf32, #tpu.memory_space<hbm>> -> memref<80x128xf32, #tpu.memory_space<hbm>>
          tpu.wait_dma2 semaphore(%arg8 : memref<!tpu.dma_semaphore, #tpu.memory_space<semaphore_mem>>) src(%dma_wait3A_73 : memref<80x128xf32, #tpu.memory_space<hbm>>) dst(%arg6 : memref<80x128xf32, #tpu.memory_space<vmem>>)
        } else {
        }
      }
      %scan3A_36 = arith.constant 25 : i32
      %dma_wait3A = arith.constant 0 : i32
      %dma_wait3A_37 = arith.constant 0 : i32
      %dma_wait3A_38 = tpu.memref_slice %arg3[%dma_wait3A, %dma_wait3A_37] : memref<10000x128xf32, #tpu.memory_space<hbm>> -> memref<80x128xf32, #tpu.memory_space<hbm>>
      %dma_wait3A_39 = arith.constant 0 : i32
      %dma_wait3A_40 = arith.constant 0 : i32
      %dma_wait3A_41 = tpu.memref_slice %arg3[%dma_wait3A_39, %dma_wait3A_40] : memref<10000x128xf32, #tpu.memory_space<hbm>> -> memref<80x128xf32, #tpu.memory_space<hbm>>
      tpu.wait_dma2 semaphore(%arg8 : memref<!tpu.dma_semaphore, #tpu.memory_space<semaphore_mem>>) src(%dma_wait3A_41 : memref<80x128xf32, #tpu.memory_space<hbm>>) dst(%arg6 : memref<80x128xf32, #tpu.memory_space<vmem>>)
      %dma_wait3A_42 = arith.constant 0 : i32
      %dma_wait3A_43 = arith.constant 0 : i32
      %dma_wait3A_44 = tpu.memref_slice %arg3[%dma_wait3A_42, %dma_wait3A_43] : memref<10000x128xf32, #tpu.memory_space<hbm>> -> memref<80x128xf32, #tpu.memory_space<hbm>>
      %dma_wait3A_45 = arith.constant 0 : i32
      %dma_wait3A_46 = arith.constant 0 : i32
      %dma_wait3A_47 = tpu.memref_slice %arg3[%dma_wait3A_45, %dma_wait3A_46] : memref<10000x128xf32, #tpu.memory_space<hbm>> -> memref<80x128xf32, #tpu.memory_space<hbm>>
      tpu.wait_dma2 semaphore(%arg8 : memref<!tpu.dma_semaphore, #tpu.memory_space<semaphore_mem>>) src(%dma_wait3A_47 : memref<80x128xf32, #tpu.memory_space<hbm>>) dst(%arg6 : memref<80x128xf32, #tpu.memory_space<vmem>>)
      %dma_wait3A_48 = arith.constant 0 : i32
      %dma_wait3A_49 = arith.constant 0 : i32
      %dma_wait3A_50 = tpu.memref_slice %arg3[%dma_wait3A_48, %dma_wait3A_49] : memref<10000x128xf32, #tpu.memory_space<hbm>> -> memref<80x128xf32, #tpu.memory_space<hbm>>
      %dma_wait3A_51 = arith.constant 0 : i32
      %dma_wait3A_52 = arith.constant 0 : i32
      %dma_wait3A_53 = tpu.memref_slice %arg3[%dma_wait3A_51, %dma_wait3A_52] : memref<10000x128xf32, #tpu.memory_space<hbm>> -> memref<80x128xf32, #tpu.memory_space<hbm>>
      tpu.wait_dma2 semaphore(%arg8 : memref<!tpu.dma_semaphore, #tpu.memory_space<semaphore_mem>>) src(%dma_wait3A_53 : memref<80x128xf32, #tpu.memory_space<hbm>>) dst(%arg6 : memref<80x128xf32, #tpu.memory_space<vmem>>)
      %dma_wait3A_54 = arith.constant 0 : i32
      %dma_wait3A_55 = arith.constant 0 : i32
      %dma_wait3A_56 = tpu.memref_slice %arg3[%dma_wait3A_54, %dma_wait3A_55] : memref<10000x128xf32, #tpu.memory_space<hbm>> -> memref<80x128xf32, #tpu.memory_space<hbm>>
      %dma_wait3A_57 = arith.constant 0 : i32
      %dma_wait3A_58 = arith.constant 0 : i32
      %dma_wait3A_59 = tpu.memref_slice %arg3[%dma_wait3A_57, %dma_wait3A_58] : memref<10000x128xf32, #tpu.memory_space<hbm>> -> memref<80x128xf32, #tpu.memory_space<hbm>>
      tpu.wait_dma2 semaphore(%arg8 : memref<!tpu.dma_semaphore, #tpu.memory_space<semaphore_mem>>) src(%dma_wait3A_59 : memref<80x128xf32, #tpu.memory_space<hbm>>) dst(%arg6 : memref<80x128xf32, #tpu.memory_space<vmem>>)
    }
    %scan3A_17 = arith.constant 5 : i32
    %barrier3A_18 = arith.constant 0 : index
    tpu.barrier barrier_id(%barrier3A_18)
    %scan3A_19 = arith.constant 0 : i32
    %scan3A_20 = arith.constant 0 : i32
    %scan3A_21 = arith.constant 8 : i32
    %scan3A_22 = arith.addi %scan3A_20, %scan3A_21 : i32
    %scan3A_23 = arith.constant 1 : i32
    scf.for %scan3A_25 = %scan3A_20 to %scan3A_22 step %scan3A_23  : i32 {
      %mul3A_26 = arith.constant 16 : i32
      %mul3A_27 = arith.muli %scan3A_25, %mul3A_26 : i32
      %add3A_28 = arith.addi %arg1, %mul3A_27 : i32
      %lt3A = arith.constant 125 : i32
      %lt3A_29 = arith.cmpi slt, %add3A_28, %lt3A : i32
      %convert_element_type3A = arith.extui %lt3A_29 : i1 to i32
      %cond3A = arith.constant 0 : i32
      %cond3A_30 = arith.cmpi ne, %convert_element_type3A, %cond3A : i32
      scf.if %cond3A_30 {
        %mul3A_31 = arith.constant 80 : i32
        %mul3A_32 = arith.muli %add3A_28, %mul3A_31 : i32
        "tpu.region"() ({
          %run_scoped3A = tpu.sem_alloc : memref<!tpu.dma_semaphore, #tpu.memory_space<semaphore_mem>>
          %dma_start3A = arith.constant 0 : i32
          %dma_start3A_33 = tpu.memref_slice %arg4[%arg0, %mul3A_32, %dma_start3A] : memref<2x10000x128xf32, #tpu.memory_space<hbm>> -> memref<1x80x128xf32, #tpu.memory_space<hbm>>
          %dma_start3A_34 = tpu.memref_squeeze %dma_start3A_33 : memref<1x80x128xf32, #tpu.memory_space<hbm>> -> memref<80x128xf32, #tpu.memory_space<hbm>>
          %dma_start3A_35 = arith.constant 0 : i32
          %dma_start3A_36 = tpu.memref_slice %arg7[%mul3A_32, %dma_start3A_35] : memref<10000x128xf32, #tpu.memory_space<vmem_shared>> -> memref<80x128xf32, #tpu.memory_space<vmem_shared>>
          tpu.enqueue_dma source(%dma_start3A_36 : memref<80x128xf32, #tpu.memory_space<vmem_shared>>) target(%dma_start3A_34 : memref<80x128xf32, #tpu.memory_space<hbm>>) target_semaphore(%run_scoped3A : memref<!tpu.dma_semaphore, #tpu.memory_space<semaphore_mem>>)
          %dma_wait3A = arith.constant 0 : i32
          %dma_wait3A_37 = tpu.memref_slice %arg4[%arg0, %mul3A_32, %dma_wait3A] : memref<2x10000x128xf32, #tpu.memory_space<hbm>> -> memref<1x80x128xf32, #tpu.memory_space<hbm>>
          %dma_wait3A_38 = tpu.memref_squeeze %dma_wait3A_37 : memref<1x80x128xf32, #tpu.memory_space<hbm>> -> memref<80x128xf32, #tpu.memory_space<hbm>>
          %dma_wait3A_39 = arith.constant 0 : i32
          %dma_wait3A_40 = tpu.memref_slice %arg7[%mul3A_32, %dma_wait3A_39] : memref<10000x128xf32, #tpu.memory_space<vmem_shared>> -> memref<80x128xf32, #tpu.memory_space<vmem_shared>>
          tpu.wait_dma2 semaphore(%run_scoped3A : memref<!tpu.dma_semaphore, #tpu.memory_space<semaphore_mem>>) src(%dma_wait3A_40 : memref<80x128xf32, #tpu.memory_space<vmem_shared>>) dst(%dma_wait3A_38 : memref<80x128xf32, #tpu.memory_space<hbm>>)
          tpu.yield
        }) : () -> ()
      } else {
      }
    }
    %scan3A_24 = arith.constant 8 : i32
    return
  }
}

module attributes {stable_mosaic.version = 14 : i64} {
  func.func @body(%arg0: i32, %arg1: memref<2x1000x128xf32, #tpu.memory_space<vmem>>, %arg2: memref<2x1000x128xf32, #tpu.memory_space<vmem>>, %arg3: memref<1000x128xf32, #tpu.memory_space<vmem>>, %arg4: memref<128x128xf32, #tpu.memory_space<vmem>>, %arg5: memref<1000x128xf32, #tpu.memory_space<vmem>>) attributes {dimension_semantics = [#tpu.dimension_semantics<arbitrary>], iteration_bounds = array<i64: 10>, scalar_prefetch = 0 : i64, scratch_operands = 0 : i64, tpu.core_type = #tpu.core_type<tc>, window_params = [{transform_indices = @transform_0, window_bounds = array<i64: 2, 1000, 128>}, {transform_indices = @transform_1, window_bounds = array<i64: 2, 1000, 128>}, {transform_indices = @transform_2, window_bounds = array<i64: 1000, 128>}, {pipeline_mode = #tpu.pipeline_mode<synchronous>, transform_indices = @transform_3, window_bounds = array<i64: 128, 128>}, {transform_indices = @transform_4, window_bounds = array<i64: 1000, 128>}]} {
    %get3A = arith.constant 0 : index
    %get3A_0 = arith.constant 0 : index
    %get3A_1 = arith.constant 0 : index
    %get3A_2 = vector.load %arg1[%get3A, %get3A_0, %get3A_1] : memref<2x1000x128xf32, #tpu.memory_space<vmem>>, vector<1x1000x128xf32>
    %get3A_3 = vector.shape_cast %get3A_2 : vector<1x1000x128xf32> to vector<1000x128xf32>
    %get3A_4 = arith.constant 1 : index
    %get3A_5 = arith.constant 0 : index
    %get3A_6 = arith.constant 0 : index
    %get3A_7 = vector.load %arg1[%get3A_4, %get3A_5, %get3A_6] : memref<2x1000x128xf32, #tpu.memory_space<vmem>>, vector<1x1000x128xf32>
    %get3A_8 = vector.shape_cast %get3A_7 : vector<1x1000x128xf32> to vector<1000x128xf32>
    %add3A = arith.addf %get3A_3, %get3A_8 : vector<1000x128xf32>
    %get3A_9 = arith.constant 0 : index
    %get3A_10 = arith.constant 0 : index
    %get3A_11 = arith.constant 0 : index
    %get3A_12 = vector.load %arg2[%get3A_9, %get3A_10, %get3A_11] : memref<2x1000x128xf32, #tpu.memory_space<vmem>>, vector<1x1000x1xf32>
    %get3A_13 = vector.shape_cast %get3A_12 : vector<1x1000x1xf32> to vector<1000x1xf32>
    %get3A_14 = arith.constant 1 : index
    %get3A_15 = arith.constant 0 : index
    %get3A_16 = arith.constant 0 : index
    %get3A_17 = vector.load %arg2[%get3A_14, %get3A_15, %get3A_16] : memref<2x1000x128xf32, #tpu.memory_space<vmem>>, vector<1x1000x1xf32>
    %get3A_18 = vector.shape_cast %get3A_17 : vector<1x1000x1xf32> to vector<1000x1xf32>
    %add3A_19 = arith.addf %get3A_13, %get3A_18 : vector<1000x1xf32>
    %max3A = arith.constant 1.000000e+00 : f32
    %max3A_20 = vector.broadcast %max3A : f32 to vector<1000x1xf32>
    %max3A_21 = arith.maximumf %add3A_19, %max3A_20 : vector<1000x1xf32>
    %div3A = vector.broadcast %max3A_21 : vector<1000x1xf32> to vector<1000x128xf32>
    %div3A_22 = arith.divf %add3A, %div3A : vector<1000x128xf32>
    %get3A_23 = arith.constant 0 : index
    %get3A_24 = arith.constant 0 : index
    %get3A_25 = vector.load %arg4[%get3A_23, %get3A_24] : memref<128x128xf32, #tpu.memory_space<vmem>>, vector<128x128xf32>
    %dot_general3A = arith.constant dense<0.000000e+00> : vector<1000x128xf32>
    %dot_general3A_26 = tpu.matmul %div3A_22, %get3A_25, %dot_general3A {dimension_numbers = #tpu.dot_dimension_numbers<[1], [0], [0], [1], [0, 0, 1, 1], [], []>, precision = #tpu.contract_precision<fp32>, transpose_lhs_hint = false} : vector<1000x128xf32>, vector<128x128xf32>, vector<1000x128xf32> -> vector<1000x128xf32>
    %get3A_27 = arith.constant 0 : index
    %get3A_28 = arith.constant 0 : index
    %get3A_29 = vector.load %arg3[%get3A_27, %get3A_28] : memref<1000x128xf32, #tpu.memory_space<vmem>>, vector<1000x128xf32>
    %add3A_30 = arith.addf %dot_general3A_26, %get3A_29 : vector<1000x128xf32>
    %swap3A = arith.constant 0 : index
    %swap3A_31 = arith.constant 0 : index
    %swap3A_32 = vector.load %arg5[%swap3A, %swap3A_31] : memref<1000x128xf32, #tpu.memory_space<vmem>>, vector<1000x128xf32>
    tpu.vector_store %arg5[%swap3A, %swap3A_31], %add3A_30 {strides = array<i32>} : memref<1000x128xf32, #tpu.memory_space<vmem>>, vector<1000x128xf32>,
    return
  }
  func.func @transform_0(%arg0: i32) -> (i32, i32, i32) {
    %c0_i32 = arith.constant 0 : i32
    %c0_i32_0 = arith.constant 0 : i32
    %c0_i32_1 = arith.constant 0 : i32
    return %c0_i32, %arg0, %c0_i32_0 : i32, i32, i32
  }
  func.func @transform_1(%arg0: i32) -> (i32, i32, i32) {
    %c0_i32 = arith.constant 0 : i32
    %c0_i32_0 = arith.constant 0 : i32
    %c0_i32_1 = arith.constant 0 : i32
    return %c0_i32, %arg0, %c0_i32_0 : i32, i32, i32
  }
  func.func @transform_2(%arg0: i32) -> (i32, i32) {
    %c0_i32 = arith.constant 0 : i32
    %c0_i32_0 = arith.constant 0 : i32
    return %arg0, %c0_i32 : i32, i32
  }
  func.func @transform_3(%arg0: i32) -> (i32, i32) {
    %c0_i32 = arith.constant 0 : i32
    %c0_i32_0 = arith.constant 0 : i32
    %c0_i32_1 = arith.constant 0 : i32
    return %c0_i32, %c0_i32_0 : i32, i32
  }
  func.func @transform_4(%arg0: i32) -> (i32, i32) {
    %c0_i32 = arith.constant 0 : i32
    %c0_i32_0 = arith.constant 0 : i32
    return %arg0, %c0_i32 : i32, i32
  }
}

module attributes {stable_mosaic.version = 14 : i64} {
  func.func @body(%arg0: i32, %arg1: memref<1000x128xf32, #tpu.memory_space<vmem>>, %arg2: memref<128x128xf32, #tpu.memory_space<vmem>>, %arg3: memref<1x128xf32, #tpu.memory_space<vmem>>, %arg4: memref<1000x128xf32, #tpu.memory_space<vmem>>) attributes {dimension_semantics = [#tpu.dimension_semantics<arbitrary>], iteration_bounds = array<i64: 10>, scalar_prefetch = 0 : i64, scratch_operands = 0 : i64, tpu.core_type = #tpu.core_type<tc>, window_params = [{transform_indices = @transform_0, window_bounds = array<i64: 1000, 128>}, {pipeline_mode = #tpu.pipeline_mode<synchronous>, transform_indices = @transform_1, window_bounds = array<i64: 128, 128>}, {pipeline_mode = #tpu.pipeline_mode<synchronous>, transform_indices = @transform_2, window_bounds = array<i64: 1, 128>}, {transform_indices = @transform_3, window_bounds = array<i64: 1000, 128>}]} {
    %get3A = arith.constant 0 : index
    %get3A_0 = arith.constant 0 : index
    %get3A_1 = vector.load %arg1[%get3A, %get3A_0] : memref<1000x128xf32, #tpu.memory_space<vmem>>, vector<1000x128xf32>
    %get3A_2 = arith.constant 0 : index
    %get3A_3 = arith.constant 0 : index
    %get3A_4 = vector.load %arg2[%get3A_2, %get3A_3] : memref<128x128xf32, #tpu.memory_space<vmem>>, vector<128x128xf32>
    %dot_general3A = arith.constant dense<0.000000e+00> : vector<1000x128xf32>
    %dot_general3A_5 = tpu.matmul %get3A_1, %get3A_4, %dot_general3A {dimension_numbers = #tpu.dot_dimension_numbers<[1], [0], [0], [1], [0, 0, 1, 1], [], []>, precision = #tpu.contract_precision<fp32>, transpose_lhs_hint = false} : vector<1000x128xf32>, vector<128x128xf32>, vector<1000x128xf32> -> vector<1000x128xf32>
    %get3A_6 = arith.constant 0 : index
    %get3A_7 = arith.constant 0 : index
    %get3A_8 = vector.load %arg3[%get3A_6, %get3A_7] : memref<1x128xf32, #tpu.memory_space<vmem>>, vector<1x128xf32>
    %add3A = vector.broadcast %get3A_8 : vector<1x128xf32> to vector<1000x128xf32>
    %add3A_9 = arith.addf %dot_general3A_5, %add3A : vector<1000x128xf32>
    %swap3A = arith.constant 0 : index
    %swap3A_10 = arith.constant 0 : index
    %swap3A_11 = vector.load %arg4[%swap3A, %swap3A_10] : memref<1000x128xf32, #tpu.memory_space<vmem>>, vector<1000x128xf32>
    tpu.vector_store %arg4[%swap3A, %swap3A_10], %add3A_9 {strides = array<i32>} : memref<1000x128xf32, #tpu.memory_space<vmem>>, vector<1000x128xf32>,
    return
  }
  func.func @transform_0(%arg0: i32) -> (i32, i32) {
    %c0_i32 = arith.constant 0 : i32
    %c0_i32_0 = arith.constant 0 : i32
    return %arg0, %c0_i32 : i32, i32
  }
  func.func @transform_1(%arg0: i32) -> (i32, i32) {
    %c0_i32 = arith.constant 0 : i32
    %c0_i32_0 = arith.constant 0 : i32
    %c0_i32_1 = arith.constant 0 : i32
    return %c0_i32, %c0_i32_0 : i32, i32
  }
  func.func @transform_2(%arg0: i32) -> (i32, i32) {
    %c0_i32 = arith.constant 0 : i32
    %c0_i32_0 = arith.constant 0 : i32
    %c0_i32_1 = arith.constant 0 : i32
    return %c0_i32, %c0_i32_0 : i32, i32
  }
  func.func @transform_3(%arg0: i32) -> (i32, i32) {
    %c0_i32 = arith.constant 0 : i32
    %c0_i32_0 = arith.constant 0 : i32
    return %arg0, %c0_i32 : i32, i32
  }
}

module attributes {stable_mosaic.version = 14 : i64} {
  func.func @body(%arg0: i32, %arg1: memref<2x1000x128xf32, #tpu.memory_space<vmem>>, %arg2: memref<2x1000x128xf32, #tpu.memory_space<vmem>>, %arg3: memref<1000x128xf32, #tpu.memory_space<vmem>>, %arg4: memref<128x128xf32, #tpu.memory_space<vmem>>, %arg5: memref<1000x128xf32, #tpu.memory_space<vmem>>) attributes {dimension_semantics = [#tpu.dimension_semantics<arbitrary>], iteration_bounds = array<i64: 10>, scalar_prefetch = 0 : i64, scratch_operands = 0 : i64, tpu.core_type = #tpu.core_type<tc>, window_params = [{transform_indices = @transform_0, window_bounds = array<i64: 2, 1000, 128>}, {transform_indices = @transform_1, window_bounds = array<i64: 2, 1000, 128>}, {transform_indices = @transform_2, window_bounds = array<i64: 1000, 128>}, {pipeline_mode = #tpu.pipeline_mode<synchronous>, transform_indices = @transform_3, window_bounds = array<i64: 128, 128>}, {transform_indices = @transform_4, window_bounds = array<i64: 1000, 128>}]} {
    %get3A = arith.constant 0 : index
    %get3A_0 = arith.constant 0 : index
    %get3A_1 = arith.constant 0 : index
    %get3A_2 = vector.load %arg1[%get3A, %get3A_0, %get3A_1] : memref<2x1000x128xf32, #tpu.memory_space<vmem>>, vector<1x1000x128xf32>
    %get3A_3 = vector.shape_cast %get3A_2 : vector<1x1000x128xf32> to vector<1000x128xf32>
    %get3A_4 = arith.constant 1 : index
    %get3A_5 = arith.constant 0 : index
    %get3A_6 = arith.constant 0 : index
    %get3A_7 = vector.load %arg1[%get3A_4, %get3A_5, %get3A_6] : memref<2x1000x128xf32, #tpu.memory_space<vmem>>, vector<1x1000x128xf32>
    %get3A_8 = vector.shape_cast %get3A_7 : vector<1x1000x128xf32> to vector<1000x128xf32>
    %add3A = arith.addf %get3A_3, %get3A_8 : vector<1000x128xf32>
    %get3A_9 = arith.constant 0 : index
    %get3A_10 = arith.constant 0 : index
    %get3A_11 = arith.constant 0 : index
    %get3A_12 = vector.load %arg2[%get3A_9, %get3A_10, %get3A_11] : memref<2x1000x128xf32, #tpu.memory_space<vmem>>, vector<1x1000x1xf32>
    %get3A_13 = vector.shape_cast %get3A_12 : vector<1x1000x1xf32> to vector<1000x1xf32>
    %get3A_14 = arith.constant 1 : index
    %get3A_15 = arith.constant 0 : index
    %get3A_16 = arith.constant 0 : index
    %get3A_17 = vector.load %arg2[%get3A_14, %get3A_15, %get3A_16] : memref<2x1000x128xf32, #tpu.memory_space<vmem>>, vector<1x1000x1xf32>
    %get3A_18 = vector.shape_cast %get3A_17 : vector<1x1000x1xf32> to vector<1000x1xf32>
    %add3A_19 = arith.addf %get3A_13, %get3A_18 : vector<1000x1xf32>
    %max3A = arith.constant 1.000000e+00 : f32
    %max3A_20 = vector.broadcast %max3A : f32 to vector<1000x1xf32>
    %max3A_21 = arith.maximumf %add3A_19, %max3A_20 : vector<1000x1xf32>
    %div3A = vector.broadcast %max3A_21 : vector<1000x1xf32> to vector<1000x128xf32>
    %div3A_22 = arith.divf %add3A, %div3A : vector<1000x128xf32>
    %get3A_23 = arith.constant 0 : index
    %get3A_24 = arith.constant 0 : index
    %get3A_25 = vector.load %arg4[%get3A_23, %get3A_24] : memref<128x128xf32, #tpu.memory_space<vmem>>, vector<128x128xf32>
    %dot_general3A = arith.constant dense<0.000000e+00> : vector<1000x128xf32>
    %dot_general3A_26 = tpu.matmul %div3A_22, %get3A_25, %dot_general3A {dimension_numbers = #tpu.dot_dimension_numbers<[1], [0], [0], [1], [0, 0, 1, 1], [], []>, precision = #tpu.contract_precision<fp32>, transpose_lhs_hint = false} : vector<1000x128xf32>, vector<128x128xf32>, vector<1000x128xf32> -> vector<1000x128xf32>
    %get3A_27 = arith.constant 0 : index
    %get3A_28 = arith.constant 0 : index
    %get3A_29 = vector.load %arg3[%get3A_27, %get3A_28] : memref<1000x128xf32, #tpu.memory_space<vmem>>, vector<1000x128xf32>
    %add3A_30 = arith.addf %dot_general3A_26, %get3A_29 : vector<1000x128xf32>
    %max3A_31 = arith.constant 0.000000e+00 : f32
    %max3A_32 = vector.broadcast %max3A_31 : f32 to vector<1000x128xf32>
    %max3A_33 = arith.maximumf %add3A_30, %max3A_32 : vector<1000x128xf32>
    %swap3A = arith.constant 0 : index
    %swap3A_34 = arith.constant 0 : index
    %swap3A_35 = vector.load %arg5[%swap3A, %swap3A_34] : memref<1000x128xf32, #tpu.memory_space<vmem>>, vector<1000x128xf32>
    tpu.vector_store %arg5[%swap3A, %swap3A_34], %max3A_33 {strides = array<i32>} : memref<1000x128xf32, #tpu.memory_space<vmem>>, vector<1000x128xf32>,
    return
  }
  func.func @transform_0(%arg0: i32) -> (i32, i32, i32) {
    %c0_i32 = arith.constant 0 : i32
    %c0_i32_0 = arith.constant 0 : i32
    %c0_i32_1 = arith.constant 0 : i32
    return %c0_i32, %arg0, %c0_i32_0 : i32, i32, i32
  }
  func.func @transform_1(%arg0: i32) -> (i32, i32, i32) {
    %c0_i32 = arith.constant 0 : i32
    %c0_i32_0 = arith.constant 0 : i32
    %c0_i32_1 = arith.constant 0 : i32
    return %c0_i32, %arg0, %c0_i32_0 : i32, i32, i32
  }
  func.func @transform_2(%arg0: i32) -> (i32, i32) {
    %c0_i32 = arith.constant 0 : i32
    %c0_i32_0 = arith.constant 0 : i32
    return %arg0, %c0_i32 : i32, i32
  }
  func.func @transform_3(%arg0: i32) -> (i32, i32) {
    %c0_i32 = arith.constant 0 : i32
    %c0_i32_0 = arith.constant 0 : i32
    %c0_i32_1 = arith.constant 0 : i32
    return %c0_i32, %c0_i32_0 : i32, i32
  }
  func.func @transform_4(%arg0: i32) -> (i32, i32) {
    %c0_i32 = arith.constant 0 : i32
    %c0_i32_0 = arith.constant 0 : i32
    return %arg0, %c0_i32 : i32, i32
  }
}

</mosaic_0001>

<sc_bundles>
// kernel: kernel.12.cloned.1.call-start
scs
__scs_entry_jumppad:
0x0: {  	(pc) =	sbr.rel $0x88, $3  }
0x1: {  	(tag) =	ssettag $0x0;
	lr =	simm.s32 $0x1  }
0x2: {  	[smem:$0x3F96] =	sst lr;
	_ =	strace $0xD0000000  }
0x3: {  	_ = 	snop  }
0x4: {  	_ = 	snop  }
0x5: {  	_ = 	snop  }
0x6: {  	_ = 	snop  }
0x7: {  	_ = 	snop  }
__scs_overlays_trampoline_lowered:
0x8: {  	[smem:$0x3FA5] =	sst s0  }
0x9: {  	[smem:$0x3FA6] =	sst s1  }
0xa: {  	[smem:$0x3FA7] =	sst s2  }
0xb: {  	[smem:$0x3FA8] =	sst s3  }
0xc: {  	[smem:$0x3FA9] =	sst s4  }
0xd: {  	[smem:$0x3FAA] =	sst s5  }
0xe: {  	[smem:$0x3FAB] =	sst s6  }
0xf: {  	[smem:$0x3FAC] =	sst s7  }
0x10: {  	[smem:$0x3FAD] =	sst s8  }
0x11: {  	[smem:$0x3FAE] =	sst s9;
	s0 =	simm.s32 @!p0 $0x0  }
0x12: {  	s1 =	sld [smem:$0x3F94];
	s0 =	simm.s32 @p0 $0x1  }
0x13: {  	[smem:$0x3FAF] =	sst s0;
	s0 =	simm.s32 @!p1 $0x0  }
0x14: {  	s2 =	sld [smem:$0x3F93];
	s0 =	simm.s32 @p1 $0x1  }
0x15: {  	[smem:$0x3FB0] =	sst s0;
	s0 =	simm.s32 @!p2 $0x0  }
0x16: {  	s3 =	sld [smem:$0x3FDB];
	s0 =	simm.s32 @p2 $0x1  }
0x17: {  	s4 =	simm.s32 $0x1BF5;
	[smem:$0x3FB2] =	sst s0  }
0x18: {  	s0 =	sld [smem:$0x3F95];
	_ =	swait.ge [sflag:s4], $0x0  }
0x19: {  	s7 =	sld [smem:$0x3F96]  }
0x1a: {  	s8 =	sadd.s32 $0xFFFFE003, lr  }
0x1b: {  	s9 =	sadd.s32 $0xFFFFFEF7, lr;
	s5 =	simm.s32 $0xFFFFFFFF;
	p2 =	slt.u32 s8, $0xFFFFF086  }
0x1c: {  	p1 =	slt.u32 s9, $0xF7A;
	s5 =	simm.s32 @!p2 $0x0  }
0x1d: {  	s5 =	simm.s32 @p1 $0x1;
	p0 =	seq.s32 s7, s2  }
0x1e: {  	s7 =	smul.u32 @!p0 $0xF7A, s2;
	p2 =	seq.s32 @!p0 s5, $0x0  }
0x1f: {  	s9 =	smul.u32 $0xF7A, s1;
	s8 =	simm.s32 @!p0 $0x1BF5;
	p2 =	por !p2, p0  }
0x20: {  	[sflag:s8] =	ssyncset.s32 @!p0 $0xFFFFF086;
	s6 =	sadd.s32 @!p0 s3, s7;
	s7 =	simm.s32 @!p0 $0x108  }
0x21: {  	s3 =	sadd.s32 s3, s9;
	s6 =	sadd.s32 @!p0 $0x88, s6;
	s7 =	simm.s32 @p2 $0x1082  }
0x22: {  	[simem:s7], [sflag:s8] =	dma.local @!p0 [hbm:s6], $0xF7A  }
0x23: {  	s9 =	sor.u32 $0xD0000000, s2;
	s6 =	simm.s32 $0x108;
	_ =	swait.ge @!p0 [sflag:s8], $0x0  }
0x24: {  	s3 =	sadd.s32 $0x88, s3;
	s6 =	simm.s32 @!p1 $0x1082;
	[sflag:s4] =	ssyncset.s32 $0xFFFFF086  }
0x25: {  	[simem:s6], [sflag:s4] =	dma.local [hbm:s3], $0xF7A  }
0x26: {  	[smem:$0x3F96] =	sst s1;
	(tag) =	ssettag s2;
	_ =	strace s9  }
0x27: {  	s1 =	sld [smem:$0x3FA6]  }
0x28: {  	s2 =	sld [smem:$0x3FA7]  }
0x29: {  	s4 =	sld [smem:$0x3FA9]  }
0x2a: {  	p0 =	seq.s32 s5, $0x0;
	s5 =	sld [smem:$0x3FAA]  }
0x2b: {  	s6 =	sld [smem:$0x3FAB]  }
0x2c: {  	s7 =	sld [smem:$0x3FAC]  }
0x2d: {  	s3 =	simm.s32 $0x108;
	s8 =	sld [smem:$0x3FAD]  }
0x2e: {  	s3 =	simm.s32 @!p0 $0x1082;
	s9 =	sld [smem:$0x3FAE]  }
0x2f: {  	lr =	sadd.s32 s0, s3;
	s0 =	sld [smem:$0x3FA5]  }
0x30: {  	s3 =	sld [smem:$0x3FA8]  }
0x31: {  	[smem:$0x3FB1] =	sst s10  }
0x32: {  	s10 =	sld [smem:$0x3FAF];
	_ =	sdelay $0x3  }
0x33: {  	p0 =	seq.s32 s10, $0x1;
	s10 =	sld [smem:$0x3FB1];
	_ =	sdelay $0x3  }
0x34: {  	[smem:$0x3FB1] =	sst s10  }
0x35: {  	s10 =	sld [smem:$0x3FB0];
	_ =	sdelay $0x3  }
0x36: {  	p1 =	seq.s32 s10, $0x1;
	s10 =	sld [smem:$0x3FB1];
	_ =	sdelay $0x3  }
0x37: {  	[smem:$0x3FB1] =	sst s10  }
0x38: {  	s10 =	sld [smem:$0x3FB2]  }
0x39: {  	_ = 	snop;
	(pc) =	sbr.ind lr, $3  }
0x3a: {  	_ = 	snop  }
0x3b: {  	_ = 	snop  }
0x3c: {  	p2 =	seq.s32 s10, $0x1;
	s10 =	sld [smem:$0x3FB1]  }
0x3d: {  	_ =	shalt  }
0x3e: {  	_ =	shalt  }
0x3f: {  	_ =	shalt  }
0x40: {  	_ =	shalt  }
0x41: {  	_ =	shalt  }
0x42: {  	_ =	shalt  }
0x43: {  	_ =	shalt  }
0x44: {  	_ =	shalt  }
0x45: {  	_ =	shalt  }
0x46: {  	_ =	shalt  }
0x47: {  	_ =	shalt  }
0x48: {  	_ =	shalt  }
0x49: {  	_ =	shalt  }
0x4a: {  	_ =	shalt  }
0x4b: {  	_ =	shalt  }
0x4c: {  	_ =	shalt  }
0x4d: {  	_ =	shalt  }
0x4e: {  	_ =	shalt  }
0x4f: {  	_ =	shalt  }
0x50: {  	_ =	shalt  }
0x51: {  	_ =	shalt  }
0x52: {  	_ =	shalt  }
0x53: {  	_ =	shalt  }
0x54: {  	_ =	shalt  }
0x55: {  	_ =	shalt  }
0x56: {  	_ =	shalt  }
0x57: {  	_ =	shalt  }
0x58: {  	_ =	shalt  }
0x59: {  	_ =	shalt  }
0x5a: {  	_ =	shalt  }
0x5b: {  	_ =	shalt  }
0x5c: {  	_ =	shalt  }
0x5d: {  	_ =	shalt  }
0x5e: {  	_ =	shalt  }
0x5f: {  	_ =	shalt  }
0x60: {  	_ =	shalt  }
0x61: {  	_ =	shalt  }
0x62: {  	_ =	shalt  }
0x63: {  	_ =	shalt  }
0x64: {  	_ =	shalt  }
0x65: {  	_ =	shalt  }
0x66: {  	_ =	shalt  }
0x67: {  	_ =	shalt  }
0x68: {  	_ =	shalt  }
0x69: {  	_ =	shalt  }
0x6a: {  	_ =	shalt  }
0x6b: {  	_ =	shalt  }
0x6c: {  	_ =	shalt  }
0x6d: {  	_ =	shalt  }
0x6e: {  	_ =	shalt  }
0x6f: {  	_ =	shalt  }
0x70: {  	_ =	shalt  }
0x71: {  	_ =	shalt  }
0x72: {  	_ =	shalt  }
0x73: {  	_ =	shalt  }
0x74: {  	_ =	shalt  }
0x75: {  	_ =	shalt  }
0x76: {  	_ =	shalt  }
0x77: {  	_ =	shalt  }
0x78: {  	_ =	shalt  }
0x79: {  	_ =	shalt  }
0x7a: {  	_ =	shalt  }
0x7b: {  	_ =	shalt  }
0x7c: {  	_ =	shalt  }
0x7d: {  	_ =	shalt  }
0x7e: {  	_ =	shalt  }
0x7f: {  	_ =	shalt  }
0x80: {  	_ =	shalt  }
0x81: {  	_ =	shalt  }
0x82: {  	_ =	shalt  }
0x83: {  	_ =	shalt  }
0x84: {  	_ =	shalt  }
0x85: {  	_ =	shalt  }
0x86: {  	_ =	shalt  }
0x87: {  	_ =	shalt  }
.Lfunc_end0:
.L_simem_size_0:
called_computation_lowered:
.L_overlay_start_0:
0x88: {  	s2 =	sld [smem:$0x3FD9]  }
0x89: {  	s3 =	sld [smem:$0x3FFE];
	_ =	sdelay $0x1  }
0x8a: {  	s1 =	srdreg.scid  }
0x8b: {  	s0 =	sand.u32 $0x1, s1  }
0x8c: {  	s17 =	sshll.u32 s0, $0xA;
	s2 =	sadd.s32 s3, s2  }
0x8d: {  	s2 =	sadd.s32 s2, s17  }
0x8e: {  	[smem:$0x3FBD] =	sst s2  }
0x8f: {  	_ = 	snop  }
0x90: {  	s18 =	sld [smem:$0x3FD0];
	(tm) =	ssettm $0x1  }
0x91: {  	s19 =	sld [smem:$0x3FFB];
	_ =	sdelay $0x3  }
0x92: {  	_ =	strace s19  }
0x93: {  	s2 =	sld [smem:$0x3FFC];
	_ =	sdelay $0x3  }
0x94: {  	_ =	strace s2  }
0x95: {  	s2 =	sld [smem:$0x3FFD];
	_ =	sdelay $0x3  }
0x96: {  	_ =	strace s2  }
0x97: {  	_ =	strace $0x8FFFFFFF  }
0x98: {  	s20 =	sld [smem:$0x3FDB];
	_ =	sdelay $0x1  }
0x99: {  	s4 =	simm.s32 $_scs_section_size  }
0x9a: {  	s5 =	simm.s32 $_size__tile_overlayer_lowered;
	s6 =	simm.s32 $_tile_overlayer_lowered  }
0x9b: {  	s7 =	simm.s32 $0x1BFF;
	s21 =	sshll.u32 s6, $0x1;
	s4 =	sadd.s32 s4, s20  }
0x9c: {  	s22 =	simm.s32 $0x0;
	s5 =	sshll.u32 s5, $0x1;
	s6 =	sadd.s32 s21, s4  }
0x9d: {  	[timem:s22], [sflag:s7] =	dma.local [hbm:s6], s5  }
0x9e: {  	_ =	swait.ge [sflag:s7], s5  }
0x9f: {  	s5 =	ssub.s32 $0x0, s5;
	[sflag:s7] =	ssyncset.done $0x0  }
0xa0: {  	[sflag:s7] =	ssyncadd.s32 s5;
	_ =	sdelay $0x1  }
0xa1: {  	s23 =	simm.s32 $0x1B8B  }
0xa2: {  	_ =	swait.ge [sflag:s23], $0x1  }
0xa3: {  	[sflag:s23] =	ssyncset.done $0x0  }
0xa4: {  	[sflag:s23] =	ssyncadd.s32 $0xFFFFFFFF  }
0xa5: {  	s5 =	sld [smem:$0x0]  }
0xa6: {  	s6 =	sand.u32 $0xFFFFFFFE, s1  }
0xa7: {  	p0 =	sne.s32 s1, s6  }
0xa8: {  	s6 =	sshll.u32 @p0 s6, $0xE  }
0xa9: {  	s6 =	sadd.s32 @p0 $0x11B8D, s6;
	s7 =	sshll.u32 @p0 s5, $0x11  }
0xaa: {  	s6 =	sor.u32 @p0 s7, s6  }
0xab: {  	[sflag:s6] =	ssyncadd.remote.s32 @p0 $0x1;
	_ =	sdelay $0x1  }
0xac: {  	s6 =	simm.s32 @p0 $0x1B8D  }
0xad: {  	_ =	swait.eq @p0 [sflag:s6], $0x1  }
0xae: {  	[sflag:s6] =	ssyncadd.s32 @p0 $0xFFFFFFFF  }
0xaf: {  	s7 =	sshll.u32 @!p0 s1, $0xE  }
0xb0: {  	s7 =	sor.u32 @!p0 $0x4000, s7;
	s6 =	simm.s32 @!p0 $0x1B8D  }
0xb1: {  	s5 =	sshll.u32 @!p0 s5, $0x11;
	s7 =	sadd.s32 @!p0 $0x11B8D, s7;
	_ =	swait.eq @!p0 [sflag:s6], $0x1  }
0xb2: {  	s5 =	sor.u32 @!p0 s5, s7;
	[sflag:s6] =	ssyncadd.s32 @!p0 $0xFFFFFFFF  }
0xb3: {  	s25 =	simm.s32 $0x1B8E;
	s24 =	sld [smem:$0x3FFE];
	[sflag:s5] =	ssyncadd.remote.s32 @!p0 $0x1  }
0xb4: {  	s26 =	simm.s32 $execute0_lowered;
	[smem:$0x3FD2] =	sst s25  }
0xb5: {  	s6 =	sshll.u32 s26, $0x1;
	_ =	strace $0x80000049;
	[dreg:$0x1] =	wrdreg $0xFFFFFFFF  }
0xb6: {  	s28 =	simm.s32 $_size_execute0_lowered;
	s4 =	sadd.s32 s4, s6;
	[dreg:$0x0] =	wrdreg $0x0  }
0xb7: {  	s6 =	sshll.u32 s28, $0x1;
	[dreg:$0x2] =	wrdreg s4  }
0xb8: {  	[dreg:$0x3] =	wrdreg s6  }
0xb9: {  	[dreg:$0x4] =	wrdreg $0xC0  }
0xba: {  	_ =	task [dreg:s22], $0x5FFFF  }
0xbb: {  	[dreg:$0x1] =	wrdreg $0xFFFFFFFF  }
0xbc: {  	[dreg:$0x0] =	wrdreg $0x60  }
0xbd: {  	[dreg:$0x2] =	wrdreg s24  }
0xbe: {  	[dreg:$0x3] =	wrdreg s18  }
0xbf: {  	[dreg:$0x4] =	wrdreg $0x30000  }
0xc0: {  	[dreg:$0x5] =	wrdreg $0x9  }
0xc1: {  	_ =	task.clear_ibuf [dreg:s22], $0x6FFFF;
	_ =	strace $0x90000049  }
0xc2: {  	s29 =	simm.s32 $0x9;
	_ =	strace $0x8000004B  }
0xc3: {  	_ =	swait.ge [sflag:s29], $0x1  }
0xc4: {  	[sflag:s29] =	ssyncadd.s32 $0xFFFFFFFF  }
0xc5: {  	_ =	strace $0x9000004B  }
0xc6: {  	_ =	sfence  }
0xc7: {  	s30 =	sld [smem:$0x0];
	_ =	sdelay $0x2  }
0xc8: {  	s31 =	sshll.u32 s1, $0xD;
	s1 =	sshrl.u32 s1, $0x2  }
0xc9: {  	s4 =	sand.u32 $0x4000, s31;
	s1 =	sadd.s32 s1, s30  }
0xca: {  	s0 =	sor.u32 s4, s0;
	s1 =	sshll.u32 s1, $0x11  }
0xcb: {  	s0 =	sor.u32 s1, s0  }
0xcc: {  	s0 =	sadd.s32 $0x8F2B, s0  }
0xcd: {  	[sflag:s0] =	ssyncadd.remote.s32 $0x1  }
0xce: {  	_ =	sfence.sel $0xFFFF  }
0xcf: {  	[dreg:$0x0] =	wrdreg $0xFFFFFFFF;
	(pc) =	sbr.abs _section_cstart, $3  }
0xd0: {  	[dreg:$0x1] =	wrdreg $0xFFFFFFFF  }
0xd1: {  	_ =	task.clear_ibuf [dreg:s22], $0x2FFFF;
	_ =	strace $0x9FFFFFFF  }
0xd2: {  	(tm) =	ssettm $0x7FFFFFFF  }
0xd3: {  	_ =	shalt  }
tec
execute0_lowered:
.L_overlay_start_1:
0x0: {  	(tag) =	ssettag $0x1  }
0x1: {  	s23 =	stileid.u32  }
0x2: {  	s9 =	smul.u32 $0x2710, s23  }
0x3: {  	s0 =	srdreg.scid;
	s11 =	smul.u32 $0x500, s23  }
0x4: {  	s7 =	sand.u32 $0x1, s0;
	s19 =	smul.u32 $0x2800, s23  }
0x5: {  	s8 =	smul.u32 $0x27100, s7  }
0x6: {  	s6 =	sor.u32 $0x10, s23;
	s10 =	smul.u32 $0x138800, s7  }
0x7: {  	s5 =	sor.u32 $0x20, s23;
	s12 =	smul.u32 $0x500, s6  }
0x8: {  	s3 =	sor.u32 $0x30, s23;
	s13 =	smul.u32 $0x500, s5  }
0x9: {  	s4 =	sor.u32 $0x40, s23;
	s14 =	smul.u32 $0x500, s3  }
0xa: {  	s2 =	sor.u32 $0x50, s23;
	s15 =	smul.u32 $0x500, s4  }
0xb: {  	s1 =	sor.u32 $0x60, s23;
	s16 =	smul.u32 $0x500, s2  }
0xc: {  	s0 =	sor.u32 $0x70, s23;
	s17 =	smul.u32 $0x500, s1  }
0xd: {  	s18 =	smul.u32 $0x500, s0  }
0xe: {  	s20 =	rddreg [dreg:$0x1];
	s22 =	smul.u32 $0x2800, s6  }
0xf: {  	s31 =	simm.s32 $0x2;
	s28 =	simm.s32 $0x780;
	s26 =	smul.u32 $0x2800, s4  }
0x10: {  	s30 =	simm.s32 $0x0;
	s7 =	ssub.s32 $0x2, s7;
	s6 =	smul.u32 $0xA000, s6  }
0x11: {  	s4 =	smul.u32 $0xA000, s4;
	p0 =	sgt.u32 s0, $0x7C;
	s21 =	sshrl.u32 s7, $0x1  }
0x12: {  	s11 =	sadd.s32 s20, s11;
	s8 =	sadd.s32 s9, s8;
	s7 =	ssub.s32 s7, s21  }
0x13: {  	s9 =	smul.u32 $0x2800, s5;
	[dreg:$0x6] =	wrdreg s11;
	s21 =	sadd.s32 s20, s12  }
0x14: {  	s11 =	smul.u32 $0x2800, s3;
	s24 =	sadd.s32 s20, s13;
	s25 =	sadd.s32 s20, s14  }
0x15: {  	s29 =	sadd.s32 s20, s15;
	s14 =	sadd.s32 s20, s16;
	s15 =	smul.u32 $0x2800, s2  }
0x16: {  	s16 =	sadd.s32 s20, s17;
	s17 =	sadd.s32 s20, s18;
	[dreg:$0x7] =	wrdreg s21  }
0x17: {  	s18 =	smul.u32 $0x2800, s1;
	s19 =	sadd.s32 s10, s19;
	[dreg:$0x8] =	wrdreg s24  }
0x18: {  	s20 =	sadd.s32 s10, s22;
	s5 =	smul.u32 $0xA000, s5;
	[dreg:$0x9] =	wrdreg s25  }
0x19: {  	s12 =	sadd.s32 s10, s26;
	s3 =	smul.u32 $0xA000, s3;
	[dreg:$0xa] =	wrdreg s29  }
0x1a: {  	s6 =	sshrl.u32 s6, $0x2;
	s2 =	smul.u32 $0xA000, s2;
	[dreg:$0xb] =	wrdreg s14  }
0x1b: {  	s1 =	smul.u32 $0xA000, s1;
	s4 =	sshrl.u32 s4, $0x2;
	[dreg:$0xc] =	wrdreg s16  }
0x1c: {  	[dreg:$0xd] =	wrdreg s17;
	s21 =	smul.u32 $0x2800, s0;
	s8 =	sshrl.u32 s8, $0x3  }
0x1d: {  	s24 =	rddreg [dreg:$0x0];
	s16 =	sshrl.u32 s20, $0x3;
	s12 =	sshrl.u32 s12, $0x3  }
0x1e: {  	s7 =	smax.u32 s7, $0x1;
	s0 =	smul.u32 $0xA000, s0;
	s22 =	sadd.s32 s10, s9  }
0x1f: {  	s11 =	sadd.s32 s10, s11;
	s13 =	sadd.s32 s10, s15;
	s14 =	sadd.s32 s10, s18  }
0x20: {  	s9 =	simm.s32 $0x0;
	s8 =	sadd.s32 s8, s24;
	s25 =	sadd.s32 $0x64E00, s24  }
0x21: {  	s15 =	sshrl.u32 s19, $0x3;
	s5 =	sshrl.u32 s5, $0x2;
	s3 =	sshrl.u32 s3, $0x2  }
0x22: {  	s2 =	sshrl.u32 s2, $0x2;
	s1 =	sshrl.u32 s1, $0x2;
	s19 =	simm.s32 $0x550  }
0x23: {  	s10 =	sadd.s32 s10, s21;
	[smem:$0x7FF] =	sst s9;
	s26 =	sshrl.u32 s22, $0x3  }
0x24: {  	s15 =	sadd.s32 s25, s15;
	s29 =	sadd.s32 s25, s16;
	s11 =	sshrl.u32 s11, $0x3  }
0x25: {  	s13 =	sshrl.u32 s13, $0x3;
	s17 =	sadd.s32 s25, s12;
	[dreg:$0xe] =	wrdreg s15  }
0x26: {  	s20 =	sshrl.u32 s14, $0x3;
	s8 =	sadd.s32 $0x3000, s8;
	[dreg:$0xf] =	wrdreg s29  }
0x27: {  	s21 =	smul.u32 $0xA000, s23;
	s22 =	simm.s32 $0xA0;
	[dreg:$0x12] =	wrdreg s17  }
0x28: {  	s0 =	sshrl.u32 s0, $0x2;
	s16 =	sadd.s32 s25, s26;
	s17 =	rddreg [dreg:$0x2]  }
0x29: {  	s12 =	simm.s32 $0x3C0;
	s11 =	sadd.s32 s25, s11;
	[dreg:$0x10] =	wrdreg s16  }
0x2a: {  	s14 =	simm.s32 $0x460;
	s18 =	sadd.s32 s25, s13;
	[dreg:$0x11] =	wrdreg s11  }
0x2b: {  	s10 =	sshrl.u32 s10, $0x3;
	[dreg:$0x13] =	wrdreg s18;
	s11 =	sadd.s32 s25, s20  }
0x2c: {  	s26 =	sshll.u32 s23, $0x6;
	s10 =	sadd.s32 s25, s10;
	[dreg:$0x14] =	wrdreg s11  }
0x2d: {  	s15 =	simm.s32 $0x50;
	s13 =	simm.s32 $0x410;
	[dreg:$0x15] =	wrdreg s10  }
0x2e: {  	s23 =	simm.s32 $0x640;
	_ =	strace $0x8000004A;
	[dreg:$0x4] =	wrdreg s8  }
0x2f: {  	s24 =	sshrl.u32 s21, $0x2;
	s6 =	sadd.s32 s6, s17;
	[dreg:$0x5] =	wrdreg s22  }
0x30: {  	s5 =	sadd.s32 s5, s17;
	s25 =	sadd.s32 s24, s17;
	[dreg:$0x16] =	wrdreg s7  }
0x31: {  	s3 =	sadd.s32 s3, s17;
	s29 =	sadd.s32 s4, s17;
	[dreg:$0x17] =	wrdreg s25  }
0x32: {  	s2 =	sadd.s32 s2, s17;
	s1 =	sadd.s32 s1, s17;
	[dreg:$0x19] =	wrdreg s6  }
0x33: {  	s0 =	sadd.s32 s0, s17;
	s4 =	simm.s32 $0x190;
	[dreg:$0x1a] =	wrdreg s5  }
0x34: {  	s16 =	simm.s32 $0x4B0;
	s18 =	simm.s32 $0x500;
	[dreg:$0x1b] =	wrdreg s3  }
0x35: {  	s20 =	simm.s32 $0x5A0;
	s21 =	simm.s32 $0x5F0;
	[dreg:$0x1c] =	wrdreg s29  }
0x36: {  	s10 =	simm.s32 $0x320;
	s11 =	simm.s32 $0x370;
	[dreg:$0x1d] =	wrdreg s2  }
0x37: {  	s24 =	simm.s32 $0x690;
	s7 =	sor.u32 $0x1C02, s26;
	[dreg:$0x1e] =	wrdreg s1  }
0x38: {  	[dreg:$0x1f] =	wrdreg s0;
	s0 =	simm.s32 $0x800;
	s1 =	simm.s32 $0xF0  }
0x39: {  	s2 =	simm.s32 $0x140;
	s3 =	simm.s32 $0x1;
	s5 =	simm.s32 $0x1E0  }
0x3a: {  	s6 =	simm.s32 $0x230;
	s8 =	simm.s32 $0x2D0;
	s25 =	simm.s32 $0x6E0  }
0x3b: {  	v0 =	vimm.f32 $1.000000000e+00;
	s26 =	simm.s32 $0x730;
	[dreg:$0x18] =	wrdreg s7;
	s7 =	simm.s32 $0x280  }
.LBB2_1:
0x3c: {  	[smem:$0x7FD] =	sst s30;
	s30 =	simm.s32 $0x0;
	s29 =	simm.s32 $0x200  }
.LBB2_2:
0x3d: {  	p1 =	sne.s32 s29, $0x9E00;
	[tilespmem:s30+$0x870] =	vst v0  }
0x3e: {  	[tilespmem:s30+$0x800] =	vst v0  }
0x3f: {  	[tilespmem:s30+$0x810] =	vst v0  }
.Ltmp0:
0x40: {  	[tilespmem:s30+$0x820] =	vst v0;
	(pc) =	sbr.rel @p1 .LBB2_2-.Ltmp0, $4  }
0x41: {  	[tilespmem:s30+$0x830] =	vst v0  }
0x42: {  	[tilespmem:s30+$0x840] =	vst v0  }
0x43: {  	[tilespmem:s30+$0x850] =	vst v0  }
0x44: {  	[tilespmem:s30+$0x860] =	vst v0;
	s30 =	sshra.s32 s29, $0x2;
	s29 =	sadd.s32 $0x200, s29  }
0x45: {  	[tilespmem:s30+$0x870] =	vst v0  }
0x46: {  	[tilespmem:s30+$0x800] =	vst v0  }
0x47: {  	[tilespmem:s30+$0x810] =	vst v0  }
0x48: {  	[tilespmem:s30+$0x820] =	vst v0  }
0x49: {  	[tilespmem:s30+$0x830] =	vst v0  }
0x4a: {  	[tilespmem:s30+$0x840] =	vst v0;
	s22 =	rddreg [dreg:$0x17]  }
0x4b: {  	[tilespmem:s30+$0x850] =	vst v0;
	s29 =	rddreg [dreg:$0x18]  }
0x4c: {  	[tilespmem:s30+$0x860] =	vst v0;
	s30 =	sshrl.u32 s22, $0x3;
	s22 =	rddreg [dreg:$0x6]  }
0x4d: {  	[smem:$0x7F5] =	sst s30  }
0x4e: {  	[spmem:s30], [sflag:s29] =	dma.local [hbm:s22], $0x500  }
0x4f: {  	_ =	swait.ge [sflag:s31], $0x500  }
0x50: {  	s22 =	rddreg [dreg:$0x19]  }
0x51: {  	[sflag:s31] =	ssyncset.done $0x0;
	s30 =	sshrl.u32 s22, $0x3;
	s22 =	rddreg [dreg:$0x7]  }
0x52: {  	[sflag:s31] =	ssyncadd.s32 $0xFFFFFB00;
	[smem:$0x7F6] =	sst s30  }
0x53: {  	[spmem:s30], [sflag:s29] =	dma.local [hbm:s22], $0x500  }
0x54: {  	_ =	swait.ge [sflag:s31], $0x500  }
0x55: {  	s22 =	rddreg [dreg:$0x1a]  }
0x56: {  	[sflag:s31] =	ssyncset.done $0x0;
	s30 =	sshrl.u32 s22, $0x3;
	s22 =	rddreg [dreg:$0x8]  }
0x57: {  	[sflag:s31] =	ssyncadd.s32 $0xFFFFFB00;
	[smem:$0x7F7] =	sst s30  }
0x58: {  	[spmem:s30], [sflag:s29] =	dma.local [hbm:s22], $0x500  }
0x59: {  	_ =	swait.ge [sflag:s31], $0x500  }
0x5a: {  	s22 =	rddreg [dreg:$0x1b]  }
0x5b: {  	[sflag:s31] =	ssyncset.done $0x0;
	s30 =	sshrl.u32 s22, $0x3;
	s22 =	rddreg [dreg:$0x9]  }
0x5c: {  	[sflag:s31] =	ssyncadd.s32 $0xFFFFFB00;
	[smem:$0x7F8] =	sst s30  }
0x5d: {  	[spmem:s30], [sflag:s29] =	dma.local [hbm:s22], $0x500  }
0x5e: {  	_ =	swait.ge [sflag:s31], $0x500  }
0x5f: {  	s22 =	rddreg [dreg:$0x1c]  }
0x60: {  	[sflag:s31] =	ssyncset.done $0x0;
	s30 =	sshrl.u32 s22, $0x3;
	s22 =	rddreg [dreg:$0xa]  }
0x61: {  	[sflag:s31] =	ssyncadd.s32 $0xFFFFFB00;
	[smem:$0x7F9] =	sst s30  }
0x62: {  	[spmem:s30], [sflag:s29] =	dma.local [hbm:s22], $0x500  }
0x63: {  	_ =	swait.ge [sflag:s31], $0x500  }
0x64: {  	s22 =	rddreg [dreg:$0x1d]  }
0x65: {  	[sflag:s31] =	ssyncset.done $0x0;
	s30 =	sshrl.u32 s22, $0x3;
	s22 =	rddreg [dreg:$0xb]  }
0x66: {  	[sflag:s31] =	ssyncadd.s32 $0xFFFFFB00;
	[smem:$0x7FA] =	sst s30  }
0x67: {  	[spmem:s30], [sflag:s29] =	dma.local [hbm:s22], $0x500  }
0x68: {  	_ =	swait.ge [sflag:s31], $0x500  }
0x69: {  	s22 =	rddreg [dreg:$0x1e]  }
0x6a: {  	[sflag:s31] =	ssyncset.done $0x0;
	s30 =	sshrl.u32 s22, $0x3;
	s22 =	rddreg [dreg:$0xc]  }
0x6b: {  	[sflag:s31] =	ssyncadd.s32 $0xFFFFFB00;
	[smem:$0x7FB] =	sst s30  }
0x6c: {  	[spmem:s30], [sflag:s29] =	dma.local [hbm:s22], $0x500  }
0x6d: {  	_ =	swait.ge [sflag:s31], $0x500  }
0x6e: {  	s22 =	rddreg [dreg:$0x1f]  }
0x6f: {  	[sflag:s31] =	ssyncset.done $0x0;
	s30 =	sshrl.u32 @!p0 s22, $0x3;
	s22 =	rddreg [dreg:$0xd]  }
0x70: {  	[sflag:s31] =	ssyncadd.s32 $0xFFFFFB00;
	[smem:$0x7FC] =	sst s30  }
0x71: {  	[spmem:s30], [sflag:s29] =	dma.local @!p0 [hbm:s22], $0x500  }
0x72: {  	s29 =	simm.s32 @!p0 $0x2  }
0x73: {  	_ =	swait.ge @!p0 [sflag:s29], $0x500  }
0x74: {  	[sflag:s29] =	ssyncset.done @!p0 $0x0  }
0x75: {  	[sflag:s29] =	ssyncadd.s32 @!p0 $0xFFFFFB00  }
0x76: {  	[bflag:$0x0] =	sbarrier.arrive $0xFFFF  }
0x77: {  	s22 =	rddreg [dreg:$0x4]  }
0x78: {  	s29 =	sadd.s32 $0x0, s22  }
0x79: {  	[tilespmem:s9], [sflag:$0x2] =	stream.linear.gather [hbm4b:s29+s9], $0x7D0, $0x38;
	[tilespmem:$0x16880] =	vst v63  }
0x7a: {  	_ =	swait.ge [sflag:s31], $0x7D0  }
0x7b: {  	[sflag:s31] =	ssyncset.done $0x0  }
0x7c: {  	[sflag:s31] =	ssyncadd.s32 $0xFFFFF830  }
0x7d: {  	[spmem:s17] =	stream.indirect.scatter.add.f32 [tilespmem:s0], [sflag:$0x1], $0x80, s9, s15, $0xb8;
	[tilespmem:$0x16880] =	vst v63  }
0x7e: {  	_ = 	snop  }
0x7f: {  	[spmem:s17] =	stream.indirect.scatter.add.f32 [tilespmem:s0], [sflag:$0x1], $0x80, s15, s15, $0xb8;
	[tilespmem:$0x16880] =	vst v63  }
0x80: {  	s22 =	rddreg [dreg:$0x5]  }
0x81: {  	[spmem:s17] =	stream.indirect.scatter.add.f32 [tilespmem:s0], [sflag:$0x1], $0x80, s22, s15, $0xb8;
	[tilespmem:$0x16880] =	vst v63  }
0x82: {  	_ = 	snop  }
0x83: {  	[spmem:s17] =	stream.indirect.scatter.add.f32 [tilespmem:s0], [sflag:$0x1], $0x80, s1, s15, $0xb8;
	[tilespmem:$0x16880] =	vst v63  }
0x84: {  	_ = 	snop  }
0x85: {  	[spmem:s17] =	stream.indirect.scatter.add.f32 [tilespmem:s0], [sflag:$0x1], $0x80, s2, s15, $0xb8;
	[tilespmem:$0x16880] =	vst v63  }
0x86: {  	_ =	swait.ge [sflag:s3], $0x2800  }
0x87: {  	[sflag:s3] =	ssyncset.done $0x0  }
0x88: {  	[sflag:s3] =	ssyncadd.s32 $0xFFFFD800  }
0x89: {  	[spmem:s17] =	stream.indirect.scatter.add.f32 [tilespmem:s0], [sflag:$0x1], $0x80, s4, s15, $0xb8;
	[tilespmem:$0x16880] =	vst v63  }
0x8a: {  	_ =	swait.ge [sflag:s3], $0x2800  }
0x8b: {  	[sflag:s3] =	ssyncset.done $0x0  }
0x8c: {  	[sflag:s3] =	ssyncadd.s32 $0xFFFFD800  }
0x8d: {  	[spmem:s17] =	stream.indirect.scatter.add.f32 [tilespmem:s0], [sflag:$0x1], $0x80, s5, s15, $0xb8;
	[tilespmem:$0x16880] =	vst v63  }
0x8e: {  	_ =	swait.ge [sflag:s3], $0x2800  }
0x8f: {  	[sflag:s3] =	ssyncset.done $0x0  }
0x90: {  	[sflag:s3] =	ssyncadd.s32 $0xFFFFD800  }
0x91: {  	[spmem:s17] =	stream.indirect.scatter.add.f32 [tilespmem:s0], [sflag:$0x1], $0x80, s6, s15, $0xb8;
	[tilespmem:$0x16880] =	vst v63  }
0x92: {  	_ =	swait.ge [sflag:s3], $0x2800  }
0x93: {  	[sflag:s3] =	ssyncset.done $0x0  }
0x94: {  	[sflag:s3] =	ssyncadd.s32 $0xFFFFD800  }
0x95: {  	[spmem:s17] =	stream.indirect.scatter.add.f32 [tilespmem:s0], [sflag:$0x1], $0x80, s7, s15, $0xb8;
	[tilespmem:$0x16880] =	vst v63  }
0x96: {  	_ =	swait.ge [sflag:s3], $0x2800  }
0x97: {  	[sflag:s3] =	ssyncset.done $0x0  }
0x98: {  	[sflag:s3] =	ssyncadd.s32 $0xFFFFD800  }
0x99: {  	[spmem:s17] =	stream.indirect.scatter.add.f32 [tilespmem:s0], [sflag:$0x1], $0x80, s8, s15, $0xb8;
	[tilespmem:$0x16880] =	vst v63  }
0x9a: {  	_ =	swait.ge [sflag:s3], $0x2800  }
0x9b: {  	[sflag:s3] =	ssyncset.done $0x0  }
0x9c: {  	[sflag:s3] =	ssyncadd.s32 $0xFFFFD800  }
0x9d: {  	[spmem:s17] =	stream.indirect.scatter.add.f32 [tilespmem:s0], [sflag:$0x1], $0x80, s10, s15, $0xb8;
	[tilespmem:$0x16880] =	vst v63  }
0x9e: {  	_ =	swait.ge [sflag:s3], $0x2800  }
0x9f: {  	[sflag:s3] =	ssyncset.done $0x0  }
0xa0: {  	[sflag:s3] =	ssyncadd.s32 $0xFFFFD800  }
0xa1: {  	[spmem:s17] =	stream.indirect.scatter.add.f32 [tilespmem:s0], [sflag:$0x1], $0x80, s11, s15, $0xb8;
	[tilespmem:$0x16880] =	vst v63  }
0xa2: {  	_ =	swait.ge [sflag:s3], $0x2800  }
0xa3: {  	[sflag:s3] =	ssyncset.done $0x0  }
0xa4: {  	[sflag:s3] =	ssyncadd.s32 $0xFFFFD800  }
0xa5: {  	[spmem:s17] =	stream.indirect.scatter.add.f32 [tilespmem:s0], [sflag:$0x1], $0x80, s12, s15, $0xb8;
	[tilespmem:$0x16880] =	vst v63  }
0xa6: {  	_ =	swait.ge [sflag:s3], $0x2800  }
0xa7: {  	[sflag:s3] =	ssyncset.done $0x0  }
0xa8: {  	[sflag:s3] =	ssyncadd.s32 $0xFFFFD800  }
0xa9: {  	[spmem:s17] =	stream.indirect.scatter.add.f32 [tilespmem:s0], [sflag:$0x1], $0x80, s13, s15, $0xb8;
	[tilespmem:$0x16880] =	vst v63  }
0xaa: {  	_ =	swait.ge [sflag:s3], $0x2800  }
0xab: {  	[sflag:s3] =	ssyncset.done $0x0  }
0xac: {  	[sflag:s3] =	ssyncadd.s32 $0xFFFFD800  }
0xad: {  	[spmem:s17] =	stream.indirect.scatter.add.f32 [tilespmem:s0], [sflag:$0x1], $0x80, s14, s15, $0xb8;
	[tilespmem:$0x16880] =	vst v63  }
0xae: {  	_ =	swait.ge [sflag:s3], $0x2800  }
0xaf: {  	[sflag:s3] =	ssyncset.done $0x0  }
0xb0: {  	[sflag:s3] =	ssyncadd.s32 $0xFFFFD800  }
0xb1: {  	[spmem:s17] =	stream.indirect.scatter.add.f32 [tilespmem:s0], [sflag:$0x1], $0x80, s16, s15, $0xb8;
	[tilespmem:$0x16880] =	vst v63  }
0xb2: {  	_ =	swait.ge [sflag:s3], $0x2800  }
0xb3: {  	[sflag:s3] =	ssyncset.done $0x0  }
0xb4: {  	[sflag:s3] =	ssyncadd.s32 $0xFFFFD800  }
0xb5: {  	[spmem:s17] =	stream.indirect.scatter.add.f32 [tilespmem:s0], [sflag:$0x1], $0x80, s18, s15, $0xb8;
	[tilespmem:$0x16880] =	vst v63  }
0xb6: {  	_ =	swait.ge [sflag:s3], $0x2800  }
0xb7: {  	[sflag:s3] =	ssyncset.done $0x0  }
0xb8: {  	[sflag:s3] =	ssyncadd.s32 $0xFFFFD800  }
0xb9: {  	[spmem:s17] =	stream.indirect.scatter.add.f32 [tilespmem:s0], [sflag:$0x1], $0x80, s19, s15, $0xb8;
	[tilespmem:$0x16880] =	vst v63  }
0xba: {  	_ =	swait.ge [sflag:s3], $0x2800  }
0xbb: {  	[sflag:s3] =	ssyncset.done $0x0  }
0xbc: {  	[sflag:s3] =	ssyncadd.s32 $0xFFFFD800  }
0xbd: {  	[spmem:s17] =	stream.indirect.scatter.add.f32 [tilespmem:s0], [sflag:$0x1], $0x80, s20, s15, $0xb8;
	[tilespmem:$0x16880] =	vst v63  }
0xbe: {  	_ =	swait.ge [sflag:s3], $0x2800  }
0xbf: {  	[sflag:s3] =	ssyncset.done $0x0  }
0xc0: {  	[sflag:s3] =	ssyncadd.s32 $0xFFFFD800  }
0xc1: {  	[spmem:s17] =	stream.indirect.scatter.add.f32 [tilespmem:s0], [sflag:$0x1], $0x80, s21, s15, $0xb8;
	[tilespmem:$0x16880] =	vst v63  }
0xc2: {  	_ =	swait.ge [sflag:s3], $0x2800  }
0xc3: {  	[sflag:s3] =	ssyncset.done $0x0  }
0xc4: {  	[sflag:s3] =	ssyncadd.s32 $0xFFFFD800  }
0xc5: {  	[spmem:s17] =	stream.indirect.scatter.add.f32 [tilespmem:s0], [sflag:$0x1], $0x80, s23, s15, $0xb8;
	[tilespmem:$0x16880] =	vst v63  }
0xc6: {  	_ =	swait.ge [sflag:s3], $0x2800  }
0xc7: {  	[sflag:s3] =	ssyncset.done $0x0  }
0xc8: {  	[sflag:s3] =	ssyncadd.s32 $0xFFFFD800  }
0xc9: {  	[spmem:s17] =	stream.indirect.scatter.add.f32 [tilespmem:s0], [sflag:$0x1], $0x80, s24, s15, $0xb8;
	[tilespmem:$0x16880] =	vst v63  }
0xca: {  	_ =	swait.ge [sflag:s3], $0x2800  }
0xcb: {  	[sflag:s3] =	ssyncset.done $0x0  }
0xcc: {  	[sflag:s3] =	ssyncadd.s32 $0xFFFFD800  }
0xcd: {  	[spmem:s17] =	stream.indirect.scatter.add.f32 [tilespmem:s0], [sflag:$0x1], $0x80, s25, s15, $0xb8;
	[tilespmem:$0x16880] =	vst v63  }
0xce: {  	_ =	swait.ge [sflag:s3], $0x2800  }
0xcf: {  	[sflag:s3] =	ssyncset.done $0x0  }
0xd0: {  	[sflag:s3] =	ssyncadd.s32 $0xFFFFD800  }
0xd1: {  	[spmem:s17] =	stream.indirect.scatter.add.f32 [tilespmem:s0], [sflag:$0x1], $0x80, s26, s15, $0xb8;
	[tilespmem:$0x16880] =	vst v63  }
0xd2: {  	_ =	swait.ge [sflag:s3], $0x2800  }
0xd3: {  	[sflag:s3] =	ssyncset.done $0x0  }
0xd4: {  	[sflag:s3] =	ssyncadd.s32 $0xFFFFD800  }
0xd5: {  	[spmem:s17] =	stream.indirect.scatter.add.f32 [tilespmem:s0], [sflag:$0x1], $0x80, s28, s15, $0xb8;
	[tilespmem:$0x16880] =	vst v63  }
0xd6: {  	_ =	swait.ge [sflag:s3], $0x2800  }
0xd7: {  	[sflag:s3] =	ssyncset.done $0x0  }
0xd8: {  	[sflag:s3] =	ssyncadd.s32 $0xFFFFD800  }
0xd9: {  	_ =	swait.ge [sflag:s3], $0x2800  }
0xda: {  	[sflag:s3] =	ssyncset.done $0x0  }
0xdb: {  	[sflag:s3] =	ssyncadd.s32 $0xFFFFD800  }
0xdc: {  	_ =	swait.ge [sflag:s3], $0x2800  }
0xdd: {  	[sflag:s3] =	ssyncset.done $0x0  }
0xde: {  	[sflag:s3] =	ssyncadd.s32 $0xFFFFD800  }
0xdf: {  	_ =	swait.ge [sflag:s3], $0x2800  }
0xe0: {  	[sflag:s3] =	ssyncset.done $0x0  }
0xe1: {  	[sflag:s3] =	ssyncadd.s32 $0xFFFFD800  }
0xe2: {  	s30 =	simm.s32 $0xFA;
	_ =	swait.ge [sflag:s3], $0x2800  }
.LBB2_4:
0xe3: {  	s29 =	rddreg [dreg:$0x4];
	s22 =	smov.u32 s30;
	[sflag:s3] =	ssyncset.done $0x0  }
0xe4: {  	s22 =	sadd.s32 s22, s29;
	[sflag:s3] =	ssyncadd.s32 $0xFFFFD800  }
0xe5: {  	[tilespmem:s9], [sflag:$0x2] =	stream.linear.gather [hbm4b:s22+s9], $0x7D0, $0x38;
	[tilespmem:$0x16880] =	vst v63  }
0xe6: {  	_ =	swait.ge [sflag:s31], $0x7D0  }
0xe7: {  	[sflag:s31] =	ssyncset.done $0x0  }
0xe8: {  	[sflag:s31] =	ssyncadd.s32 $0xFFFFF830  }
0xe9: {  	[spmem:s17] =	stream.indirect.scatter.add.f32 [tilespmem:s0], [sflag:$0x1], $0x80, s9, s15, $0xb8;
	[tilespmem:$0x16880] =	vst v63  }
0xea: {  	_ = 	snop  }
0xeb: {  	[spmem:s17] =	stream.indirect.scatter.add.f32 [tilespmem:s0], [sflag:$0x1], $0x80, s15, s15, $0xb8;
	[tilespmem:$0x16880] =	vst v63  }
0xec: {  	s29 =	rddreg [dreg:$0x5]  }
0xed: {  	[spmem:s17] =	stream.indirect.scatter.add.f32 [tilespmem:s0], [sflag:$0x1], $0x80, s29, s15, $0xb8;
	[tilespmem:$0x16880] =	vst v63  }
0xee: {  	_ = 	snop  }
0xef: {  	[spmem:s17] =	stream.indirect.scatter.add.f32 [tilespmem:s0], [sflag:$0x1], $0x80, s1, s15, $0xb8;
	[tilespmem:$0x16880] =	vst v63  }
0xf0: {  	_ = 	snop  }
0xf1: {  	[spmem:s17] =	stream.indirect.scatter.add.f32 [tilespmem:s0], [sflag:$0x1], $0x80, s2, s15, $0xb8;
	[tilespmem:$0x16880] =	vst v63  }
0xf2: {  	_ =	swait.ge [sflag:s3], $0x2800  }
0xf3: {  	[sflag:s3] =	ssyncset.done $0x0  }
0xf4: {  	[sflag:s3] =	ssyncadd.s32 $0xFFFFD800  }
0xf5: {  	[spmem:s17] =	stream.indirect.scatter.add.f32 [tilespmem:s0], [sflag:$0x1], $0x80, s4, s15, $0xb8;
	[tilespmem:$0x16880] =	vst v63  }
0xf6: {  	_ =	swait.ge [sflag:s3], $0x2800  }
0xf7: {  	[sflag:s3] =	ssyncset.done $0x0  }
0xf8: {  	[sflag:s3] =	ssyncadd.s32 $0xFFFFD800  }
0xf9: {  	[spmem:s17] =	stream.indirect.scatter.add.f32 [tilespmem:s0], [sflag:$0x1], $0x80, s5, s15, $0xb8;
	[tilespmem:$0x16880] =	vst v63  }
0xfa: {  	_ =	swait.ge [sflag:s3], $0x2800  }
0xfb: {  	[sflag:s3] =	ssyncset.done $0x0  }
0xfc: {  	[sflag:s3] =	ssyncadd.s32 $0xFFFFD800  }
0xfd: {  	[spmem:s17] =	stream.indirect.scatter.add.f32 [tilespmem:s0], [sflag:$0x1], $0x80, s6, s15, $0xb8;
	[tilespmem:$0x16880] =	vst v63  }
0xfe: {  	_ =	swait.ge [sflag:s3], $0x2800  }
0xff: {  	[sflag:s3] =	ssyncset.done $0x0  }
0x100: {  	[sflag:s3] =	ssyncadd.s32 $0xFFFFD800  }
0x101: {  	[spmem:s17] =	stream.indirect.scatter.add.f32 [tilespmem:s0], [sflag:$0x1], $0x80, s7, s15, $0xb8;
	[tilespmem:$0x16880] =	vst v63  }
0x102: {  	_ =	swait.ge [sflag:s3], $0x2800  }
0x103: {  	[sflag:s3] =	ssyncset.done $0x0  }
0x104: {  	[sflag:s3] =	ssyncadd.s32 $0xFFFFD800  }
0x105: {  	[spmem:s17] =	stream.indirect.scatter.add.f32 [tilespmem:s0], [sflag:$0x1], $0x80, s8, s15, $0xb8;
	[tilespmem:$0x16880] =	vst v63  }
0x106: {  	_ =	swait.ge [sflag:s3], $0x2800  }
0x107: {  	[sflag:s3] =	ssyncset.done $0x0  }
0x108: {  	[sflag:s3] =	ssyncadd.s32 $0xFFFFD800  }
0x109: {  	[spmem:s17] =	stream.indirect.scatter.add.f32 [tilespmem:s0], [sflag:$0x1], $0x80, s10, s15, $0xb8;
	[tilespmem:$0x16880] =	vst v63  }
0x10a: {  	_ =	swait.ge [sflag:s3], $0x2800  }
0x10b: {  	[sflag:s3] =	ssyncset.done $0x0  }
0x10c: {  	[sflag:s3] =	ssyncadd.s32 $0xFFFFD800  }
0x10d: {  	[spmem:s17] =	stream.indirect.scatter.add.f32 [tilespmem:s0], [sflag:$0x1], $0x80, s11, s15, $0xb8;
	[tilespmem:$0x16880] =	vst v63  }
0x10e: {  	_ =	swait.ge [sflag:s3], $0x2800  }
0x10f: {  	[sflag:s3] =	ssyncset.done $0x0  }
0x110: {  	[sflag:s3] =	ssyncadd.s32 $0xFFFFD800  }
0x111: {  	[spmem:s17] =	stream.indirect.scatter.add.f32 [tilespmem:s0], [sflag:$0x1], $0x80, s12, s15, $0xb8;
	[tilespmem:$0x16880] =	vst v63  }
0x112: {  	_ =	swait.ge [sflag:s3], $0x2800  }
0x113: {  	[sflag:s3] =	ssyncset.done $0x0  }
0x114: {  	[sflag:s3] =	ssyncadd.s32 $0xFFFFD800  }
0x115: {  	[spmem:s17] =	stream.indirect.scatter.add.f32 [tilespmem:s0], [sflag:$0x1], $0x80, s13, s15, $0xb8;
	[tilespmem:$0x16880] =	vst v63  }
0x116: {  	_ =	swait.ge [sflag:s3], $0x2800  }
0x117: {  	[sflag:s3] =	ssyncset.done $0x0  }
0x118: {  	[sflag:s3] =	ssyncadd.s32 $0xFFFFD800  }
0x119: {  	[spmem:s17] =	stream.indirect.scatter.add.f32 [tilespmem:s0], [sflag:$0x1], $0x80, s14, s15, $0xb8;
	[tilespmem:$0x16880] =	vst v63  }
0x11a: {  	_ =	swait.ge [sflag:s3], $0x2800  }
0x11b: {  	[sflag:s3] =	ssyncset.done $0x0  }
0x11c: {  	[sflag:s3] =	ssyncadd.s32 $0xFFFFD800  }
0x11d: {  	[spmem:s17] =	stream.indirect.scatter.add.f32 [tilespmem:s0], [sflag:$0x1], $0x80, s16, s15, $0xb8;
	[tilespmem:$0x16880] =	vst v63  }
0x11e: {  	_ =	swait.ge [sflag:s3], $0x2800  }
0x11f: {  	[sflag:s3] =	ssyncset.done $0x0  }
0x120: {  	[sflag:s3] =	ssyncadd.s32 $0xFFFFD800  }
0x121: {  	[spmem:s17] =	stream.indirect.scatter.add.f32 [tilespmem:s0], [sflag:$0x1], $0x80, s18, s15, $0xb8;
	[tilespmem:$0x16880] =	vst v63  }
0x122: {  	_ =	swait.ge [sflag:s3], $0x2800  }
0x123: {  	[sflag:s3] =	ssyncset.done $0x0  }
0x124: {  	[sflag:s3] =	ssyncadd.s32 $0xFFFFD800  }
0x125: {  	[spmem:s17] =	stream.indirect.scatter.add.f32 [tilespmem:s0], [sflag:$0x1], $0x80, s19, s15, $0xb8;
	[tilespmem:$0x16880] =	vst v63  }
0x126: {  	_ =	swait.ge [sflag:s3], $0x2800  }
0x127: {  	[sflag:s3] =	ssyncset.done $0x0  }
0x128: {  	[sflag:s3] =	ssyncadd.s32 $0xFFFFD800  }
0x129: {  	[spmem:s17] =	stream.indirect.scatter.add.f32 [tilespmem:s0], [sflag:$0x1], $0x80, s20, s15, $0xb8;
	[tilespmem:$0x16880] =	vst v63  }
0x12a: {  	_ =	swait.ge [sflag:s3], $0x2800  }
0x12b: {  	[sflag:s3] =	ssyncset.done $0x0  }
0x12c: {  	[sflag:s3] =	ssyncadd.s32 $0xFFFFD800  }
0x12d: {  	[spmem:s17] =	stream.indirect.scatter.add.f32 [tilespmem:s0], [sflag:$0x1], $0x80, s21, s15, $0xb8;
	[tilespmem:$0x16880] =	vst v63  }
0x12e: {  	_ =	swait.ge [sflag:s3], $0x2800  }
0x12f: {  	[sflag:s3] =	ssyncset.done $0x0  }
0x130: {  	[sflag:s3] =	ssyncadd.s32 $0xFFFFD800  }
0x131: {  	[spmem:s17] =	stream.indirect.scatter.add.f32 [tilespmem:s0], [sflag:$0x1], $0x80, s23, s15, $0xb8;
	[tilespmem:$0x16880] =	vst v63  }
0x132: {  	_ =	swait.ge [sflag:s3], $0x2800  }
0x133: {  	[sflag:s3] =	ssyncset.done $0x0  }
0x134: {  	[sflag:s3] =	ssyncadd.s32 $0xFFFFD800  }
0x135: {  	[spmem:s17] =	stream.indirect.scatter.add.f32 [tilespmem:s0], [sflag:$0x1], $0x80, s24, s15, $0xb8;
	[tilespmem:$0x16880] =	vst v63  }
0x136: {  	_ =	swait.ge [sflag:s3], $0x2800  }
0x137: {  	[sflag:s3] =	ssyncset.done $0x0  }
0x138: {  	[sflag:s3] =	ssyncadd.s32 $0xFFFFD800  }
0x139: {  	[spmem:s17] =	stream.indirect.scatter.add.f32 [tilespmem:s0], [sflag:$0x1], $0x80, s25, s15, $0xb8;
	[tilespmem:$0x16880] =	vst v63  }
0x13a: {  	_ =	swait.ge [sflag:s3], $0x2800  }
0x13b: {  	[sflag:s3] =	ssyncset.done $0x0  }
0x13c: {  	[sflag:s3] =	ssyncadd.s32 $0xFFFFD800  }
0x13d: {  	[spmem:s17] =	stream.indirect.scatter.add.f32 [tilespmem:s0], [sflag:$0x1], $0x80, s26, s15, $0xb8;
	[tilespmem:$0x16880] =	vst v63  }
0x13e: {  	_ =	swait.ge [sflag:s3], $0x2800  }
0x13f: {  	[sflag:s3] =	ssyncset.done $0x0  }
0x140: {  	[sflag:s3] =	ssyncadd.s32 $0xFFFFD800  }
0x141: {  	[spmem:s17] =	stream.indirect.scatter.add.f32 [tilespmem:s0], [sflag:$0x1], $0x80, s28, s15, $0xb8;
	[tilespmem:$0x16880] =	vst v63  }
0x142: {  	_ =	swait.ge [sflag:s3], $0x2800  }
0x143: {  	[sflag:s3] =	ssyncset.done $0x0  }
0x144: {  	[sflag:s3] =	ssyncadd.s32 $0xFFFFD800  }
0x145: {  	_ =	swait.ge [sflag:s3], $0x2800  }
0x146: {  	[sflag:s3] =	ssyncset.done $0x0  }
0x147: {  	[sflag:s3] =	ssyncadd.s32 $0xFFFFD800  }
0x148: {  	_ =	swait.ge [sflag:s3], $0x2800  }
0x149: {  	p1 =	sne.s32 s30, $0x3E8;
	[sflag:s3] =	ssyncset.done $0x0  }
.Ltmp1:
0x14a: {  	[sflag:s3] =	ssyncadd.s32 $0xFFFFD800;
	(pc) =	sbr.rel @p1 .LBB2_4-.Ltmp1, $4  }
0x14b: {  	_ =	swait.ge [sflag:s3], $0x2800  }
0x14c: {  	[sflag:s3] =	ssyncset.done $0x0  }
0x14d: {  	[sflag:s3] =	ssyncadd.s32 $0xFFFFD800  }
0x14e: {  	s30 =	sadd.s32 $0xFA, s30;
	_ =	swait.ge [sflag:s3], $0x2800  }
0x14f: {  	[sflag:s3] =	ssyncset.done $0x0  }
0x150: {  	[sflag:s3] =	ssyncadd.s32 $0xFFFFD800  }
0x151: {  	[bflag:$0x0] =	sbarrier.arrive $0xFFFF  }
0x152: {  	s30 =	sld [smem:$0x7F5]  }
0x153: {  	s22 =	rddreg [dreg:$0xe]  }
0x154: {  	s29 =	rddreg [dreg:$0x18]  }
0x155: {  	[hbm:s22], [sflag:s29] =	dma.local [spmem:s30], $0x500  }
0x156: {  	_ =	swait.ge [sflag:s31], $0x500  }
0x157: {  	s30 =	sld [smem:$0x7F6]  }
0x158: {  	[sflag:s31] =	ssyncset.done $0x0  }
0x159: {  	s22 =	rddreg [dreg:$0xf];
	[sflag:s31] =	ssyncadd.s32 $0xFFFFFB00  }
0x15a: {  	[hbm:s22], [sflag:s29] =	dma.local [spmem:s30], $0x500  }
0x15b: {  	_ =	swait.ge [sflag:s31], $0x500  }
0x15c: {  	s30 =	sld [smem:$0x7F7]  }
0x15d: {  	[sflag:s31] =	ssyncset.done $0x0  }
0x15e: {  	s22 =	rddreg [dreg:$0x10];
	[sflag:s31] =	ssyncadd.s32 $0xFFFFFB00  }
0x15f: {  	[hbm:s22], [sflag:s29] =	dma.local [spmem:s30], $0x500  }
0x160: {  	_ =	swait.ge [sflag:s31], $0x500  }
0x161: {  	s30 =	sld [smem:$0x7F8]  }
0x162: {  	[sflag:s31] =	ssyncset.done $0x0  }
0x163: {  	s22 =	rddreg [dreg:$0x11];
	[sflag:s31] =	ssyncadd.s32 $0xFFFFFB00  }
0x164: {  	[hbm:s22], [sflag:s29] =	dma.local [spmem:s30], $0x500  }
0x165: {  	_ =	swait.ge [sflag:s31], $0x500  }
0x166: {  	s30 =	sld [smem:$0x7F9]  }
0x167: {  	[sflag:s31] =	ssyncset.done $0x0  }
0x168: {  	s22 =	rddreg [dreg:$0x12];
	[sflag:s31] =	ssyncadd.s32 $0xFFFFFB00  }
0x169: {  	[hbm:s22], [sflag:s29] =	dma.local [spmem:s30], $0x500  }
0x16a: {  	_ =	swait.ge [sflag:s31], $0x500  }
0x16b: {  	s30 =	sld [smem:$0x7FA]  }
0x16c: {  	[sflag:s31] =	ssyncset.done $0x0  }
0x16d: {  	s22 =	rddreg [dreg:$0x13];
	[sflag:s31] =	ssyncadd.s32 $0xFFFFFB00  }
0x16e: {  	[hbm:s22], [sflag:s29] =	dma.local [spmem:s30], $0x500  }
0x16f: {  	_ =	swait.ge [sflag:s31], $0x500  }
0x170: {  	s30 =	sld [smem:$0x7FB]  }
0x171: {  	[sflag:s31] =	ssyncset.done $0x0  }
0x172: {  	s22 =	rddreg [dreg:$0x14];
	[sflag:s31] =	ssyncadd.s32 $0xFFFFFB00  }
0x173: {  	[hbm:s22], [sflag:s29] =	dma.local [spmem:s30], $0x500  }
0x174: {  	_ =	swait.ge [sflag:s31], $0x500  }
0x175: {  	s30 =	sld [smem:$0x7FC]  }
0x176: {  	[sflag:s31] =	ssyncset.done $0x0  }
0x177: {  	s22 =	rddreg [dreg:$0x15];
	[sflag:s31] =	ssyncadd.s32 $0xFFFFFB00  }
0x178: {  	[hbm:s22], [sflag:s29] =	dma.local @!p0 [spmem:s30], $0x500  }
0x179: {  	s22 =	simm.s32 @!p0 $0x2  }
0x17a: {  	_ =	swait.ge @!p0 [sflag:s22], $0x500  }
0x17b: {  	s30 =	sld [smem:$0x7FD];
	_ =	sdelay $0x2  }
0x17c: {  	s29 =	rddreg [dreg:$0x16];
	s30 =	sadd.s32 $0x1, s30  }
0x17d: {  	p1 =	sne.s32 s30, s29  }
.Ltmp2:
0x17e: {  	_ = 	snop;
	(pc) =	sbr.rel @p1 .LBB2_1-.Ltmp2, $3  }
0x17f: {  	_ =	sdelay $0x1  }
0x180: {  	[sflag:s22] =	ssyncset.done @!p0 $0x0  }
0x181: {  	[sflag:s22] =	ssyncadd.s32 @!p0 $0xFFFFFB00  }
0x182: {  	_ =	sfence.sel $0x180000  }
0x183: {  	[bflag:$0x0] =	sbarrier.arrive $0xFFFF  }
0x184: {  	_ =	strace $0x9000004A  }
0x185: {  	s0 =	stileid.u32;
	[bflag:$0x2] =	sbarrier.arrive $0xFFFF  }
0x186: {  	p0 =	sne.s32 s0, $0x0;
	s0 =	rddreg [dreg:$0x3]  }
0x187: {  	s0 =	sadd.s32 @!p0 $0x100000, s0  }
0x188: {  	[sflag:s0] =	ssyncadd.tile.s32 @!p0 $0x1;
	_ =	shalt  }
.Lfunc_end2:
_tile_overlayer_lowered:
.L_overlay_start_2:
0x189: {  	(tag) =	ssettag $0x2  }
0x18a: {  	s0 =	rddreg [dreg:$0x0];
	s2 =	stileid.u32  }
0x18b: {  	s1 =	rddreg [dreg:$0x1];
	p0 =	sne.s32 s2, $0x0  }
0x18c: {  	s3 =	rddreg [dreg:$0x2];
	[bflag:$0x3] =	sbarrier.arrive $0xFFFF;
	s2 =	simm.s32 @!p0 $0x1C02  }
0x18d: {  	[timem:s3], [sflag:s2] =	dma.local @!p0 [hbm:s0], s1  }
0x18e: {  	s0 =	simm.s32 @!p0 $0x2  }
0x18f: {  	_ =	swait.ge @!p0 [sflag:s0], s1  }
0x190: {  	s1 =	ssub.s32 @!p0 $0x0, s1;
	[sflag:s0] =	ssyncset.done @!p0 $0x0  }
0x191: {  	[sflag:s0] =	ssyncadd.s32 @!p0 s1  }
0x192: {  	[bflag:$0x3] =	sbarrier.arrive $0xFFFF  }
0x193: {  	_ =	shalt  }

// kernel: kernel.15.cloned.1.call-start
scs
__scs_entry_jumppad:
0x0: {  	(pc) =	sbr.rel $0x88, $3  }
0x1: {  	(tag) =	ssettag $0x0;
	lr =	simm.s32 $0x1  }
0x2: {  	[smem:$0x3F96] =	sst lr;
	_ =	strace $0xD0000000  }
0x3: {  	_ = 	snop  }
0x4: {  	_ = 	snop  }
0x5: {  	_ = 	snop  }
0x6: {  	_ = 	snop  }
0x7: {  	_ = 	snop  }
__scs_overlays_trampoline_lowered:
0x8: {  	[smem:$0x3FA5] =	sst s0  }
0x9: {  	[smem:$0x3FA6] =	sst s1  }
0xa: {  	[smem:$0x3FA7] =	sst s2  }
0xb: {  	[smem:$0x3FA8] =	sst s3  }
0xc: {  	[smem:$0x3FA9] =	sst s4  }
0xd: {  	[smem:$0x3FAA] =	sst s5  }
0xe: {  	[smem:$0x3FAB] =	sst s6  }
0xf: {  	[smem:$0x3FAC] =	sst s7  }
0x10: {  	[smem:$0x3FAD] =	sst s8  }
0x11: {  	[smem:$0x3FAE] =	sst s9;
	s0 =	simm.s32 @!p0 $0x0  }
0x12: {  	s1 =	sld [smem:$0x3F94];
	s0 =	simm.s32 @p0 $0x1  }
0x13: {  	[smem:$0x3FAF] =	sst s0;
	s0 =	simm.s32 @!p1 $0x0  }
0x14: {  	s2 =	sld [smem:$0x3F93];
	s0 =	simm.s32 @p1 $0x1  }
0x15: {  	[smem:$0x3FB0] =	sst s0;
	s0 =	simm.s32 @!p2 $0x0  }
0x16: {  	s3 =	sld [smem:$0x3FDB];
	s0 =	simm.s32 @p2 $0x1  }
0x17: {  	s4 =	simm.s32 $0x1BF5;
	[smem:$0x3FB2] =	sst s0  }
0x18: {  	s0 =	sld [smem:$0x3F95];
	_ =	swait.ge [sflag:s4], $0x0  }
0x19: {  	s7 =	sld [smem:$0x3F96]  }
0x1a: {  	s8 =	sadd.s32 $0xFFFFE003, lr  }
0x1b: {  	s9 =	sadd.s32 $0xFFFFFEF7, lr;
	s5 =	simm.s32 $0xFFFFFFFF;
	p2 =	slt.u32 s8, $0xFFFFF086  }
0x1c: {  	p1 =	slt.u32 s9, $0xF7A;
	s5 =	simm.s32 @!p2 $0x0  }
0x1d: {  	s5 =	simm.s32 @p1 $0x1;
	p0 =	seq.s32 s7, s2  }
0x1e: {  	s7 =	smul.u32 @!p0 $0xF7A, s2;
	p2 =	seq.s32 @!p0 s5, $0x0  }
0x1f: {  	s9 =	smul.u32 $0xF7A, s1;
	s8 =	simm.s32 @!p0 $0x1BF5;
	p2 =	por !p2, p0  }
0x20: {  	[sflag:s8] =	ssyncset.s32 @!p0 $0xFFFFF086;
	s6 =	sadd.s32 @!p0 s3, s7;
	s7 =	simm.s32 @!p0 $0x108  }
0x21: {  	s3 =	sadd.s32 s3, s9;
	s6 =	sadd.s32 @!p0 $0x88, s6;
	s7 =	simm.s32 @p2 $0x1082  }
0x22: {  	[simem:s7], [sflag:s8] =	dma.local @!p0 [hbm:s6], $0xF7A  }
0x23: {  	s9 =	sor.u32 $0xD0000000, s2;
	s6 =	simm.s32 $0x108;
	_ =	swait.ge @!p0 [sflag:s8], $0x0  }
0x24: {  	s3 =	sadd.s32 $0x88, s3;
	s6 =	simm.s32 @!p1 $0x1082;
	[sflag:s4] =	ssyncset.s32 $0xFFFFF086  }
0x25: {  	[simem:s6], [sflag:s4] =	dma.local [hbm:s3], $0xF7A  }
0x26: {  	[smem:$0x3F96] =	sst s1;
	(tag) =	ssettag s2;
	_ =	strace s9  }
0x27: {  	s1 =	sld [smem:$0x3FA6]  }
0x28: {  	s2 =	sld [smem:$0x3FA7]  }
0x29: {  	s4 =	sld [smem:$0x3FA9]  }
0x2a: {  	p0 =	seq.s32 s5, $0x0;
	s5 =	sld [smem:$0x3FAA]  }
0x2b: {  	s6 =	sld [smem:$0x3FAB]  }
0x2c: {  	s7 =	sld [smem:$0x3FAC]  }
0x2d: {  	s3 =	simm.s32 $0x108;
	s8 =	sld [smem:$0x3FAD]  }
0x2e: {  	s3 =	simm.s32 @!p0 $0x1082;
	s9 =	sld [smem:$0x3FAE]  }
0x2f: {  	lr =	sadd.s32 s0, s3;
	s0 =	sld [smem:$0x3FA5]  }
0x30: {  	s3 =	sld [smem:$0x3FA8]  }
0x31: {  	[smem:$0x3FB1] =	sst s10  }
0x32: {  	s10 =	sld [smem:$0x3FAF];
	_ =	sdelay $0x3  }
0x33: {  	p0 =	seq.s32 s10, $0x1;
	s10 =	sld [smem:$0x3FB1];
	_ =	sdelay $0x3  }
0x34: {  	[smem:$0x3FB1] =	sst s10  }
0x35: {  	s10 =	sld [smem:$0x3FB0];
	_ =	sdelay $0x3  }
0x36: {  	p1 =	seq.s32 s10, $0x1;
	s10 =	sld [smem:$0x3FB1];
	_ =	sdelay $0x3  }
0x37: {  	[smem:$0x3FB1] =	sst s10  }
0x38: {  	s10 =	sld [smem:$0x3FB2]  }
0x39: {  	_ = 	snop;
	(pc) =	sbr.ind lr, $3  }
0x3a: {  	_ = 	snop  }
0x3b: {  	_ = 	snop  }
0x3c: {  	p2 =	seq.s32 s10, $0x1;
	s10 =	sld [smem:$0x3FB1]  }
0x3d: {  	_ =	shalt  }
0x3e: {  	_ =	shalt  }
0x3f: {  	_ =	shalt  }
0x40: {  	_ =	shalt  }
0x41: {  	_ =	shalt  }
0x42: {  	_ =	shalt  }
0x43: {  	_ =	shalt  }
0x44: {  	_ =	shalt  }
0x45: {  	_ =	shalt  }
0x46: {  	_ =	shalt  }
0x47: {  	_ =	shalt  }
0x48: {  	_ =	shalt  }
0x49: {  	_ =	shalt  }
0x4a: {  	_ =	shalt  }
0x4b: {  	_ =	shalt  }
0x4c: {  	_ =	shalt  }
0x4d: {  	_ =	shalt  }
0x4e: {  	_ =	shalt  }
0x4f: {  	_ =	shalt  }
0x50: {  	_ =	shalt  }
0x51: {  	_ =	shalt  }
0x52: {  	_ =	shalt  }
0x53: {  	_ =	shalt  }
0x54: {  	_ =	shalt  }
0x55: {  	_ =	shalt  }
0x56: {  	_ =	shalt  }
0x57: {  	_ =	shalt  }
0x58: {  	_ =	shalt  }
0x59: {  	_ =	shalt  }
0x5a: {  	_ =	shalt  }
0x5b: {  	_ =	shalt  }
0x5c: {  	_ =	shalt  }
0x5d: {  	_ =	shalt  }
0x5e: {  	_ =	shalt  }
0x5f: {  	_ =	shalt  }
0x60: {  	_ =	shalt  }
0x61: {  	_ =	shalt  }
0x62: {  	_ =	shalt  }
0x63: {  	_ =	shalt  }
0x64: {  	_ =	shalt  }
0x65: {  	_ =	shalt  }
0x66: {  	_ =	shalt  }
0x67: {  	_ =	shalt  }
0x68: {  	_ =	shalt  }
0x69: {  	_ =	shalt  }
0x6a: {  	_ =	shalt  }
0x6b: {  	_ =	shalt  }
0x6c: {  	_ =	shalt  }
0x6d: {  	_ =	shalt  }
0x6e: {  	_ =	shalt  }
0x6f: {  	_ =	shalt  }
0x70: {  	_ =	shalt  }
0x71: {  	_ =	shalt  }
0x72: {  	_ =	shalt  }
0x73: {  	_ =	shalt  }
0x74: {  	_ =	shalt  }
0x75: {  	_ =	shalt  }
0x76: {  	_ =	shalt  }
0x77: {  	_ =	shalt  }
0x78: {  	_ =	shalt  }
0x79: {  	_ =	shalt  }
0x7a: {  	_ =	shalt  }
0x7b: {  	_ =	shalt  }
0x7c: {  	_ =	shalt  }
0x7d: {  	_ =	shalt  }
0x7e: {  	_ =	shalt  }
0x7f: {  	_ =	shalt  }
0x80: {  	_ =	shalt  }
0x81: {  	_ =	shalt  }
0x82: {  	_ =	shalt  }
0x83: {  	_ =	shalt  }
0x84: {  	_ =	shalt  }
0x85: {  	_ =	shalt  }
0x86: {  	_ =	shalt  }
0x87: {  	_ =	shalt  }
.Lfunc_end0:
.L_simem_size_0:
called_computation.1_lowered:
.L_overlay_start_0:
0x88: {  	s2 =	sld [smem:$0x3FD9]  }
0x89: {  	s3 =	sld [smem:$0x3FFE];
	_ =	sdelay $0x1  }
0x8a: {  	s1 =	srdreg.scid  }
0x8b: {  	s0 =	sand.u32 $0x1, s1  }
0x8c: {  	s17 =	sshll.u32 s0, $0xA;
	s2 =	sadd.s32 s3, s2  }
0x8d: {  	s2 =	sadd.s32 s2, s17  }
0x8e: {  	[smem:$0x3FBD] =	sst s2  }
0x8f: {  	_ = 	snop  }
0x90: {  	s2 =	sld [smem:$0x3FC9]  }
0x91: {  	s18 =	sld [smem:$0x3FD0];
	(tm) =	ssettm $0x1  }
0x92: {  	s4 =	sld [smem:$0x3FFB];
	_ =	sdelay $0x3  }
0x93: {  	_ =	strace s4  }
0x94: {  	s4 =	sld [smem:$0x3FFC];
	_ =	sdelay $0x3  }
0x95: {  	_ =	strace s4  }
0x96: {  	s4 =	sld [smem:$0x3FFD];
	_ =	sdelay $0x3  }
0x97: {  	_ =	strace s4  }
0x98: {  	_ =	strace $0x8FFFFFFF  }
0x99: {  	s19 =	sld [smem:$0x3FDB];
	_ =	sdelay $0x1  }
0x9a: {  	s5 =	simm.s32 $_scs_section_size  }
0x9b: {  	s6 =	simm.s32 $_size__tile_overlayer_lowered;
	s7 =	simm.s32 $_tile_overlayer_lowered  }
0x9c: {  	s22 =	simm.s32 $0x1BFF;
	s21 =	sshll.u32 s7, $0x1;
	s4 =	sadd.s32 s5, s19  }
0x9d: {  	s8 =	simm.s32 $0x0;
	s20 =	sshll.u32 s6, $0x1;
	s6 =	sadd.s32 s21, s4  }
0x9e: {  	[timem:s8], [sflag:s22] =	dma.local [hbm:s6], s20  }
0x9f: {  	_ =	swait.ge [sflag:s22], s20  }
0xa0: {  	s5 =	ssub.s32 $0x0, s20;
	[sflag:s22] =	ssyncset.done $0x0  }
0xa1: {  	[sflag:s22] =	ssyncadd.s32 s5;
	_ =	sdelay $0x1  }
0xa2: {  	s23 =	simm.s32 $0x1B8B  }
0xa3: {  	_ =	swait.ge [sflag:s23], $0x1  }
0xa4: {  	[sflag:s23] =	ssyncset.done $0x0  }
0xa5: {  	s25 =	simm.s32 $0x1B8E;
	s24 =	sld [smem:$0x3FFE];
	[sflag:s23] =	ssyncadd.s32 $0xFFFFFFFF  }
0xa6: {  	s26 =	simm.s32 $execute0_lowered;
	[smem:$0x3FD2] =	sst s25  }
0xa7: {  	s6 =	sshll.u32 s26, $0x1;
	_ =	strace $0x80000046;
	[dreg:$0x1] =	wrdreg $0xFFFFFFFF  }
0xa8: {  	s28 =	simm.s32 $_size_execute0_lowered;
	s4 =	sadd.s32 s4, s6;
	[dreg:$0x0] =	wrdreg $0x0  }
0xa9: {  	s6 =	sshll.u32 s28, $0x1;
	[dreg:$0x2] =	wrdreg s4  }
0xaa: {  	[dreg:$0x3] =	wrdreg s6  }
0xab: {  	[dreg:$0x4] =	wrdreg $0xC0  }
0xac: {  	_ =	task [dreg:s8], $0x5FFFF  }
0xad: {  	[dreg:$0x1] =	wrdreg $0xFFFFFFFF  }
0xae: {  	[dreg:$0x0] =	wrdreg $0x60  }
0xaf: {  	[dreg:$0x2] =	wrdreg s2  }
0xb0: {  	[dreg:$0x3] =	wrdreg s24  }
0xb1: {  	[dreg:$0x4] =	wrdreg s18  }
0xb2: {  	[dreg:$0x5] =	wrdreg $0x88000  }
0xb3: {  	[dreg:$0x6] =	wrdreg $0xA  }
0xb4: {  	_ =	task.clear_ibuf [dreg:s8], $0x7FFFF;
	_ =	strace $0x90000046  }
0xb5: {  	s29 =	simm.s32 $0xA;
	_ =	strace $0x80000048  }
0xb6: {  	_ =	swait.ge [sflag:s29], $0x1  }
0xb7: {  	[sflag:s29] =	ssyncadd.s32 $0xFFFFFFFF  }
0xb8: {  	_ =	strace $0x90000048  }
0xb9: {  	_ =	sfence  }
0xba: {  	s30 =	sld [smem:$0x0];
	_ =	sdelay $0x2  }
0xbb: {  	s31 =	sshll.u32 s1, $0xD;
	s1 =	sshrl.u32 s1, $0x2  }
0xbc: {  	s3 =	sand.u32 $0x4000, s31;
	s1 =	sadd.s32 s1, s30  }
0xbd: {  	s0 =	sor.u32 s3, s0;
	s1 =	sshll.u32 s1, $0x11  }
0xbe: {  	s0 =	sor.u32 s1, s0  }
0xbf: {  	s0 =	sadd.s32 $0x8F2B, s0  }
0xc0: {  	[sflag:s0] =	ssyncadd.remote.s32 $0x1  }
0xc1: {  	_ =	sfence.sel $0xFFFF  }
0xc2: {  	[dreg:$0x0] =	wrdreg $0xFFFFFFFF;
	(pc) =	sbr.abs _section_cstart, $3  }
0xc3: {  	[dreg:$0x1] =	wrdreg $0xFFFFFFFF  }
0xc4: {  	_ =	task.clear_ibuf [dreg:s8], $0x2FFFF;
	_ =	strace $0x9FFFFFFF  }
0xc5: {  	(tm) =	ssettm $0x7FFFFFFF  }
tec
execute0_lowered:
.L_overlay_start_1:
0x0: {  	(tag) =	ssettag $0x1  }
0x1: {  	s0 =	srdreg.scid;
	s22 =	stileid.u32  }
0x2: {  	s1 =	rddreg [dreg:$0x0];
	s2 =	sand.u32 $0x1, s0;
	s4 =	smul.u32 $0x2710, s22  }
0x3: {  	s5 =	rddreg [dreg:$0x1];
	s0 =	smul.u32 $0x27100, s2  }
0x4: {  	s11 =	rddreg [dreg:$0x2]  }
0x5: {  	s3 =	rddreg [dreg:$0x3];
	s0 =	sadd.s32 s4, s0;
	s4 =	simm.s32 $0x0  }
0x6: {  	s8 =	simm.s32 $0xA0;
	[smem:$0x7FF] =	sst s4  }
0x7: {  	s13 =	simm.s32 $0xF0;
	_ =	strace $0x80000047;
	[dreg:$0x7] =	wrdreg s8  }
0x8: {  	s14 =	simm.s32 $0x850;
	[dreg:$0x8] =	wrdreg s13  }
0x9: {  	s16 =	simm.s32 $0x140;
	[dreg:$0x9] =	wrdreg s14  }
0xa: {  	s17 =	simm.s32 $0x8A0;
	[dreg:$0xa] =	wrdreg s16  }
0xb: {  	s18 =	simm.s32 $0x190;
	[dreg:$0xb] =	wrdreg s17  }
0xc: {  	s19 =	simm.s32 $0x8F0;
	[dreg:$0xc] =	wrdreg s18  }
0xd: {  	s21 =	simm.s32 $0x1E0;
	[dreg:$0xd] =	wrdreg s19  }
0xe: {  	s23 =	simm.s32 $0x940;
	[dreg:$0xe] =	wrdreg s21  }
0xf: {  	s10 =	simm.s32 $0x230;
	s25 =	simm.s32 $0x990;
	[dreg:$0xf] =	wrdreg s23  }
0x10: {  	s26 =	simm.s32 $0x280;
	s29 =	simm.s32 $0x9E0;
	[dreg:$0x10] =	wrdreg s10  }
0x11: {  	s28 =	simm.s32 $0xF80;
	s31 =	simm.s32 $0x0;
	[dreg:$0x11] =	wrdreg s25  }
0x12: {  	s15 =	smul.u32 $0x500, s22;
	s7 =	ssub.s32 $0x2, s2;
	[dreg:$0x12] =	wrdreg s26  }
0x13: {  	s12 =	sshrl.u32 s7, $0x1;
	[dreg:$0x13] =	wrdreg s29;
	s14 =	simm.s32 $0x2D0  }
0x14: {  	s0 =	sshrl.u32 s0, $0x3;
	s17 =	simm.s32 $0xA80;
	[dreg:$0x14] =	wrdreg s14  }
0x15: {  	s0 =	sadd.s32 s0, s5;
	s18 =	simm.s32 $0x370;
	[dreg:$0x17] =	wrdreg s17  }
0x16: {  	s8 =	smul.u32 $0x138800, s2;
	s19 =	simm.s32 $0xAD0;
	[dreg:$0x18] =	wrdreg s18  }
0x17: {  	s2 =	sor.u32 $0x10, s22;
	s21 =	simm.s32 $0x3C0;
	[dreg:$0x19] =	wrdreg s19  }
0x18: {  	s10 =	sor.u32 $0x50, s22;
	s23 =	simm.s32 $0xB20;
	[dreg:$0x1a] =	wrdreg s21  }
0x19: {  	s25 =	simm.s32 $0xB70;
	s26 =	simm.s32 $0x460;
	[dreg:$0x1b] =	wrdreg s23  }
0x1a: {  	s29 =	simm.s32 $0xBC0;
	s5 =	sadd.s32 $0x16C00, s5;
	[dreg:$0x1d] =	wrdreg s25  }
0x1b: {  	s6 =	sadd.s32 $0x3000, s0;
	s9 =	smul.u32 $0x500, s2;
	[dreg:$0x1e] =	wrdreg s26  }
0x1c: {  	s0 =	sadd.s32 $0xCE00, s0;
	s14 =	smul.u32 $0x500, s10;
	[dreg:$0x1f] =	wrdreg s29  }
0x1d: {  	s18 =	simm.s32 $0xC10;
	s19 =	smul.u32 $0x2800, s2;
	[dreg:$0x5] =	wrdreg s6  }
0x1e: {  	s23 =	simm.s32 $0xC60;
	s17 =	simm.s32 $0x550;
	[dreg:$0x6] =	wrdreg s0  }
0x1f: {  	s2 =	smul.u32 $0xA000, s2;
	s0 =	ssub.s32 s7, s12;
	[smem:$0x7E6] =	sst s18  }
0x20: {  	s6 =	sadd.s32 s11, s15;
	s7 =	sor.u32 $0x30, s22;
	[smem:$0x7E8] =	sst s23  }
0x21: {  	s15 =	simm.s32 $0xA30;
	[smem:$0x7E9] =	sst s17;
	s18 =	smul.u32 $0x2800, s10  }
0x22: {  	[smem:$0x7DD] =	sst s6;
	s20 =	sadd.s32 s11, s9;
	s6 =	sor.u32 $0x20, s22  }
0x23: {  	s12 =	smul.u32 $0x500, s7;
	[dreg:$0x15] =	wrdreg s15;
	s15 =	simm.s32 $0x410  }
0x24: {  	s0 =	smax.u32 s0, $0x1;
	[smem:$0x7DE] =	sst s20;
	s24 =	smul.u32 $0x500, s6  }
0x25: {  	s2 =	sshrl.u32 s2, $0x2;
	s20 =	sadd.s32 s11, s14;
	[dreg:$0x1c] =	wrdreg s15  }
0x26: {  	s15 =	smul.u32 $0x2800, s22;
	[smem:$0x7F4] =	sst s0;
	s9 =	sadd.s32 s11, s24  }
0x27: {  	s21 =	smul.u32 $0x2800, s6;
	[smem:$0x7DF] =	sst s9;
	s9 =	sor.u32 $0x40, s22  }
0x28: {  	s2 =	sadd.s32 s2, s3;
	[smem:$0x7E2] =	sst s20;
	s16 =	smul.u32 $0x500, s9  }
0x29: {  	s13 =	sadd.s32 s11, s12;
	s20 =	simm.s32 $0x500;
	[smem:$0x7F6] =	sst s2  }
0x2a: {  	[smem:$0x7E0] =	sst s13;
	s13 =	simm.s32 $0x320;
	s12 =	sadd.s32 s11, s16  }
0x2b: {  	s25 =	smul.u32 $0x2800, s9;
	[smem:$0x7E1] =	sst s12;
	s12 =	sor.u32 $0x60, s22  }
0x2c: {  	[dreg:$0x16] =	wrdreg s13;
	s13 =	sor.u32 $0x70, s22;
	s24 =	smul.u32 $0x500, s12  }
0x2d: {  	s18 =	sadd.s32 s8, s18;
	[smem:$0x7E7] =	sst s20;
	s16 =	smul.u32 $0x500, s13  }
0x2e: {  	s20 =	smul.u32 $0x2800, s13;
	p0 =	sgt.u32 s13, $0x7C;
	s14 =	sadd.s32 s11, s24  }
0x2f: {  	s17 =	sadd.s32 s8, s25;
	s11 =	sadd.s32 s11, s16;
	[smem:$0x7E3] =	sst s14  }
0x30: {  	s24 =	smul.u32 $0x2800, s7;
	[smem:$0x7E4] =	sst s11;
	s14 =	simm.s32 $0x4B0  }
0x31: {  	s11 =	sadd.s32 s8, s21;
	s21 =	simm.s32 $0xCB0;
	[smem:$0x7E5] =	sst s14  }
0x32: {  	s14 =	sadd.s32 s8, s15;
	s15 =	sadd.s32 s8, s19;
	s19 =	smul.u32 $0x2800, s12  }
0x33: {  	s16 =	sadd.s32 s8, s24;
	[smem:$0x7EA] =	sst s21;
	s11 =	sshrl.u32 s11, $0x3  }
0x34: {  	s21 =	sshrl.u32 s18, $0x3;
	s18 =	smul.u32 $0xA000, s9;
	s9 =	simm.s32 $0x1  }
0x35: {  	s14 =	sshrl.u32 s14, $0x3;
	s26 =	sshrl.u32 s15, $0x3;
	s29 =	sshrl.u32 s16, $0x3  }
0x36: {  	s11 =	sadd.s32 s5, s11;
	s24 =	sadd.s32 s5, s21;
	s15 =	smul.u32 $0xA000, s6  }
0x37: {  	s21 =	smul.u32 $0xA000, s12;
	s12 =	simm.s32 $0xD00;
	s19 =	sadd.s32 s8, s19  }
0x38: {  	s8 =	sadd.s32 s8, s20;
	s14 =	sadd.s32 s5, s14;
	[smem:$0x7ED] =	sst s11  }
0x39: {  	s16 =	sadd.s32 s5, s29;
	s20 =	sshrl.u32 s17, $0x3;
	[smem:$0x7F0] =	sst s24  }
0x3a: {  	s29 =	simm.s32 $0x5A0;
	s17 =	sshll.u32 s22, $0x6;
	s6 =	sshrl.u32 s18, $0x2  }
0x3b: {  	s18 =	simm.s32 $0xDF0;
	[smem:$0x7EB] =	sst s14;
	s14 =	sadd.s32 s5, s26  }
0x3c: {  	[smem:$0x7EE] =	sst s16;
	s23 =	sshrl.u32 s19, $0x3;
	s26 =	smul.u32 $0xA000, s22  }
0x3d: {  	s11 =	sadd.s32 s5, s20;
	s8 =	sshrl.u32 s8, $0x3;
	s16 =	smul.u32 $0xA000, s7  }
0x3e: {  	[smem:$0x7F3] =	sst s29;
	s30 =	sor.u32 $0x1C04, s17;
	s20 =	smul.u32 $0xA000, s10  }
0x3f: {  	s19 =	sshrl.u32 s15, $0x2;
	s22 =	smul.u32 $0xA000, s13;
	s7 =	simm.s32 $0x3800  }
0x40: {  	s10 =	simm.s32 $0x2;
	s13 =	simm.s32 $0x5F0;
	[smem:$0x7EC] =	sst s14  }
0x41: {  	s15 =	simm.s32 $0x640;
	s17 =	simm.s32 $0x690;
	[smem:$0x7EF] =	sst s11  }
0x42: {  	s25 =	sadd.s32 s5, s23;
	s5 =	sadd.s32 s5, s8;
	[smem:$0x7FD] =	sst s30  }
0x43: {  	s2 =	sadd.s32 s19, s3;
	s23 =	sadd.s32 s6, s3;
	[smem:$0x7F1] =	sst s25  }
0x44: {  	s6 =	simm.s32 $0x1000;
	s8 =	simm.s32 $0x6000;
	[smem:$0x7F2] =	sst s5  }
0x45: {  	s11 =	simm.s32 $0x3;
	s19 =	simm.s32 $0x6E0;
	[smem:$0x7F7] =	sst s2  }
0x46: {  	s14 =	sshrl.u32 s26, $0x2;
	[smem:$0x7F9] =	sst s23;
	s24 =	sshrl.u32 s20, $0x2  }
0x47: {  	s25 =	sshrl.u32 s21, $0x2;
	s26 =	sshrl.u32 s22, $0x2;
	s2 =	simm.s32 $0x4  }
0x48: {  	s5 =	simm.s32 $0x50;
	s20 =	simm.s32 $0xE40;
	s21 =	simm.s32 $0x730  }
0x49: {  	s22 =	simm.s32 $0xE90;
	s0 =	sadd.s32 s14, s3;
	s29 =	sadd.s32 s26, s3  }
0x4a: {  	s14 =	simm.s32 $0xD50;
	[smem:$0x7F5] =	sst s0;
	s0 =	sshrl.u32 s16, $0x2  }
0x4b: {  	s26 =	simm.s32 $0xF30;
	[smem:$0x7FC] =	sst s29;
	s0 =	sadd.s32 s0, s3  }
0x4c: {  	s16 =	simm.s32 $0xDA0;
	[smem:$0x7F8] =	sst s0;
	s0 =	sadd.s32 s24, s3  }
0x4d: {  	s24 =	simm.s32 $0x780;
	[smem:$0x7FA] =	sst s0;
	s0 =	sadd.s32 s25, s3  }
0x4e: {  	s25 =	simm.s32 $0xEE0;
	[smem:$0x7FB] =	sst s0;
	s0 =	simm.s32 $0x800  }
.LBB2_1:
0x4f: {  	s23 =	sld [smem:$0x7F5];
	_ =	sdelay $0x2  }
0x50: {  	s29 =	sshrl.u32 s23, $0x3;
	s23 =	sld [smem:$0x7DD]  }
0x51: {  	[smem:$0x7D4] =	sst s31  }
0x52: {  	[smem:$0x7D5] =	sst s29  }
0x53: {  	[spmem:s29], [sflag:s30] =	dma.local [hbm:s23], $0x500  }
0x54: {  	_ =	swait.ge [sflag:s2], $0x500  }
0x55: {  	s23 =	sld [smem:$0x7F6];
	_ =	sdelay $0x2  }
0x56: {  	s29 =	sshrl.u32 s23, $0x3;
	s23 =	sld [smem:$0x7DE]  }
0x57: {  	[sflag:s2] =	ssyncset.done $0x0  }
0x58: {  	[sflag:s2] =	ssyncadd.s32 $0xFFFFFB00;
	[smem:$0x7D6] =	sst s29  }
0x59: {  	[spmem:s29], [sflag:s30] =	dma.local [hbm:s23], $0x500  }
0x5a: {  	_ =	swait.ge [sflag:s2], $0x500  }
0x5b: {  	s23 =	sld [smem:$0x7F7];
	_ =	sdelay $0x2  }
0x5c: {  	s29 =	sshrl.u32 s23, $0x3;
	s23 =	sld [smem:$0x7DF]  }
0x5d: {  	[sflag:s2] =	ssyncset.done $0x0  }
0x5e: {  	[sflag:s2] =	ssyncadd.s32 $0xFFFFFB00;
	[smem:$0x7D7] =	sst s29  }
0x5f: {  	[spmem:s29], [sflag:s30] =	dma.local [hbm:s23], $0x500  }
0x60: {  	_ =	swait.ge [sflag:s2], $0x500  }
0x61: {  	s23 =	sld [smem:$0x7F8];
	_ =	sdelay $0x2  }
0x62: {  	s29 =	sshrl.u32 s23, $0x3;
	s23 =	sld [smem:$0x7E0]  }
0x63: {  	[sflag:s2] =	ssyncset.done $0x0  }
0x64: {  	[sflag:s2] =	ssyncadd.s32 $0xFFFFFB00;
	[smem:$0x7D8] =	sst s29  }
0x65: {  	[spmem:s29], [sflag:s30] =	dma.local [hbm:s23], $0x500  }
0x66: {  	_ =	swait.ge [sflag:s2], $0x500  }
0x67: {  	s23 =	sld [smem:$0x7F9];
	_ =	sdelay $0x2  }
0x68: {  	s29 =	sshrl.u32 s23, $0x3;
	s23 =	sld [smem:$0x7E1]  }
0x69: {  	[sflag:s2] =	ssyncset.done $0x0  }
0x6a: {  	[sflag:s2] =	ssyncadd.s32 $0xFFFFFB00;
	[smem:$0x7D9] =	sst s29  }
0x6b: {  	[spmem:s29], [sflag:s30] =	dma.local [hbm:s23], $0x500  }
0x6c: {  	_ =	swait.ge [sflag:s2], $0x500  }
0x6d: {  	s23 =	sld [smem:$0x7FA];
	_ =	sdelay $0x2  }
0x6e: {  	s29 =	sshrl.u32 s23, $0x3;
	s23 =	sld [smem:$0x7E2]  }
0x6f: {  	[sflag:s2] =	ssyncset.done $0x0  }
0x70: {  	[sflag:s2] =	ssyncadd.s32 $0xFFFFFB00;
	[smem:$0x7DA] =	sst s29  }
0x71: {  	[spmem:s29], [sflag:s30] =	dma.local [hbm:s23], $0x500  }
0x72: {  	_ =	swait.ge [sflag:s2], $0x500  }
0x73: {  	s23 =	sld [smem:$0x7FB];
	_ =	sdelay $0x2  }
0x74: {  	s29 =	sshrl.u32 s23, $0x3;
	s23 =	sld [smem:$0x7E3]  }
0x75: {  	[sflag:s2] =	ssyncset.done $0x0  }
0x76: {  	[sflag:s2] =	ssyncadd.s32 $0xFFFFFB00;
	[smem:$0x7DB] =	sst s29  }
0x77: {  	[spmem:s29], [sflag:s30] =	dma.local [hbm:s23], $0x500  }
0x78: {  	_ =	swait.ge [sflag:s2], $0x500  }
0x79: {  	s23 =	sld [smem:$0x7FC];
	_ =	sdelay $0x2  }
0x7a: {  	s29 =	sshrl.u32 @!p0 s23, $0x3;
	s23 =	sld [smem:$0x7E4]  }
0x7b: {  	[sflag:s2] =	ssyncset.done $0x0  }
0x7c: {  	[sflag:s2] =	ssyncadd.s32 $0xFFFFFB00;
	[smem:$0x7DC] =	sst s29  }
0x7d: {  	[spmem:s29], [sflag:s30] =	dma.local @!p0 [hbm:s23], $0x500  }
0x7e: {  	s29 =	simm.s32 @!p0 $0x4  }
0x7f: {  	_ =	swait.ge @!p0 [sflag:s29], $0x500  }
0x80: {  	[sflag:s29] =	ssyncset.done @!p0 $0x0  }
0x81: {  	[sflag:s29] =	ssyncadd.s32 @!p0 $0xFFFFFB00  }
0x82: {  	[bflag:$0x0] =	sbarrier.arrive $0xFFFF  }
0x83: {  	s29 =	rddreg [dreg:$0x6]  }
0x84: {  	s29 =	sadd.s32 $0x0, s29  }
0x85: {  	[tilespmem:s4], [sflag:$0x4] =	stream.linear.gather [hbm4b:s29+s4], $0x7D0, $0x38;
	[tilespmem:$0x1C080] =	vst v63  }
0x86: {  	_ =	swait.ge [sflag:s2], $0x7D0  }
0x87: {  	s29 =	rddreg [dreg:$0x5];
	[sflag:s2] =	ssyncset.done $0x0  }
0x88: {  	[sflag:s2] =	ssyncadd.s32 $0xFFFFF830;
	s29 =	sadd.s32 $0x0, s29  }
0x89: {  	[tilespmem:s0], [sflag:$0x4] =	stream.linear.gather [hbm4b:s29+s4], $0x7D0, $0x38;
	[tilespmem:$0x1C080] =	vst v63  }
0x8a: {  	_ =	swait.ge [sflag:s2], $0x7D0  }
0x8b: {  	[sflag:s2] =	ssyncset.done $0x0  }
0x8c: {  	[sflag:s2] =	ssyncadd.s32 $0xFFFFF830  }
0x8d: {  	[tilespmem:s6], [sflag:$0x1] =	stream.indirect.gather [hbm4b:s1+s5], $0x80, s4, s5, $0xb8;
	[tilespmem:$0x1C080] =	vst v63  }
0x8e: {  	_ = 	snop  }
0x8f: {  	[tilespmem:s7], [sflag:$0x2] =	stream.indirect.gather [hbm4b:s1+s5], $0x80, s5, s5, $0xb8;
	[tilespmem:$0x1C080] =	vst v63  }
0x90: {  	s29 =	rddreg [dreg:$0x7]  }
0x91: {  	[tilespmem:s8], [sflag:$0x3] =	stream.indirect.gather [hbm4b:s1+s5], $0x80, s29, s5, $0xb8;
	[tilespmem:$0x1C080] =	vst v63  }
0x92: {  	_ =	swait.ge [sflag:s9], $0x2800  }
0x93: {  	[sflag:s9] =	ssyncset.done $0x0  }
0x94: {  	[sflag:s9] =	ssyncadd.s32 $0xFFFFD800  }
0x95: {  	[spmem:s3] =	stream.indirect.scatter.add.f32 [tilespmem:s6], [sflag:$0x4], $0x80, s0, s5, $0xb8;
	[tilespmem:$0x1C080] =	vst v63  }
0x96: {  	_ =	swait.ge [sflag:s2], $0x2800  }
0x97: {  	[sflag:s2] =	ssyncset.done $0x0  }
0x98: {  	s29 =	rddreg [dreg:$0x8];
	[sflag:s2] =	ssyncadd.s32 $0xFFFFD800  }
0x99: {  	[tilespmem:s6], [sflag:$0x1] =	stream.indirect.gather [hbm4b:s1+s5], $0x80, s29, s5, $0xb8;
	[tilespmem:$0x1C080] =	vst v63  }
0x9a: {  	_ =	swait.ge [sflag:s10], $0x2800  }
0x9b: {  	[sflag:s10] =	ssyncset.done $0x0  }
0x9c: {  	s29 =	rddreg [dreg:$0x9];
	[sflag:s10] =	ssyncadd.s32 $0xFFFFD800  }
0x9d: {  	[spmem:s3] =	stream.indirect.scatter.add.f32 [tilespmem:s7], [sflag:$0x4], $0x80, s29, s5, $0xb8;
	[tilespmem:$0x1C080] =	vst v63  }
0x9e: {  	_ =	swait.ge [sflag:s2], $0x2800  }
0x9f: {  	[sflag:s2] =	ssyncset.done $0x0  }
0xa0: {  	s29 =	rddreg [dreg:$0xa];
	[sflag:s2] =	ssyncadd.s32 $0xFFFFD800  }
0xa1: {  	[tilespmem:s7], [sflag:$0x2] =	stream.indirect.gather [hbm4b:s1+s5], $0x80, s29, s5, $0xb8;
	[tilespmem:$0x1C080] =	vst v63  }
0xa2: {  	_ =	swait.ge [sflag:s11], $0x2800  }
0xa3: {  	[sflag:s11] =	ssyncset.done $0x0  }
0xa4: {  	s29 =	rddreg [dreg:$0xb];
	[sflag:s11] =	ssyncadd.s32 $0xFFFFD800  }
0xa5: {  	[spmem:s3] =	stream.indirect.scatter.add.f32 [tilespmem:s8], [sflag:$0x4], $0x80, s29, s5, $0xb8;
	[tilespmem:$0x1C080] =	vst v63  }
0xa6: {  	_ =	swait.ge [sflag:s2], $0x2800  }
0xa7: {  	[sflag:s2] =	ssyncset.done $0x0  }
0xa8: {  	s29 =	rddreg [dreg:$0xc];
	[sflag:s2] =	ssyncadd.s32 $0xFFFFD800  }
0xa9: {  	[tilespmem:s8], [sflag:$0x3] =	stream.indirect.gather [hbm4b:s1+s5], $0x80, s29, s5, $0xb8;
	[tilespmem:$0x1C080] =	vst v63  }
0xaa: {  	_ =	swait.ge [sflag:s9], $0x2800  }
0xab: {  	[sflag:s9] =	ssyncset.done $0x0  }
0xac: {  	s29 =	rddreg [dreg:$0xd];
	[sflag:s9] =	ssyncadd.s32 $0xFFFFD800  }
0xad: {  	[spmem:s3] =	stream.indirect.scatter.add.f32 [tilespmem:s6], [sflag:$0x4], $0x80, s29, s5, $0xb8;
	[tilespmem:$0x1C080] =	vst v63  }
0xae: {  	_ =	swait.ge [sflag:s2], $0x2800  }
0xaf: {  	[sflag:s2] =	ssyncset.done $0x0  }
0xb0: {  	s29 =	rddreg [dreg:$0xe];
	[sflag:s2] =	ssyncadd.s32 $0xFFFFD800  }
0xb1: {  	[tilespmem:s6], [sflag:$0x1] =	stream.indirect.gather [hbm4b:s1+s5], $0x80, s29, s5, $0xb8;
	[tilespmem:$0x1C080] =	vst v63  }
0xb2: {  	_ =	swait.ge [sflag:s10], $0x2800  }
0xb3: {  	[sflag:s10] =	ssyncset.done $0x0  }
0xb4: {  	s29 =	rddreg [dreg:$0xf];
	[sflag:s10] =	ssyncadd.s32 $0xFFFFD800  }
0xb5: {  	[spmem:s3] =	stream.indirect.scatter.add.f32 [tilespmem:s7], [sflag:$0x4], $0x80, s29, s5, $0xb8;
	[tilespmem:$0x1C080] =	vst v63  }
0xb6: {  	_ =	swait.ge [sflag:s2], $0x2800  }
0xb7: {  	[sflag:s2] =	ssyncset.done $0x0  }
0xb8: {  	s29 =	rddreg [dreg:$0x10];
	[sflag:s2] =	ssyncadd.s32 $0xFFFFD800  }
0xb9: {  	[tilespmem:s7], [sflag:$0x2] =	stream.indirect.gather [hbm4b:s1+s5], $0x80, s29, s5, $0xb8;
	[tilespmem:$0x1C080] =	vst v63  }
0xba: {  	_ =	swait.ge [sflag:s11], $0x2800  }
0xbb: {  	[sflag:s11] =	ssyncset.done $0x0  }
0xbc: {  	s29 =	rddreg [dreg:$0x11];
	[sflag:s11] =	ssyncadd.s32 $0xFFFFD800  }
0xbd: {  	[spmem:s3] =	stream.indirect.scatter.add.f32 [tilespmem:s8], [sflag:$0x4], $0x80, s29, s5, $0xb8;
	[tilespmem:$0x1C080] =	vst v63  }
0xbe: {  	_ =	swait.ge [sflag:s2], $0x2800  }
0xbf: {  	[sflag:s2] =	ssyncset.done $0x0  }
0xc0: {  	s29 =	rddreg [dreg:$0x12];
	[sflag:s2] =	ssyncadd.s32 $0xFFFFD800  }
0xc1: {  	[tilespmem:s8], [sflag:$0x3] =	stream.indirect.gather [hbm4b:s1+s5], $0x80, s29, s5, $0xb8;
	[tilespmem:$0x1C080] =	vst v63  }
0xc2: {  	_ =	swait.ge [sflag:s9], $0x2800  }
0xc3: {  	[sflag:s9] =	ssyncset.done $0x0  }
0xc4: {  	s29 =	rddreg [dreg:$0x13];
	[sflag:s9] =	ssyncadd.s32 $0xFFFFD800  }
0xc5: {  	[spmem:s3] =	stream.indirect.scatter.add.f32 [tilespmem:s6], [sflag:$0x4], $0x80, s29, s5, $0xb8;
	[tilespmem:$0x1C080] =	vst v63  }
0xc6: {  	_ =	swait.ge [sflag:s2], $0x2800  }
0xc7: {  	[sflag:s2] =	ssyncset.done $0x0  }
0xc8: {  	s29 =	rddreg [dreg:$0x14];
	[sflag:s2] =	ssyncadd.s32 $0xFFFFD800  }
0xc9: {  	[tilespmem:s6], [sflag:$0x1] =	stream.indirect.gather [hbm4b:s1+s5], $0x80, s29, s5, $0xb8;
	[tilespmem:$0x1C080] =	vst v63  }
0xca: {  	_ =	swait.ge [sflag:s10], $0x2800  }
0xcb: {  	[sflag:s10] =	ssyncset.done $0x0  }
0xcc: {  	s29 =	rddreg [dreg:$0x15];
	[sflag:s10] =	ssyncadd.s32 $0xFFFFD800  }
0xcd: {  	[spmem:s3] =	stream.indirect.scatter.add.f32 [tilespmem:s7], [sflag:$0x4], $0x80, s29, s5, $0xb8;
	[tilespmem:$0x1C080] =	vst v63  }
0xce: {  	_ =	swait.ge [sflag:s2], $0x2800  }
0xcf: {  	[sflag:s2] =	ssyncset.done $0x0  }
0xd0: {  	s29 =	rddreg [dreg:$0x16];
	[sflag:s2] =	ssyncadd.s32 $0xFFFFD800  }
0xd1: {  	[tilespmem:s7], [sflag:$0x2] =	stream.indirect.gather [hbm4b:s1+s5], $0x80, s29, s5, $0xb8;
	[tilespmem:$0x1C080] =	vst v63  }
0xd2: {  	_ =	swait.ge [sflag:s11], $0x2800  }
0xd3: {  	[sflag:s11] =	ssyncset.done $0x0  }
0xd4: {  	s29 =	rddreg [dreg:$0x17];
	[sflag:s11] =	ssyncadd.s32 $0xFFFFD800  }
0xd5: {  	[spmem:s3] =	stream.indirect.scatter.add.f32 [tilespmem:s8], [sflag:$0x4], $0x80, s29, s5, $0xb8;
	[tilespmem:$0x1C080] =	vst v63  }
0xd6: {  	_ =	swait.ge [sflag:s2], $0x2800  }
0xd7: {  	[sflag:s2] =	ssyncset.done $0x0  }
0xd8: {  	s29 =	rddreg [dreg:$0x18];
	[sflag:s2] =	ssyncadd.s32 $0xFFFFD800  }
0xd9: {  	[tilespmem:s8], [sflag:$0x3] =	stream.indirect.gather [hbm4b:s1+s5], $0x80, s29, s5, $0xb8;
	[tilespmem:$0x1C080] =	vst v63  }
0xda: {  	_ =	swait.ge [sflag:s9], $0x2800  }
0xdb: {  	[sflag:s9] =	ssyncset.done $0x0  }
0xdc: {  	s29 =	rddreg [dreg:$0x19];
	[sflag:s9] =	ssyncadd.s32 $0xFFFFD800  }
0xdd: {  	[spmem:s3] =	stream.indirect.scatter.add.f32 [tilespmem:s6], [sflag:$0x4], $0x80, s29, s5, $0xb8;
	[tilespmem:$0x1C080] =	vst v63  }
0xde: {  	_ =	swait.ge [sflag:s2], $0x2800  }
0xdf: {  	[sflag:s2] =	ssyncset.done $0x0  }
0xe0: {  	s29 =	rddreg [dreg:$0x1a];
	[sflag:s2] =	ssyncadd.s32 $0xFFFFD800  }
0xe1: {  	[tilespmem:s6], [sflag:$0x1] =	stream.indirect.gather [hbm4b:s1+s5], $0x80, s29, s5, $0xb8;
	[tilespmem:$0x1C080] =	vst v63  }
0xe2: {  	_ =	swait.ge [sflag:s10], $0x2800  }
0xe3: {  	[sflag:s10] =	ssyncset.done $0x0  }
0xe4: {  	s29 =	rddreg [dreg:$0x1b];
	[sflag:s10] =	ssyncadd.s32 $0xFFFFD800  }
0xe5: {  	[spmem:s3] =	stream.indirect.scatter.add.f32 [tilespmem:s7], [sflag:$0x4], $0x80, s29, s5, $0xb8;
	[tilespmem:$0x1C080] =	vst v63  }
0xe6: {  	_ =	swait.ge [sflag:s2], $0x2800  }
0xe7: {  	[sflag:s2] =	ssyncset.done $0x0  }
0xe8: {  	s29 =	rddreg [dreg:$0x1c];
	[sflag:s2] =	ssyncadd.s32 $0xFFFFD800  }
0xe9: {  	[tilespmem:s7], [sflag:$0x2] =	stream.indirect.gather [hbm4b:s1+s5], $0x80, s29, s5, $0xb8;
	[tilespmem:$0x1C080] =	vst v63  }
0xea: {  	_ =	swait.ge [sflag:s11], $0x2800  }
0xeb: {  	[sflag:s11] =	ssyncset.done $0x0  }
0xec: {  	s29 =	rddreg [dreg:$0x1d];
	[sflag:s11] =	ssyncadd.s32 $0xFFFFD800  }
0xed: {  	[spmem:s3] =	stream.indirect.scatter.add.f32 [tilespmem:s8], [sflag:$0x4], $0x80, s29, s5, $0xb8;
	[tilespmem:$0x1C080] =	vst v63  }
0xee: {  	_ =	swait.ge [sflag:s2], $0x2800  }
0xef: {  	[sflag:s2] =	ssyncset.done $0x0  }
0xf0: {  	s29 =	rddreg [dreg:$0x1e];
	[sflag:s2] =	ssyncadd.s32 $0xFFFFD800  }
0xf1: {  	[tilespmem:s8], [sflag:$0x3] =	stream.indirect.gather [hbm4b:s1+s5], $0x80, s29, s5, $0xb8;
	[tilespmem:$0x1C080] =	vst v63  }
0xf2: {  	_ =	swait.ge [sflag:s9], $0x2800  }
0xf3: {  	[sflag:s9] =	ssyncset.done $0x0  }
0xf4: {  	s29 =	rddreg [dreg:$0x1f];
	[sflag:s9] =	ssyncadd.s32 $0xFFFFD800  }
0xf5: {  	[spmem:s3] =	stream.indirect.scatter.add.f32 [tilespmem:s6], [sflag:$0x4], $0x80, s29, s5, $0xb8;
	[tilespmem:$0x1C080] =	vst v63  }
0xf6: {  	_ =	swait.ge [sflag:s2], $0x2800  }
0xf7: {  	s29 =	sld [smem:$0x7E5]  }
0xf8: {  	[sflag:s2] =	ssyncset.done $0x0  }
0xf9: {  	[sflag:s2] =	ssyncadd.s32 $0xFFFFD800  }
0xfa: {  	[tilespmem:s6], [sflag:$0x1] =	stream.indirect.gather [hbm4b:s1+s5], $0x80, s29, s5, $0xb8;
	[tilespmem:$0x1C080] =	vst v63  }
0xfb: {  	_ =	swait.ge [sflag:s10], $0x2800  }
0xfc: {  	s29 =	sld [smem:$0x7E6]  }
0xfd: {  	[sflag:s10] =	ssyncset.done $0x0  }
0xfe: {  	[sflag:s10] =	ssyncadd.s32 $0xFFFFD800  }
0xff: {  	[spmem:s3] =	stream.indirect.scatter.add.f32 [tilespmem:s7], [sflag:$0x4], $0x80, s29, s5, $0xb8;
	[tilespmem:$0x1C080] =	vst v63  }
0x100: {  	_ =	swait.ge [sflag:s2], $0x2800  }
0x101: {  	s29 =	sld [smem:$0x7E7]  }
0x102: {  	[sflag:s2] =	ssyncset.done $0x0  }
0x103: {  	[sflag:s2] =	ssyncadd.s32 $0xFFFFD800  }
0x104: {  	[tilespmem:s7], [sflag:$0x2] =	stream.indirect.gather [hbm4b:s1+s5], $0x80, s29, s5, $0xb8;
	[tilespmem:$0x1C080] =	vst v63  }
0x105: {  	_ =	swait.ge [sflag:s11], $0x2800  }
0x106: {  	s29 =	sld [smem:$0x7E8]  }
0x107: {  	[sflag:s11] =	ssyncset.done $0x0  }
0x108: {  	[sflag:s11] =	ssyncadd.s32 $0xFFFFD800  }
0x109: {  	[spmem:s3] =	stream.indirect.scatter.add.f32 [tilespmem:s8], [sflag:$0x4], $0x80, s29, s5, $0xb8;
	[tilespmem:$0x1C080] =	vst v63  }
0x10a: {  	_ =	swait.ge [sflag:s2], $0x2800  }
0x10b: {  	s29 =	sld [smem:$0x7E9]  }
0x10c: {  	[sflag:s2] =	ssyncset.done $0x0  }
0x10d: {  	[sflag:s2] =	ssyncadd.s32 $0xFFFFD800  }
0x10e: {  	[tilespmem:s8], [sflag:$0x3] =	stream.indirect.gather [hbm4b:s1+s5], $0x80, s29, s5, $0xb8;
	[tilespmem:$0x1C080] =	vst v63  }
0x10f: {  	_ =	swait.ge [sflag:s9], $0x2800  }
0x110: {  	s29 =	sld [smem:$0x7EA]  }
0x111: {  	[sflag:s9] =	ssyncset.done $0x0  }
0x112: {  	[sflag:s9] =	ssyncadd.s32 $0xFFFFD800  }
0x113: {  	[spmem:s3] =	stream.indirect.scatter.add.f32 [tilespmem:s6], [sflag:$0x4], $0x80, s29, s5, $0xb8;
	[tilespmem:$0x1C080] =	vst v63  }
0x114: {  	_ =	swait.ge [sflag:s2], $0x2800  }
0x115: {  	s29 =	sld [smem:$0x7F3]  }
0x116: {  	[sflag:s2] =	ssyncset.done $0x0  }
0x117: {  	[sflag:s2] =	ssyncadd.s32 $0xFFFFD800  }
0x118: {  	[tilespmem:s6], [sflag:$0x1] =	stream.indirect.gather [hbm4b:s1+s5], $0x80, s29, s5, $0xb8;
	[tilespmem:$0x1C080] =	vst v63  }
0x119: {  	_ =	swait.ge [sflag:s10], $0x2800  }
0x11a: {  	[sflag:s10] =	ssyncset.done $0x0  }
0x11b: {  	[sflag:s10] =	ssyncadd.s32 $0xFFFFD800  }
0x11c: {  	[spmem:s3] =	stream.indirect.scatter.add.f32 [tilespmem:s7], [sflag:$0x4], $0x80, s12, s5, $0xb8;
	[tilespmem:$0x1C080] =	vst v63  }
0x11d: {  	_ =	swait.ge [sflag:s2], $0x2800  }
0x11e: {  	[sflag:s2] =	ssyncset.done $0x0  }
0x11f: {  	[sflag:s2] =	ssyncadd.s32 $0xFFFFD800  }
0x120: {  	[tilespmem:s7], [sflag:$0x2] =	stream.indirect.gather [hbm4b:s1+s5], $0x80, s13, s5, $0xb8;
	[tilespmem:$0x1C080] =	vst v63  }
0x121: {  	_ =	swait.ge [sflag:s11], $0x2800  }
0x122: {  	[sflag:s11] =	ssyncset.done $0x0  }
0x123: {  	[sflag:s11] =	ssyncadd.s32 $0xFFFFD800  }
0x124: {  	[spmem:s3] =	stream.indirect.scatter.add.f32 [tilespmem:s8], [sflag:$0x4], $0x80, s14, s5, $0xb8;
	[tilespmem:$0x1C080] =	vst v63  }
0x125: {  	_ =	swait.ge [sflag:s2], $0x2800  }
0x126: {  	[sflag:s2] =	ssyncset.done $0x0  }
0x127: {  	[sflag:s2] =	ssyncadd.s32 $0xFFFFD800  }
0x128: {  	[tilespmem:s8], [sflag:$0x3] =	stream.indirect.gather [hbm4b:s1+s5], $0x80, s15, s5, $0xb8;
	[tilespmem:$0x1C080] =	vst v63  }
0x129: {  	_ =	swait.ge [sflag:s9], $0x2800  }
0x12a: {  	[sflag:s9] =	ssyncset.done $0x0  }
0x12b: {  	[sflag:s9] =	ssyncadd.s32 $0xFFFFD800  }
0x12c: {  	[spmem:s3] =	stream.indirect.scatter.add.f32 [tilespmem:s6], [sflag:$0x4], $0x80, s16, s5, $0xb8;
	[tilespmem:$0x1C080] =	vst v63  }
0x12d: {  	_ =	swait.ge [sflag:s2], $0x2800  }
0x12e: {  	[sflag:s2] =	ssyncset.done $0x0  }
0x12f: {  	[sflag:s2] =	ssyncadd.s32 $0xFFFFD800  }
0x130: {  	[tilespmem:s6], [sflag:$0x1] =	stream.indirect.gather [hbm4b:s1+s5], $0x80, s17, s5, $0xb8;
	[tilespmem:$0x1C080] =	vst v63  }
0x131: {  	_ =	swait.ge [sflag:s10], $0x2800  }
0x132: {  	[sflag:s10] =	ssyncset.done $0x0  }
0x133: {  	[sflag:s10] =	ssyncadd.s32 $0xFFFFD800  }
0x134: {  	[spmem:s3] =	stream.indirect.scatter.add.f32 [tilespmem:s7], [sflag:$0x4], $0x80, s18, s5, $0xb8;
	[tilespmem:$0x1C080] =	vst v63  }
0x135: {  	_ =	swait.ge [sflag:s2], $0x2800  }
0x136: {  	[sflag:s2] =	ssyncset.done $0x0  }
0x137: {  	[sflag:s2] =	ssyncadd.s32 $0xFFFFD800  }
0x138: {  	[tilespmem:s7], [sflag:$0x2] =	stream.indirect.gather [hbm4b:s1+s5], $0x80, s19, s5, $0xb8;
	[tilespmem:$0x1C080] =	vst v63  }
0x139: {  	_ =	swait.ge [sflag:s11], $0x2800  }
0x13a: {  	[sflag:s11] =	ssyncset.done $0x0  }
0x13b: {  	[sflag:s11] =	ssyncadd.s32 $0xFFFFD800  }
0x13c: {  	[spmem:s3] =	stream.indirect.scatter.add.f32 [tilespmem:s8], [sflag:$0x4], $0x80, s20, s5, $0xb8;
	[tilespmem:$0x1C080] =	vst v63  }
0x13d: {  	_ =	swait.ge [sflag:s2], $0x2800  }
0x13e: {  	[sflag:s2] =	ssyncset.done $0x0  }
0x13f: {  	[sflag:s2] =	ssyncadd.s32 $0xFFFFD800  }
0x140: {  	[tilespmem:s8], [sflag:$0x3] =	stream.indirect.gather [hbm4b:s1+s5], $0x80, s21, s5, $0xb8;
	[tilespmem:$0x1C080] =	vst v63  }
0x141: {  	_ =	swait.ge [sflag:s9], $0x2800  }
0x142: {  	[sflag:s9] =	ssyncset.done $0x0  }
0x143: {  	[sflag:s9] =	ssyncadd.s32 $0xFFFFD800  }
0x144: {  	[spmem:s3] =	stream.indirect.scatter.add.f32 [tilespmem:s6], [sflag:$0x4], $0x80, s22, s5, $0xb8;
	[tilespmem:$0x1C080] =	vst v63  }
0x145: {  	_ =	swait.ge [sflag:s2], $0x2800  }
0x146: {  	[sflag:s2] =	ssyncset.done $0x0  }
0x147: {  	[sflag:s2] =	ssyncadd.s32 $0xFFFFD800  }
0x148: {  	[tilespmem:s6], [sflag:$0x1] =	stream.indirect.gather [hbm4b:s1+s5], $0x80, s24, s5, $0xb8;
	[tilespmem:$0x1C080] =	vst v63  }
0x149: {  	_ =	swait.ge [sflag:s10], $0x2800  }
0x14a: {  	[sflag:s10] =	ssyncset.done $0x0  }
0x14b: {  	[sflag:s10] =	ssyncadd.s32 $0xFFFFD800  }
0x14c: {  	[spmem:s3] =	stream.indirect.scatter.add.f32 [tilespmem:s7], [sflag:$0x4], $0x80, s25, s5, $0xb8;
	[tilespmem:$0x1C080] =	vst v63  }
0x14d: {  	_ =	swait.ge [sflag:s2], $0x2800  }
0x14e: {  	[sflag:s2] =	ssyncset.done $0x0  }
0x14f: {  	[sflag:s2] =	ssyncadd.s32 $0xFFFFD800  }
0x150: {  	_ =	swait.ge [sflag:s11], $0x2800  }
0x151: {  	[sflag:s11] =	ssyncset.done $0x0  }
0x152: {  	[sflag:s11] =	ssyncadd.s32 $0xFFFFD800  }
0x153: {  	[spmem:s3] =	stream.indirect.scatter.add.f32 [tilespmem:s8], [sflag:$0x4], $0x80, s26, s5, $0xb8;
	[tilespmem:$0x1C080] =	vst v63  }
0x154: {  	_ =	swait.ge [sflag:s2], $0x2800  }
0x155: {  	[sflag:s2] =	ssyncset.done $0x0  }
0x156: {  	[sflag:s2] =	ssyncadd.s32 $0xFFFFD800  }
0x157: {  	_ =	swait.ge [sflag:s9], $0x2800  }
0x158: {  	[sflag:s9] =	ssyncset.done $0x0  }
0x159: {  	[sflag:s9] =	ssyncadd.s32 $0xFFFFD800  }
0x15a: {  	[spmem:s3] =	stream.indirect.scatter.add.f32 [tilespmem:s6], [sflag:$0x4], $0x80, s28, s5, $0xb8;
	[tilespmem:$0x1C080] =	vst v63  }
0x15b: {  	s31 =	simm.s32 $0x1F4;
	_ =	swait.ge [sflag:s2], $0x2800  }
0x15c: {  	s30 =	simm.s32 $0xFA;
	s29 =	rddreg [dreg:$0x6];
	[sflag:s2] =	ssyncset.done $0x0  }
.LBB2_2:
0x15d: {  	[sflag:s2] =	ssyncadd.s32 $0xFFFFD800;
	s29 =	sadd.s32 s30, s29  }
0x15e: {  	[tilespmem:s4], [sflag:$0x4] =	stream.linear.gather [hbm4b:s29+s4], $0x7D0, $0x38;
	[tilespmem:$0x1C080] =	vst v63  }
0x15f: {  	_ =	swait.ge [sflag:s2], $0x7D0  }
0x160: {  	s29 =	rddreg [dreg:$0x5];
	[sflag:s2] =	ssyncset.done $0x0  }
0x161: {  	[sflag:s2] =	ssyncadd.s32 $0xFFFFF830;
	s29 =	sadd.s32 s30, s29  }
0x162: {  	[tilespmem:s0], [sflag:$0x4] =	stream.linear.gather [hbm4b:s29+s4], $0x7D0, $0x38;
	[tilespmem:$0x1C080] =	vst v63  }
0x163: {  	_ =	swait.ge [sflag:s2], $0x7D0  }
0x164: {  	[sflag:s2] =	ssyncset.done $0x0  }
0x165: {  	[sflag:s2] =	ssyncadd.s32 $0xFFFFF830  }
0x166: {  	[tilespmem:s6], [sflag:$0x1] =	stream.indirect.gather [hbm4b:s1+s5], $0x80, s4, s5, $0xb8;
	[tilespmem:$0x1C080] =	vst v63  }
0x167: {  	s23 =	smov.u32 s31  }
0x168: {  	[tilespmem:s7], [sflag:$0x2] =	stream.indirect.gather [hbm4b:s1+s5], $0x80, s5, s5, $0xb8;
	[tilespmem:$0x1C080] =	vst v63  }
0x169: {  	s30 =	smov.u32 s23;
	s23 =	rddreg [dreg:$0x7]  }
0x16a: {  	[tilespmem:s8], [sflag:$0x3] =	stream.indirect.gather [hbm4b:s1+s5], $0x80, s23, s5, $0xb8;
	[tilespmem:$0x1C080] =	vst v63  }
0x16b: {  	_ =	swait.ge [sflag:s9], $0x2800  }
0x16c: {  	[sflag:s9] =	ssyncset.done $0x0  }
0x16d: {  	[sflag:s9] =	ssyncadd.s32 $0xFFFFD800  }
0x16e: {  	[spmem:s3] =	stream.indirect.scatter.add.f32 [tilespmem:s6], [sflag:$0x4], $0x80, s0, s5, $0xb8;
	[tilespmem:$0x1C080] =	vst v63  }
0x16f: {  	_ =	swait.ge [sflag:s2], $0x2800  }
0x170: {  	[sflag:s2] =	ssyncset.done $0x0  }
0x171: {  	s23 =	rddreg [dreg:$0x8];
	[sflag:s2] =	ssyncadd.s32 $0xFFFFD800  }
0x172: {  	[tilespmem:s6], [sflag:$0x1] =	stream.indirect.gather [hbm4b:s1+s5], $0x80, s23, s5, $0xb8;
	[tilespmem:$0x1C080] =	vst v63  }
0x173: {  	_ =	swait.ge [sflag:s10], $0x2800  }
0x174: {  	[sflag:s10] =	ssyncset.done $0x0  }
0x175: {  	s23 =	rddreg [dreg:$0x9];
	[sflag:s10] =	ssyncadd.s32 $0xFFFFD800  }
0x176: {  	[spmem:s3] =	stream.indirect.scatter.add.f32 [tilespmem:s7], [sflag:$0x4], $0x80, s23, s5, $0xb8;
	[tilespmem:$0x1C080] =	vst v63  }
0x177: {  	_ =	swait.ge [sflag:s2], $0x2800  }
0x178: {  	[sflag:s2] =	ssyncset.done $0x0  }
0x179: {  	s23 =	rddreg [dreg:$0xa];
	[sflag:s2] =	ssyncadd.s32 $0xFFFFD800  }
0x17a: {  	[tilespmem:s7], [sflag:$0x2] =	stream.indirect.gather [hbm4b:s1+s5], $0x80, s23, s5, $0xb8;
	[tilespmem:$0x1C080] =	vst v63  }
0x17b: {  	_ =	swait.ge [sflag:s11], $0x2800  }
0x17c: {  	[sflag:s11] =	ssyncset.done $0x0  }
0x17d: {  	s23 =	rddreg [dreg:$0xb];
	[sflag:s11] =	ssyncadd.s32 $0xFFFFD800  }
0x17e: {  	[spmem:s3] =	stream.indirect.scatter.add.f32 [tilespmem:s8], [sflag:$0x4], $0x80, s23, s5, $0xb8;
	[tilespmem:$0x1C080] =	vst v63  }
0x17f: {  	_ =	swait.ge [sflag:s2], $0x2800  }
0x180: {  	[sflag:s2] =	ssyncset.done $0x0  }
0x181: {  	s23 =	rddreg [dreg:$0xc];
	[sflag:s2] =	ssyncadd.s32 $0xFFFFD800  }
0x182: {  	[tilespmem:s8], [sflag:$0x3] =	stream.indirect.gather [hbm4b:s1+s5], $0x80, s23, s5, $0xb8;
	[tilespmem:$0x1C080] =	vst v63  }
0x183: {  	_ =	swait.ge [sflag:s9], $0x2800  }
0x184: {  	[sflag:s9] =	ssyncset.done $0x0  }
0x185: {  	s23 =	rddreg [dreg:$0xd];
	[sflag:s9] =	ssyncadd.s32 $0xFFFFD800  }
0x186: {  	[spmem:s3] =	stream.indirect.scatter.add.f32 [tilespmem:s6], [sflag:$0x4], $0x80, s23, s5, $0xb8;
	[tilespmem:$0x1C080] =	vst v63  }
0x187: {  	_ =	swait.ge [sflag:s2], $0x2800  }
0x188: {  	[sflag:s2] =	ssyncset.done $0x0  }
0x189: {  	s23 =	rddreg [dreg:$0xe];
	[sflag:s2] =	ssyncadd.s32 $0xFFFFD800  }
0x18a: {  	[tilespmem:s6], [sflag:$0x1] =	stream.indirect.gather [hbm4b:s1+s5], $0x80, s23, s5, $0xb8;
	[tilespmem:$0x1C080] =	vst v63  }
0x18b: {  	_ =	swait.ge [sflag:s10], $0x2800  }
0x18c: {  	[sflag:s10] =	ssyncset.done $0x0  }
0x18d: {  	s23 =	rddreg [dreg:$0xf];
	[sflag:s10] =	ssyncadd.s32 $0xFFFFD800  }
0x18e: {  	[spmem:s3] =	stream.indirect.scatter.add.f32 [tilespmem:s7], [sflag:$0x4], $0x80, s23, s5, $0xb8;
	[tilespmem:$0x1C080] =	vst v63  }
0x18f: {  	_ =	swait.ge [sflag:s2], $0x2800  }
0x190: {  	[sflag:s2] =	ssyncset.done $0x0  }
0x191: {  	s23 =	rddreg [dreg:$0x10];
	[sflag:s2] =	ssyncadd.s32 $0xFFFFD800  }
0x192: {  	[tilespmem:s7], [sflag:$0x2] =	stream.indirect.gather [hbm4b:s1+s5], $0x80, s23, s5, $0xb8;
	[tilespmem:$0x1C080] =	vst v63  }
0x193: {  	_ =	swait.ge [sflag:s11], $0x2800  }
0x194: {  	[sflag:s11] =	ssyncset.done $0x0  }
0x195: {  	s23 =	rddreg [dreg:$0x11];
	[sflag:s11] =	ssyncadd.s32 $0xFFFFD800  }
0x196: {  	[spmem:s3] =	stream.indirect.scatter.add.f32 [tilespmem:s8], [sflag:$0x4], $0x80, s23, s5, $0xb8;
	[tilespmem:$0x1C080] =	vst v63  }
0x197: {  	_ =	swait.ge [sflag:s2], $0x2800  }
0x198: {  	[sflag:s2] =	ssyncset.done $0x0  }
0x199: {  	s23 =	rddreg [dreg:$0x12];
	[sflag:s2] =	ssyncadd.s32 $0xFFFFD800  }
0x19a: {  	[tilespmem:s8], [sflag:$0x3] =	stream.indirect.gather [hbm4b:s1+s5], $0x80, s23, s5, $0xb8;
	[tilespmem:$0x1C080] =	vst v63  }
0x19b: {  	_ =	swait.ge [sflag:s9], $0x2800  }
0x19c: {  	[sflag:s9] =	ssyncset.done $0x0  }
0x19d: {  	s23 =	rddreg [dreg:$0x13];
	[sflag:s9] =	ssyncadd.s32 $0xFFFFD800  }
0x19e: {  	[spmem:s3] =	stream.indirect.scatter.add.f32 [tilespmem:s6], [sflag:$0x4], $0x80, s23, s5, $0xb8;
	[tilespmem:$0x1C080] =	vst v63  }
0x19f: {  	_ =	swait.ge [sflag:s2], $0x2800  }
0x1a0: {  	[sflag:s2] =	ssyncset.done $0x0  }
0x1a1: {  	s23 =	rddreg [dreg:$0x14];
	[sflag:s2] =	ssyncadd.s32 $0xFFFFD800  }
0x1a2: {  	[tilespmem:s6], [sflag:$0x1] =	stream.indirect.gather [hbm4b:s1+s5], $0x80, s23, s5, $0xb8;
	[tilespmem:$0x1C080] =	vst v63  }
0x1a3: {  	_ =	swait.ge [sflag:s10], $0x2800  }
0x1a4: {  	[sflag:s10] =	ssyncset.done $0x0  }
0x1a5: {  	s23 =	rddreg [dreg:$0x15];
	[sflag:s10] =	ssyncadd.s32 $0xFFFFD800  }
0x1a6: {  	[spmem:s3] =	stream.indirect.scatter.add.f32 [tilespmem:s7], [sflag:$0x4], $0x80, s23, s5, $0xb8;
	[tilespmem:$0x1C080] =	vst v63  }
0x1a7: {  	_ =	swait.ge [sflag:s2], $0x2800  }
0x1a8: {  	[sflag:s2] =	ssyncset.done $0x0  }
0x1a9: {  	s23 =	rddreg [dreg:$0x16];
	[sflag:s2] =	ssyncadd.s32 $0xFFFFD800  }
0x1aa: {  	[tilespmem:s7], [sflag:$0x2] =	stream.indirect.gather [hbm4b:s1+s5], $0x80, s23, s5, $0xb8;
	[tilespmem:$0x1C080] =	vst v63  }
0x1ab: {  	_ =	swait.ge [sflag:s11], $0x2800  }
0x1ac: {  	[sflag:s11] =	ssyncset.done $0x0  }
0x1ad: {  	s23 =	rddreg [dreg:$0x17];
	[sflag:s11] =	ssyncadd.s32 $0xFFFFD800  }
0x1ae: {  	[spmem:s3] =	stream.indirect.scatter.add.f32 [tilespmem:s8], [sflag:$0x4], $0x80, s23, s5, $0xb8;
	[tilespmem:$0x1C080] =	vst v63  }
0x1af: {  	_ =	swait.ge [sflag:s2], $0x2800  }
0x1b0: {  	[sflag:s2] =	ssyncset.done $0x0  }
0x1b1: {  	s23 =	rddreg [dreg:$0x18];
	[sflag:s2] =	ssyncadd.s32 $0xFFFFD800  }
0x1b2: {  	[tilespmem:s8], [sflag:$0x3] =	stream.indirect.gather [hbm4b:s1+s5], $0x80, s23, s5, $0xb8;
	[tilespmem:$0x1C080] =	vst v63  }
0x1b3: {  	_ =	swait.ge [sflag:s9], $0x2800  }
0x1b4: {  	[sflag:s9] =	ssyncset.done $0x0  }
0x1b5: {  	s23 =	rddreg [dreg:$0x19];
	[sflag:s9] =	ssyncadd.s32 $0xFFFFD800  }
0x1b6: {  	[spmem:s3] =	stream.indirect.scatter.add.f32 [tilespmem:s6], [sflag:$0x4], $0x80, s23, s5, $0xb8;
	[tilespmem:$0x1C080] =	vst v63  }
0x1b7: {  	_ =	swait.ge [sflag:s2], $0x2800  }
0x1b8: {  	[sflag:s2] =	ssyncset.done $0x0  }
0x1b9: {  	s23 =	rddreg [dreg:$0x1a];
	[sflag:s2] =	ssyncadd.s32 $0xFFFFD800  }
0x1ba: {  	[tilespmem:s6], [sflag:$0x1] =	stream.indirect.gather [hbm4b:s1+s5], $0x80, s23, s5, $0xb8;
	[tilespmem:$0x1C080] =	vst v63  }
0x1bb: {  	_ =	swait.ge [sflag:s10], $0x2800  }
0x1bc: {  	[sflag:s10] =	ssyncset.done $0x0  }
0x1bd: {  	s23 =	rddreg [dreg:$0x1b];
	[sflag:s10] =	ssyncadd.s32 $0xFFFFD800  }
0x1be: {  	[spmem:s3] =	stream.indirect.scatter.add.f32 [tilespmem:s7], [sflag:$0x4], $0x80, s23, s5, $0xb8;
	[tilespmem:$0x1C080] =	vst v63  }
0x1bf: {  	_ =	swait.ge [sflag:s2], $0x2800  }
0x1c0: {  	[sflag:s2] =	ssyncset.done $0x0  }
0x1c1: {  	s23 =	rddreg [dreg:$0x1c];
	[sflag:s2] =	ssyncadd.s32 $0xFFFFD800  }
0x1c2: {  	[tilespmem:s7], [sflag:$0x2] =	stream.indirect.gather [hbm4b:s1+s5], $0x80, s23, s5, $0xb8;
	[tilespmem:$0x1C080] =	vst v63  }
0x1c3: {  	_ =	swait.ge [sflag:s11], $0x2800  }
0x1c4: {  	[sflag:s11] =	ssyncset.done $0x0  }
0x1c5: {  	s23 =	rddreg [dreg:$0x1d];
	[sflag:s11] =	ssyncadd.s32 $0xFFFFD800  }
0x1c6: {  	[spmem:s3] =	stream.indirect.scatter.add.f32 [tilespmem:s8], [sflag:$0x4], $0x80, s23, s5, $0xb8;
	[tilespmem:$0x1C080] =	vst v63  }
0x1c7: {  	_ =	swait.ge [sflag:s2], $0x2800  }
0x1c8: {  	[sflag:s2] =	ssyncset.done $0x0  }
0x1c9: {  	s23 =	rddreg [dreg:$0x1e];
	[sflag:s2] =	ssyncadd.s32 $0xFFFFD800  }
0x1ca: {  	[tilespmem:s8], [sflag:$0x3] =	stream.indirect.gather [hbm4b:s1+s5], $0x80, s23, s5, $0xb8;
	[tilespmem:$0x1C080] =	vst v63  }
0x1cb: {  	_ =	swait.ge [sflag:s9], $0x2800  }
0x1cc: {  	[sflag:s9] =	ssyncset.done $0x0  }
0x1cd: {  	s23 =	rddreg [dreg:$0x1f];
	[sflag:s9] =	ssyncadd.s32 $0xFFFFD800  }
0x1ce: {  	[spmem:s3] =	stream.indirect.scatter.add.f32 [tilespmem:s6], [sflag:$0x4], $0x80, s23, s5, $0xb8;
	[tilespmem:$0x1C080] =	vst v63  }
0x1cf: {  	_ =	swait.ge [sflag:s2], $0x2800  }
0x1d0: {  	s23 =	sld [smem:$0x7E5]  }
0x1d1: {  	[sflag:s2] =	ssyncset.done $0x0  }
0x1d2: {  	[sflag:s2] =	ssyncadd.s32 $0xFFFFD800  }
0x1d3: {  	[tilespmem:s6], [sflag:$0x1] =	stream.indirect.gather [hbm4b:s1+s5], $0x80, s23, s5, $0xb8;
	[tilespmem:$0x1C080] =	vst v63  }
0x1d4: {  	_ =	swait.ge [sflag:s10], $0x2800  }
0x1d5: {  	s23 =	sld [smem:$0x7E6]  }
0x1d6: {  	[sflag:s10] =	ssyncset.done $0x0  }
0x1d7: {  	[sflag:s10] =	ssyncadd.s32 $0xFFFFD800  }
0x1d8: {  	[spmem:s3] =	stream.indirect.scatter.add.f32 [tilespmem:s7], [sflag:$0x4], $0x80, s23, s5, $0xb8;
	[tilespmem:$0x1C080] =	vst v63  }
0x1d9: {  	_ =	swait.ge [sflag:s2], $0x2800  }
0x1da: {  	s23 =	sld [smem:$0x7E7]  }
0x1db: {  	[sflag:s2] =	ssyncset.done $0x0  }
0x1dc: {  	[sflag:s2] =	ssyncadd.s32 $0xFFFFD800  }
0x1dd: {  	[tilespmem:s7], [sflag:$0x2] =	stream.indirect.gather [hbm4b:s1+s5], $0x80, s23, s5, $0xb8;
	[tilespmem:$0x1C080] =	vst v63  }
0x1de: {  	_ =	swait.ge [sflag:s11], $0x2800  }
0x1df: {  	s23 =	sld [smem:$0x7E8]  }
0x1e0: {  	[sflag:s11] =	ssyncset.done $0x0  }
0x1e1: {  	[sflag:s11] =	ssyncadd.s32 $0xFFFFD800  }
0x1e2: {  	[spmem:s3] =	stream.indirect.scatter.add.f32 [tilespmem:s8], [sflag:$0x4], $0x80, s23, s5, $0xb8;
	[tilespmem:$0x1C080] =	vst v63  }
0x1e3: {  	_ =	swait.ge [sflag:s2], $0x2800  }
0x1e4: {  	s23 =	sld [smem:$0x7E9]  }
0x1e5: {  	[sflag:s2] =	ssyncset.done $0x0  }
0x1e6: {  	[sflag:s2] =	ssyncadd.s32 $0xFFFFD800  }
0x1e7: {  	[tilespmem:s8], [sflag:$0x3] =	stream.indirect.gather [hbm4b:s1+s5], $0x80, s23, s5, $0xb8;
	[tilespmem:$0x1C080] =	vst v63  }
0x1e8: {  	_ =	swait.ge [sflag:s9], $0x2800  }
0x1e9: {  	s23 =	sld [smem:$0x7EA]  }
0x1ea: {  	[sflag:s9] =	ssyncset.done $0x0  }
0x1eb: {  	[sflag:s9] =	ssyncadd.s32 $0xFFFFD800  }
0x1ec: {  	[spmem:s3] =	stream.indirect.scatter.add.f32 [tilespmem:s6], [sflag:$0x4], $0x80, s23, s5, $0xb8;
	[tilespmem:$0x1C080] =	vst v63  }
0x1ed: {  	_ =	swait.ge [sflag:s2], $0x2800  }
0x1ee: {  	s23 =	sld [smem:$0x7F3]  }
0x1ef: {  	[sflag:s2] =	ssyncset.done $0x0  }
0x1f0: {  	[sflag:s2] =	ssyncadd.s32 $0xFFFFD800  }
0x1f1: {  	[tilespmem:s6], [sflag:$0x1] =	stream.indirect.gather [hbm4b:s1+s5], $0x80, s23, s5, $0xb8;
	[tilespmem:$0x1C080] =	vst v63  }
0x1f2: {  	_ =	swait.ge [sflag:s10], $0x2800  }
0x1f3: {  	[sflag:s10] =	ssyncset.done $0x0  }
0x1f4: {  	[sflag:s10] =	ssyncadd.s32 $0xFFFFD800  }
0x1f5: {  	[spmem:s3] =	stream.indirect.scatter.add.f32 [tilespmem:s7], [sflag:$0x4], $0x80, s12, s5, $0xb8;
	[tilespmem:$0x1C080] =	vst v63  }
0x1f6: {  	_ =	swait.ge [sflag:s2], $0x2800  }
0x1f7: {  	[sflag:s2] =	ssyncset.done $0x0  }
0x1f8: {  	[sflag:s2] =	ssyncadd.s32 $0xFFFFD800  }
0x1f9: {  	[tilespmem:s7], [sflag:$0x2] =	stream.indirect.gather [hbm4b:s1+s5], $0x80, s13, s5, $0xb8;
	[tilespmem:$0x1C080] =	vst v63  }
0x1fa: {  	_ =	swait.ge [sflag:s11], $0x2800  }
0x1fb: {  	[sflag:s11] =	ssyncset.done $0x0  }
0x1fc: {  	[sflag:s11] =	ssyncadd.s32 $0xFFFFD800  }
0x1fd: {  	[spmem:s3] =	stream.indirect.scatter.add.f32 [tilespmem:s8], [sflag:$0x4], $0x80, s14, s5, $0xb8;
	[tilespmem:$0x1C080] =	vst v63  }
0x1fe: {  	_ =	swait.ge [sflag:s2], $0x2800  }
0x1ff: {  	[sflag:s2] =	ssyncset.done $0x0  }
0x200: {  	[sflag:s2] =	ssyncadd.s32 $0xFFFFD800  }
0x201: {  	[tilespmem:s8], [sflag:$0x3] =	stream.indirect.gather [hbm4b:s1+s5], $0x80, s15, s5, $0xb8;
	[tilespmem:$0x1C080] =	vst v63  }
0x202: {  	_ =	swait.ge [sflag:s9], $0x2800  }
0x203: {  	[sflag:s9] =	ssyncset.done $0x0  }
0x204: {  	[sflag:s9] =	ssyncadd.s32 $0xFFFFD800  }
0x205: {  	[spmem:s3] =	stream.indirect.scatter.add.f32 [tilespmem:s6], [sflag:$0x4], $0x80, s16, s5, $0xb8;
	[tilespmem:$0x1C080] =	vst v63  }
0x206: {  	_ =	swait.ge [sflag:s2], $0x2800  }
0x207: {  	[sflag:s2] =	ssyncset.done $0x0  }
0x208: {  	[sflag:s2] =	ssyncadd.s32 $0xFFFFD800  }
0x209: {  	[tilespmem:s6], [sflag:$0x1] =	stream.indirect.gather [hbm4b:s1+s5], $0x80, s17, s5, $0xb8;
	[tilespmem:$0x1C080] =	vst v63  }
0x20a: {  	_ =	swait.ge [sflag:s10], $0x2800  }
0x20b: {  	[sflag:s10] =	ssyncset.done $0x0  }
0x20c: {  	[sflag:s10] =	ssyncadd.s32 $0xFFFFD800  }
0x20d: {  	[spmem:s3] =	stream.indirect.scatter.add.f32 [tilespmem:s7], [sflag:$0x4], $0x80, s18, s5, $0xb8;
	[tilespmem:$0x1C080] =	vst v63  }
0x20e: {  	_ =	swait.ge [sflag:s2], $0x2800  }
0x20f: {  	[sflag:s2] =	ssyncset.done $0x0  }
0x210: {  	[sflag:s2] =	ssyncadd.s32 $0xFFFFD800  }
0x211: {  	[tilespmem:s7], [sflag:$0x2] =	stream.indirect.gather [hbm4b:s1+s5], $0x80, s19, s5, $0xb8;
	[tilespmem:$0x1C080] =	vst v63  }
0x212: {  	_ =	swait.ge [sflag:s11], $0x2800  }
0x213: {  	[sflag:s11] =	ssyncset.done $0x0  }
0x214: {  	[sflag:s11] =	ssyncadd.s32 $0xFFFFD800  }
0x215: {  	[spmem:s3] =	stream.indirect.scatter.add.f32 [tilespmem:s8], [sflag:$0x4], $0x80, s20, s5, $0xb8;
	[tilespmem:$0x1C080] =	vst v63  }
0x216: {  	_ =	swait.ge [sflag:s2], $0x2800  }
0x217: {  	[sflag:s2] =	ssyncset.done $0x0  }
0x218: {  	[sflag:s2] =	ssyncadd.s32 $0xFFFFD800  }
0x219: {  	[tilespmem:s8], [sflag:$0x3] =	stream.indirect.gather [hbm4b:s1+s5], $0x80, s21, s5, $0xb8;
	[tilespmem:$0x1C080] =	vst v63  }
0x21a: {  	_ =	swait.ge [sflag:s9], $0x2800  }
0x21b: {  	[sflag:s9] =	ssyncset.done $0x0  }
0x21c: {  	[sflag:s9] =	ssyncadd.s32 $0xFFFFD800  }
0x21d: {  	[spmem:s3] =	stream.indirect.scatter.add.f32 [tilespmem:s6], [sflag:$0x4], $0x80, s22, s5, $0xb8;
	[tilespmem:$0x1C080] =	vst v63  }
0x21e: {  	_ =	swait.ge [sflag:s2], $0x2800  }
0x21f: {  	[sflag:s2] =	ssyncset.done $0x0  }
0x220: {  	[sflag:s2] =	ssyncadd.s32 $0xFFFFD800  }
0x221: {  	[tilespmem:s6], [sflag:$0x1] =	stream.indirect.gather [hbm4b:s1+s5], $0x80, s24, s5, $0xb8;
	[tilespmem:$0x1C080] =	vst v63  }
0x222: {  	_ =	swait.ge [sflag:s10], $0x2800  }
0x223: {  	[sflag:s10] =	ssyncset.done $0x0  }
0x224: {  	[sflag:s10] =	ssyncadd.s32 $0xFFFFD800  }
0x225: {  	[spmem:s3] =	stream.indirect.scatter.add.f32 [tilespmem:s7], [sflag:$0x4], $0x80, s25, s5, $0xb8;
	[tilespmem:$0x1C080] =	vst v63  }
0x226: {  	_ =	swait.ge [sflag:s2], $0x2800  }
0x227: {  	[sflag:s2] =	ssyncset.done $0x0  }
0x228: {  	[sflag:s2] =	ssyncadd.s32 $0xFFFFD800  }
0x229: {  	_ =	swait.ge [sflag:s11], $0x2800  }
0x22a: {  	[sflag:s11] =	ssyncset.done $0x0  }
0x22b: {  	[sflag:s11] =	ssyncadd.s32 $0xFFFFD800  }
0x22c: {  	[spmem:s3] =	stream.indirect.scatter.add.f32 [tilespmem:s8], [sflag:$0x4], $0x80, s26, s5, $0xb8;
	[tilespmem:$0x1C080] =	vst v63  }
0x22d: {  	_ =	swait.ge [sflag:s2], $0x2800  }
0x22e: {  	[sflag:s2] =	ssyncset.done $0x0  }
0x22f: {  	[sflag:s2] =	ssyncadd.s32 $0xFFFFD800  }
0x230: {  	p1 =	sne.s32 s31, $0x3E8;
	_ =	swait.ge [sflag:s9], $0x2800  }
.Ltmp0:
0x231: {  	[sflag:s9] =	ssyncset.done $0x0;
	(pc) =	sbr.rel @p1 .LBB2_2-.Ltmp0, $4  }
0x232: {  	[sflag:s9] =	ssyncadd.s32 $0xFFFFD800  }
0x233: {  	[spmem:s3] =	stream.indirect.scatter.add.f32 [tilespmem:s6], [sflag:$0x4], $0x80, s28, s5, $0xb8;
	[tilespmem:$0x1C080] =	vst v63  }
0x234: {  	_ =	swait.ge [sflag:s2], $0x2800  }
0x235: {  	s31 =	sadd.s32 $0xFA, s31;
	s29 =	rddreg [dreg:$0x6];
	[sflag:s2] =	ssyncset.done $0x0  }
0x236: {  	[sflag:s2] =	ssyncadd.s32 $0xFFFFD800;
	s23 =	sadd.s32 s30, s29  }
0x237: {  	[tilespmem:s4], [sflag:$0x4] =	stream.linear.gather [hbm4b:s23+s4], $0x7D0, $0x38;
	[tilespmem:$0x1C080] =	vst v63  }
0x238: {  	_ =	swait.ge [sflag:s2], $0x7D0  }
0x239: {  	s29 =	rddreg [dreg:$0x5];
	[sflag:s2] =	ssyncset.done $0x0  }
0x23a: {  	s23 =	sadd.s32 s30, s29;
	[sflag:s2] =	ssyncadd.s32 $0xFFFFF830  }
0x23b: {  	[tilespmem:s0], [sflag:$0x4] =	stream.linear.gather [hbm4b:s23+s4], $0x7D0, $0x38;
	[tilespmem:$0x1C080] =	vst v63  }
0x23c: {  	_ =	swait.ge [sflag:s2], $0x7D0  }
0x23d: {  	[sflag:s2] =	ssyncset.done $0x0  }
0x23e: {  	[sflag:s2] =	ssyncadd.s32 $0xFFFFF830  }
0x23f: {  	[tilespmem:s6], [sflag:$0x1] =	stream.indirect.gather [hbm4b:s1+s5], $0x80, s4, s5, $0xb8;
	[tilespmem:$0x1C080] =	vst v63  }
0x240: {  	_ = 	snop  }
0x241: {  	[tilespmem:s7], [sflag:$0x2] =	stream.indirect.gather [hbm4b:s1+s5], $0x80, s5, s5, $0xb8;
	[tilespmem:$0x1C080] =	vst v63  }
0x242: {  	s29 =	rddreg [dreg:$0x7]  }
0x243: {  	[tilespmem:s8], [sflag:$0x3] =	stream.indirect.gather [hbm4b:s1+s5], $0x80, s29, s5, $0xb8;
	[tilespmem:$0x1C080] =	vst v63  }
0x244: {  	_ =	swait.ge [sflag:s9], $0x2800  }
0x245: {  	[sflag:s9] =	ssyncset.done $0x0  }
0x246: {  	[sflag:s9] =	ssyncadd.s32 $0xFFFFD800  }
0x247: {  	[spmem:s3] =	stream.indirect.scatter.add.f32 [tilespmem:s6], [sflag:$0x4], $0x80, s0, s5, $0xb8;
	[tilespmem:$0x1C080] =	vst v63  }
0x248: {  	_ =	swait.ge [sflag:s2], $0x2800  }
0x249: {  	[sflag:s2] =	ssyncset.done $0x0  }
0x24a: {  	s29 =	rddreg [dreg:$0x8];
	[sflag:s2] =	ssyncadd.s32 $0xFFFFD800  }
0x24b: {  	[tilespmem:s6], [sflag:$0x1] =	stream.indirect.gather [hbm4b:s1+s5], $0x80, s29, s5, $0xb8;
	[tilespmem:$0x1C080] =	vst v63  }
0x24c: {  	_ =	swait.ge [sflag:s10], $0x2800  }
0x24d: {  	[sflag:s10] =	ssyncset.done $0x0  }
0x24e: {  	s29 =	rddreg [dreg:$0x9];
	[sflag:s10] =	ssyncadd.s32 $0xFFFFD800  }
0x24f: {  	[spmem:s3] =	stream.indirect.scatter.add.f32 [tilespmem:s7], [sflag:$0x4], $0x80, s29, s5, $0xb8;
	[tilespmem:$0x1C080] =	vst v63  }
0x250: {  	_ =	swait.ge [sflag:s2], $0x2800  }
0x251: {  	[sflag:s2] =	ssyncset.done $0x0  }
0x252: {  	s29 =	rddreg [dreg:$0xa];
	[sflag:s2] =	ssyncadd.s32 $0xFFFFD800  }
0x253: {  	[tilespmem:s7], [sflag:$0x2] =	stream.indirect.gather [hbm4b:s1+s5], $0x80, s29, s5, $0xb8;
	[tilespmem:$0x1C080] =	vst v63  }
0x254: {  	_ =	swait.ge [sflag:s11], $0x2800  }
0x255: {  	[sflag:s11] =	ssyncset.done $0x0  }
0x256: {  	s29 =	rddreg [dreg:$0xb];
	[sflag:s11] =	ssyncadd.s32 $0xFFFFD800  }
0x257: {  	[spmem:s3] =	stream.indirect.scatter.add.f32 [tilespmem:s8], [sflag:$0x4], $0x80, s29, s5, $0xb8;
	[tilespmem:$0x1C080] =	vst v63  }
0x258: {  	_ =	swait.ge [sflag:s2], $0x2800  }
0x259: {  	[sflag:s2] =	ssyncset.done $0x0  }
0x25a: {  	s29 =	rddreg [dreg:$0xc];
	[sflag:s2] =	ssyncadd.s32 $0xFFFFD800  }
0x25b: {  	[tilespmem:s8], [sflag:$0x3] =	stream.indirect.gather [hbm4b:s1+s5], $0x80, s29, s5, $0xb8;
	[tilespmem:$0x1C080] =	vst v63  }
0x25c: {  	_ =	swait.ge [sflag:s9], $0x2800  }
0x25d: {  	[sflag:s9] =	ssyncset.done $0x0  }
0x25e: {  	s29 =	rddreg [dreg:$0xd];
	[sflag:s9] =	ssyncadd.s32 $0xFFFFD800  }
0x25f: {  	[spmem:s3] =	stream.indirect.scatter.add.f32 [tilespmem:s6], [sflag:$0x4], $0x80, s29, s5, $0xb8;
	[tilespmem:$0x1C080] =	vst v63  }
0x260: {  	_ =	swait.ge [sflag:s2], $0x2800  }
0x261: {  	[sflag:s2] =	ssyncset.done $0x0  }
0x262: {  	s29 =	rddreg [dreg:$0xe];
	[sflag:s2] =	ssyncadd.s32 $0xFFFFD800  }
0x263: {  	[tilespmem:s6], [sflag:$0x1] =	stream.indirect.gather [hbm4b:s1+s5], $0x80, s29, s5, $0xb8;
	[tilespmem:$0x1C080] =	vst v63  }
0x264: {  	_ =	swait.ge [sflag:s10], $0x2800  }
0x265: {  	[sflag:s10] =	ssyncset.done $0x0  }
0x266: {  	s29 =	rddreg [dreg:$0xf];
	[sflag:s10] =	ssyncadd.s32 $0xFFFFD800  }
0x267: {  	[spmem:s3] =	stream.indirect.scatter.add.f32 [tilespmem:s7], [sflag:$0x4], $0x80, s29, s5, $0xb8;
	[tilespmem:$0x1C080] =	vst v63  }
0x268: {  	_ =	swait.ge [sflag:s2], $0x2800  }
0x269: {  	[sflag:s2] =	ssyncset.done $0x0  }
0x26a: {  	s29 =	rddreg [dreg:$0x10];
	[sflag:s2] =	ssyncadd.s32 $0xFFFFD800  }
0x26b: {  	[tilespmem:s7], [sflag:$0x2] =	stream.indirect.gather [hbm4b:s1+s5], $0x80, s29, s5, $0xb8;
	[tilespmem:$0x1C080] =	vst v63  }
0x26c: {  	_ =	swait.ge [sflag:s11], $0x2800  }
0x26d: {  	[sflag:s11] =	ssyncset.done $0x0  }
0x26e: {  	s29 =	rddreg [dreg:$0x11];
	[sflag:s11] =	ssyncadd.s32 $0xFFFFD800  }
0x26f: {  	[spmem:s3] =	stream.indirect.scatter.add.f32 [tilespmem:s8], [sflag:$0x4], $0x80, s29, s5, $0xb8;
	[tilespmem:$0x1C080] =	vst v63  }
0x270: {  	_ =	swait.ge [sflag:s2], $0x2800  }
0x271: {  	[sflag:s2] =	ssyncset.done $0x0  }
0x272: {  	s29 =	rddreg [dreg:$0x12];
	[sflag:s2] =	ssyncadd.s32 $0xFFFFD800  }
0x273: {  	[tilespmem:s8], [sflag:$0x3] =	stream.indirect.gather [hbm4b:s1+s5], $0x80, s29, s5, $0xb8;
	[tilespmem:$0x1C080] =	vst v63  }
0x274: {  	_ =	swait.ge [sflag:s9], $0x2800  }
0x275: {  	[sflag:s9] =	ssyncset.done $0x0  }
0x276: {  	s29 =	rddreg [dreg:$0x13];
	[sflag:s9] =	ssyncadd.s32 $0xFFFFD800  }
0x277: {  	[spmem:s3] =	stream.indirect.scatter.add.f32 [tilespmem:s6], [sflag:$0x4], $0x80, s29, s5, $0xb8;
	[tilespmem:$0x1C080] =	vst v63  }
0x278: {  	_ =	swait.ge [sflag:s2], $0x2800  }
0x279: {  	[sflag:s2] =	ssyncset.done $0x0  }
0x27a: {  	s29 =	rddreg [dreg:$0x14];
	[sflag:s2] =	ssyncadd.s32 $0xFFFFD800  }
0x27b: {  	[tilespmem:s6], [sflag:$0x1] =	stream.indirect.gather [hbm4b:s1+s5], $0x80, s29, s5, $0xb8;
	[tilespmem:$0x1C080] =	vst v63  }
0x27c: {  	_ =	swait.ge [sflag:s10], $0x2800  }
0x27d: {  	[sflag:s10] =	ssyncset.done $0x0  }
0x27e: {  	s29 =	rddreg [dreg:$0x15];
	[sflag:s10] =	ssyncadd.s32 $0xFFFFD800  }
0x27f: {  	[spmem:s3] =	stream.indirect.scatter.add.f32 [tilespmem:s7], [sflag:$0x4], $0x80, s29, s5, $0xb8;
	[tilespmem:$0x1C080] =	vst v63  }
0x280: {  	_ =	swait.ge [sflag:s2], $0x2800  }
0x281: {  	[sflag:s2] =	ssyncset.done $0x0  }
0x282: {  	s29 =	rddreg [dreg:$0x16];
	[sflag:s2] =	ssyncadd.s32 $0xFFFFD800  }
0x283: {  	[tilespmem:s7], [sflag:$0x2] =	stream.indirect.gather [hbm4b:s1+s5], $0x80, s29, s5, $0xb8;
	[tilespmem:$0x1C080] =	vst v63  }
0x284: {  	_ =	swait.ge [sflag:s11], $0x2800  }
0x285: {  	[sflag:s11] =	ssyncset.done $0x0  }
0x286: {  	s29 =	rddreg [dreg:$0x17];
	[sflag:s11] =	ssyncadd.s32 $0xFFFFD800  }
0x287: {  	[spmem:s3] =	stream.indirect.scatter.add.f32 [tilespmem:s8], [sflag:$0x4], $0x80, s29, s5, $0xb8;
	[tilespmem:$0x1C080] =	vst v63  }
0x288: {  	_ =	swait.ge [sflag:s2], $0x2800  }
0x289: {  	[sflag:s2] =	ssyncset.done $0x0  }
0x28a: {  	s29 =	rddreg [dreg:$0x18];
	[sflag:s2] =	ssyncadd.s32 $0xFFFFD800  }
0x28b: {  	[tilespmem:s8], [sflag:$0x3] =	stream.indirect.gather [hbm4b:s1+s5], $0x80, s29, s5, $0xb8;
	[tilespmem:$0x1C080] =	vst v63  }
0x28c: {  	_ =	swait.ge [sflag:s9], $0x2800  }
0x28d: {  	[sflag:s9] =	ssyncset.done $0x0  }
0x28e: {  	s29 =	rddreg [dreg:$0x19];
	[sflag:s9] =	ssyncadd.s32 $0xFFFFD800  }
0x28f: {  	[spmem:s3] =	stream.indirect.scatter.add.f32 [tilespmem:s6], [sflag:$0x4], $0x80, s29, s5, $0xb8;
	[tilespmem:$0x1C080] =	vst v63  }
0x290: {  	_ =	swait.ge [sflag:s2], $0x2800  }
0x291: {  	[sflag:s2] =	ssyncset.done $0x0  }
0x292: {  	s29 =	rddreg [dreg:$0x1a];
	[sflag:s2] =	ssyncadd.s32 $0xFFFFD800  }
0x293: {  	[tilespmem:s6], [sflag:$0x1] =	stream.indirect.gather [hbm4b:s1+s5], $0x80, s29, s5, $0xb8;
	[tilespmem:$0x1C080] =	vst v63  }
0x294: {  	_ =	swait.ge [sflag:s10], $0x2800  }
0x295: {  	[sflag:s10] =	ssyncset.done $0x0  }
0x296: {  	s29 =	rddreg [dreg:$0x1b];
	[sflag:s10] =	ssyncadd.s32 $0xFFFFD800  }
0x297: {  	[spmem:s3] =	stream.indirect.scatter.add.f32 [tilespmem:s7], [sflag:$0x4], $0x80, s29, s5, $0xb8;
	[tilespmem:$0x1C080] =	vst v63  }
0x298: {  	_ =	swait.ge [sflag:s2], $0x2800  }
0x299: {  	[sflag:s2] =	ssyncset.done $0x0  }
0x29a: {  	s29 =	rddreg [dreg:$0x1c];
	[sflag:s2] =	ssyncadd.s32 $0xFFFFD800  }
0x29b: {  	[tilespmem:s7], [sflag:$0x2] =	stream.indirect.gather [hbm4b:s1+s5], $0x80, s29, s5, $0xb8;
	[tilespmem:$0x1C080] =	vst v63  }
0x29c: {  	_ =	swait.ge [sflag:s11], $0x2800  }
0x29d: {  	[sflag:s11] =	ssyncset.done $0x0  }
0x29e: {  	s29 =	rddreg [dreg:$0x1d];
	[sflag:s11] =	ssyncadd.s32 $0xFFFFD800  }
0x29f: {  	[spmem:s3] =	stream.indirect.scatter.add.f32 [tilespmem:s8], [sflag:$0x4], $0x80, s29, s5, $0xb8;
	[tilespmem:$0x1C080] =	vst v63  }
0x2a0: {  	_ =	swait.ge [sflag:s2], $0x2800  }
0x2a1: {  	[sflag:s2] =	ssyncset.done $0x0  }
0x2a2: {  	s29 =	rddreg [dreg:$0x1e];
	[sflag:s2] =	ssyncadd.s32 $0xFFFFD800  }
0x2a3: {  	[tilespmem:s8], [sflag:$0x3] =	stream.indirect.gather [hbm4b:s1+s5], $0x80, s29, s5, $0xb8;
	[tilespmem:$0x1C080] =	vst v63  }
0x2a4: {  	_ =	swait.ge [sflag:s9], $0x2800  }
0x2a5: {  	[sflag:s9] =	ssyncset.done $0x0  }
0x2a6: {  	s29 =	rddreg [dreg:$0x1f];
	[sflag:s9] =	ssyncadd.s32 $0xFFFFD800  }
0x2a7: {  	[spmem:s3] =	stream.indirect.scatter.add.f32 [tilespmem:s6], [sflag:$0x4], $0x80, s29, s5, $0xb8;
	[tilespmem:$0x1C080] =	vst v63  }
0x2a8: {  	_ =	swait.ge [sflag:s2], $0x2800  }
0x2a9: {  	s29 =	sld [smem:$0x7E5]  }
0x2aa: {  	[sflag:s2] =	ssyncset.done $0x0  }
0x2ab: {  	[sflag:s2] =	ssyncadd.s32 $0xFFFFD800  }
0x2ac: {  	[tilespmem:s6], [sflag:$0x1] =	stream.indirect.gather [hbm4b:s1+s5], $0x80, s29, s5, $0xb8;
	[tilespmem:$0x1C080] =	vst v63  }
0x2ad: {  	_ =	swait.ge [sflag:s10], $0x2800  }
0x2ae: {  	s29 =	sld [smem:$0x7E6]  }
0x2af: {  	[sflag:s10] =	ssyncset.done $0x0  }
0x2b0: {  	[sflag:s10] =	ssyncadd.s32 $0xFFFFD800  }
0x2b1: {  	[spmem:s3] =	stream.indirect.scatter.add.f32 [tilespmem:s7], [sflag:$0x4], $0x80, s29, s5, $0xb8;
	[tilespmem:$0x1C080] =	vst v63  }
0x2b2: {  	_ =	swait.ge [sflag:s2], $0x2800  }
0x2b3: {  	s29 =	sld [smem:$0x7E7]  }
0x2b4: {  	[sflag:s2] =	ssyncset.done $0x0  }
0x2b5: {  	[sflag:s2] =	ssyncadd.s32 $0xFFFFD800  }
0x2b6: {  	[tilespmem:s7], [sflag:$0x2] =	stream.indirect.gather [hbm4b:s1+s5], $0x80, s29, s5, $0xb8;
	[tilespmem:$0x1C080] =	vst v63  }
0x2b7: {  	_ =	swait.ge [sflag:s11], $0x2800  }
0x2b8: {  	s29 =	sld [smem:$0x7E8]  }
0x2b9: {  	[sflag:s11] =	ssyncset.done $0x0  }
0x2ba: {  	[sflag:s11] =	ssyncadd.s32 $0xFFFFD800  }
0x2bb: {  	[spmem:s3] =	stream.indirect.scatter.add.f32 [tilespmem:s8], [sflag:$0x4], $0x80, s29, s5, $0xb8;
	[tilespmem:$0x1C080] =	vst v63  }
0x2bc: {  	_ =	swait.ge [sflag:s2], $0x2800  }
0x2bd: {  	s29 =	sld [smem:$0x7E9]  }
0x2be: {  	[sflag:s2] =	ssyncset.done $0x0  }
0x2bf: {  	[sflag:s2] =	ssyncadd.s32 $0xFFFFD800  }
0x2c0: {  	[tilespmem:s8], [sflag:$0x3] =	stream.indirect.gather [hbm4b:s1+s5], $0x80, s29, s5, $0xb8;
	[tilespmem:$0x1C080] =	vst v63  }
0x2c1: {  	_ =	swait.ge [sflag:s9], $0x2800  }
0x2c2: {  	s29 =	sld [smem:$0x7EA]  }
0x2c3: {  	[sflag:s9] =	ssyncset.done $0x0  }
0x2c4: {  	[sflag:s9] =	ssyncadd.s32 $0xFFFFD800  }
0x2c5: {  	[spmem:s3] =	stream.indirect.scatter.add.f32 [tilespmem:s6], [sflag:$0x4], $0x80, s29, s5, $0xb8;
	[tilespmem:$0x1C080] =	vst v63  }
0x2c6: {  	_ =	swait.ge [sflag:s2], $0x2800  }
0x2c7: {  	s29 =	sld [smem:$0x7F3]  }
0x2c8: {  	[sflag:s2] =	ssyncset.done $0x0  }
0x2c9: {  	[sflag:s2] =	ssyncadd.s32 $0xFFFFD800  }
0x2ca: {  	[tilespmem:s6], [sflag:$0x1] =	stream.indirect.gather [hbm4b:s1+s5], $0x80, s29, s5, $0xb8;
	[tilespmem:$0x1C080] =	vst v63  }
0x2cb: {  	_ =	swait.ge [sflag:s10], $0x2800  }
0x2cc: {  	[sflag:s10] =	ssyncset.done $0x0  }
0x2cd: {  	[sflag:s10] =	ssyncadd.s32 $0xFFFFD800  }
0x2ce: {  	[spmem:s3] =	stream.indirect.scatter.add.f32 [tilespmem:s7], [sflag:$0x4], $0x80, s12, s5, $0xb8;
	[tilespmem:$0x1C080] =	vst v63  }
0x2cf: {  	_ =	swait.ge [sflag:s2], $0x2800  }
0x2d0: {  	[sflag:s2] =	ssyncset.done $0x0  }
0x2d1: {  	[sflag:s2] =	ssyncadd.s32 $0xFFFFD800  }
0x2d2: {  	[tilespmem:s7], [sflag:$0x2] =	stream.indirect.gather [hbm4b:s1+s5], $0x80, s13, s5, $0xb8;
	[tilespmem:$0x1C080] =	vst v63  }
0x2d3: {  	_ =	swait.ge [sflag:s11], $0x2800  }
0x2d4: {  	[sflag:s11] =	ssyncset.done $0x0  }
0x2d5: {  	[sflag:s11] =	ssyncadd.s32 $0xFFFFD800  }
0x2d6: {  	[spmem:s3] =	stream.indirect.scatter.add.f32 [tilespmem:s8], [sflag:$0x4], $0x80, s14, s5, $0xb8;
	[tilespmem:$0x1C080] =	vst v63  }
0x2d7: {  	_ =	swait.ge [sflag:s2], $0x2800  }
0x2d8: {  	[sflag:s2] =	ssyncset.done $0x0  }
0x2d9: {  	[sflag:s2] =	ssyncadd.s32 $0xFFFFD800  }
0x2da: {  	[tilespmem:s8], [sflag:$0x3] =	stream.indirect.gather [hbm4b:s1+s5], $0x80, s15, s5, $0xb8;
	[tilespmem:$0x1C080] =	vst v63  }
0x2db: {  	_ =	swait.ge [sflag:s9], $0x2800  }
0x2dc: {  	[sflag:s9] =	ssyncset.done $0x0  }
0x2dd: {  	[sflag:s9] =	ssyncadd.s32 $0xFFFFD800  }
0x2de: {  	[spmem:s3] =	stream.indirect.scatter.add.f32 [tilespmem:s6], [sflag:$0x4], $0x80, s16, s5, $0xb8;
	[tilespmem:$0x1C080] =	vst v63  }
0x2df: {  	_ =	swait.ge [sflag:s2], $0x2800  }
0x2e0: {  	[sflag:s2] =	ssyncset.done $0x0  }
0x2e1: {  	[sflag:s2] =	ssyncadd.s32 $0xFFFFD800  }
0x2e2: {  	[tilespmem:s6], [sflag:$0x1] =	stream.indirect.gather [hbm4b:s1+s5], $0x80, s17, s5, $0xb8;
	[tilespmem:$0x1C080] =	vst v63  }
0x2e3: {  	_ =	swait.ge [sflag:s10], $0x2800  }
0x2e4: {  	[sflag:s10] =	ssyncset.done $0x0  }
0x2e5: {  	[sflag:s10] =	ssyncadd.s32 $0xFFFFD800  }
0x2e6: {  	[spmem:s3] =	stream.indirect.scatter.add.f32 [tilespmem:s7], [sflag:$0x4], $0x80, s18, s5, $0xb8;
	[tilespmem:$0x1C080] =	vst v63  }
0x2e7: {  	_ =	swait.ge [sflag:s2], $0x2800  }
0x2e8: {  	[sflag:s2] =	ssyncset.done $0x0  }
0x2e9: {  	[sflag:s2] =	ssyncadd.s32 $0xFFFFD800  }
0x2ea: {  	[tilespmem:s7], [sflag:$0x2] =	stream.indirect.gather [hbm4b:s1+s5], $0x80, s19, s5, $0xb8;
	[tilespmem:$0x1C080] =	vst v63  }
0x2eb: {  	_ =	swait.ge [sflag:s11], $0x2800  }
0x2ec: {  	[sflag:s11] =	ssyncset.done $0x0  }
0x2ed: {  	[sflag:s11] =	ssyncadd.s32 $0xFFFFD800  }
0x2ee: {  	[spmem:s3] =	stream.indirect.scatter.add.f32 [tilespmem:s8], [sflag:$0x4], $0x80, s20, s5, $0xb8;
	[tilespmem:$0x1C080] =	vst v63  }
0x2ef: {  	_ =	swait.ge [sflag:s2], $0x2800  }
0x2f0: {  	[sflag:s2] =	ssyncset.done $0x0  }
0x2f1: {  	[sflag:s2] =	ssyncadd.s32 $0xFFFFD800  }
0x2f2: {  	[tilespmem:s8], [sflag:$0x3] =	stream.indirect.gather [hbm4b:s1+s5], $0x80, s21, s5, $0xb8;
	[tilespmem:$0x1C080] =	vst v63  }
0x2f3: {  	_ =	swait.ge [sflag:s9], $0x2800  }
0x2f4: {  	[sflag:s9] =	ssyncset.done $0x0  }
0x2f5: {  	[sflag:s9] =	ssyncadd.s32 $0xFFFFD800  }
0x2f6: {  	[spmem:s3] =	stream.indirect.scatter.add.f32 [tilespmem:s6], [sflag:$0x4], $0x80, s22, s5, $0xb8;
	[tilespmem:$0x1C080] =	vst v63  }
0x2f7: {  	_ =	swait.ge [sflag:s2], $0x2800  }
0x2f8: {  	[sflag:s2] =	ssyncset.done $0x0  }
0x2f9: {  	[sflag:s2] =	ssyncadd.s32 $0xFFFFD800  }
0x2fa: {  	[tilespmem:s6], [sflag:$0x1] =	stream.indirect.gather [hbm4b:s1+s5], $0x80, s24, s5, $0xb8;
	[tilespmem:$0x1C080] =	vst v63  }
0x2fb: {  	_ =	swait.ge [sflag:s10], $0x2800  }
0x2fc: {  	[sflag:s10] =	ssyncset.done $0x0  }
0x2fd: {  	[sflag:s10] =	ssyncadd.s32 $0xFFFFD800  }
0x2fe: {  	[spmem:s3] =	stream.indirect.scatter.add.f32 [tilespmem:s7], [sflag:$0x4], $0x80, s25, s5, $0xb8;
	[tilespmem:$0x1C080] =	vst v63  }
0x2ff: {  	_ =	swait.ge [sflag:s2], $0x2800  }
0x300: {  	[sflag:s2] =	ssyncset.done $0x0  }
0x301: {  	[sflag:s2] =	ssyncadd.s32 $0xFFFFD800  }
0x302: {  	_ =	swait.ge [sflag:s11], $0x2800  }
0x303: {  	[sflag:s11] =	ssyncset.done $0x0  }
0x304: {  	[sflag:s11] =	ssyncadd.s32 $0xFFFFD800  }
0x305: {  	[spmem:s3] =	stream.indirect.scatter.add.f32 [tilespmem:s8], [sflag:$0x4], $0x80, s26, s5, $0xb8;
	[tilespmem:$0x1C080] =	vst v63  }
0x306: {  	_ =	swait.ge [sflag:s2], $0x2800  }
0x307: {  	[sflag:s2] =	ssyncset.done $0x0  }
0x308: {  	[sflag:s2] =	ssyncadd.s32 $0xFFFFD800  }
0x309: {  	_ =	swait.ge [sflag:s9], $0x2800  }
0x30a: {  	[sflag:s9] =	ssyncset.done $0x0  }
0x30b: {  	[sflag:s9] =	ssyncadd.s32 $0xFFFFD800  }
0x30c: {  	[spmem:s3] =	stream.indirect.scatter.add.f32 [tilespmem:s6], [sflag:$0x4], $0x80, s28, s5, $0xb8;
	[tilespmem:$0x1C080] =	vst v63  }
0x30d: {  	_ =	swait.ge [sflag:s2], $0x2800  }
0x30e: {  	[sflag:s2] =	ssyncset.done $0x0  }
0x30f: {  	[sflag:s2] =	ssyncadd.s32 $0xFFFFD800  }
0x310: {  	[bflag:$0x0] =	sbarrier.arrive $0xFFFF  }
0x311: {  	s23 =	sld [smem:$0x7EB]  }
0x312: {  	s30 =	sld [smem:$0x7FD]  }
0x313: {  	s29 =	sld [smem:$0x7D5];
	_ =	sdelay $0x2  }
0x314: {  	[hbm:s23], [sflag:s30] =	dma.local [spmem:s29], $0x500  }
0x315: {  	_ =	swait.ge [sflag:s2], $0x500  }
0x316: {  	s23 =	sld [smem:$0x7EC]  }
0x317: {  	s29 =	sld [smem:$0x7D6]  }
0x318: {  	[sflag:s2] =	ssyncset.done $0x0  }
0x319: {  	[sflag:s2] =	ssyncadd.s32 $0xFFFFFB00  }
0x31a: {  	[hbm:s23], [sflag:s30] =	dma.local [spmem:s29], $0x500  }
0x31b: {  	_ =	swait.ge [sflag:s2], $0x500  }
0x31c: {  	s23 =	sld [smem:$0x7ED]  }
0x31d: {  	s29 =	sld [smem:$0x7D7]  }
0x31e: {  	[sflag:s2] =	ssyncset.done $0x0  }
0x31f: {  	[sflag:s2] =	ssyncadd.s32 $0xFFFFFB00  }
0x320: {  	[hbm:s23], [sflag:s30] =	dma.local [spmem:s29], $0x500  }
0x321: {  	_ =	swait.ge [sflag:s2], $0x500  }
0x322: {  	s23 =	sld [smem:$0x7EE]  }
0x323: {  	s29 =	sld [smem:$0x7D8]  }
0x324: {  	[sflag:s2] =	ssyncset.done $0x0  }
0x325: {  	[sflag:s2] =	ssyncadd.s32 $0xFFFFFB00  }
0x326: {  	[hbm:s23], [sflag:s30] =	dma.local [spmem:s29], $0x500  }
0x327: {  	_ =	swait.ge [sflag:s2], $0x500  }
0x328: {  	s23 =	sld [smem:$0x7EF]  }
0x329: {  	s29 =	sld [smem:$0x7D9]  }
0x32a: {  	[sflag:s2] =	ssyncset.done $0x0  }
0x32b: {  	[sflag:s2] =	ssyncadd.s32 $0xFFFFFB00  }
0x32c: {  	[hbm:s23], [sflag:s30] =	dma.local [spmem:s29], $0x500  }
0x32d: {  	_ =	swait.ge [sflag:s2], $0x500  }
0x32e: {  	s23 =	sld [smem:$0x7F0]  }
0x32f: {  	s29 =	sld [smem:$0x7DA]  }
0x330: {  	[sflag:s2] =	ssyncset.done $0x0  }
0x331: {  	[sflag:s2] =	ssyncadd.s32 $0xFFFFFB00  }
0x332: {  	[hbm:s23], [sflag:s30] =	dma.local [spmem:s29], $0x500  }
0x333: {  	_ =	swait.ge [sflag:s2], $0x500  }
0x334: {  	s23 =	sld [smem:$0x7F1]  }
0x335: {  	s29 =	sld [smem:$0x7DB]  }
0x336: {  	[sflag:s2] =	ssyncset.done $0x0  }
0x337: {  	[sflag:s2] =	ssyncadd.s32 $0xFFFFFB00  }
0x338: {  	[hbm:s23], [sflag:s30] =	dma.local [spmem:s29], $0x500  }
0x339: {  	_ =	swait.ge [sflag:s2], $0x500  }
0x33a: {  	s23 =	sld [smem:$0x7F2]  }
0x33b: {  	s29 =	sld [smem:$0x7DC]  }
0x33c: {  	[sflag:s2] =	ssyncset.done $0x0  }
0x33d: {  	[sflag:s2] =	ssyncadd.s32 $0xFFFFFB00  }
0x33e: {  	[hbm:s23], [sflag:s30] =	dma.local @!p0 [spmem:s29], $0x500  }
0x33f: {  	s23 =	simm.s32 @!p0 $0x4  }
0x340: {  	_ =	swait.ge @!p0 [sflag:s23], $0x500  }
0x341: {  	s31 =	sld [smem:$0x7D4]  }
0x342: {  	s29 =	sld [smem:$0x7F4];
	_ =	sdelay $0x1  }
0x343: {  	s31 =	sadd.s32 $0x1, s31  }
0x344: {  	p1 =	sne.s32 s31, s29  }
.Ltmp1:
0x345: {  	_ = 	snop;
	(pc) =	sbr.rel @p1 .LBB2_1-.Ltmp1, $3  }
0x346: {  	_ =	sdelay $0x1  }
0x347: {  	[sflag:s23] =	ssyncset.done @!p0 $0x0  }
0x348: {  	[sflag:s23] =	ssyncadd.s32 @!p0 $0xFFFFFB00  }
0x349: {  	_ =	sfence.sel $0x180000  }
0x34a: {  	[bflag:$0x0] =	sbarrier.arrive $0xFFFF  }
0x34b: {  	_ =	strace $0x90000047  }
0x34c: {  	s0 =	stileid.u32;
	[bflag:$0x2] =	sbarrier.arrive $0xFFFF  }
0x34d: {  	p0 =	sne.s32 s0, $0x0;
	s0 =	rddreg [dreg:$0x4]  }
0x34e: {  	s0 =	sadd.s32 @!p0 $0x100000, s0  }
0x34f: {  	[sflag:s0] =	ssyncadd.tile.s32 @!p0 $0x1;
	_ =	shalt  }
.Lfunc_end2:
_tile_overlayer_lowered:
.L_overlay_start_2:
0x350: {  	(tag) =	ssettag $0x2  }
0x351: {  	s0 =	rddreg [dreg:$0x0];
	s2 =	stileid.u32  }
0x352: {  	s1 =	rddreg [dreg:$0x1];
	p0 =	sne.s32 s2, $0x0  }
0x353: {  	s3 =	rddreg [dreg:$0x2];
	[bflag:$0x3] =	sbarrier.arrive $0xFFFF;
	s2 =	simm.s32 @!p0 $0x1C04  }
0x354: {  	[timem:s3], [sflag:s2] =	dma.local @!p0 [hbm:s0], s1  }
0x355: {  	s0 =	simm.s32 @!p0 $0x4  }
0x356: {  	_ =	swait.ge @!p0 [sflag:s0], s1  }
0x357: {  	s1 =	ssub.s32 @!p0 $0x0, s1;
	[sflag:s0] =	ssyncset.done @!p0 $0x0  }
0x358: {  	[sflag:s0] =	ssyncadd.s32 @!p0 s1  }
0x359: {  	[bflag:$0x3] =	sbarrier.arrive $0xFFFF  }
0x35a: {  	_ =	shalt  }

// kernel: kernel.18.cloned.1.call-start
scs
__scs_entry_jumppad:
0x0: {  	(pc) =	sbr.rel $0x88, $3  }
0x1: {  	(tag) =	ssettag $0x0;
	lr =	simm.s32 $0x1  }
0x2: {  	[smem:$0x3F96] =	sst lr;
	_ =	strace $0xD0000000  }
0x3: {  	_ = 	snop  }
0x4: {  	_ = 	snop  }
0x5: {  	_ = 	snop  }
0x6: {  	_ = 	snop  }
0x7: {  	_ = 	snop  }
__scs_overlays_trampoline_lowered:
0x8: {  	[smem:$0x3FA5] =	sst s0  }
0x9: {  	[smem:$0x3FA6] =	sst s1  }
0xa: {  	[smem:$0x3FA7] =	sst s2  }
0xb: {  	[smem:$0x3FA8] =	sst s3  }
0xc: {  	[smem:$0x3FA9] =	sst s4  }
0xd: {  	[smem:$0x3FAA] =	sst s5  }
0xe: {  	[smem:$0x3FAB] =	sst s6  }
0xf: {  	[smem:$0x3FAC] =	sst s7  }
0x10: {  	[smem:$0x3FAD] =	sst s8  }
0x11: {  	[smem:$0x3FAE] =	sst s9;
	s0 =	simm.s32 @!p0 $0x0  }
0x12: {  	s1 =	sld [smem:$0x3F94];
	s0 =	simm.s32 @p0 $0x1  }
0x13: {  	[smem:$0x3FAF] =	sst s0;
	s0 =	simm.s32 @!p1 $0x0  }
0x14: {  	s2 =	sld [smem:$0x3F93];
	s0 =	simm.s32 @p1 $0x1  }
0x15: {  	[smem:$0x3FB0] =	sst s0;
	s0 =	simm.s32 @!p2 $0x0  }
0x16: {  	s3 =	sld [smem:$0x3FDB];
	s0 =	simm.s32 @p2 $0x1  }
0x17: {  	s4 =	simm.s32 $0x1BF5;
	[smem:$0x3FB2] =	sst s0  }
0x18: {  	s0 =	sld [smem:$0x3F95];
	_ =	swait.ge [sflag:s4], $0x0  }
0x19: {  	s7 =	sld [smem:$0x3F96]  }
0x1a: {  	s8 =	sadd.s32 $0xFFFFE003, lr  }
0x1b: {  	s9 =	sadd.s32 $0xFFFFFEF7, lr;
	s5 =	simm.s32 $0xFFFFFFFF;
	p2 =	slt.u32 s8, $0xFFFFF086  }
0x1c: {  	p1 =	slt.u32 s9, $0xF7A;
	s5 =	simm.s32 @!p2 $0x0  }
0x1d: {  	s5 =	simm.s32 @p1 $0x1;
	p0 =	seq.s32 s7, s2  }
0x1e: {  	s7 =	smul.u32 @!p0 $0xF7A, s2;
	p2 =	seq.s32 @!p0 s5, $0x0  }
0x1f: {  	s9 =	smul.u32 $0xF7A, s1;
	s8 =	simm.s32 @!p0 $0x1BF5;
	p2 =	por !p2, p0  }
0x20: {  	[sflag:s8] =	ssyncset.s32 @!p0 $0xFFFFF086;
	s6 =	sadd.s32 @!p0 s3, s7;
	s7 =	simm.s32 @!p0 $0x108  }
0x21: {  	s3 =	sadd.s32 s3, s9;
	s6 =	sadd.s32 @!p0 $0x88, s6;
	s7 =	simm.s32 @p2 $0x1082  }
0x22: {  	[simem:s7], [sflag:s8] =	dma.local @!p0 [hbm:s6], $0xF7A  }
0x23: {  	s9 =	sor.u32 $0xD0000000, s2;
	s6 =	simm.s32 $0x108;
	_ =	swait.ge @!p0 [sflag:s8], $0x0  }
0x24: {  	s3 =	sadd.s32 $0x88, s3;
	s6 =	simm.s32 @!p1 $0x1082;
	[sflag:s4] =	ssyncset.s32 $0xFFFFF086  }
0x25: {  	[simem:s6], [sflag:s4] =	dma.local [hbm:s3], $0xF7A  }
0x26: {  	[smem:$0x3F96] =	sst s1;
	(tag) =	ssettag s2;
	_ =	strace s9  }
0x27: {  	s1 =	sld [smem:$0x3FA6]  }
0x28: {  	s2 =	sld [smem:$0x3FA7]  }
0x29: {  	s4 =	sld [smem:$0x3FA9]  }
0x2a: {  	p0 =	seq.s32 s5, $0x0;
	s5 =	sld [smem:$0x3FAA]  }
0x2b: {  	s6 =	sld [smem:$0x3FAB]  }
0x2c: {  	s7 =	sld [smem:$0x3FAC]  }
0x2d: {  	s3 =	simm.s32 $0x108;
	s8 =	sld [smem:$0x3FAD]  }
0x2e: {  	s3 =	simm.s32 @!p0 $0x1082;
	s9 =	sld [smem:$0x3FAE]  }
0x2f: {  	lr =	sadd.s32 s0, s3;
	s0 =	sld [smem:$0x3FA5]  }
0x30: {  	s3 =	sld [smem:$0x3FA8]  }
0x31: {  	[smem:$0x3FB1] =	sst s10  }
0x32: {  	s10 =	sld [smem:$0x3FAF];
	_ =	sdelay $0x3  }
0x33: {  	p0 =	seq.s32 s10, $0x1;
	s10 =	sld [smem:$0x3FB1];
	_ =	sdelay $0x3  }
0x34: {  	[smem:$0x3FB1] =	sst s10  }
0x35: {  	s10 =	sld [smem:$0x3FB0];
	_ =	sdelay $0x3  }
0x36: {  	p1 =	seq.s32 s10, $0x1;
	s10 =	sld [smem:$0x3FB1];
	_ =	sdelay $0x3  }
0x37: {  	[smem:$0x3FB1] =	sst s10  }
0x38: {  	s10 =	sld [smem:$0x3FB2]  }
0x39: {  	_ = 	snop;
	(pc) =	sbr.ind lr, $3  }
0x3a: {  	_ = 	snop  }
0x3b: {  	_ = 	snop  }
0x3c: {  	p2 =	seq.s32 s10, $0x1;
	s10 =	sld [smem:$0x3FB1]  }
0x3d: {  	_ =	shalt  }
0x3e: {  	_ =	shalt  }
0x3f: {  	_ =	shalt  }
0x40: {  	_ =	shalt  }
0x41: {  	_ =	shalt  }
0x42: {  	_ =	shalt  }
0x43: {  	_ =	shalt  }
0x44: {  	_ =	shalt  }
0x45: {  	_ =	shalt  }
0x46: {  	_ =	shalt  }
0x47: {  	_ =	shalt  }
0x48: {  	_ =	shalt  }
0x49: {  	_ =	shalt  }
0x4a: {  	_ =	shalt  }
0x4b: {  	_ =	shalt  }
0x4c: {  	_ =	shalt  }
0x4d: {  	_ =	shalt  }
0x4e: {  	_ =	shalt  }
0x4f: {  	_ =	shalt  }
0x50: {  	_ =	shalt  }
0x51: {  	_ =	shalt  }
0x52: {  	_ =	shalt  }
0x53: {  	_ =	shalt  }
0x54: {  	_ =	shalt  }
0x55: {  	_ =	shalt  }
0x56: {  	_ =	shalt  }
0x57: {  	_ =	shalt  }
0x58: {  	_ =	shalt  }
0x59: {  	_ =	shalt  }
0x5a: {  	_ =	shalt  }
0x5b: {  	_ =	shalt  }
0x5c: {  	_ =	shalt  }
0x5d: {  	_ =	shalt  }
0x5e: {  	_ =	shalt  }
0x5f: {  	_ =	shalt  }
0x60: {  	_ =	shalt  }
0x61: {  	_ =	shalt  }
0x62: {  	_ =	shalt  }
0x63: {  	_ =	shalt  }
0x64: {  	_ =	shalt  }
0x65: {  	_ =	shalt  }
0x66: {  	_ =	shalt  }
0x67: {  	_ =	shalt  }
0x68: {  	_ =	shalt  }
0x69: {  	_ =	shalt  }
0x6a: {  	_ =	shalt  }
0x6b: {  	_ =	shalt  }
0x6c: {  	_ =	shalt  }
0x6d: {  	_ =	shalt  }
0x6e: {  	_ =	shalt  }
0x6f: {  	_ =	shalt  }
0x70: {  	_ =	shalt  }
0x71: {  	_ =	shalt  }
0x72: {  	_ =	shalt  }
0x73: {  	_ =	shalt  }
0x74: {  	_ =	shalt  }
0x75: {  	_ =	shalt  }
0x76: {  	_ =	shalt  }
0x77: {  	_ =	shalt  }
0x78: {  	_ =	shalt  }
0x79: {  	_ =	shalt  }
0x7a: {  	_ =	shalt  }
0x7b: {  	_ =	shalt  }
0x7c: {  	_ =	shalt  }
0x7d: {  	_ =	shalt  }
0x7e: {  	_ =	shalt  }
0x7f: {  	_ =	shalt  }
0x80: {  	_ =	shalt  }
0x81: {  	_ =	shalt  }
0x82: {  	_ =	shalt  }
0x83: {  	_ =	shalt  }
0x84: {  	_ =	shalt  }
0x85: {  	_ =	shalt  }
0x86: {  	_ =	shalt  }
0x87: {  	_ =	shalt  }
.Lfunc_end0:
.L_simem_size_0:
called_computation.2_lowered:
.L_overlay_start_0:
0x88: {  	s2 =	sld [smem:$0x3FD9]  }
0x89: {  	s3 =	sld [smem:$0x3FFE];
	_ =	sdelay $0x1  }
0x8a: {  	s1 =	srdreg.scid  }
0x8b: {  	s0 =	sand.u32 $0x1, s1  }
0x8c: {  	s17 =	sshll.u32 s0, $0xA;
	s2 =	sadd.s32 s3, s2  }
0x8d: {  	s2 =	sadd.s32 s2, s17  }
0x8e: {  	[smem:$0x3FBD] =	sst s2  }
0x8f: {  	_ = 	snop  }
0x90: {  	s2 =	sld [smem:$0x3FD0];
	(tm) =	ssettm $0x1  }
0x91: {  	s18 =	sld [smem:$0x3FFB];
	_ =	sdelay $0x3  }
0x92: {  	_ =	strace s18  }
0x93: {  	s3 =	sld [smem:$0x3FFC];
	_ =	sdelay $0x3  }
0x94: {  	_ =	strace s3  }
0x95: {  	s3 =	sld [smem:$0x3FFD];
	_ =	sdelay $0x3  }
0x96: {  	_ =	strace s3  }
0x97: {  	_ =	strace $0x8FFFFFFF  }
0x98: {  	s19 =	sld [smem:$0x3FDB];
	_ =	sdelay $0x1  }
0x99: {  	s4 =	simm.s32 $_scs_section_size  }
0x9a: {  	s5 =	simm.s32 $_size__tile_overlayer_lowered;
	s6 =	simm.s32 $_tile_overlayer_lowered  }
0x9b: {  	s22 =	simm.s32 $0x1BFF;
	s21 =	sshll.u32 s6, $0x1;
	s3 =	sadd.s32 s4, s19  }
0x9c: {  	s7 =	simm.s32 $0x0;
	s20 =	sshll.u32 s5, $0x1;
	s5 =	sadd.s32 s21, s3  }
0x9d: {  	[timem:s7], [sflag:s22] =	dma.local [hbm:s5], s20  }
0x9e: {  	_ =	swait.ge [sflag:s22], s20  }
0x9f: {  	s4 =	ssub.s32 $0x0, s20;
	[sflag:s22] =	ssyncset.done $0x0  }
0xa0: {  	[sflag:s22] =	ssyncadd.s32 s4;
	_ =	sdelay $0x1  }
0xa1: {  	s23 =	simm.s32 $0x1B8B  }
0xa2: {  	_ =	swait.ge [sflag:s23], $0x1  }
0xa3: {  	[sflag:s23] =	ssyncset.done $0x0  }
0xa4: {  	s25 =	simm.s32 $0x1B8E;
	s24 =	sld [smem:$0x3FFE];
	[sflag:s23] =	ssyncadd.s32 $0xFFFFFFFF  }
0xa5: {  	s26 =	simm.s32 $execute0_lowered;
	[smem:$0x3FD2] =	sst s25  }
0xa6: {  	s5 =	sshll.u32 s26, $0x1;
	_ =	strace $0x8000004C;
	[dreg:$0x1] =	wrdreg $0xFFFFFFFF  }
0xa7: {  	s28 =	simm.s32 $_size_execute0_lowered;
	s3 =	sadd.s32 s3, s5;
	[dreg:$0x0] =	wrdreg $0x0  }
0xa8: {  	s5 =	sshll.u32 s28, $0x1;
	[dreg:$0x2] =	wrdreg s3  }
0xa9: {  	[dreg:$0x3] =	wrdreg s5  }
0xaa: {  	[dreg:$0x4] =	wrdreg $0xC0  }
0xab: {  	_ =	task [dreg:s7], $0x5FFFF  }
0xac: {  	[dreg:$0x1] =	wrdreg $0xFFFFFFFF  }
0xad: {  	[dreg:$0x0] =	wrdreg $0x60  }
0xae: {  	[dreg:$0x2] =	wrdreg s24  }
0xaf: {  	[dreg:$0x3] =	wrdreg s2  }
0xb0: {  	[dreg:$0x4] =	wrdreg $0x88000  }
0xb1: {  	[dreg:$0x5] =	wrdreg $0x9  }
0xb2: {  	_ =	task.clear_ibuf [dreg:s7], $0x6FFFF;
	_ =	strace $0x9000004C  }
0xb3: {  	s29 =	simm.s32 $0x9;
	_ =	strace $0x8000004E  }
0xb4: {  	_ =	swait.ge [sflag:s29], $0x1  }
0xb5: {  	[sflag:s29] =	ssyncadd.s32 $0xFFFFFFFF  }
0xb6: {  	_ =	strace $0x9000004E  }
0xb7: {  	_ =	sfence  }
0xb8: {  	s30 =	sld [smem:$0x0];
	_ =	sdelay $0x2  }
0xb9: {  	s31 =	sshll.u32 s1, $0xD;
	s1 =	sshrl.u32 s1, $0x2  }
0xba: {  	s3 =	sand.u32 $0x4000, s31;
	s1 =	sadd.s32 s1, s30  }
0xbb: {  	s0 =	sor.u32 s3, s0;
	s1 =	sshll.u32 s1, $0x11  }
0xbc: {  	s0 =	sor.u32 s1, s0  }
0xbd: {  	s0 =	sadd.s32 $0x8F2B, s0  }
0xbe: {  	[sflag:s0] =	ssyncadd.remote.s32 $0x1  }
0xbf: {  	_ =	sfence.sel $0xFFFF  }
0xc0: {  	[dreg:$0x0] =	wrdreg $0xFFFFFFFF;
	(pc) =	sbr.abs _section_cstart, $3  }
0xc1: {  	[dreg:$0x1] =	wrdreg $0xFFFFFFFF  }
0xc2: {  	_ =	task.clear_ibuf [dreg:s7], $0x2FFFF;
	_ =	strace $0x9FFFFFFF  }
0xc3: {  	(tm) =	ssettm $0x7FFFFFFF  }
tec
execute0_lowered:
.L_overlay_start_1:
0x0: {  	(tag) =	ssettag $0x1  }
0x1: {  	s0 =	rddreg [dreg:$0x0]  }
0x2: {  	s12 =	rddreg [dreg:$0x1]  }
0x3: {  	s2 =	rddreg [dreg:$0x2];
	s3 =	simm.s32 $0x0  }
0x4: {  	s17 =	simm.s32 $0xA0;
	[smem:$0x7FF] =	sst s3  }
0x5: {  	s18 =	simm.s32 $0xF0;
	_ =	strace $0x8000004D;
	[dreg:$0x6] =	wrdreg s17  }
0x6: {  	s19 =	simm.s32 $0x850;
	[dreg:$0x7] =	wrdreg s18  }
0x7: {  	s22 =	simm.s32 $0x140;
	[dreg:$0x8] =	wrdreg s19  }
0x8: {  	s23 =	simm.s32 $0x8A0;
	[dreg:$0x9] =	wrdreg s22  }
0x9: {  	s1 =	srdreg.scid;
	s9 =	simm.s32 $0x190;
	[dreg:$0xa] =	wrdreg s23  }
0xa: {  	s21 =	stileid.u32;
	s25 =	simm.s32 $0x8F0;
	[dreg:$0xb] =	wrdreg s9  }
0xb: {  	s26 =	simm.s32 $0x1E0;
	s29 =	simm.s32 $0x940;
	[dreg:$0xc] =	wrdreg s25  }
0xc: {  	s11 =	simm.s32 $0x230;
	s28 =	simm.s32 $0xF80;
	[dreg:$0xd] =	wrdreg s26  }
0xd: {  	s31 =	simm.s32 $0x0;
	s4 =	sand.u32 $0x1, s1;
	[dreg:$0xe] =	wrdreg s29  }
0xe: {  	s5 =	smul.u32 $0x2710, s21;
	[dreg:$0xf] =	wrdreg s11;
	s11 =	simm.s32 $0x280  }
0xf: {  	s16 =	smul.u32 $0x500, s21;
	s17 =	simm.s32 $0xA30;
	[dreg:$0x11] =	wrdreg s11  }
0x10: {  	s1 =	smul.u32 $0x27100, s4;
	s19 =	simm.s32 $0x320;
	[dreg:$0x14] =	wrdreg s17  }
0x11: {  	s13 =	ssub.s32 $0x2, s4;
	s23 =	simm.s32 $0xAD0;
	[dreg:$0x15] =	wrdreg s19  }
0x12: {  	s8 =	smul.u32 $0x138800, s4;
	s25 =	simm.s32 $0xB20;
	[dreg:$0x18] =	wrdreg s23  }
0x13: {  	s4 =	sor.u32 $0x10, s21;
	s26 =	simm.s32 $0x410;
	[dreg:$0x1a] =	wrdreg s25  }
0x14: {  	s9 =	sor.u32 $0x50, s21;
	[dreg:$0x1b] =	wrdreg s26;
	s17 =	simm.s32 $0x460  }
0x15: {  	s29 =	smul.u32 $0x2800, s21;
	s19 =	simm.s32 $0xBC0;
	[dreg:$0x1d] =	wrdreg s17  }
0x16: {  	s1 =	sadd.s32 s5, s1;
	s5 =	sadd.s32 s12, s16;
	[dreg:$0x1e] =	wrdreg s19  }
0x17: {  	s7 =	smul.u32 $0x500, s4;
	s16 =	simm.s32 $0x2D0;
	[smem:$0x7DE] =	sst s5  }
0x18: {  	s14 =	sshrl.u32 s13, $0x1;
	s17 =	simm.s32 $0xC10;
	[dreg:$0x13] =	wrdreg s16  }
0x19: {  	s1 =	sshrl.u32 s1, $0x3;
	s20 =	sadd.s32 s12, s7;
	[smem:$0x7E6] =	sst s17  }
0x1a: {  	s16 =	simm.s32 $0x4B0;
	s6 =	sadd.s32 s1, s0;
	[smem:$0x7DF] =	sst s20  }
0x1b: {  	s1 =	ssub.s32 s13, s14;
	s13 =	simm.s32 $0x990;
	[dreg:$0x1f] =	wrdreg s16  }
0x1c: {  	s11 =	sor.u32 $0x70, s21;
	s20 =	simm.s32 $0xA80;
	[dreg:$0x10] =	wrdreg s13  }
0x1d: {  	s5 =	sor.u32 $0x20, s21;
	s15 =	sadd.s32 $0x3000, s6;
	[dreg:$0x16] =	wrdreg s20  }
0x1e: {  	s24 =	smul.u32 $0x500, s5;
	s6 =	sadd.s32 $0xCE00, s6;
	[dreg:$0x4] =	wrdreg s15  }
0x1f: {  	s23 =	smul.u32 $0x2800, s9;
	s1 =	smax.u32 s1, $0x1;
	[dreg:$0x5] =	wrdreg s6  }
0x20: {  	s19 =	smul.u32 $0x2800, s11;
	s7 =	sadd.s32 s12, s24;
	[smem:$0x7F4] =	sst s1  }
0x21: {  	s13 =	smul.u32 $0x500, s9;
	s15 =	simm.s32 $0x9E0;
	[smem:$0x7E0] =	sst s7  }
0x22: {  	s6 =	sor.u32 $0x30, s21;
	s24 =	simm.s32 $0x3C0;
	[dreg:$0x12] =	wrdreg s15  }
0x23: {  	s10 =	smul.u32 $0x500, s6;
	s18 =	sadd.s32 s12, s13;
	[dreg:$0x19] =	wrdreg s24  }
0x24: {  	s7 =	sor.u32 $0x40, s21;
	s24 =	simm.s32 $0xC60;
	[smem:$0x7E3] =	sst s18  }
0x25: {  	s14 =	smul.u32 $0x500, s7;
	[smem:$0x7E8] =	sst s24;
	s24 =	simm.s32 $0x550  }
0x26: {  	s15 =	smul.u32 $0x500, s11;
	s10 =	sadd.s32 s12, s10;
	[smem:$0x7F1] =	sst s24  }
0x27: {  	s20 =	smul.u32 $0x2800, s6;
	[smem:$0x7E1] =	sst s10;
	s10 =	sadd.s32 s12, s14  }
0x28: {  	s14 =	simm.s32 $0x370;
	[smem:$0x7E2] =	sst s10;
	s10 =	sor.u32 $0x60, s21  }
0x29: {  	[dreg:$0x17] =	wrdreg s14;
	s14 =	simm.s32 $0xB70;
	s22 =	smul.u32 $0x500, s10  }
0x2a: {  	s25 =	sadd.s32 $0xB3000, s0;
	s18 =	smul.u32 $0x2800, s5;
	[dreg:$0x1c] =	wrdreg s14  }
0x2b: {  	s13 =	sadd.s32 s12, s22;
	s12 =	sadd.s32 s12, s15;
	s15 =	smul.u32 $0x2800, s4  }
0x2c: {  	p0 =	sgt.u32 s11, $0x7C;
	s22 =	smul.u32 $0x2800, s7;
	[smem:$0x7E4] =	sst s13  }
0x2d: {  	s17 =	sadd.s32 s8, s23;
	s4 =	smul.u32 $0xA000, s4;
	[smem:$0x7E5] =	sst s12  }
0x2e: {  	s13 =	sadd.s32 s8, s29;
	s12 =	sadd.s32 s8, s20;
	s20 =	simm.s32 $0x500  }
0x2f: {  	s14 =	sadd.s32 s8, s15;
	s15 =	sadd.s32 s8, s18;
	s18 =	smul.u32 $0x2800, s10  }
0x30: {  	s16 =	sadd.s32 s8, s22;
	[smem:$0x7E7] =	sst s20;
	s13 =	sshrl.u32 s13, $0x3  }
0x31: {  	s12 =	sshrl.u32 s12, $0x3;
	s20 =	sshrl.u32 s17, $0x3;
	s13 =	sadd.s32 s25, s13  }
0x32: {  	s26 =	sshrl.u32 s14, $0x3;
	s29 =	sshrl.u32 s15, $0x3;
	s12 =	sadd.s32 s25, s12  }
0x33: {  	s16 =	sshrl.u32 s16, $0x3;
	s22 =	sadd.s32 s25, s20;
	s20 =	sadd.s32 $0x16C00, s0  }
0x34: {  	s14 =	smul.u32 $0xA000, s6;
	s0 =	sshrl.u32 s4, $0x2;
	s4 =	simm.s32 $0x50  }
0x35: {  	s6 =	simm.s32 $0x3800;
	s18 =	sadd.s32 s8, s18;
	s8 =	sadd.s32 s8, s19  }
0x36: {  	[smem:$0x7E9] =	sst s13;
	s13 =	sadd.s32 s25, s26;
	s15 =	sadd.s32 s25, s29  }
0x37: {  	[smem:$0x7EC] =	sst s12;
	s12 =	sadd.s32 s25, s16;
	s26 =	smul.u32 $0xA000, s21  }
0x38: {  	[smem:$0x7EE] =	sst s22;
	s29 =	simm.s32 $0x5A0;
	s16 =	smul.u32 $0xA000, s7  }
0x39: {  	s0 =	sadd.s32 s0, s2;
	s22 =	smul.u32 $0xA000, s11;
	[smem:$0x7EA] =	sst s13  }
0x3a: {  	s7 =	simm.s32 $0x6000;
	s11 =	simm.s32 $0xD00;
	[smem:$0x7EB] =	sst s15  }
0x3b: {  	[smem:$0x7ED] =	sst s12;
	s23 =	sshrl.u32 s18, $0x3;
	s8 =	sshrl.u32 s8, $0x3  }
0x3c: {  	[smem:$0x7F3] =	sst s29;
	s13 =	smul.u32 $0xA000, s5;
	s15 =	sshll.u32 s21, $0x6  }
0x3d: {  	[smem:$0x7F6] =	sst s0;
	s18 =	smul.u32 $0xA000, s9;
	s19 =	sshrl.u32 s14, $0x2  }
0x3e: {  	s21 =	smul.u32 $0xA000, s10;
	s9 =	simm.s32 $0x2;
	s10 =	simm.s32 $0x3  }
0x3f: {  	s14 =	simm.s32 $0x640;
	s12 =	sadd.s32 s25, s23;
	s8 =	sadd.s32 s25, s8  }
0x40: {  	s25 =	simm.s32 $0xCB0;
	s30 =	sor.u32 $0x1C04, s15;
	[smem:$0x7EF] =	sst s12  }
0x41: {  	s5 =	sshrl.u32 s16, $0x2;
	s15 =	simm.s32 $0xDA0;
	[smem:$0x7F0] =	sst s8  }
0x42: {  	s16 =	simm.s32 $0x690;
	[smem:$0x7F2] =	sst s25;
	s12 =	sshrl.u32 s26, $0x2  }
0x43: {  	s17 =	sshrl.u32 s13, $0x2;
	s23 =	sadd.s32 s5, s2;
	s24 =	sshrl.u32 s18, $0x2  }
0x44: {  	s25 =	sshrl.u32 s21, $0x2;
	s26 =	sshrl.u32 s22, $0x2;
	s5 =	simm.s32 $0x1000  }
0x45: {  	s8 =	simm.s32 $0x1;
	s13 =	simm.s32 $0xD50;
	s18 =	simm.s32 $0x6E0  }
0x46: {  	s21 =	simm.s32 $0x730;
	s22 =	simm.s32 $0xE90;
	[smem:$0x7FD] =	sst s30  }
0x47: {  	s1 =	sadd.s32 s12, s2;
	s0 =	sadd.s32 s17, s2;
	[smem:$0x7F9] =	sst s23  }
0x48: {  	s29 =	sadd.s32 s26, s2;
	s12 =	simm.s32 $0x5F0;
	[smem:$0x7F5] =	sst s1  }
0x49: {  	s17 =	simm.s32 $0xDF0;
	s26 =	simm.s32 $0xF30;
	[smem:$0x7F7] =	sst s0  }
0x4a: {  	s0 =	sadd.s32 s19, s2;
	[smem:$0x7FC] =	sst s29;
	s1 =	simm.s32 $0x4  }
0x4b: {  	s19 =	simm.s32 $0xE40;
	[smem:$0x7F8] =	sst s0;
	s0 =	sadd.s32 s24, s2  }
0x4c: {  	s24 =	simm.s32 $0x780;
	[smem:$0x7FA] =	sst s0;
	s0 =	sadd.s32 s25, s2  }
0x4d: {  	s25 =	simm.s32 $0xEE0;
	[smem:$0x7FB] =	sst s0;
	s0 =	simm.s32 $0x800  }
.LBB2_1:
0x4e: {  	s23 =	sld [smem:$0x7F5];
	_ =	sdelay $0x2  }
0x4f: {  	s29 =	sshrl.u32 s23, $0x3;
	s23 =	sld [smem:$0x7DE]  }
0x50: {  	[smem:$0x7D5] =	sst s31  }
0x51: {  	[smem:$0x7D6] =	sst s29  }
0x52: {  	[spmem:s29], [sflag:s30] =	dma.local [hbm:s23], $0x500  }
0x53: {  	_ =	swait.ge [sflag:s1], $0x500  }
0x54: {  	s23 =	sld [smem:$0x7F6];
	_ =	sdelay $0x2  }
0x55: {  	s29 =	sshrl.u32 s23, $0x3;
	s23 =	sld [smem:$0x7DF]  }
0x56: {  	[sflag:s1] =	ssyncset.done $0x0  }
0x57: {  	[sflag:s1] =	ssyncadd.s32 $0xFFFFFB00;
	[smem:$0x7D7] =	sst s29  }
0x58: {  	[spmem:s29], [sflag:s30] =	dma.local [hbm:s23], $0x500  }
0x59: {  	_ =	swait.ge [sflag:s1], $0x500  }
0x5a: {  	s23 =	sld [smem:$0x7F7];
	_ =	sdelay $0x2  }
0x5b: {  	s29 =	sshrl.u32 s23, $0x3;
	s23 =	sld [smem:$0x7E0]  }
0x5c: {  	[sflag:s1] =	ssyncset.done $0x0  }
0x5d: {  	[sflag:s1] =	ssyncadd.s32 $0xFFFFFB00;
	[smem:$0x7D8] =	sst s29  }
0x5e: {  	[spmem:s29], [sflag:s30] =	dma.local [hbm:s23], $0x500  }
0x5f: {  	_ =	swait.ge [sflag:s1], $0x500  }
0x60: {  	s23 =	sld [smem:$0x7F8];
	_ =	sdelay $0x2  }
0x61: {  	s29 =	sshrl.u32 s23, $0x3;
	s23 =	sld [smem:$0x7E1]  }
0x62: {  	[sflag:s1] =	ssyncset.done $0x0  }
0x63: {  	[sflag:s1] =	ssyncadd.s32 $0xFFFFFB00;
	[smem:$0x7D9] =	sst s29  }
0x64: {  	[spmem:s29], [sflag:s30] =	dma.local [hbm:s23], $0x500  }
0x65: {  	_ =	swait.ge [sflag:s1], $0x500  }
0x66: {  	s23 =	sld [smem:$0x7F9];
	_ =	sdelay $0x2  }
0x67: {  	s29 =	sshrl.u32 s23, $0x3;
	s23 =	sld [smem:$0x7E2]  }
0x68: {  	[sflag:s1] =	ssyncset.done $0x0  }
0x69: {  	[sflag:s1] =	ssyncadd.s32 $0xFFFFFB00;
	[smem:$0x7DA] =	sst s29  }
0x6a: {  	[spmem:s29], [sflag:s30] =	dma.local [hbm:s23], $0x500  }
0x6b: {  	_ =	swait.ge [sflag:s1], $0x500  }
0x6c: {  	s23 =	sld [smem:$0x7FA];
	_ =	sdelay $0x2  }
0x6d: {  	s29 =	sshrl.u32 s23, $0x3;
	s23 =	sld [smem:$0x7E3]  }
0x6e: {  	[sflag:s1] =	ssyncset.done $0x0  }
0x6f: {  	[sflag:s1] =	ssyncadd.s32 $0xFFFFFB00;
	[smem:$0x7DB] =	sst s29  }
0x70: {  	[spmem:s29], [sflag:s30] =	dma.local [hbm:s23], $0x500  }
0x71: {  	_ =	swait.ge [sflag:s1], $0x500  }
0x72: {  	s23 =	sld [smem:$0x7FB];
	_ =	sdelay $0x2  }
0x73: {  	s29 =	sshrl.u32 s23, $0x3;
	s23 =	sld [smem:$0x7E4]  }
0x74: {  	[sflag:s1] =	ssyncset.done $0x0  }
0x75: {  	[sflag:s1] =	ssyncadd.s32 $0xFFFFFB00;
	[smem:$0x7DC] =	sst s29  }
0x76: {  	[spmem:s29], [sflag:s30] =	dma.local [hbm:s23], $0x500  }
0x77: {  	_ =	swait.ge [sflag:s1], $0x500  }
0x78: {  	s23 =	sld [smem:$0x7FC];
	_ =	sdelay $0x2  }
0x79: {  	s29 =	sshrl.u32 @!p0 s23, $0x3;
	s23 =	sld [smem:$0x7E5]  }
0x7a: {  	[sflag:s1] =	ssyncset.done $0x0  }
0x7b: {  	[sflag:s1] =	ssyncadd.s32 $0xFFFFFB00;
	[smem:$0x7DD] =	sst s29  }
0x7c: {  	[spmem:s29], [sflag:s30] =	dma.local @!p0 [hbm:s23], $0x500  }
0x7d: {  	s29 =	simm.s32 @!p0 $0x4  }
0x7e: {  	_ =	swait.ge @!p0 [sflag:s29], $0x500  }
0x7f: {  	[sflag:s29] =	ssyncset.done @!p0 $0x0  }
0x80: {  	[sflag:s29] =	ssyncadd.s32 @!p0 $0xFFFFFB00  }
0x81: {  	[bflag:$0x0] =	sbarrier.arrive $0xFFFF  }
0x82: {  	s29 =	rddreg [dreg:$0x5]  }
0x83: {  	s29 =	sadd.s32 $0x0, s29  }
0x84: {  	[tilespmem:s3], [sflag:$0x4] =	stream.linear.gather [hbm4b:s29+s3], $0x7D0, $0x38;
	[tilespmem:$0x1C080] =	vst v63  }
0x85: {  	_ =	swait.ge [sflag:s1], $0x7D0  }
0x86: {  	s29 =	rddreg [dreg:$0x4];
	[sflag:s1] =	ssyncset.done $0x0  }
0x87: {  	[sflag:s1] =	ssyncadd.s32 $0xFFFFF830;
	s29 =	sadd.s32 $0x0, s29  }
0x88: {  	[tilespmem:s0], [sflag:$0x4] =	stream.linear.gather [hbm4b:s29+s3], $0x7D0, $0x38;
	[tilespmem:$0x1C080] =	vst v63  }
0x89: {  	_ =	swait.ge [sflag:s1], $0x7D0  }
0x8a: {  	[sflag:s1] =	ssyncset.done $0x0  }
0x8b: {  	[sflag:s1] =	ssyncadd.s32 $0xFFFFF830  }
0x8c: {  	[tilespmem:s5], [sflag:$0x1] =	stream.indirect.gather [hbm4b:s20+s4], $0x80, s3, s4, $0xb8;
	[tilespmem:$0x1C080] =	vst v63  }
0x8d: {  	_ = 	snop  }
0x8e: {  	[tilespmem:s6], [sflag:$0x2] =	stream.indirect.gather [hbm4b:s20+s4], $0x80, s4, s4, $0xb8;
	[tilespmem:$0x1C080] =	vst v63  }
0x8f: {  	s29 =	rddreg [dreg:$0x6]  }
0x90: {  	[tilespmem:s7], [sflag:$0x3] =	stream.indirect.gather [hbm4b:s20+s4], $0x80, s29, s4, $0xb8;
	[tilespmem:$0x1C080] =	vst v63  }
0x91: {  	_ =	swait.ge [sflag:s8], $0x2800  }
0x92: {  	[sflag:s8] =	ssyncset.done $0x0  }
0x93: {  	[sflag:s8] =	ssyncadd.s32 $0xFFFFD800  }
0x94: {  	[spmem:s2] =	stream.indirect.scatter.add.f32 [tilespmem:s5], [sflag:$0x4], $0x80, s0, s4, $0xb8;
	[tilespmem:$0x1C080] =	vst v63  }
0x95: {  	_ =	swait.ge [sflag:s1], $0x2800  }
0x96: {  	[sflag:s1] =	ssyncset.done $0x0  }
0x97: {  	s29 =	rddreg [dreg:$0x7];
	[sflag:s1] =	ssyncadd.s32 $0xFFFFD800  }
0x98: {  	[tilespmem:s5], [sflag:$0x1] =	stream.indirect.gather [hbm4b:s20+s4], $0x80, s29, s4, $0xb8;
	[tilespmem:$0x1C080] =	vst v63  }
0x99: {  	_ =	swait.ge [sflag:s9], $0x2800  }
0x9a: {  	[sflag:s9] =	ssyncset.done $0x0  }
0x9b: {  	s29 =	rddreg [dreg:$0x8];
	[sflag:s9] =	ssyncadd.s32 $0xFFFFD800  }
0x9c: {  	[spmem:s2] =	stream.indirect.scatter.add.f32 [tilespmem:s6], [sflag:$0x4], $0x80, s29, s4, $0xb8;
	[tilespmem:$0x1C080] =	vst v63  }
0x9d: {  	_ =	swait.ge [sflag:s1], $0x2800  }
0x9e: {  	[sflag:s1] =	ssyncset.done $0x0  }
0x9f: {  	s29 =	rddreg [dreg:$0x9];
	[sflag:s1] =	ssyncadd.s32 $0xFFFFD800  }
0xa0: {  	[tilespmem:s6], [sflag:$0x2] =	stream.indirect.gather [hbm4b:s20+s4], $0x80, s29, s4, $0xb8;
	[tilespmem:$0x1C080] =	vst v63  }
0xa1: {  	_ =	swait.ge [sflag:s10], $0x2800  }
0xa2: {  	[sflag:s10] =	ssyncset.done $0x0  }
0xa3: {  	s29 =	rddreg [dreg:$0xa];
	[sflag:s10] =	ssyncadd.s32 $0xFFFFD800  }
0xa4: {  	[spmem:s2] =	stream.indirect.scatter.add.f32 [tilespmem:s7], [sflag:$0x4], $0x80, s29, s4, $0xb8;
	[tilespmem:$0x1C080] =	vst v63  }
0xa5: {  	_ =	swait.ge [sflag:s1], $0x2800  }
0xa6: {  	[sflag:s1] =	ssyncset.done $0x0  }
0xa7: {  	s29 =	rddreg [dreg:$0xb];
	[sflag:s1] =	ssyncadd.s32 $0xFFFFD800  }
0xa8: {  	[tilespmem:s7], [sflag:$0x3] =	stream.indirect.gather [hbm4b:s20+s4], $0x80, s29, s4, $0xb8;
	[tilespmem:$0x1C080] =	vst v63  }
0xa9: {  	_ =	swait.ge [sflag:s8], $0x2800  }
0xaa: {  	[sflag:s8] =	ssyncset.done $0x0  }
0xab: {  	s29 =	rddreg [dreg:$0xc];
	[sflag:s8] =	ssyncadd.s32 $0xFFFFD800  }
0xac: {  	[spmem:s2] =	stream.indirect.scatter.add.f32 [tilespmem:s5], [sflag:$0x4], $0x80, s29, s4, $0xb8;
	[tilespmem:$0x1C080] =	vst v63  }
0xad: {  	_ =	swait.ge [sflag:s1], $0x2800  }
0xae: {  	[sflag:s1] =	ssyncset.done $0x0  }
0xaf: {  	s29 =	rddreg [dreg:$0xd];
	[sflag:s1] =	ssyncadd.s32 $0xFFFFD800  }
0xb0: {  	[tilespmem:s5], [sflag:$0x1] =	stream.indirect.gather [hbm4b:s20+s4], $0x80, s29, s4, $0xb8;
	[tilespmem:$0x1C080] =	vst v63  }
0xb1: {  	_ =	swait.ge [sflag:s9], $0x2800  }
0xb2: {  	[sflag:s9] =	ssyncset.done $0x0  }
0xb3: {  	s29 =	rddreg [dreg:$0xe];
	[sflag:s9] =	ssyncadd.s32 $0xFFFFD800  }
0xb4: {  	[spmem:s2] =	stream.indirect.scatter.add.f32 [tilespmem:s6], [sflag:$0x4], $0x80, s29, s4, $0xb8;
	[tilespmem:$0x1C080] =	vst v63  }
0xb5: {  	_ =	swait.ge [sflag:s1], $0x2800  }
0xb6: {  	[sflag:s1] =	ssyncset.done $0x0  }
0xb7: {  	s29 =	rddreg [dreg:$0xf];
	[sflag:s1] =	ssyncadd.s32 $0xFFFFD800  }
0xb8: {  	[tilespmem:s6], [sflag:$0x2] =	stream.indirect.gather [hbm4b:s20+s4], $0x80, s29, s4, $0xb8;
	[tilespmem:$0x1C080] =	vst v63  }
0xb9: {  	_ =	swait.ge [sflag:s10], $0x2800  }
0xba: {  	[sflag:s10] =	ssyncset.done $0x0  }
0xbb: {  	s29 =	rddreg [dreg:$0x10];
	[sflag:s10] =	ssyncadd.s32 $0xFFFFD800  }
0xbc: {  	[spmem:s2] =	stream.indirect.scatter.add.f32 [tilespmem:s7], [sflag:$0x4], $0x80, s29, s4, $0xb8;
	[tilespmem:$0x1C080] =	vst v63  }
0xbd: {  	_ =	swait.ge [sflag:s1], $0x2800  }
0xbe: {  	[sflag:s1] =	ssyncset.done $0x0  }
0xbf: {  	s29 =	rddreg [dreg:$0x11];
	[sflag:s1] =	ssyncadd.s32 $0xFFFFD800  }
0xc0: {  	[tilespmem:s7], [sflag:$0x3] =	stream.indirect.gather [hbm4b:s20+s4], $0x80, s29, s4, $0xb8;
	[tilespmem:$0x1C080] =	vst v63  }
0xc1: {  	_ =	swait.ge [sflag:s8], $0x2800  }
0xc2: {  	[sflag:s8] =	ssyncset.done $0x0  }
0xc3: {  	s29 =	rddreg [dreg:$0x12];
	[sflag:s8] =	ssyncadd.s32 $0xFFFFD800  }
0xc4: {  	[spmem:s2] =	stream.indirect.scatter.add.f32 [tilespmem:s5], [sflag:$0x4], $0x80, s29, s4, $0xb8;
	[tilespmem:$0x1C080] =	vst v63  }
0xc5: {  	_ =	swait.ge [sflag:s1], $0x2800  }
0xc6: {  	[sflag:s1] =	ssyncset.done $0x0  }
0xc7: {  	s29 =	rddreg [dreg:$0x13];
	[sflag:s1] =	ssyncadd.s32 $0xFFFFD800  }
0xc8: {  	[tilespmem:s5], [sflag:$0x1] =	stream.indirect.gather [hbm4b:s20+s4], $0x80, s29, s4, $0xb8;
	[tilespmem:$0x1C080] =	vst v63  }
0xc9: {  	_ =	swait.ge [sflag:s9], $0x2800  }
0xca: {  	[sflag:s9] =	ssyncset.done $0x0  }
0xcb: {  	s29 =	rddreg [dreg:$0x14];
	[sflag:s9] =	ssyncadd.s32 $0xFFFFD800  }
0xcc: {  	[spmem:s2] =	stream.indirect.scatter.add.f32 [tilespmem:s6], [sflag:$0x4], $0x80, s29, s4, $0xb8;
	[tilespmem:$0x1C080] =	vst v63  }
0xcd: {  	_ =	swait.ge [sflag:s1], $0x2800  }
0xce: {  	[sflag:s1] =	ssyncset.done $0x0  }
0xcf: {  	s29 =	rddreg [dreg:$0x15];
	[sflag:s1] =	ssyncadd.s32 $0xFFFFD800  }
0xd0: {  	[tilespmem:s6], [sflag:$0x2] =	stream.indirect.gather [hbm4b:s20+s4], $0x80, s29, s4, $0xb8;
	[tilespmem:$0x1C080] =	vst v63  }
0xd1: {  	_ =	swait.ge [sflag:s10], $0x2800  }
0xd2: {  	[sflag:s10] =	ssyncset.done $0x0  }
0xd3: {  	s29 =	rddreg [dreg:$0x16];
	[sflag:s10] =	ssyncadd.s32 $0xFFFFD800  }
0xd4: {  	[spmem:s2] =	stream.indirect.scatter.add.f32 [tilespmem:s7], [sflag:$0x4], $0x80, s29, s4, $0xb8;
	[tilespmem:$0x1C080] =	vst v63  }
0xd5: {  	_ =	swait.ge [sflag:s1], $0x2800  }
0xd6: {  	[sflag:s1] =	ssyncset.done $0x0  }
0xd7: {  	s29 =	rddreg [dreg:$0x17];
	[sflag:s1] =	ssyncadd.s32 $0xFFFFD800  }
0xd8: {  	[tilespmem:s7], [sflag:$0x3] =	stream.indirect.gather [hbm4b:s20+s4], $0x80, s29, s4, $0xb8;
	[tilespmem:$0x1C080] =	vst v63  }
0xd9: {  	_ =	swait.ge [sflag:s8], $0x2800  }
0xda: {  	[sflag:s8] =	ssyncset.done $0x0  }
0xdb: {  	s29 =	rddreg [dreg:$0x18];
	[sflag:s8] =	ssyncadd.s32 $0xFFFFD800  }
0xdc: {  	[spmem:s2] =	stream.indirect.scatter.add.f32 [tilespmem:s5], [sflag:$0x4], $0x80, s29, s4, $0xb8;
	[tilespmem:$0x1C080] =	vst v63  }
0xdd: {  	_ =	swait.ge [sflag:s1], $0x2800  }
0xde: {  	[sflag:s1] =	ssyncset.done $0x0  }
0xdf: {  	s29 =	rddreg [dreg:$0x19];
	[sflag:s1] =	ssyncadd.s32 $0xFFFFD800  }
0xe0: {  	[tilespmem:s5], [sflag:$0x1] =	stream.indirect.gather [hbm4b:s20+s4], $0x80, s29, s4, $0xb8;
	[tilespmem:$0x1C080] =	vst v63  }
0xe1: {  	_ =	swait.ge [sflag:s9], $0x2800  }
0xe2: {  	[sflag:s9] =	ssyncset.done $0x0  }
0xe3: {  	s29 =	rddreg [dreg:$0x1a];
	[sflag:s9] =	ssyncadd.s32 $0xFFFFD800  }
0xe4: {  	[spmem:s2] =	stream.indirect.scatter.add.f32 [tilespmem:s6], [sflag:$0x4], $0x80, s29, s4, $0xb8;
	[tilespmem:$0x1C080] =	vst v63  }
0xe5: {  	_ =	swait.ge [sflag:s1], $0x2800  }
0xe6: {  	[sflag:s1] =	ssyncset.done $0x0  }
0xe7: {  	s29 =	rddreg [dreg:$0x1b];
	[sflag:s1] =	ssyncadd.s32 $0xFFFFD800  }
0xe8: {  	[tilespmem:s6], [sflag:$0x2] =	stream.indirect.gather [hbm4b:s20+s4], $0x80, s29, s4, $0xb8;
	[tilespmem:$0x1C080] =	vst v63  }
0xe9: {  	_ =	swait.ge [sflag:s10], $0x2800  }
0xea: {  	[sflag:s10] =	ssyncset.done $0x0  }
0xeb: {  	s29 =	rddreg [dreg:$0x1c];
	[sflag:s10] =	ssyncadd.s32 $0xFFFFD800  }
0xec: {  	[spmem:s2] =	stream.indirect.scatter.add.f32 [tilespmem:s7], [sflag:$0x4], $0x80, s29, s4, $0xb8;
	[tilespmem:$0x1C080] =	vst v63  }
0xed: {  	_ =	swait.ge [sflag:s1], $0x2800  }
0xee: {  	[sflag:s1] =	ssyncset.done $0x0  }
0xef: {  	s29 =	rddreg [dreg:$0x1d];
	[sflag:s1] =	ssyncadd.s32 $0xFFFFD800  }
0xf0: {  	[tilespmem:s7], [sflag:$0x3] =	stream.indirect.gather [hbm4b:s20+s4], $0x80, s29, s4, $0xb8;
	[tilespmem:$0x1C080] =	vst v63  }
0xf1: {  	_ =	swait.ge [sflag:s8], $0x2800  }
0xf2: {  	[sflag:s8] =	ssyncset.done $0x0  }
0xf3: {  	s29 =	rddreg [dreg:$0x1e];
	[sflag:s8] =	ssyncadd.s32 $0xFFFFD800  }
0xf4: {  	[spmem:s2] =	stream.indirect.scatter.add.f32 [tilespmem:s5], [sflag:$0x4], $0x80, s29, s4, $0xb8;
	[tilespmem:$0x1C080] =	vst v63  }
0xf5: {  	_ =	swait.ge [sflag:s1], $0x2800  }
0xf6: {  	[sflag:s1] =	ssyncset.done $0x0  }
0xf7: {  	s29 =	rddreg [dreg:$0x1f];
	[sflag:s1] =	ssyncadd.s32 $0xFFFFD800  }
0xf8: {  	[tilespmem:s5], [sflag:$0x1] =	stream.indirect.gather [hbm4b:s20+s4], $0x80, s29, s4, $0xb8;
	[tilespmem:$0x1C080] =	vst v63  }
0xf9: {  	_ =	swait.ge [sflag:s9], $0x2800  }
0xfa: {  	s29 =	sld [smem:$0x7E6]  }
0xfb: {  	[sflag:s9] =	ssyncset.done $0x0  }
0xfc: {  	[sflag:s9] =	ssyncadd.s32 $0xFFFFD800  }
0xfd: {  	[spmem:s2] =	stream.indirect.scatter.add.f32 [tilespmem:s6], [sflag:$0x4], $0x80, s29, s4, $0xb8;
	[tilespmem:$0x1C080] =	vst v63  }
0xfe: {  	_ =	swait.ge [sflag:s1], $0x2800  }
0xff: {  	s29 =	sld [smem:$0x7E7]  }
0x100: {  	[sflag:s1] =	ssyncset.done $0x0  }
0x101: {  	[sflag:s1] =	ssyncadd.s32 $0xFFFFD800  }
0x102: {  	[tilespmem:s6], [sflag:$0x2] =	stream.indirect.gather [hbm4b:s20+s4], $0x80, s29, s4, $0xb8;
	[tilespmem:$0x1C080] =	vst v63  }
0x103: {  	_ =	swait.ge [sflag:s10], $0x2800  }
0x104: {  	s29 =	sld [smem:$0x7E8]  }
0x105: {  	[sflag:s10] =	ssyncset.done $0x0  }
0x106: {  	[sflag:s10] =	ssyncadd.s32 $0xFFFFD800  }
0x107: {  	[spmem:s2] =	stream.indirect.scatter.add.f32 [tilespmem:s7], [sflag:$0x4], $0x80, s29, s4, $0xb8;
	[tilespmem:$0x1C080] =	vst v63  }
0x108: {  	_ =	swait.ge [sflag:s1], $0x2800  }
0x109: {  	s29 =	sld [smem:$0x7F1]  }
0x10a: {  	[sflag:s1] =	ssyncset.done $0x0  }
0x10b: {  	[sflag:s1] =	ssyncadd.s32 $0xFFFFD800  }
0x10c: {  	[tilespmem:s7], [sflag:$0x3] =	stream.indirect.gather [hbm4b:s20+s4], $0x80, s29, s4, $0xb8;
	[tilespmem:$0x1C080] =	vst v63  }
0x10d: {  	_ =	swait.ge [sflag:s8], $0x2800  }
0x10e: {  	s29 =	sld [smem:$0x7F2]  }
0x10f: {  	[sflag:s8] =	ssyncset.done $0x0  }
0x110: {  	[sflag:s8] =	ssyncadd.s32 $0xFFFFD800  }
0x111: {  	[spmem:s2] =	stream.indirect.scatter.add.f32 [tilespmem:s5], [sflag:$0x4], $0x80, s29, s4, $0xb8;
	[tilespmem:$0x1C080] =	vst v63  }
0x112: {  	_ =	swait.ge [sflag:s1], $0x2800  }
0x113: {  	s29 =	sld [smem:$0x7F3]  }
0x114: {  	[sflag:s1] =	ssyncset.done $0x0  }
0x115: {  	[sflag:s1] =	ssyncadd.s32 $0xFFFFD800  }
0x116: {  	[tilespmem:s5], [sflag:$0x1] =	stream.indirect.gather [hbm4b:s20+s4], $0x80, s29, s4, $0xb8;
	[tilespmem:$0x1C080] =	vst v63  }
0x117: {  	_ =	swait.ge [sflag:s9], $0x2800  }
0x118: {  	[sflag:s9] =	ssyncset.done $0x0  }
0x119: {  	[sflag:s9] =	ssyncadd.s32 $0xFFFFD800  }
0x11a: {  	[spmem:s2] =	stream.indirect.scatter.add.f32 [tilespmem:s6], [sflag:$0x4], $0x80, s11, s4, $0xb8;
	[tilespmem:$0x1C080] =	vst v63  }
0x11b: {  	_ =	swait.ge [sflag:s1], $0x2800  }
0x11c: {  	[sflag:s1] =	ssyncset.done $0x0  }
0x11d: {  	[sflag:s1] =	ssyncadd.s32 $0xFFFFD800  }
0x11e: {  	[tilespmem:s6], [sflag:$0x2] =	stream.indirect.gather [hbm4b:s20+s4], $0x80, s12, s4, $0xb8;
	[tilespmem:$0x1C080] =	vst v63  }
0x11f: {  	_ =	swait.ge [sflag:s10], $0x2800  }
0x120: {  	[sflag:s10] =	ssyncset.done $0x0  }
0x121: {  	[sflag:s10] =	ssyncadd.s32 $0xFFFFD800  }
0x122: {  	[spmem:s2] =	stream.indirect.scatter.add.f32 [tilespmem:s7], [sflag:$0x4], $0x80, s13, s4, $0xb8;
	[tilespmem:$0x1C080] =	vst v63  }
0x123: {  	_ =	swait.ge [sflag:s1], $0x2800  }
0x124: {  	[sflag:s1] =	ssyncset.done $0x0  }
0x125: {  	[sflag:s1] =	ssyncadd.s32 $0xFFFFD800  }
0x126: {  	[tilespmem:s7], [sflag:$0x3] =	stream.indirect.gather [hbm4b:s20+s4], $0x80, s14, s4, $0xb8;
	[tilespmem:$0x1C080] =	vst v63  }
0x127: {  	_ =	swait.ge [sflag:s8], $0x2800  }
0x128: {  	[sflag:s8] =	ssyncset.done $0x0  }
0x129: {  	[sflag:s8] =	ssyncadd.s32 $0xFFFFD800  }
0x12a: {  	[spmem:s2] =	stream.indirect.scatter.add.f32 [tilespmem:s5], [sflag:$0x4], $0x80, s15, s4, $0xb8;
	[tilespmem:$0x1C080] =	vst v63  }
0x12b: {  	_ =	swait.ge [sflag:s1], $0x2800  }
0x12c: {  	[sflag:s1] =	ssyncset.done $0x0  }
0x12d: {  	[sflag:s1] =	ssyncadd.s32 $0xFFFFD800  }
0x12e: {  	[tilespmem:s5], [sflag:$0x1] =	stream.indirect.gather [hbm4b:s20+s4], $0x80, s16, s4, $0xb8;
	[tilespmem:$0x1C080] =	vst v63  }
0x12f: {  	_ =	swait.ge [sflag:s9], $0x2800  }
0x130: {  	[sflag:s9] =	ssyncset.done $0x0  }
0x131: {  	[sflag:s9] =	ssyncadd.s32 $0xFFFFD800  }
0x132: {  	[spmem:s2] =	stream.indirect.scatter.add.f32 [tilespmem:s6], [sflag:$0x4], $0x80, s17, s4, $0xb8;
	[tilespmem:$0x1C080] =	vst v63  }
0x133: {  	_ =	swait.ge [sflag:s1], $0x2800  }
0x134: {  	[sflag:s1] =	ssyncset.done $0x0  }
0x135: {  	[sflag:s1] =	ssyncadd.s32 $0xFFFFD800  }
0x136: {  	[tilespmem:s6], [sflag:$0x2] =	stream.indirect.gather [hbm4b:s20+s4], $0x80, s18, s4, $0xb8;
	[tilespmem:$0x1C080] =	vst v63  }
0x137: {  	_ =	swait.ge [sflag:s10], $0x2800  }
0x138: {  	[sflag:s10] =	ssyncset.done $0x0  }
0x139: {  	[sflag:s10] =	ssyncadd.s32 $0xFFFFD800  }
0x13a: {  	[spmem:s2] =	stream.indirect.scatter.add.f32 [tilespmem:s7], [sflag:$0x4], $0x80, s19, s4, $0xb8;
	[tilespmem:$0x1C080] =	vst v63  }
0x13b: {  	_ =	swait.ge [sflag:s1], $0x2800  }
0x13c: {  	[sflag:s1] =	ssyncset.done $0x0  }
0x13d: {  	[sflag:s1] =	ssyncadd.s32 $0xFFFFD800  }
0x13e: {  	[tilespmem:s7], [sflag:$0x3] =	stream.indirect.gather [hbm4b:s20+s4], $0x80, s21, s4, $0xb8;
	[tilespmem:$0x1C080] =	vst v63  }
0x13f: {  	_ =	swait.ge [sflag:s8], $0x2800  }
0x140: {  	[sflag:s8] =	ssyncset.done $0x0  }
0x141: {  	[sflag:s8] =	ssyncadd.s32 $0xFFFFD800  }
0x142: {  	[spmem:s2] =	stream.indirect.scatter.add.f32 [tilespmem:s5], [sflag:$0x4], $0x80, s22, s4, $0xb8;
	[tilespmem:$0x1C080] =	vst v63  }
0x143: {  	_ =	swait.ge [sflag:s1], $0x2800  }
0x144: {  	[sflag:s1] =	ssyncset.done $0x0  }
0x145: {  	[sflag:s1] =	ssyncadd.s32 $0xFFFFD800  }
0x146: {  	[tilespmem:s5], [sflag:$0x1] =	stream.indirect.gather [hbm4b:s20+s4], $0x80, s24, s4, $0xb8;
	[tilespmem:$0x1C080] =	vst v63  }
0x147: {  	_ =	swait.ge [sflag:s9], $0x2800  }
0x148: {  	[sflag:s9] =	ssyncset.done $0x0  }
0x149: {  	[sflag:s9] =	ssyncadd.s32 $0xFFFFD800  }
0x14a: {  	[spmem:s2] =	stream.indirect.scatter.add.f32 [tilespmem:s6], [sflag:$0x4], $0x80, s25, s4, $0xb8;
	[tilespmem:$0x1C080] =	vst v63  }
0x14b: {  	_ =	swait.ge [sflag:s1], $0x2800  }
0x14c: {  	[sflag:s1] =	ssyncset.done $0x0  }
0x14d: {  	[sflag:s1] =	ssyncadd.s32 $0xFFFFD800  }
0x14e: {  	_ =	swait.ge [sflag:s10], $0x2800  }
0x14f: {  	[sflag:s10] =	ssyncset.done $0x0  }
0x150: {  	[sflag:s10] =	ssyncadd.s32 $0xFFFFD800  }
0x151: {  	[spmem:s2] =	stream.indirect.scatter.add.f32 [tilespmem:s7], [sflag:$0x4], $0x80, s26, s4, $0xb8;
	[tilespmem:$0x1C080] =	vst v63  }
0x152: {  	_ =	swait.ge [sflag:s1], $0x2800  }
0x153: {  	[sflag:s1] =	ssyncset.done $0x0  }
0x154: {  	[sflag:s1] =	ssyncadd.s32 $0xFFFFD800  }
0x155: {  	_ =	swait.ge [sflag:s8], $0x2800  }
0x156: {  	[sflag:s8] =	ssyncset.done $0x0  }
0x157: {  	[sflag:s8] =	ssyncadd.s32 $0xFFFFD800  }
0x158: {  	[spmem:s2] =	stream.indirect.scatter.add.f32 [tilespmem:s5], [sflag:$0x4], $0x80, s28, s4, $0xb8;
	[tilespmem:$0x1C080] =	vst v63  }
0x159: {  	s31 =	simm.s32 $0x1F4;
	_ =	swait.ge [sflag:s1], $0x2800  }
0x15a: {  	s30 =	simm.s32 $0xFA;
	s29 =	rddreg [dreg:$0x5];
	[sflag:s1] =	ssyncset.done $0x0  }
.LBB2_2:
0x15b: {  	[sflag:s1] =	ssyncadd.s32 $0xFFFFD800;
	s29 =	sadd.s32 s30, s29  }
0x15c: {  	[tilespmem:s3], [sflag:$0x4] =	stream.linear.gather [hbm4b:s29+s3], $0x7D0, $0x38;
	[tilespmem:$0x1C080] =	vst v63  }
0x15d: {  	_ =	swait.ge [sflag:s1], $0x7D0  }
0x15e: {  	s29 =	rddreg [dreg:$0x4];
	[sflag:s1] =	ssyncset.done $0x0  }
0x15f: {  	[sflag:s1] =	ssyncadd.s32 $0xFFFFF830;
	s29 =	sadd.s32 s30, s29  }
0x160: {  	[tilespmem:s0], [sflag:$0x4] =	stream.linear.gather [hbm4b:s29+s3], $0x7D0, $0x38;
	[tilespmem:$0x1C080] =	vst v63  }
0x161: {  	_ =	swait.ge [sflag:s1], $0x7D0  }
0x162: {  	[sflag:s1] =	ssyncset.done $0x0  }
0x163: {  	[sflag:s1] =	ssyncadd.s32 $0xFFFFF830  }
0x164: {  	[tilespmem:s5], [sflag:$0x1] =	stream.indirect.gather [hbm4b:s20+s4], $0x80, s3, s4, $0xb8;
	[tilespmem:$0x1C080] =	vst v63  }
0x165: {  	s23 =	smov.u32 s31  }
0x166: {  	[tilespmem:s6], [sflag:$0x2] =	stream.indirect.gather [hbm4b:s20+s4], $0x80, s4, s4, $0xb8;
	[tilespmem:$0x1C080] =	vst v63  }
0x167: {  	s30 =	smov.u32 s23;
	s23 =	rddreg [dreg:$0x6]  }
0x168: {  	[tilespmem:s7], [sflag:$0x3] =	stream.indirect.gather [hbm4b:s20+s4], $0x80, s23, s4, $0xb8;
	[tilespmem:$0x1C080] =	vst v63  }
0x169: {  	_ =	swait.ge [sflag:s8], $0x2800  }
0x16a: {  	[sflag:s8] =	ssyncset.done $0x0  }
0x16b: {  	[sflag:s8] =	ssyncadd.s32 $0xFFFFD800  }
0x16c: {  	[spmem:s2] =	stream.indirect.scatter.add.f32 [tilespmem:s5], [sflag:$0x4], $0x80, s0, s4, $0xb8;
	[tilespmem:$0x1C080] =	vst v63  }
0x16d: {  	_ =	swait.ge [sflag:s1], $0x2800  }
0x16e: {  	[sflag:s1] =	ssyncset.done $0x0  }
0x16f: {  	s23 =	rddreg [dreg:$0x7];
	[sflag:s1] =	ssyncadd.s32 $0xFFFFD800  }
0x170: {  	[tilespmem:s5], [sflag:$0x1] =	stream.indirect.gather [hbm4b:s20+s4], $0x80, s23, s4, $0xb8;
	[tilespmem:$0x1C080] =	vst v63  }
0x171: {  	_ =	swait.ge [sflag:s9], $0x2800  }
0x172: {  	[sflag:s9] =	ssyncset.done $0x0  }
0x173: {  	s23 =	rddreg [dreg:$0x8];
	[sflag:s9] =	ssyncadd.s32 $0xFFFFD800  }
0x174: {  	[spmem:s2] =	stream.indirect.scatter.add.f32 [tilespmem:s6], [sflag:$0x4], $0x80, s23, s4, $0xb8;
	[tilespmem:$0x1C080] =	vst v63  }
0x175: {  	_ =	swait.ge [sflag:s1], $0x2800  }
0x176: {  	[sflag:s1] =	ssyncset.done $0x0  }
0x177: {  	s23 =	rddreg [dreg:$0x9];
	[sflag:s1] =	ssyncadd.s32 $0xFFFFD800  }
0x178: {  	[tilespmem:s6], [sflag:$0x2] =	stream.indirect.gather [hbm4b:s20+s4], $0x80, s23, s4, $0xb8;
	[tilespmem:$0x1C080] =	vst v63  }
0x179: {  	_ =	swait.ge [sflag:s10], $0x2800  }
0x17a: {  	[sflag:s10] =	ssyncset.done $0x0  }
0x17b: {  	s23 =	rddreg [dreg:$0xa];
	[sflag:s10] =	ssyncadd.s32 $0xFFFFD800  }
0x17c: {  	[spmem:s2] =	stream.indirect.scatter.add.f32 [tilespmem:s7], [sflag:$0x4], $0x80, s23, s4, $0xb8;
	[tilespmem:$0x1C080] =	vst v63  }
0x17d: {  	_ =	swait.ge [sflag:s1], $0x2800  }
0x17e: {  	[sflag:s1] =	ssyncset.done $0x0  }
0x17f: {  	s23 =	rddreg [dreg:$0xb];
	[sflag:s1] =	ssyncadd.s32 $0xFFFFD800  }
0x180: {  	[tilespmem:s7], [sflag:$0x3] =	stream.indirect.gather [hbm4b:s20+s4], $0x80, s23, s4, $0xb8;
	[tilespmem:$0x1C080] =	vst v63  }
0x181: {  	_ =	swait.ge [sflag:s8], $0x2800  }
0x182: {  	[sflag:s8] =	ssyncset.done $0x0  }
0x183: {  	s23 =	rddreg [dreg:$0xc];
	[sflag:s8] =	ssyncadd.s32 $0xFFFFD800  }
0x184: {  	[spmem:s2] =	stream.indirect.scatter.add.f32 [tilespmem:s5], [sflag:$0x4], $0x80, s23, s4, $0xb8;
	[tilespmem:$0x1C080] =	vst v63  }
0x185: {  	_ =	swait.ge [sflag:s1], $0x2800  }
0x186: {  	[sflag:s1] =	ssyncset.done $0x0  }
0x187: {  	s23 =	rddreg [dreg:$0xd];
	[sflag:s1] =	ssyncadd.s32 $0xFFFFD800  }
0x188: {  	[tilespmem:s5], [sflag:$0x1] =	stream.indirect.gather [hbm4b:s20+s4], $0x80, s23, s4, $0xb8;
	[tilespmem:$0x1C080] =	vst v63  }
0x189: {  	_ =	swait.ge [sflag:s9], $0x2800  }
0x18a: {  	[sflag:s9] =	ssyncset.done $0x0  }
0x18b: {  	s23 =	rddreg [dreg:$0xe];
	[sflag:s9] =	ssyncadd.s32 $0xFFFFD800  }
0x18c: {  	[spmem:s2] =	stream.indirect.scatter.add.f32 [tilespmem:s6], [sflag:$0x4], $0x80, s23, s4, $0xb8;
	[tilespmem:$0x1C080] =	vst v63  }
0x18d: {  	_ =	swait.ge [sflag:s1], $0x2800  }
0x18e: {  	[sflag:s1] =	ssyncset.done $0x0  }
0x18f: {  	s23 =	rddreg [dreg:$0xf];
	[sflag:s1] =	ssyncadd.s32 $0xFFFFD800  }
0x190: {  	[tilespmem:s6], [sflag:$0x2] =	stream.indirect.gather [hbm4b:s20+s4], $0x80, s23, s4, $0xb8;
	[tilespmem:$0x1C080] =	vst v63  }
0x191: {  	_ =	swait.ge [sflag:s10], $0x2800  }
0x192: {  	[sflag:s10] =	ssyncset.done $0x0  }
0x193: {  	s23 =	rddreg [dreg:$0x10];
	[sflag:s10] =	ssyncadd.s32 $0xFFFFD800  }
0x194: {  	[spmem:s2] =	stream.indirect.scatter.add.f32 [tilespmem:s7], [sflag:$0x4], $0x80, s23, s4, $0xb8;
	[tilespmem:$0x1C080] =	vst v63  }
0x195: {  	_ =	swait.ge [sflag:s1], $0x2800  }
0x196: {  	[sflag:s1] =	ssyncset.done $0x0  }
0x197: {  	s23 =	rddreg [dreg:$0x11];
	[sflag:s1] =	ssyncadd.s32 $0xFFFFD800  }
0x198: {  	[tilespmem:s7], [sflag:$0x3] =	stream.indirect.gather [hbm4b:s20+s4], $0x80, s23, s4, $0xb8;
	[tilespmem:$0x1C080] =	vst v63  }
0x199: {  	_ =	swait.ge [sflag:s8], $0x2800  }
0x19a: {  	[sflag:s8] =	ssyncset.done $0x0  }
0x19b: {  	s23 =	rddreg [dreg:$0x12];
	[sflag:s8] =	ssyncadd.s32 $0xFFFFD800  }
0x19c: {  	[spmem:s2] =	stream.indirect.scatter.add.f32 [tilespmem:s5], [sflag:$0x4], $0x80, s23, s4, $0xb8;
	[tilespmem:$0x1C080] =	vst v63  }
0x19d: {  	_ =	swait.ge [sflag:s1], $0x2800  }
0x19e: {  	[sflag:s1] =	ssyncset.done $0x0  }
0x19f: {  	s23 =	rddreg [dreg:$0x13];
	[sflag:s1] =	ssyncadd.s32 $0xFFFFD800  }
0x1a0: {  	[tilespmem:s5], [sflag:$0x1] =	stream.indirect.gather [hbm4b:s20+s4], $0x80, s23, s4, $0xb8;
	[tilespmem:$0x1C080] =	vst v63  }
0x1a1: {  	_ =	swait.ge [sflag:s9], $0x2800  }
0x1a2: {  	[sflag:s9] =	ssyncset.done $0x0  }
0x1a3: {  	s23 =	rddreg [dreg:$0x14];
	[sflag:s9] =	ssyncadd.s32 $0xFFFFD800  }
0x1a4: {  	[spmem:s2] =	stream.indirect.scatter.add.f32 [tilespmem:s6], [sflag:$0x4], $0x80, s23, s4, $0xb8;
	[tilespmem:$0x1C080] =	vst v63  }
0x1a5: {  	_ =	swait.ge [sflag:s1], $0x2800  }
0x1a6: {  	[sflag:s1] =	ssyncset.done $0x0  }
0x1a7: {  	s23 =	rddreg [dreg:$0x15];
	[sflag:s1] =	ssyncadd.s32 $0xFFFFD800  }
0x1a8: {  	[tilespmem:s6], [sflag:$0x2] =	stream.indirect.gather [hbm4b:s20+s4], $0x80, s23, s4, $0xb8;
	[tilespmem:$0x1C080] =	vst v63  }
0x1a9: {  	_ =	swait.ge [sflag:s10], $0x2800  }
0x1aa: {  	[sflag:s10] =	ssyncset.done $0x0  }
0x1ab: {  	s23 =	rddreg [dreg:$0x16];
	[sflag:s10] =	ssyncadd.s32 $0xFFFFD800  }
0x1ac: {  	[spmem:s2] =	stream.indirect.scatter.add.f32 [tilespmem:s7], [sflag:$0x4], $0x80, s23, s4, $0xb8;
	[tilespmem:$0x1C080] =	vst v63  }
0x1ad: {  	_ =	swait.ge [sflag:s1], $0x2800  }
0x1ae: {  	[sflag:s1] =	ssyncset.done $0x0  }
0x1af: {  	s23 =	rddreg [dreg:$0x17];
	[sflag:s1] =	ssyncadd.s32 $0xFFFFD800  }
0x1b0: {  	[tilespmem:s7], [sflag:$0x3] =	stream.indirect.gather [hbm4b:s20+s4], $0x80, s23, s4, $0xb8;
	[tilespmem:$0x1C080] =	vst v63  }
0x1b1: {  	_ =	swait.ge [sflag:s8], $0x2800  }
0x1b2: {  	[sflag:s8] =	ssyncset.done $0x0  }
0x1b3: {  	s23 =	rddreg [dreg:$0x18];
	[sflag:s8] =	ssyncadd.s32 $0xFFFFD800  }
0x1b4: {  	[spmem:s2] =	stream.indirect.scatter.add.f32 [tilespmem:s5], [sflag:$0x4], $0x80, s23, s4, $0xb8;
	[tilespmem:$0x1C080] =	vst v63  }
0x1b5: {  	_ =	swait.ge [sflag:s1], $0x2800  }
0x1b6: {  	[sflag:s1] =	ssyncset.done $0x0  }
0x1b7: {  	s23 =	rddreg [dreg:$0x19];
	[sflag:s1] =	ssyncadd.s32 $0xFFFFD800  }
0x1b8: {  	[tilespmem:s5], [sflag:$0x1] =	stream.indirect.gather [hbm4b:s20+s4], $0x80, s23, s4, $0xb8;
	[tilespmem:$0x1C080] =	vst v63  }
0x1b9: {  	_ =	swait.ge [sflag:s9], $0x2800  }
0x1ba: {  	[sflag:s9] =	ssyncset.done $0x0  }
0x1bb: {  	s23 =	rddreg [dreg:$0x1a];
	[sflag:s9] =	ssyncadd.s32 $0xFFFFD800  }
0x1bc: {  	[spmem:s2] =	stream.indirect.scatter.add.f32 [tilespmem:s6], [sflag:$0x4], $0x80, s23, s4, $0xb8;
	[tilespmem:$0x1C080] =	vst v63  }
0x1bd: {  	_ =	swait.ge [sflag:s1], $0x2800  }
0x1be: {  	[sflag:s1] =	ssyncset.done $0x0  }
0x1bf: {  	s23 =	rddreg [dreg:$0x1b];
	[sflag:s1] =	ssyncadd.s32 $0xFFFFD800  }
0x1c0: {  	[tilespmem:s6], [sflag:$0x2] =	stream.indirect.gather [hbm4b:s20+s4], $0x80, s23, s4, $0xb8;
	[tilespmem:$0x1C080] =	vst v63  }
0x1c1: {  	_ =	swait.ge [sflag:s10], $0x2800  }
0x1c2: {  	[sflag:s10] =	ssyncset.done $0x0  }
0x1c3: {  	s23 =	rddreg [dreg:$0x1c];
	[sflag:s10] =	ssyncadd.s32 $0xFFFFD800  }
0x1c4: {  	[spmem:s2] =	stream.indirect.scatter.add.f32 [tilespmem:s7], [sflag:$0x4], $0x80, s23, s4, $0xb8;
	[tilespmem:$0x1C080] =	vst v63  }
0x1c5: {  	_ =	swait.ge [sflag:s1], $0x2800  }
0x1c6: {  	[sflag:s1] =	ssyncset.done $0x0  }
0x1c7: {  	s23 =	rddreg [dreg:$0x1d];
	[sflag:s1] =	ssyncadd.s32 $0xFFFFD800  }
0x1c8: {  	[tilespmem:s7], [sflag:$0x3] =	stream.indirect.gather [hbm4b:s20+s4], $0x80, s23, s4, $0xb8;
	[tilespmem:$0x1C080] =	vst v63  }
0x1c9: {  	_ =	swait.ge [sflag:s8], $0x2800  }
0x1ca: {  	[sflag:s8] =	ssyncset.done $0x0  }
0x1cb: {  	s23 =	rddreg [dreg:$0x1e];
	[sflag:s8] =	ssyncadd.s32 $0xFFFFD800  }
0x1cc: {  	[spmem:s2] =	stream.indirect.scatter.add.f32 [tilespmem:s5], [sflag:$0x4], $0x80, s23, s4, $0xb8;
	[tilespmem:$0x1C080] =	vst v63  }
0x1cd: {  	_ =	swait.ge [sflag:s1], $0x2800  }
0x1ce: {  	[sflag:s1] =	ssyncset.done $0x0  }
0x1cf: {  	s23 =	rddreg [dreg:$0x1f];
	[sflag:s1] =	ssyncadd.s32 $0xFFFFD800  }
0x1d0: {  	[tilespmem:s5], [sflag:$0x1] =	stream.indirect.gather [hbm4b:s20+s4], $0x80, s23, s4, $0xb8;
	[tilespmem:$0x1C080] =	vst v63  }
0x1d1: {  	_ =	swait.ge [sflag:s9], $0x2800  }
0x1d2: {  	s23 =	sld [smem:$0x7E6]  }
0x1d3: {  	[sflag:s9] =	ssyncset.done $0x0  }
0x1d4: {  	[sflag:s9] =	ssyncadd.s32 $0xFFFFD800  }
0x1d5: {  	[spmem:s2] =	stream.indirect.scatter.add.f32 [tilespmem:s6], [sflag:$0x4], $0x80, s23, s4, $0xb8;
	[tilespmem:$0x1C080] =	vst v63  }
0x1d6: {  	_ =	swait.ge [sflag:s1], $0x2800  }
0x1d7: {  	s23 =	sld [smem:$0x7E7]  }
0x1d8: {  	[sflag:s1] =	ssyncset.done $0x0  }
0x1d9: {  	[sflag:s1] =	ssyncadd.s32 $0xFFFFD800  }
0x1da: {  	[tilespmem:s6], [sflag:$0x2] =	stream.indirect.gather [hbm4b:s20+s4], $0x80, s23, s4, $0xb8;
	[tilespmem:$0x1C080] =	vst v63  }
0x1db: {  	_ =	swait.ge [sflag:s10], $0x2800  }
0x1dc: {  	s23 =	sld [smem:$0x7E8]  }
0x1dd: {  	[sflag:s10] =	ssyncset.done $0x0  }
0x1de: {  	[sflag:s10] =	ssyncadd.s32 $0xFFFFD800  }
0x1df: {  	[spmem:s2] =	stream.indirect.scatter.add.f32 [tilespmem:s7], [sflag:$0x4], $0x80, s23, s4, $0xb8;
	[tilespmem:$0x1C080] =	vst v63  }
0x1e0: {  	_ =	swait.ge [sflag:s1], $0x2800  }
0x1e1: {  	s23 =	sld [smem:$0x7F1]  }
0x1e2: {  	[sflag:s1] =	ssyncset.done $0x0  }
0x1e3: {  	[sflag:s1] =	ssyncadd.s32 $0xFFFFD800  }
0x1e4: {  	[tilespmem:s7], [sflag:$0x3] =	stream.indirect.gather [hbm4b:s20+s4], $0x80, s23, s4, $0xb8;
	[tilespmem:$0x1C080] =	vst v63  }
0x1e5: {  	_ =	swait.ge [sflag:s8], $0x2800  }
0x1e6: {  	s23 =	sld [smem:$0x7F2]  }
0x1e7: {  	[sflag:s8] =	ssyncset.done $0x0  }
0x1e8: {  	[sflag:s8] =	ssyncadd.s32 $0xFFFFD800  }
0x1e9: {  	[spmem:s2] =	stream.indirect.scatter.add.f32 [tilespmem:s5], [sflag:$0x4], $0x80, s23, s4, $0xb8;
	[tilespmem:$0x1C080] =	vst v63  }
0x1ea: {  	_ =	swait.ge [sflag:s1], $0x2800  }
0x1eb: {  	s23 =	sld [smem:$0x7F3]  }
0x1ec: {  	[sflag:s1] =	ssyncset.done $0x0  }
0x1ed: {  	[sflag:s1] =	ssyncadd.s32 $0xFFFFD800  }
0x1ee: {  	[tilespmem:s5], [sflag:$0x1] =	stream.indirect.gather [hbm4b:s20+s4], $0x80, s23, s4, $0xb8;
	[tilespmem:$0x1C080] =	vst v63  }
0x1ef: {  	_ =	swait.ge [sflag:s9], $0x2800  }
0x1f0: {  	[sflag:s9] =	ssyncset.done $0x0  }
0x1f1: {  	[sflag:s9] =	ssyncadd.s32 $0xFFFFD800  }
0x1f2: {  	[spmem:s2] =	stream.indirect.scatter.add.f32 [tilespmem:s6], [sflag:$0x4], $0x80, s11, s4, $0xb8;
	[tilespmem:$0x1C080] =	vst v63  }
0x1f3: {  	_ =	swait.ge [sflag:s1], $0x2800  }
0x1f4: {  	[sflag:s1] =	ssyncset.done $0x0  }
0x1f5: {  	[sflag:s1] =	ssyncadd.s32 $0xFFFFD800  }
0x1f6: {  	[tilespmem:s6], [sflag:$0x2] =	stream.indirect.gather [hbm4b:s20+s4], $0x80, s12, s4, $0xb8;
	[tilespmem:$0x1C080] =	vst v63  }
0x1f7: {  	_ =	swait.ge [sflag:s10], $0x2800  }
0x1f8: {  	[sflag:s10] =	ssyncset.done $0x0  }
0x1f9: {  	[sflag:s10] =	ssyncadd.s32 $0xFFFFD800  }
0x1fa: {  	[spmem:s2] =	stream.indirect.scatter.add.f32 [tilespmem:s7], [sflag:$0x4], $0x80, s13, s4, $0xb8;
	[tilespmem:$0x1C080] =	vst v63  }
0x1fb: {  	_ =	swait.ge [sflag:s1], $0x2800  }
0x1fc: {  	[sflag:s1] =	ssyncset.done $0x0  }
0x1fd: {  	[sflag:s1] =	ssyncadd.s32 $0xFFFFD800  }
0x1fe: {  	[tilespmem:s7], [sflag:$0x3] =	stream.indirect.gather [hbm4b:s20+s4], $0x80, s14, s4, $0xb8;
	[tilespmem:$0x1C080] =	vst v63  }
0x1ff: {  	_ =	swait.ge [sflag:s8], $0x2800  }
0x200: {  	[sflag:s8] =	ssyncset.done $0x0  }
0x201: {  	[sflag:s8] =	ssyncadd.s32 $0xFFFFD800  }
0x202: {  	[spmem:s2] =	stream.indirect.scatter.add.f32 [tilespmem:s5], [sflag:$0x4], $0x80, s15, s4, $0xb8;
	[tilespmem:$0x1C080] =	vst v63  }
0x203: {  	_ =	swait.ge [sflag:s1], $0x2800  }
0x204: {  	[sflag:s1] =	ssyncset.done $0x0  }
0x205: {  	[sflag:s1] =	ssyncadd.s32 $0xFFFFD800  }
0x206: {  	[tilespmem:s5], [sflag:$0x1] =	stream.indirect.gather [hbm4b:s20+s4], $0x80, s16, s4, $0xb8;
	[tilespmem:$0x1C080] =	vst v63  }
0x207: {  	_ =	swait.ge [sflag:s9], $0x2800  }
0x208: {  	[sflag:s9] =	ssyncset.done $0x0  }
0x209: {  	[sflag:s9] =	ssyncadd.s32 $0xFFFFD800  }
0x20a: {  	[spmem:s2] =	stream.indirect.scatter.add.f32 [tilespmem:s6], [sflag:$0x4], $0x80, s17, s4, $0xb8;
	[tilespmem:$0x1C080] =	vst v63  }
0x20b: {  	_ =	swait.ge [sflag:s1], $0x2800  }
0x20c: {  	[sflag:s1] =	ssyncset.done $0x0  }
0x20d: {  	[sflag:s1] =	ssyncadd.s32 $0xFFFFD800  }
0x20e: {  	[tilespmem:s6], [sflag:$0x2] =	stream.indirect.gather [hbm4b:s20+s4], $0x80, s18, s4, $0xb8;
	[tilespmem:$0x1C080] =	vst v63  }
0x20f: {  	_ =	swait.ge [sflag:s10], $0x2800  }
0x210: {  	[sflag:s10] =	ssyncset.done $0x0  }
0x211: {  	[sflag:s10] =	ssyncadd.s32 $0xFFFFD800  }
0x212: {  	[spmem:s2] =	stream.indirect.scatter.add.f32 [tilespmem:s7], [sflag:$0x4], $0x80, s19, s4, $0xb8;
	[tilespmem:$0x1C080] =	vst v63  }
0x213: {  	_ =	swait.ge [sflag:s1], $0x2800  }
0x214: {  	[sflag:s1] =	ssyncset.done $0x0  }
0x215: {  	[sflag:s1] =	ssyncadd.s32 $0xFFFFD800  }
0x216: {  	[tilespmem:s7], [sflag:$0x3] =	stream.indirect.gather [hbm4b:s20+s4], $0x80, s21, s4, $0xb8;
	[tilespmem:$0x1C080] =	vst v63  }
0x217: {  	_ =	swait.ge [sflag:s8], $0x2800  }
0x218: {  	[sflag:s8] =	ssyncset.done $0x0  }
0x219: {  	[sflag:s8] =	ssyncadd.s32 $0xFFFFD800  }
0x21a: {  	[spmem:s2] =	stream.indirect.scatter.add.f32 [tilespmem:s5], [sflag:$0x4], $0x80, s22, s4, $0xb8;
	[tilespmem:$0x1C080] =	vst v63  }
0x21b: {  	_ =	swait.ge [sflag:s1], $0x2800  }
0x21c: {  	[sflag:s1] =	ssyncset.done $0x0  }
0x21d: {  	[sflag:s1] =	ssyncadd.s32 $0xFFFFD800  }
0x21e: {  	[tilespmem:s5], [sflag:$0x1] =	stream.indirect.gather [hbm4b:s20+s4], $0x80, s24, s4, $0xb8;
	[tilespmem:$0x1C080] =	vst v63  }
0x21f: {  	_ =	swait.ge [sflag:s9], $0x2800  }
0x220: {  	[sflag:s9] =	ssyncset.done $0x0  }
0x221: {  	[sflag:s9] =	ssyncadd.s32 $0xFFFFD800  }
0x222: {  	[spmem:s2] =	stream.indirect.scatter.add.f32 [tilespmem:s6], [sflag:$0x4], $0x80, s25, s4, $0xb8;
	[tilespmem:$0x1C080] =	vst v63  }
0x223: {  	_ =	swait.ge [sflag:s1], $0x2800  }
0x224: {  	[sflag:s1] =	ssyncset.done $0x0  }
0x225: {  	[sflag:s1] =	ssyncadd.s32 $0xFFFFD800  }
0x226: {  	_ =	swait.ge [sflag:s10], $0x2800  }
0x227: {  	[sflag:s10] =	ssyncset.done $0x0  }
0x228: {  	[sflag:s10] =	ssyncadd.s32 $0xFFFFD800  }
0x229: {  	[spmem:s2] =	stream.indirect.scatter.add.f32 [tilespmem:s7], [sflag:$0x4], $0x80, s26, s4, $0xb8;
	[tilespmem:$0x1C080] =	vst v63  }
0x22a: {  	_ =	swait.ge [sflag:s1], $0x2800  }
0x22b: {  	[sflag:s1] =	ssyncset.done $0x0  }
0x22c: {  	[sflag:s1] =	ssyncadd.s32 $0xFFFFD800  }
0x22d: {  	p1 =	sne.s32 s31, $0x3E8;
	_ =	swait.ge [sflag:s8], $0x2800  }
.Ltmp0:
0x22e: {  	[sflag:s8] =	ssyncset.done $0x0;
	(pc) =	sbr.rel @p1 .LBB2_2-.Ltmp0, $4  }
0x22f: {  	[sflag:s8] =	ssyncadd.s32 $0xFFFFD800  }
0x230: {  	[spmem:s2] =	stream.indirect.scatter.add.f32 [tilespmem:s5], [sflag:$0x4], $0x80, s28, s4, $0xb8;
	[tilespmem:$0x1C080] =	vst v63  }
0x231: {  	_ =	swait.ge [sflag:s1], $0x2800  }
0x232: {  	s31 =	sadd.s32 $0xFA, s31;
	s29 =	rddreg [dreg:$0x5];
	[sflag:s1] =	ssyncset.done $0x0  }
0x233: {  	[sflag:s1] =	ssyncadd.s32 $0xFFFFD800;
	s23 =	sadd.s32 s30, s29  }
0x234: {  	[tilespmem:s3], [sflag:$0x4] =	stream.linear.gather [hbm4b:s23+s3], $0x7D0, $0x38;
	[tilespmem:$0x1C080] =	vst v63  }
0x235: {  	_ =	swait.ge [sflag:s1], $0x7D0  }
0x236: {  	s29 =	rddreg [dreg:$0x4];
	[sflag:s1] =	ssyncset.done $0x0  }
0x237: {  	s23 =	sadd.s32 s30, s29;
	[sflag:s1] =	ssyncadd.s32 $0xFFFFF830  }
0x238: {  	[tilespmem:s0], [sflag:$0x4] =	stream.linear.gather [hbm4b:s23+s3], $0x7D0, $0x38;
	[tilespmem:$0x1C080] =	vst v63  }
0x239: {  	_ =	swait.ge [sflag:s1], $0x7D0  }
0x23a: {  	[sflag:s1] =	ssyncset.done $0x0  }
0x23b: {  	[sflag:s1] =	ssyncadd.s32 $0xFFFFF830  }
0x23c: {  	[tilespmem:s5], [sflag:$0x1] =	stream.indirect.gather [hbm4b:s20+s4], $0x80, s3, s4, $0xb8;
	[tilespmem:$0x1C080] =	vst v63  }
0x23d: {  	_ = 	snop  }
0x23e: {  	[tilespmem:s6], [sflag:$0x2] =	stream.indirect.gather [hbm4b:s20+s4], $0x80, s4, s4, $0xb8;
	[tilespmem:$0x1C080] =	vst v63  }
0x23f: {  	s29 =	rddreg [dreg:$0x6]  }
0x240: {  	[tilespmem:s7], [sflag:$0x3] =	stream.indirect.gather [hbm4b:s20+s4], $0x80, s29, s4, $0xb8;
	[tilespmem:$0x1C080] =	vst v63  }
0x241: {  	_ =	swait.ge [sflag:s8], $0x2800  }
0x242: {  	[sflag:s8] =	ssyncset.done $0x0  }
0x243: {  	[sflag:s8] =	ssyncadd.s32 $0xFFFFD800  }
0x244: {  	[spmem:s2] =	stream.indirect.scatter.add.f32 [tilespmem:s5], [sflag:$0x4], $0x80, s0, s4, $0xb8;
	[tilespmem:$0x1C080] =	vst v63  }
0x245: {  	_ =	swait.ge [sflag:s1], $0x2800  }
0x246: {  	[sflag:s1] =	ssyncset.done $0x0  }
0x247: {  	s29 =	rddreg [dreg:$0x7];
	[sflag:s1] =	ssyncadd.s32 $0xFFFFD800  }
0x248: {  	[tilespmem:s5], [sflag:$0x1] =	stream.indirect.gather [hbm4b:s20+s4], $0x80, s29, s4, $0xb8;
	[tilespmem:$0x1C080] =	vst v63  }
0x249: {  	_ =	swait.ge [sflag:s9], $0x2800  }
0x24a: {  	[sflag:s9] =	ssyncset.done $0x0  }
0x24b: {  	s29 =	rddreg [dreg:$0x8];
	[sflag:s9] =	ssyncadd.s32 $0xFFFFD800  }
0x24c: {  	[spmem:s2] =	stream.indirect.scatter.add.f32 [tilespmem:s6], [sflag:$0x4], $0x80, s29, s4, $0xb8;
	[tilespmem:$0x1C080] =	vst v63  }
0x24d: {  	_ =	swait.ge [sflag:s1], $0x2800  }
0x24e: {  	[sflag:s1] =	ssyncset.done $0x0  }
0x24f: {  	s29 =	rddreg [dreg:$0x9];
	[sflag:s1] =	ssyncadd.s32 $0xFFFFD800  }
0x250: {  	[tilespmem:s6], [sflag:$0x2] =	stream.indirect.gather [hbm4b:s20+s4], $0x80, s29, s4, $0xb8;
	[tilespmem:$0x1C080] =	vst v63  }
0x251: {  	_ =	swait.ge [sflag:s10], $0x2800  }
0x252: {  	[sflag:s10] =	ssyncset.done $0x0  }
0x253: {  	s29 =	rddreg [dreg:$0xa];
	[sflag:s10] =	ssyncadd.s32 $0xFFFFD800  }
0x254: {  	[spmem:s2] =	stream.indirect.scatter.add.f32 [tilespmem:s7], [sflag:$0x4], $0x80, s29, s4, $0xb8;
	[tilespmem:$0x1C080] =	vst v63  }
0x255: {  	_ =	swait.ge [sflag:s1], $0x2800  }
0x256: {  	[sflag:s1] =	ssyncset.done $0x0  }
0x257: {  	s29 =	rddreg [dreg:$0xb];
	[sflag:s1] =	ssyncadd.s32 $0xFFFFD800  }
0x258: {  	[tilespmem:s7], [sflag:$0x3] =	stream.indirect.gather [hbm4b:s20+s4], $0x80, s29, s4, $0xb8;
	[tilespmem:$0x1C080] =	vst v63  }
0x259: {  	_ =	swait.ge [sflag:s8], $0x2800  }
0x25a: {  	[sflag:s8] =	ssyncset.done $0x0  }
0x25b: {  	s29 =	rddreg [dreg:$0xc];
	[sflag:s8] =	ssyncadd.s32 $0xFFFFD800  }
0x25c: {  	[spmem:s2] =	stream.indirect.scatter.add.f32 [tilespmem:s5], [sflag:$0x4], $0x80, s29, s4, $0xb8;
	[tilespmem:$0x1C080] =	vst v63  }
0x25d: {  	_ =	swait.ge [sflag:s1], $0x2800  }
0x25e: {  	[sflag:s1] =	ssyncset.done $0x0  }
0x25f: {  	s29 =	rddreg [dreg:$0xd];
	[sflag:s1] =	ssyncadd.s32 $0xFFFFD800  }
0x260: {  	[tilespmem:s5], [sflag:$0x1] =	stream.indirect.gather [hbm4b:s20+s4], $0x80, s29, s4, $0xb8;
	[tilespmem:$0x1C080] =	vst v63  }
0x261: {  	_ =	swait.ge [sflag:s9], $0x2800  }
0x262: {  	[sflag:s9] =	ssyncset.done $0x0  }
0x263: {  	s29 =	rddreg [dreg:$0xe];
	[sflag:s9] =	ssyncadd.s32 $0xFFFFD800  }
0x264: {  	[spmem:s2] =	stream.indirect.scatter.add.f32 [tilespmem:s6], [sflag:$0x4], $0x80, s29, s4, $0xb8;
	[tilespmem:$0x1C080] =	vst v63  }
0x265: {  	_ =	swait.ge [sflag:s1], $0x2800  }
0x266: {  	[sflag:s1] =	ssyncset.done $0x0  }
0x267: {  	s29 =	rddreg [dreg:$0xf];
	[sflag:s1] =	ssyncadd.s32 $0xFFFFD800  }
0x268: {  	[tilespmem:s6], [sflag:$0x2] =	stream.indirect.gather [hbm4b:s20+s4], $0x80, s29, s4, $0xb8;
	[tilespmem:$0x1C080] =	vst v63  }
0x269: {  	_ =	swait.ge [sflag:s10], $0x2800  }
0x26a: {  	[sflag:s10] =	ssyncset.done $0x0  }
0x26b: {  	s29 =	rddreg [dreg:$0x10];
	[sflag:s10] =	ssyncadd.s32 $0xFFFFD800  }
0x26c: {  	[spmem:s2] =	stream.indirect.scatter.add.f32 [tilespmem:s7], [sflag:$0x4], $0x80, s29, s4, $0xb8;
	[tilespmem:$0x1C080] =	vst v63  }
0x26d: {  	_ =	swait.ge [sflag:s1], $0x2800  }
0x26e: {  	[sflag:s1] =	ssyncset.done $0x0  }
0x26f: {  	s29 =	rddreg [dreg:$0x11];
	[sflag:s1] =	ssyncadd.s32 $0xFFFFD800  }
0x270: {  	[tilespmem:s7], [sflag:$0x3] =	stream.indirect.gather [hbm4b:s20+s4], $0x80, s29, s4, $0xb8;
	[tilespmem:$0x1C080] =	vst v63  }
0x271: {  	_ =	swait.ge [sflag:s8], $0x2800  }
0x272: {  	[sflag:s8] =	ssyncset.done $0x0  }
0x273: {  	s29 =	rddreg [dreg:$0x12];
	[sflag:s8] =	ssyncadd.s32 $0xFFFFD800  }
0x274: {  	[spmem:s2] =	stream.indirect.scatter.add.f32 [tilespmem:s5], [sflag:$0x4], $0x80, s29, s4, $0xb8;
	[tilespmem:$0x1C080] =	vst v63  }
0x275: {  	_ =	swait.ge [sflag:s1], $0x2800  }
0x276: {  	[sflag:s1] =	ssyncset.done $0x0  }
0x277: {  	s29 =	rddreg [dreg:$0x13];
	[sflag:s1] =	ssyncadd.s32 $0xFFFFD800  }
0x278: {  	[tilespmem:s5], [sflag:$0x1] =	stream.indirect.gather [hbm4b:s20+s4], $0x80, s29, s4, $0xb8;
	[tilespmem:$0x1C080] =	vst v63  }
0x279: {  	_ =	swait.ge [sflag:s9], $0x2800  }
0x27a: {  	[sflag:s9] =	ssyncset.done $0x0  }
0x27b: {  	s29 =	rddreg [dreg:$0x14];
	[sflag:s9] =	ssyncadd.s32 $0xFFFFD800  }
0x27c: {  	[spmem:s2] =	stream.indirect.scatter.add.f32 [tilespmem:s6], [sflag:$0x4], $0x80, s29, s4, $0xb8;
	[tilespmem:$0x1C080] =	vst v63  }
0x27d: {  	_ =	swait.ge [sflag:s1], $0x2800  }
0x27e: {  	[sflag:s1] =	ssyncset.done $0x0  }
0x27f: {  	s29 =	rddreg [dreg:$0x15];
	[sflag:s1] =	ssyncadd.s32 $0xFFFFD800  }
0x280: {  	[tilespmem:s6], [sflag:$0x2] =	stream.indirect.gather [hbm4b:s20+s4], $0x80, s29, s4, $0xb8;
	[tilespmem:$0x1C080] =	vst v63  }
0x281: {  	_ =	swait.ge [sflag:s10], $0x2800  }
0x282: {  	[sflag:s10] =	ssyncset.done $0x0  }
0x283: {  	s29 =	rddreg [dreg:$0x16];
	[sflag:s10] =	ssyncadd.s32 $0xFFFFD800  }
0x284: {  	[spmem:s2] =	stream.indirect.scatter.add.f32 [tilespmem:s7], [sflag:$0x4], $0x80, s29, s4, $0xb8;
	[tilespmem:$0x1C080] =	vst v63  }
0x285: {  	_ =	swait.ge [sflag:s1], $0x2800  }
0x286: {  	[sflag:s1] =	ssyncset.done $0x0  }
0x287: {  	s29 =	rddreg [dreg:$0x17];
	[sflag:s1] =	ssyncadd.s32 $0xFFFFD800  }
0x288: {  	[tilespmem:s7], [sflag:$0x3] =	stream.indirect.gather [hbm4b:s20+s4], $0x80, s29, s4, $0xb8;
	[tilespmem:$0x1C080] =	vst v63  }
0x289: {  	_ =	swait.ge [sflag:s8], $0x2800  }
0x28a: {  	[sflag:s8] =	ssyncset.done $0x0  }
0x28b: {  	s29 =	rddreg [dreg:$0x18];
	[sflag:s8] =	ssyncadd.s32 $0xFFFFD800  }
0x28c: {  	[spmem:s2] =	stream.indirect.scatter.add.f32 [tilespmem:s5], [sflag:$0x4], $0x80, s29, s4, $0xb8;
	[tilespmem:$0x1C080] =	vst v63  }
0x28d: {  	_ =	swait.ge [sflag:s1], $0x2800  }
0x28e: {  	[sflag:s1] =	ssyncset.done $0x0  }
0x28f: {  	s29 =	rddreg [dreg:$0x19];
	[sflag:s1] =	ssyncadd.s32 $0xFFFFD800  }
0x290: {  	[tilespmem:s5], [sflag:$0x1] =	stream.indirect.gather [hbm4b:s20+s4], $0x80, s29, s4, $0xb8;
	[tilespmem:$0x1C080] =	vst v63  }
0x291: {  	_ =	swait.ge [sflag:s9], $0x2800  }
0x292: {  	[sflag:s9] =	ssyncset.done $0x0  }
0x293: {  	s29 =	rddreg [dreg:$0x1a];
	[sflag:s9] =	ssyncadd.s32 $0xFFFFD800  }
0x294: {  	[spmem:s2] =	stream.indirect.scatter.add.f32 [tilespmem:s6], [sflag:$0x4], $0x80, s29, s4, $0xb8;
	[tilespmem:$0x1C080] =	vst v63  }
0x295: {  	_ =	swait.ge [sflag:s1], $0x2800  }
0x296: {  	[sflag:s1] =	ssyncset.done $0x0  }
0x297: {  	s29 =	rddreg [dreg:$0x1b];
	[sflag:s1] =	ssyncadd.s32 $0xFFFFD800  }
0x298: {  	[tilespmem:s6], [sflag:$0x2] =	stream.indirect.gather [hbm4b:s20+s4], $0x80, s29, s4, $0xb8;
	[tilespmem:$0x1C080] =	vst v63  }
0x299: {  	_ =	swait.ge [sflag:s10], $0x2800  }
0x29a: {  	[sflag:s10] =	ssyncset.done $0x0  }
0x29b: {  	s29 =	rddreg [dreg:$0x1c];
	[sflag:s10] =	ssyncadd.s32 $0xFFFFD800  }
0x29c: {  	[spmem:s2] =	stream.indirect.scatter.add.f32 [tilespmem:s7], [sflag:$0x4], $0x80, s29, s4, $0xb8;
	[tilespmem:$0x1C080] =	vst v63  }
0x29d: {  	_ =	swait.ge [sflag:s1], $0x2800  }
0x29e: {  	[sflag:s1] =	ssyncset.done $0x0  }
0x29f: {  	s29 =	rddreg [dreg:$0x1d];
	[sflag:s1] =	ssyncadd.s32 $0xFFFFD800  }
0x2a0: {  	[tilespmem:s7], [sflag:$0x3] =	stream.indirect.gather [hbm4b:s20+s4], $0x80, s29, s4, $0xb8;
	[tilespmem:$0x1C080] =	vst v63  }
0x2a1: {  	_ =	swait.ge [sflag:s8], $0x2800  }
0x2a2: {  	[sflag:s8] =	ssyncset.done $0x0  }
0x2a3: {  	s29 =	rddreg [dreg:$0x1e];
	[sflag:s8] =	ssyncadd.s32 $0xFFFFD800  }
0x2a4: {  	[spmem:s2] =	stream.indirect.scatter.add.f32 [tilespmem:s5], [sflag:$0x4], $0x80, s29, s4, $0xb8;
	[tilespmem:$0x1C080] =	vst v63  }
0x2a5: {  	_ =	swait.ge [sflag:s1], $0x2800  }
0x2a6: {  	[sflag:s1] =	ssyncset.done $0x0  }
0x2a7: {  	s29 =	rddreg [dreg:$0x1f];
	[sflag:s1] =	ssyncadd.s32 $0xFFFFD800  }
0x2a8: {  	[tilespmem:s5], [sflag:$0x1] =	stream.indirect.gather [hbm4b:s20+s4], $0x80, s29, s4, $0xb8;
	[tilespmem:$0x1C080] =	vst v63  }
0x2a9: {  	_ =	swait.ge [sflag:s9], $0x2800  }
0x2aa: {  	s29 =	sld [smem:$0x7E6]  }
0x2ab: {  	[sflag:s9] =	ssyncset.done $0x0  }
0x2ac: {  	[sflag:s9] =	ssyncadd.s32 $0xFFFFD800  }
0x2ad: {  	[spmem:s2] =	stream.indirect.scatter.add.f32 [tilespmem:s6], [sflag:$0x4], $0x80, s29, s4, $0xb8;
	[tilespmem:$0x1C080] =	vst v63  }
0x2ae: {  	_ =	swait.ge [sflag:s1], $0x2800  }
0x2af: {  	s29 =	sld [smem:$0x7E7]  }
0x2b0: {  	[sflag:s1] =	ssyncset.done $0x0  }
0x2b1: {  	[sflag:s1] =	ssyncadd.s32 $0xFFFFD800  }
0x2b2: {  	[tilespmem:s6], [sflag:$0x2] =	stream.indirect.gather [hbm4b:s20+s4], $0x80, s29, s4, $0xb8;
	[tilespmem:$0x1C080] =	vst v63  }
0x2b3: {  	_ =	swait.ge [sflag:s10], $0x2800  }
0x2b4: {  	s29 =	sld [smem:$0x7E8]  }
0x2b5: {  	[sflag:s10] =	ssyncset.done $0x0  }
0x2b6: {  	[sflag:s10] =	ssyncadd.s32 $0xFFFFD800  }
0x2b7: {  	[spmem:s2] =	stream.indirect.scatter.add.f32 [tilespmem:s7], [sflag:$0x4], $0x80, s29, s4, $0xb8;
	[tilespmem:$0x1C080] =	vst v63  }
0x2b8: {  	_ =	swait.ge [sflag:s1], $0x2800  }
0x2b9: {  	s29 =	sld [smem:$0x7F1]  }
0x2ba: {  	[sflag:s1] =	ssyncset.done $0x0  }
0x2bb: {  	[sflag:s1] =	ssyncadd.s32 $0xFFFFD800  }
0x2bc: {  	[tilespmem:s7], [sflag:$0x3] =	stream.indirect.gather [hbm4b:s20+s4], $0x80, s29, s4, $0xb8;
	[tilespmem:$0x1C080] =	vst v63  }
0x2bd: {  	_ =	swait.ge [sflag:s8], $0x2800  }
0x2be: {  	s29 =	sld [smem:$0x7F2]  }
0x2bf: {  	[sflag:s8] =	ssyncset.done $0x0  }
0x2c0: {  	[sflag:s8] =	ssyncadd.s32 $0xFFFFD800  }
0x2c1: {  	[spmem:s2] =	stream.indirect.scatter.add.f32 [tilespmem:s5], [sflag:$0x4], $0x80, s29, s4, $0xb8;
	[tilespmem:$0x1C080] =	vst v63  }
0x2c2: {  	_ =	swait.ge [sflag:s1], $0x2800  }
0x2c3: {  	s29 =	sld [smem:$0x7F3]  }
0x2c4: {  	[sflag:s1] =	ssyncset.done $0x0  }
0x2c5: {  	[sflag:s1] =	ssyncadd.s32 $0xFFFFD800  }
0x2c6: {  	[tilespmem:s5], [sflag:$0x1] =	stream.indirect.gather [hbm4b:s20+s4], $0x80, s29, s4, $0xb8;
	[tilespmem:$0x1C080] =	vst v63  }
0x2c7: {  	_ =	swait.ge [sflag:s9], $0x2800  }
0x2c8: {  	[sflag:s9] =	ssyncset.done $0x0  }
0x2c9: {  	[sflag:s9] =	ssyncadd.s32 $0xFFFFD800  }
0x2ca: {  	[spmem:s2] =	stream.indirect.scatter.add.f32 [tilespmem:s6], [sflag:$0x4], $0x80, s11, s4, $0xb8;
	[tilespmem:$0x1C080] =	vst v63  }
0x2cb: {  	_ =	swait.ge [sflag:s1], $0x2800  }
0x2cc: {  	[sflag:s1] =	ssyncset.done $0x0  }
0x2cd: {  	[sflag:s1] =	ssyncadd.s32 $0xFFFFD800  }
0x2ce: {  	[tilespmem:s6], [sflag:$0x2] =	stream.indirect.gather [hbm4b:s20+s4], $0x80, s12, s4, $0xb8;
	[tilespmem:$0x1C080] =	vst v63  }
0x2cf: {  	_ =	swait.ge [sflag:s10], $0x2800  }
0x2d0: {  	[sflag:s10] =	ssyncset.done $0x0  }
0x2d1: {  	[sflag:s10] =	ssyncadd.s32 $0xFFFFD800  }
0x2d2: {  	[spmem:s2] =	stream.indirect.scatter.add.f32 [tilespmem:s7], [sflag:$0x4], $0x80, s13, s4, $0xb8;
	[tilespmem:$0x1C080] =	vst v63  }
0x2d3: {  	_ =	swait.ge [sflag:s1], $0x2800  }
0x2d4: {  	[sflag:s1] =	ssyncset.done $0x0  }
0x2d5: {  	[sflag:s1] =	ssyncadd.s32 $0xFFFFD800  }
0x2d6: {  	[tilespmem:s7], [sflag:$0x3] =	stream.indirect.gather [hbm4b:s20+s4], $0x80, s14, s4, $0xb8;
	[tilespmem:$0x1C080] =	vst v63  }
0x2d7: {  	_ =	swait.ge [sflag:s8], $0x2800  }
0x2d8: {  	[sflag:s8] =	ssyncset.done $0x0  }
0x2d9: {  	[sflag:s8] =	ssyncadd.s32 $0xFFFFD800  }
0x2da: {  	[spmem:s2] =	stream.indirect.scatter.add.f32 [tilespmem:s5], [sflag:$0x4], $0x80, s15, s4, $0xb8;
	[tilespmem:$0x1C080] =	vst v63  }
0x2db: {  	_ =	swait.ge [sflag:s1], $0x2800  }
0x2dc: {  	[sflag:s1] =	ssyncset.done $0x0  }
0x2dd: {  	[sflag:s1] =	ssyncadd.s32 $0xFFFFD800  }
0x2de: {  	[tilespmem:s5], [sflag:$0x1] =	stream.indirect.gather [hbm4b:s20+s4], $0x80, s16, s4, $0xb8;
	[tilespmem:$0x1C080] =	vst v63  }
0x2df: {  	_ =	swait.ge [sflag:s9], $0x2800  }
0x2e0: {  	[sflag:s9] =	ssyncset.done $0x0  }
0x2e1: {  	[sflag:s9] =	ssyncadd.s32 $0xFFFFD800  }
0x2e2: {  	[spmem:s2] =	stream.indirect.scatter.add.f32 [tilespmem:s6], [sflag:$0x4], $0x80, s17, s4, $0xb8;
	[tilespmem:$0x1C080] =	vst v63  }
0x2e3: {  	_ =	swait.ge [sflag:s1], $0x2800  }
0x2e4: {  	[sflag:s1] =	ssyncset.done $0x0  }
0x2e5: {  	[sflag:s1] =	ssyncadd.s32 $0xFFFFD800  }
0x2e6: {  	[tilespmem:s6], [sflag:$0x2] =	stream.indirect.gather [hbm4b:s20+s4], $0x80, s18, s4, $0xb8;
	[tilespmem:$0x1C080] =	vst v63  }
0x2e7: {  	_ =	swait.ge [sflag:s10], $0x2800  }
0x2e8: {  	[sflag:s10] =	ssyncset.done $0x0  }
0x2e9: {  	[sflag:s10] =	ssyncadd.s32 $0xFFFFD800  }
0x2ea: {  	[spmem:s2] =	stream.indirect.scatter.add.f32 [tilespmem:s7], [sflag:$0x4], $0x80, s19, s4, $0xb8;
	[tilespmem:$0x1C080] =	vst v63  }
0x2eb: {  	_ =	swait.ge [sflag:s1], $0x2800  }
0x2ec: {  	[sflag:s1] =	ssyncset.done $0x0  }
0x2ed: {  	[sflag:s1] =	ssyncadd.s32 $0xFFFFD800  }
0x2ee: {  	[tilespmem:s7], [sflag:$0x3] =	stream.indirect.gather [hbm4b:s20+s4], $0x80, s21, s4, $0xb8;
	[tilespmem:$0x1C080] =	vst v63  }
0x2ef: {  	_ =	swait.ge [sflag:s8], $0x2800  }
0x2f0: {  	[sflag:s8] =	ssyncset.done $0x0  }
0x2f1: {  	[sflag:s8] =	ssyncadd.s32 $0xFFFFD800  }
0x2f2: {  	[spmem:s2] =	stream.indirect.scatter.add.f32 [tilespmem:s5], [sflag:$0x4], $0x80, s22, s4, $0xb8;
	[tilespmem:$0x1C080] =	vst v63  }
0x2f3: {  	_ =	swait.ge [sflag:s1], $0x2800  }
0x2f4: {  	[sflag:s1] =	ssyncset.done $0x0  }
0x2f5: {  	[sflag:s1] =	ssyncadd.s32 $0xFFFFD800  }
0x2f6: {  	[tilespmem:s5], [sflag:$0x1] =	stream.indirect.gather [hbm4b:s20+s4], $0x80, s24, s4, $0xb8;
	[tilespmem:$0x1C080] =	vst v63  }
0x2f7: {  	_ =	swait.ge [sflag:s9], $0x2800  }
0x2f8: {  	[sflag:s9] =	ssyncset.done $0x0  }
0x2f9: {  	[sflag:s9] =	ssyncadd.s32 $0xFFFFD800  }
0x2fa: {  	[spmem:s2] =	stream.indirect.scatter.add.f32 [tilespmem:s6], [sflag:$0x4], $0x80, s25, s4, $0xb8;
	[tilespmem:$0x1C080] =	vst v63  }
0x2fb: {  	_ =	swait.ge [sflag:s1], $0x2800  }
0x2fc: {  	[sflag:s1] =	ssyncset.done $0x0  }
0x2fd: {  	[sflag:s1] =	ssyncadd.s32 $0xFFFFD800  }
0x2fe: {  	_ =	swait.ge [sflag:s10], $0x2800  }
0x2ff: {  	[sflag:s10] =	ssyncset.done $0x0  }
0x300: {  	[sflag:s10] =	ssyncadd.s32 $0xFFFFD800  }
0x301: {  	[spmem:s2] =	stream.indirect.scatter.add.f32 [tilespmem:s7], [sflag:$0x4], $0x80, s26, s4, $0xb8;
	[tilespmem:$0x1C080] =	vst v63  }
0x302: {  	_ =	swait.ge [sflag:s1], $0x2800  }
0x303: {  	[sflag:s1] =	ssyncset.done $0x0  }
0x304: {  	[sflag:s1] =	ssyncadd.s32 $0xFFFFD800  }
0x305: {  	_ =	swait.ge [sflag:s8], $0x2800  }
0x306: {  	[sflag:s8] =	ssyncset.done $0x0  }
0x307: {  	[sflag:s8] =	ssyncadd.s32 $0xFFFFD800  }
0x308: {  	[spmem:s2] =	stream.indirect.scatter.add.f32 [tilespmem:s5], [sflag:$0x4], $0x80, s28, s4, $0xb8;
	[tilespmem:$0x1C080] =	vst v63  }
0x309: {  	_ =	swait.ge [sflag:s1], $0x2800  }
0x30a: {  	[sflag:s1] =	ssyncset.done $0x0  }
0x30b: {  	[sflag:s1] =	ssyncadd.s32 $0xFFFFD800  }
0x30c: {  	[bflag:$0x0] =	sbarrier.arrive $0xFFFF  }
0x30d: {  	s23 =	sld [smem:$0x7E9]  }
0x30e: {  	s30 =	sld [smem:$0x7FD]  }
0x30f: {  	s29 =	sld [smem:$0x7D6];
	_ =	sdelay $0x2  }
0x310: {  	[hbm:s23], [sflag:s30] =	dma.local [spmem:s29], $0x500  }
0x311: {  	_ =	swait.ge [sflag:s1], $0x500  }
0x312: {  	s23 =	sld [smem:$0x7EA]  }
0x313: {  	s29 =	sld [smem:$0x7D7]  }
0x314: {  	[sflag:s1] =	ssyncset.done $0x0  }
0x315: {  	[sflag:s1] =	ssyncadd.s32 $0xFFFFFB00  }
0x316: {  	[hbm:s23], [sflag:s30] =	dma.local [spmem:s29], $0x500  }
0x317: {  	_ =	swait.ge [sflag:s1], $0x500  }
0x318: {  	s23 =	sld [smem:$0x7EB]  }
0x319: {  	s29 =	sld [smem:$0x7D8]  }
0x31a: {  	[sflag:s1] =	ssyncset.done $0x0  }
0x31b: {  	[sflag:s1] =	ssyncadd.s32 $0xFFFFFB00  }
0x31c: {  	[hbm:s23], [sflag:s30] =	dma.local [spmem:s29], $0x500  }
0x31d: {  	_ =	swait.ge [sflag:s1], $0x500  }
0x31e: {  	s23 =	sld [smem:$0x7EC]  }
0x31f: {  	s29 =	sld [smem:$0x7D9]  }
0x320: {  	[sflag:s1] =	ssyncset.done $0x0  }
0x321: {  	[sflag:s1] =	ssyncadd.s32 $0xFFFFFB00  }
0x322: {  	[hbm:s23], [sflag:s30] =	dma.local [spmem:s29], $0x500  }
0x323: {  	_ =	swait.ge [sflag:s1], $0x500  }
0x324: {  	s23 =	sld [smem:$0x7ED]  }
0x325: {  	s29 =	sld [smem:$0x7DA]  }
0x326: {  	[sflag:s1] =	ssyncset.done $0x0  }
0x327: {  	[sflag:s1] =	ssyncadd.s32 $0xFFFFFB00  }
0x328: {  	[hbm:s23], [sflag:s30] =	dma.local [spmem:s29], $0x500  }
0x329: {  	_ =	swait.ge [sflag:s1], $0x500  }
0x32a: {  	s23 =	sld [smem:$0x7EE]  }
0x32b: {  	s29 =	sld [smem:$0x7DB]  }
0x32c: {  	[sflag:s1] =	ssyncset.done $0x0  }
0x32d: {  	[sflag:s1] =	ssyncadd.s32 $0xFFFFFB00  }
0x32e: {  	[hbm:s23], [sflag:s30] =	dma.local [spmem:s29], $0x500  }
0x32f: {  	_ =	swait.ge [sflag:s1], $0x500  }
0x330: {  	s23 =	sld [smem:$0x7EF]  }
0x331: {  	s29 =	sld [smem:$0x7DC]  }
0x332: {  	[sflag:s1] =	ssyncset.done $0x0  }
0x333: {  	[sflag:s1] =	ssyncadd.s32 $0xFFFFFB00  }
0x334: {  	[hbm:s23], [sflag:s30] =	dma.local [spmem:s29], $0x500  }
0x335: {  	_ =	swait.ge [sflag:s1], $0x500  }
0x336: {  	s23 =	sld [smem:$0x7F0]  }
0x337: {  	s29 =	sld [smem:$0x7DD]  }
0x338: {  	[sflag:s1] =	ssyncset.done $0x0  }
0x339: {  	[sflag:s1] =	ssyncadd.s32 $0xFFFFFB00  }
0x33a: {  	[hbm:s23], [sflag:s30] =	dma.local @!p0 [spmem:s29], $0x500  }
0x33b: {  	s23 =	simm.s32 @!p0 $0x4  }
0x33c: {  	_ =	swait.ge @!p0 [sflag:s23], $0x500  }
0x33d: {  	s31 =	sld [smem:$0x7D5]  }
0x33e: {  	s29 =	sld [smem:$0x7F4];
	_ =	sdelay $0x1  }
0x33f: {  	s31 =	sadd.s32 $0x1, s31  }
0x340: {  	p1 =	sne.s32 s31, s29  }
.Ltmp1:
0x341: {  	_ = 	snop;
	(pc) =	sbr.rel @p1 .LBB2_1-.Ltmp1, $3  }
0x342: {  	_ =	sdelay $0x1  }
0x343: {  	[sflag:s23] =	ssyncset.done @!p0 $0x0  }
0x344: {  	[sflag:s23] =	ssyncadd.s32 @!p0 $0xFFFFFB00  }
0x345: {  	_ =	sfence.sel $0x180000  }
0x346: {  	[bflag:$0x0] =	sbarrier.arrive $0xFFFF  }
0x347: {  	_ =	strace $0x9000004D  }
0x348: {  	s0 =	stileid.u32;
	[bflag:$0x2] =	sbarrier.arrive $0xFFFF  }
0x349: {  	p0 =	sne.s32 s0, $0x0;
	s0 =	rddreg [dreg:$0x3]  }
0x34a: {  	s0 =	sadd.s32 @!p0 $0x100000, s0  }
0x34b: {  	[sflag:s0] =	ssyncadd.tile.s32 @!p0 $0x1;
	_ =	shalt  }
.Lfunc_end2:
_tile_overlayer_lowered:
.L_overlay_start_2:
0x34c: {  	(tag) =	ssettag $0x2  }
0x34d: {  	s0 =	rddreg [dreg:$0x0];
	s2 =	stileid.u32  }
0x34e: {  	s1 =	rddreg [dreg:$0x1];
	p0 =	sne.s32 s2, $0x0  }
0x34f: {  	s3 =	rddreg [dreg:$0x2];
	[bflag:$0x3] =	sbarrier.arrive $0xFFFF;
	s2 =	simm.s32 @!p0 $0x1C04  }
0x350: {  	[timem:s3], [sflag:s2] =	dma.local @!p0 [hbm:s0], s1  }
0x351: {  	s0 =	simm.s32 @!p0 $0x4  }
0x352: {  	_ =	swait.ge @!p0 [sflag:s0], s1  }
0x353: {  	s1 =	ssub.s32 @!p0 $0x0, s1;
	[sflag:s0] =	ssyncset.done @!p0 $0x0  }
0x354: {  	[sflag:s0] =	ssyncadd.s32 @!p0 s1  }
0x355: {  	[bflag:$0x3] =	sbarrier.arrive $0xFFFF  }
0x356: {  	_ =	shalt  }

// kernel: kernel.21.cloned.1.call-start
scs
__scs_entry_jumppad:
0x0: {  	(pc) =	sbr.rel $0x88, $3  }
0x1: {  	(tag) =	ssettag $0x0;
	lr =	simm.s32 $0x1  }
0x2: {  	[smem:$0x3F96] =	sst lr;
	_ =	strace $0xD0000000  }
0x3: {  	_ = 	snop  }
0x4: {  	_ = 	snop  }
0x5: {  	_ = 	snop  }
0x6: {  	_ = 	snop  }
0x7: {  	_ = 	snop  }
__scs_overlays_trampoline_lowered:
0x8: {  	[smem:$0x3FA5] =	sst s0  }
0x9: {  	[smem:$0x3FA6] =	sst s1  }
0xa: {  	[smem:$0x3FA7] =	sst s2  }
0xb: {  	[smem:$0x3FA8] =	sst s3  }
0xc: {  	[smem:$0x3FA9] =	sst s4  }
0xd: {  	[smem:$0x3FAA] =	sst s5  }
0xe: {  	[smem:$0x3FAB] =	sst s6  }
0xf: {  	[smem:$0x3FAC] =	sst s7  }
0x10: {  	[smem:$0x3FAD] =	sst s8  }
0x11: {  	[smem:$0x3FAE] =	sst s9;
	s0 =	simm.s32 @!p0 $0x0  }
0x12: {  	s1 =	sld [smem:$0x3F94];
	s0 =	simm.s32 @p0 $0x1  }
0x13: {  	[smem:$0x3FAF] =	sst s0;
	s0 =	simm.s32 @!p1 $0x0  }
0x14: {  	s2 =	sld [smem:$0x3F93];
	s0 =	simm.s32 @p1 $0x1  }
0x15: {  	[smem:$0x3FB0] =	sst s0;
	s0 =	simm.s32 @!p2 $0x0  }
0x16: {  	s3 =	sld [smem:$0x3FDB];
	s0 =	simm.s32 @p2 $0x1  }
0x17: {  	s4 =	simm.s32 $0x1BF5;
	[smem:$0x3FB2] =	sst s0  }
0x18: {  	s0 =	sld [smem:$0x3F95];
	_ =	swait.ge [sflag:s4], $0x0  }
0x19: {  	s7 =	sld [smem:$0x3F96]  }
0x1a: {  	s8 =	sadd.s32 $0xFFFFE003, lr  }
0x1b: {  	s9 =	sadd.s32 $0xFFFFFEF7, lr;
	s5 =	simm.s32 $0xFFFFFFFF;
	p2 =	slt.u32 s8, $0xFFFFF086  }
0x1c: {  	p1 =	slt.u32 s9, $0xF7A;
	s5 =	simm.s32 @!p2 $0x0  }
0x1d: {  	s5 =	simm.s32 @p1 $0x1;
	p0 =	seq.s32 s7, s2  }
0x1e: {  	s7 =	smul.u32 @!p0 $0xF7A, s2;
	p2 =	seq.s32 @!p0 s5, $0x0  }
0x1f: {  	s9 =	smul.u32 $0xF7A, s1;
	s8 =	simm.s32 @!p0 $0x1BF5;
	p2 =	por !p2, p0  }
0x20: {  	[sflag:s8] =	ssyncset.s32 @!p0 $0xFFFFF086;
	s6 =	sadd.s32 @!p0 s3, s7;
	s7 =	simm.s32 @!p0 $0x108  }
0x21: {  	s3 =	sadd.s32 s3, s9;
	s6 =	sadd.s32 @!p0 $0x88, s6;
	s7 =	simm.s32 @p2 $0x1082  }
0x22: {  	[simem:s7], [sflag:s8] =	dma.local @!p0 [hbm:s6], $0xF7A  }
0x23: {  	s9 =	sor.u32 $0xD0000000, s2;
	s6 =	simm.s32 $0x108;
	_ =	swait.ge @!p0 [sflag:s8], $0x0  }
0x24: {  	s3 =	sadd.s32 $0x88, s3;
	s6 =	simm.s32 @!p1 $0x1082;
	[sflag:s4] =	ssyncset.s32 $0xFFFFF086  }
0x25: {  	[simem:s6], [sflag:s4] =	dma.local [hbm:s3], $0xF7A  }
0x26: {  	[smem:$0x3F96] =	sst s1;
	(tag) =	ssettag s2;
	_ =	strace s9  }
0x27: {  	s1 =	sld [smem:$0x3FA6]  }
0x28: {  	s2 =	sld [smem:$0x3FA7]  }
0x29: {  	s4 =	sld [smem:$0x3FA9]  }
0x2a: {  	p0 =	seq.s32 s5, $0x0;
	s5 =	sld [smem:$0x3FAA]  }
0x2b: {  	s6 =	sld [smem:$0x3FAB]  }
0x2c: {  	s7 =	sld [smem:$0x3FAC]  }
0x2d: {  	s3 =	simm.s32 $0x108;
	s8 =	sld [smem:$0x3FAD]  }
0x2e: {  	s3 =	simm.s32 @!p0 $0x1082;
	s9 =	sld [smem:$0x3FAE]  }
0x2f: {  	lr =	sadd.s32 s0, s3;
	s0 =	sld [smem:$0x3FA5]  }
0x30: {  	s3 =	sld [smem:$0x3FA8]  }
0x31: {  	[smem:$0x3FB1] =	sst s10  }
0x32: {  	s10 =	sld [smem:$0x3FAF];
	_ =	sdelay $0x3  }
0x33: {  	p0 =	seq.s32 s10, $0x1;
	s10 =	sld [smem:$0x3FB1];
	_ =	sdelay $0x3  }
0x34: {  	[smem:$0x3FB1] =	sst s10  }
0x35: {  	s10 =	sld [smem:$0x3FB0];
	_ =	sdelay $0x3  }
0x36: {  	p1 =	seq.s32 s10, $0x1;
	s10 =	sld [smem:$0x3FB1];
	_ =	sdelay $0x3  }
0x37: {  	[smem:$0x3FB1] =	sst s10  }
0x38: {  	s10 =	sld [smem:$0x3FB2]  }
0x39: {  	_ = 	snop;
	(pc) =	sbr.ind lr, $3  }
0x3a: {  	_ = 	snop  }
0x3b: {  	_ = 	snop  }
0x3c: {  	p2 =	seq.s32 s10, $0x1;
	s10 =	sld [smem:$0x3FB1]  }
0x3d: {  	_ =	shalt  }
0x3e: {  	_ =	shalt  }
0x3f: {  	_ =	shalt  }
0x40: {  	_ =	shalt  }
0x41: {  	_ =	shalt  }
0x42: {  	_ =	shalt  }
0x43: {  	_ =	shalt  }
0x44: {  	_ =	shalt  }
0x45: {  	_ =	shalt  }
0x46: {  	_ =	shalt  }
0x47: {  	_ =	shalt  }
0x48: {  	_ =	shalt  }
0x49: {  	_ =	shalt  }
0x4a: {  	_ =	shalt  }
0x4b: {  	_ =	shalt  }
0x4c: {  	_ =	shalt  }
0x4d: {  	_ =	shalt  }
0x4e: {  	_ =	shalt  }
0x4f: {  	_ =	shalt  }
0x50: {  	_ =	shalt  }
0x51: {  	_ =	shalt  }
0x52: {  	_ =	shalt  }
0x53: {  	_ =	shalt  }
0x54: {  	_ =	shalt  }
0x55: {  	_ =	shalt  }
0x56: {  	_ =	shalt  }
0x57: {  	_ =	shalt  }
0x58: {  	_ =	shalt  }
0x59: {  	_ =	shalt  }
0x5a: {  	_ =	shalt  }
0x5b: {  	_ =	shalt  }
0x5c: {  	_ =	shalt  }
0x5d: {  	_ =	shalt  }
0x5e: {  	_ =	shalt  }
0x5f: {  	_ =	shalt  }
0x60: {  	_ =	shalt  }
0x61: {  	_ =	shalt  }
0x62: {  	_ =	shalt  }
0x63: {  	_ =	shalt  }
0x64: {  	_ =	shalt  }
0x65: {  	_ =	shalt  }
0x66: {  	_ =	shalt  }
0x67: {  	_ =	shalt  }
0x68: {  	_ =	shalt  }
0x69: {  	_ =	shalt  }
0x6a: {  	_ =	shalt  }
0x6b: {  	_ =	shalt  }
0x6c: {  	_ =	shalt  }
0x6d: {  	_ =	shalt  }
0x6e: {  	_ =	shalt  }
0x6f: {  	_ =	shalt  }
0x70: {  	_ =	shalt  }
0x71: {  	_ =	shalt  }
0x72: {  	_ =	shalt  }
0x73: {  	_ =	shalt  }
0x74: {  	_ =	shalt  }
0x75: {  	_ =	shalt  }
0x76: {  	_ =	shalt  }
0x77: {  	_ =	shalt  }
0x78: {  	_ =	shalt  }
0x79: {  	_ =	shalt  }
0x7a: {  	_ =	shalt  }
0x7b: {  	_ =	shalt  }
0x7c: {  	_ =	shalt  }
0x7d: {  	_ =	shalt  }
0x7e: {  	_ =	shalt  }
0x7f: {  	_ =	shalt  }
0x80: {  	_ =	shalt  }
0x81: {  	_ =	shalt  }
0x82: {  	_ =	shalt  }
0x83: {  	_ =	shalt  }
0x84: {  	_ =	shalt  }
0x85: {  	_ =	shalt  }
0x86: {  	_ =	shalt  }
0x87: {  	_ =	shalt  }
.Lfunc_end0:
.L_simem_size_0:
called_computation.3_lowered:
.L_overlay_start_0:
0x88: {  	s2 =	sld [smem:$0x3FD9]  }
0x89: {  	s3 =	sld [smem:$0x3FFE];
	_ =	sdelay $0x1  }
0x8a: {  	s1 =	srdreg.scid  }
0x8b: {  	s0 =	sand.u32 $0x1, s1  }
0x8c: {  	s17 =	sshll.u32 s0, $0xA;
	s2 =	sadd.s32 s3, s2  }
0x8d: {  	s2 =	sadd.s32 s2, s17  }
0x8e: {  	[smem:$0x3FBD] =	sst s2  }
0x8f: {  	_ = 	snop  }
0x90: {  	s2 =	sld [smem:$0x3FD0];
	(tm) =	ssettm $0x1  }
0x91: {  	s18 =	sld [smem:$0x3FFB];
	_ =	sdelay $0x3  }
0x92: {  	_ =	strace s18  }
0x93: {  	s3 =	sld [smem:$0x3FFC];
	_ =	sdelay $0x3  }
0x94: {  	_ =	strace s3  }
0x95: {  	s3 =	sld [smem:$0x3FFD];
	_ =	sdelay $0x3  }
0x96: {  	_ =	strace s3  }
0x97: {  	_ =	strace $0x8FFFFFFF  }
0x98: {  	s19 =	sld [smem:$0x3FDB];
	_ =	sdelay $0x1  }
0x99: {  	s4 =	simm.s32 $_scs_section_size  }
0x9a: {  	s5 =	simm.s32 $_size__tile_overlayer_lowered;
	s6 =	simm.s32 $_tile_overlayer_lowered  }
0x9b: {  	s22 =	simm.s32 $0x1BFF;
	s21 =	sshll.u32 s6, $0x1;
	s3 =	sadd.s32 s4, s19  }
0x9c: {  	s7 =	simm.s32 $0x0;
	s20 =	sshll.u32 s5, $0x1;
	s5 =	sadd.s32 s21, s3  }
0x9d: {  	[timem:s7], [sflag:s22] =	dma.local [hbm:s5], s20  }
0x9e: {  	_ =	swait.ge [sflag:s22], s20  }
0x9f: {  	s4 =	ssub.s32 $0x0, s20;
	[sflag:s22] =	ssyncset.done $0x0  }
0xa0: {  	[sflag:s22] =	ssyncadd.s32 s4;
	_ =	sdelay $0x1  }
0xa1: {  	s23 =	simm.s32 $0x1B8B  }
0xa2: {  	_ =	swait.ge [sflag:s23], $0x1  }
0xa3: {  	[sflag:s23] =	ssyncset.done $0x0  }
0xa4: {  	s25 =	simm.s32 $0x1B8E;
	s24 =	sld [smem:$0x3FFE];
	[sflag:s23] =	ssyncadd.s32 $0xFFFFFFFF  }
0xa5: {  	s26 =	simm.s32 $execute0_lowered;
	[smem:$0x3FD2] =	sst s25  }
0xa6: {  	s5 =	sshll.u32 s26, $0x1;
	_ =	strace $0x8000004F;
	[dreg:$0x1] =	wrdreg $0xFFFFFFFF  }
0xa7: {  	s28 =	simm.s32 $_size_execute0_lowered;
	s3 =	sadd.s32 s3, s5;
	[dreg:$0x0] =	wrdreg $0x0  }
0xa8: {  	s5 =	sshll.u32 s28, $0x1;
	[dreg:$0x2] =	wrdreg s3  }
0xa9: {  	[dreg:$0x3] =	wrdreg s5  }
0xaa: {  	[dreg:$0x4] =	wrdreg $0xC0  }
0xab: {  	_ =	task [dreg:s7], $0x5FFFF  }
0xac: {  	[dreg:$0x1] =	wrdreg $0xFFFFFFFF  }
0xad: {  	[dreg:$0x0] =	wrdreg $0x60  }
0xae: {  	[dreg:$0x2] =	wrdreg s24  }
0xaf: {  	[dreg:$0x3] =	wrdreg s2  }
0xb0: {  	[dreg:$0x4] =	wrdreg $0x88000  }
0xb1: {  	[dreg:$0x5] =	wrdreg $0x9  }
0xb2: {  	_ =	task.clear_ibuf [dreg:s7], $0x6FFFF;
	_ =	strace $0x9000004F  }
0xb3: {  	s29 =	simm.s32 $0x9;
	_ =	strace $0x80000051  }
0xb4: {  	_ =	swait.ge [sflag:s29], $0x1  }
0xb5: {  	[sflag:s29] =	ssyncadd.s32 $0xFFFFFFFF  }
0xb6: {  	_ =	strace $0x90000051  }
0xb7: {  	_ =	sfence  }
0xb8: {  	s30 =	sld [smem:$0x0];
	_ =	sdelay $0x2  }
0xb9: {  	s31 =	sshll.u32 s1, $0xD;
	s1 =	sshrl.u32 s1, $0x2  }
0xba: {  	s3 =	sand.u32 $0x4000, s31;
	s1 =	sadd.s32 s1, s30  }
0xbb: {  	s0 =	sor.u32 s3, s0;
	s1 =	sshll.u32 s1, $0x11  }
0xbc: {  	s0 =	sor.u32 s1, s0  }
0xbd: {  	s0 =	sadd.s32 $0x8F2B, s0  }
0xbe: {  	[sflag:s0] =	ssyncadd.remote.s32 $0x1  }
0xbf: {  	_ =	sfence.sel $0xFFFF  }
0xc0: {  	[dreg:$0x0] =	wrdreg $0xFFFFFFFF;
	(pc) =	sbr.abs _section_cstart, $3  }
0xc1: {  	[dreg:$0x1] =	wrdreg $0xFFFFFFFF  }
0xc2: {  	_ =	task.clear_ibuf [dreg:s7], $0x2FFFF;
	_ =	strace $0x9FFFFFFF  }
0xc3: {  	(tm) =	ssettm $0x7FFFFFFF  }
tec
execute0_lowered:
.L_overlay_start_1:
0x0: {  	(tag) =	ssettag $0x1  }
0x1: {  	s0 =	rddreg [dreg:$0x0]  }
0x2: {  	s12 =	rddreg [dreg:$0x1]  }
0x3: {  	s2 =	rddreg [dreg:$0x2];
	s3 =	simm.s32 $0x0  }
0x4: {  	s17 =	simm.s32 $0xA0;
	[smem:$0x7FF] =	sst s3  }
0x5: {  	s18 =	simm.s32 $0xF0;
	_ =	strace $0x80000050;
	[dreg:$0x6] =	wrdreg s17  }
0x6: {  	s19 =	simm.s32 $0x850;
	[dreg:$0x7] =	wrdreg s18  }
0x7: {  	s22 =	simm.s32 $0x140;
	[dreg:$0x8] =	wrdreg s19  }
0x8: {  	s23 =	simm.s32 $0x8A0;
	[dreg:$0x9] =	wrdreg s22  }
0x9: {  	s1 =	srdreg.scid;
	s9 =	simm.s32 $0x190;
	[dreg:$0xa] =	wrdreg s23  }
0xa: {  	s21 =	stileid.u32;
	s25 =	simm.s32 $0x8F0;
	[dreg:$0xb] =	wrdreg s9  }
0xb: {  	s26 =	simm.s32 $0x1E0;
	s29 =	simm.s32 $0x940;
	[dreg:$0xc] =	wrdreg s25  }
0xc: {  	s11 =	simm.s32 $0x230;
	s28 =	simm.s32 $0xF80;
	[dreg:$0xd] =	wrdreg s26  }
0xd: {  	s31 =	simm.s32 $0x0;
	s4 =	sand.u32 $0x1, s1;
	[dreg:$0xe] =	wrdreg s29  }
0xe: {  	s5 =	smul.u32 $0x2710, s21;
	[dreg:$0xf] =	wrdreg s11;
	s11 =	simm.s32 $0x280  }
0xf: {  	s16 =	smul.u32 $0x500, s21;
	s17 =	simm.s32 $0xA30;
	[dreg:$0x11] =	wrdreg s11  }
0x10: {  	s1 =	smul.u32 $0x27100, s4;
	s19 =	simm.s32 $0x320;
	[dreg:$0x14] =	wrdreg s17  }
0x11: {  	s13 =	ssub.s32 $0x2, s4;
	s23 =	simm.s32 $0xAD0;
	[dreg:$0x15] =	wrdreg s19  }
0x12: {  	s8 =	smul.u32 $0x138800, s4;
	s25 =	simm.s32 $0xB20;
	[dreg:$0x18] =	wrdreg s23  }
0x13: {  	s4 =	sor.u32 $0x10, s21;
	s26 =	simm.s32 $0x410;
	[dreg:$0x1a] =	wrdreg s25  }
0x14: {  	s9 =	sor.u32 $0x50, s21;
	[dreg:$0x1b] =	wrdreg s26;
	s17 =	simm.s32 $0x460  }
0x15: {  	s29 =	smul.u32 $0x2800, s21;
	s19 =	simm.s32 $0xBC0;
	[dreg:$0x1d] =	wrdreg s17  }
0x16: {  	s1 =	sadd.s32 s5, s1;
	s5 =	sadd.s32 s12, s16;
	[dreg:$0x1e] =	wrdreg s19  }
0x17: {  	s7 =	smul.u32 $0x500, s4;
	s16 =	simm.s32 $0x2D0;
	[smem:$0x7DE] =	sst s5  }
0x18: {  	s14 =	sshrl.u32 s13, $0x1;
	s17 =	simm.s32 $0xC10;
	[dreg:$0x13] =	wrdreg s16  }
0x19: {  	s1 =	sshrl.u32 s1, $0x3;
	s20 =	sadd.s32 s12, s7;
	[smem:$0x7E6] =	sst s17  }
0x1a: {  	s16 =	simm.s32 $0x4B0;
	s6 =	sadd.s32 s1, s0;
	[smem:$0x7DF] =	sst s20  }
0x1b: {  	s1 =	ssub.s32 s13, s14;
	s13 =	simm.s32 $0x990;
	[dreg:$0x1f] =	wrdreg s16  }
0x1c: {  	s11 =	sor.u32 $0x70, s21;
	s20 =	simm.s32 $0xA80;
	[dreg:$0x10] =	wrdreg s13  }
0x1d: {  	s5 =	sor.u32 $0x20, s21;
	s15 =	sadd.s32 $0x3000, s6;
	[dreg:$0x16] =	wrdreg s20  }
0x1e: {  	s24 =	smul.u32 $0x500, s5;
	s6 =	sadd.s32 $0xCE00, s6;
	[dreg:$0x4] =	wrdreg s15  }
0x1f: {  	s23 =	smul.u32 $0x2800, s9;
	s1 =	smax.u32 s1, $0x1;
	[dreg:$0x5] =	wrdreg s6  }
0x20: {  	s19 =	smul.u32 $0x2800, s11;
	s7 =	sadd.s32 s12, s24;
	[smem:$0x7F4] =	sst s1  }
0x21: {  	s13 =	smul.u32 $0x500, s9;
	s15 =	simm.s32 $0x9E0;
	[smem:$0x7E0] =	sst s7  }
0x22: {  	s6 =	sor.u32 $0x30, s21;
	s24 =	simm.s32 $0x3C0;
	[dreg:$0x12] =	wrdreg s15  }
0x23: {  	s10 =	smul.u32 $0x500, s6;
	s18 =	sadd.s32 s12, s13;
	[dreg:$0x19] =	wrdreg s24  }
0x24: {  	s7 =	sor.u32 $0x40, s21;
	s24 =	simm.s32 $0xC60;
	[smem:$0x7E3] =	sst s18  }
0x25: {  	s14 =	smul.u32 $0x500, s7;
	[smem:$0x7E8] =	sst s24;
	s24 =	simm.s32 $0x550  }
0x26: {  	s15 =	smul.u32 $0x500, s11;
	s10 =	sadd.s32 s12, s10;
	[smem:$0x7F1] =	sst s24  }
0x27: {  	s20 =	smul.u32 $0x2800, s6;
	[smem:$0x7E1] =	sst s10;
	s10 =	sadd.s32 s12, s14  }
0x28: {  	s14 =	simm.s32 $0x370;
	[smem:$0x7E2] =	sst s10;
	s10 =	sor.u32 $0x60, s21  }
0x29: {  	[dreg:$0x17] =	wrdreg s14;
	s14 =	simm.s32 $0xB70;
	s22 =	smul.u32 $0x500, s10  }
0x2a: {  	s25 =	sadd.s32 $0xB3000, s0;
	s18 =	smul.u32 $0x2800, s5;
	[dreg:$0x1c] =	wrdreg s14  }
0x2b: {  	s13 =	sadd.s32 s12, s22;
	s12 =	sadd.s32 s12, s15;
	s15 =	smul.u32 $0x2800, s4  }
0x2c: {  	p0 =	sgt.u32 s11, $0x7C;
	s22 =	smul.u32 $0x2800, s7;
	[smem:$0x7E4] =	sst s13  }
0x2d: {  	s17 =	sadd.s32 s8, s23;
	s4 =	smul.u32 $0xA000, s4;
	[smem:$0x7E5] =	sst s12  }
0x2e: {  	s13 =	sadd.s32 s8, s29;
	s12 =	sadd.s32 s8, s20;
	s20 =	simm.s32 $0x500  }
0x2f: {  	s14 =	sadd.s32 s8, s15;
	s15 =	sadd.s32 s8, s18;
	s18 =	smul.u32 $0x2800, s10  }
0x30: {  	s16 =	sadd.s32 s8, s22;
	[smem:$0x7E7] =	sst s20;
	s13 =	sshrl.u32 s13, $0x3  }
0x31: {  	s12 =	sshrl.u32 s12, $0x3;
	s20 =	sshrl.u32 s17, $0x3;
	s13 =	sadd.s32 s25, s13  }
0x32: {  	s26 =	sshrl.u32 s14, $0x3;
	s29 =	sshrl.u32 s15, $0x3;
	s12 =	sadd.s32 s25, s12  }
0x33: {  	s16 =	sshrl.u32 s16, $0x3;
	s22 =	sadd.s32 s25, s20;
	s20 =	sadd.s32 $0x16C00, s0  }
0x34: {  	s14 =	smul.u32 $0xA000, s6;
	s0 =	sshrl.u32 s4, $0x2;
	s4 =	simm.s32 $0x50  }
0x35: {  	s6 =	simm.s32 $0x3800;
	s18 =	sadd.s32 s8, s18;
	s8 =	sadd.s32 s8, s19  }
0x36: {  	[smem:$0x7E9] =	sst s13;
	s13 =	sadd.s32 s25, s26;
	s15 =	sadd.s32 s25, s29  }
0x37: {  	[smem:$0x7EC] =	sst s12;
	s12 =	sadd.s32 s25, s16;
	s26 =	smul.u32 $0xA000, s21  }
0x38: {  	[smem:$0x7EE] =	sst s22;
	s29 =	simm.s32 $0x5A0;
	s16 =	smul.u32 $0xA000, s7  }
0x39: {  	s0 =	sadd.s32 s0, s2;
	s22 =	smul.u32 $0xA000, s11;
	[smem:$0x7EA] =	sst s13  }
0x3a: {  	s7 =	simm.s32 $0x6000;
	s11 =	simm.s32 $0xD00;
	[smem:$0x7EB] =	sst s15  }
0x3b: {  	[smem:$0x7ED] =	sst s12;
	s23 =	sshrl.u32 s18, $0x3;
	s8 =	sshrl.u32 s8, $0x3  }
0x3c: {  	[smem:$0x7F3] =	sst s29;
	s13 =	smul.u32 $0xA000, s5;
	s15 =	sshll.u32 s21, $0x6  }
0x3d: {  	[smem:$0x7F6] =	sst s0;
	s18 =	smul.u32 $0xA000, s9;
	s19 =	sshrl.u32 s14, $0x2  }
0x3e: {  	s21 =	smul.u32 $0xA000, s10;
	s9 =	simm.s32 $0x2;
	s10 =	simm.s32 $0x3  }
0x3f: {  	s14 =	simm.s32 $0x640;
	s12 =	sadd.s32 s25, s23;
	s8 =	sadd.s32 s25, s8  }
0x40: {  	s25 =	simm.s32 $0xCB0;
	s30 =	sor.u32 $0x1C04, s15;
	[smem:$0x7EF] =	sst s12  }
0x41: {  	s5 =	sshrl.u32 s16, $0x2;
	s15 =	simm.s32 $0xDA0;
	[smem:$0x7F0] =	sst s8  }
0x42: {  	s16 =	simm.s32 $0x690;
	[smem:$0x7F2] =	sst s25;
	s12 =	sshrl.u32 s26, $0x2  }
0x43: {  	s17 =	sshrl.u32 s13, $0x2;
	s23 =	sadd.s32 s5, s2;
	s24 =	sshrl.u32 s18, $0x2  }
0x44: {  	s25 =	sshrl.u32 s21, $0x2;
	s26 =	sshrl.u32 s22, $0x2;
	s5 =	simm.s32 $0x1000  }
0x45: {  	s8 =	simm.s32 $0x1;
	s13 =	simm.s32 $0xD50;
	s18 =	simm.s32 $0x6E0  }
0x46: {  	s21 =	simm.s32 $0x730;
	s22 =	simm.s32 $0xE90;
	[smem:$0x7FD] =	sst s30  }
0x47: {  	s1 =	sadd.s32 s12, s2;
	s0 =	sadd.s32 s17, s2;
	[smem:$0x7F9] =	sst s23  }
0x48: {  	s29 =	sadd.s32 s26, s2;
	s12 =	simm.s32 $0x5F0;
	[smem:$0x7F5] =	sst s1  }
0x49: {  	s17 =	simm.s32 $0xDF0;
	s26 =	simm.s32 $0xF30;
	[smem:$0x7F7] =	sst s0  }
0x4a: {  	s0 =	sadd.s32 s19, s2;
	[smem:$0x7FC] =	sst s29;
	s1 =	simm.s32 $0x4  }
0x4b: {  	s19 =	simm.s32 $0xE40;
	[smem:$0x7F8] =	sst s0;
	s0 =	sadd.s32 s24, s2  }
0x4c: {  	s24 =	simm.s32 $0x780;
	[smem:$0x7FA] =	sst s0;
	s0 =	sadd.s32 s25, s2  }
0x4d: {  	s25 =	simm.s32 $0xEE0;
	[smem:$0x7FB] =	sst s0;
	s0 =	simm.s32 $0x800  }
.LBB2_1:
0x4e: {  	s23 =	sld [smem:$0x7F5];
	_ =	sdelay $0x2  }
0x4f: {  	s29 =	sshrl.u32 s23, $0x3;
	s23 =	sld [smem:$0x7DE]  }
0x50: {  	[smem:$0x7D5] =	sst s31  }
0x51: {  	[smem:$0x7D6] =	sst s29  }
0x52: {  	[spmem:s29], [sflag:s30] =	dma.local [hbm:s23], $0x500  }
0x53: {  	_ =	swait.ge [sflag:s1], $0x500  }
0x54: {  	s23 =	sld [smem:$0x7F6];
	_ =	sdelay $0x2  }
0x55: {  	s29 =	sshrl.u32 s23, $0x3;
	s23 =	sld [smem:$0x7DF]  }
0x56: {  	[sflag:s1] =	ssyncset.done $0x0  }
0x57: {  	[sflag:s1] =	ssyncadd.s32 $0xFFFFFB00;
	[smem:$0x7D7] =	sst s29  }
0x58: {  	[spmem:s29], [sflag:s30] =	dma.local [hbm:s23], $0x500  }
0x59: {  	_ =	swait.ge [sflag:s1], $0x500  }
0x5a: {  	s23 =	sld [smem:$0x7F7];
	_ =	sdelay $0x2  }
0x5b: {  	s29 =	sshrl.u32 s23, $0x3;
	s23 =	sld [smem:$0x7E0]  }
0x5c: {  	[sflag:s1] =	ssyncset.done $0x0  }
0x5d: {  	[sflag:s1] =	ssyncadd.s32 $0xFFFFFB00;
	[smem:$0x7D8] =	sst s29  }
0x5e: {  	[spmem:s29], [sflag:s30] =	dma.local [hbm:s23], $0x500  }
0x5f: {  	_ =	swait.ge [sflag:s1], $0x500  }
0x60: {  	s23 =	sld [smem:$0x7F8];
	_ =	sdelay $0x2  }
0x61: {  	s29 =	sshrl.u32 s23, $0x3;
	s23 =	sld [smem:$0x7E1]  }
0x62: {  	[sflag:s1] =	ssyncset.done $0x0  }
0x63: {  	[sflag:s1] =	ssyncadd.s32 $0xFFFFFB00;
	[smem:$0x7D9] =	sst s29  }
0x64: {  	[spmem:s29], [sflag:s30] =	dma.local [hbm:s23], $0x500  }
0x65: {  	_ =	swait.ge [sflag:s1], $0x500  }
0x66: {  	s23 =	sld [smem:$0x7F9];
	_ =	sdelay $0x2  }
0x67: {  	s29 =	sshrl.u32 s23, $0x3;
	s23 =	sld [smem:$0x7E2]  }
0x68: {  	[sflag:s1] =	ssyncset.done $0x0  }
0x69: {  	[sflag:s1] =	ssyncadd.s32 $0xFFFFFB00;
	[smem:$0x7DA] =	sst s29  }
0x6a: {  	[spmem:s29], [sflag:s30] =	dma.local [hbm:s23], $0x500  }
0x6b: {  	_ =	swait.ge [sflag:s1], $0x500  }
0x6c: {  	s23 =	sld [smem:$0x7FA];
	_ =	sdelay $0x2  }
0x6d: {  	s29 =	sshrl.u32 s23, $0x3;
	s23 =	sld [smem:$0x7E3]  }
0x6e: {  	[sflag:s1] =	ssyncset.done $0x0  }
0x6f: {  	[sflag:s1] =	ssyncadd.s32 $0xFFFFFB00;
	[smem:$0x7DB] =	sst s29  }
0x70: {  	[spmem:s29], [sflag:s30] =	dma.local [hbm:s23], $0x500  }
0x71: {  	_ =	swait.ge [sflag:s1], $0x500  }
0x72: {  	s23 =	sld [smem:$0x7FB];
	_ =	sdelay $0x2  }
0x73: {  	s29 =	sshrl.u32 s23, $0x3;
	s23 =	sld [smem:$0x7E4]  }
0x74: {  	[sflag:s1] =	ssyncset.done $0x0  }
0x75: {  	[sflag:s1] =	ssyncadd.s32 $0xFFFFFB00;
	[smem:$0x7DC] =	sst s29  }
0x76: {  	[spmem:s29], [sflag:s30] =	dma.local [hbm:s23], $0x500  }
0x77: {  	_ =	swait.ge [sflag:s1], $0x500  }
0x78: {  	s23 =	sld [smem:$0x7FC];
	_ =	sdelay $0x2  }
0x79: {  	s29 =	sshrl.u32 @!p0 s23, $0x3;
	s23 =	sld [smem:$0x7E5]  }
0x7a: {  	[sflag:s1] =	ssyncset.done $0x0  }
0x7b: {  	[sflag:s1] =	ssyncadd.s32 $0xFFFFFB00;
	[smem:$0x7DD] =	sst s29  }
0x7c: {  	[spmem:s29], [sflag:s30] =	dma.local @!p0 [hbm:s23], $0x500  }
0x7d: {  	s29 =	simm.s32 @!p0 $0x4  }
0x7e: {  	_ =	swait.ge @!p0 [sflag:s29], $0x500  }
0x7f: {  	[sflag:s29] =	ssyncset.done @!p0 $0x0  }
0x80: {  	[sflag:s29] =	ssyncadd.s32 @!p0 $0xFFFFFB00  }
0x81: {  	[bflag:$0x0] =	sbarrier.arrive $0xFFFF  }
0x82: {  	s29 =	rddreg [dreg:$0x5]  }
0x83: {  	s29 =	sadd.s32 $0x0, s29  }
0x84: {  	[tilespmem:s3], [sflag:$0x4] =	stream.linear.gather [hbm4b:s29+s3], $0x7D0, $0x38;
	[tilespmem:$0x1C080] =	vst v63  }
0x85: {  	_ =	swait.ge [sflag:s1], $0x7D0  }
0x86: {  	s29 =	rddreg [dreg:$0x4];
	[sflag:s1] =	ssyncset.done $0x0  }
0x87: {  	[sflag:s1] =	ssyncadd.s32 $0xFFFFF830;
	s29 =	sadd.s32 $0x0, s29  }
0x88: {  	[tilespmem:s0], [sflag:$0x4] =	stream.linear.gather [hbm4b:s29+s3], $0x7D0, $0x38;
	[tilespmem:$0x1C080] =	vst v63  }
0x89: {  	_ =	swait.ge [sflag:s1], $0x7D0  }
0x8a: {  	[sflag:s1] =	ssyncset.done $0x0  }
0x8b: {  	[sflag:s1] =	ssyncadd.s32 $0xFFFFF830  }
0x8c: {  	[tilespmem:s5], [sflag:$0x1] =	stream.indirect.gather [hbm4b:s20+s4], $0x80, s3, s4, $0xb8;
	[tilespmem:$0x1C080] =	vst v63  }
0x8d: {  	_ = 	snop  }
0x8e: {  	[tilespmem:s6], [sflag:$0x2] =	stream.indirect.gather [hbm4b:s20+s4], $0x80, s4, s4, $0xb8;
	[tilespmem:$0x1C080] =	vst v63  }
0x8f: {  	s29 =	rddreg [dreg:$0x6]  }
0x90: {  	[tilespmem:s7], [sflag:$0x3] =	stream.indirect.gather [hbm4b:s20+s4], $0x80, s29, s4, $0xb8;
	[tilespmem:$0x1C080] =	vst v63  }
0x91: {  	_ =	swait.ge [sflag:s8], $0x2800  }
0x92: {  	[sflag:s8] =	ssyncset.done $0x0  }
0x93: {  	[sflag:s8] =	ssyncadd.s32 $0xFFFFD800  }
0x94: {  	[spmem:s2] =	stream.indirect.scatter.add.f32 [tilespmem:s5], [sflag:$0x4], $0x80, s0, s4, $0xb8;
	[tilespmem:$0x1C080] =	vst v63  }
0x95: {  	_ =	swait.ge [sflag:s1], $0x2800  }
0x96: {  	[sflag:s1] =	ssyncset.done $0x0  }
0x97: {  	s29 =	rddreg [dreg:$0x7];
	[sflag:s1] =	ssyncadd.s32 $0xFFFFD800  }
0x98: {  	[tilespmem:s5], [sflag:$0x1] =	stream.indirect.gather [hbm4b:s20+s4], $0x80, s29, s4, $0xb8;
	[tilespmem:$0x1C080] =	vst v63  }
0x99: {  	_ =	swait.ge [sflag:s9], $0x2800  }
0x9a: {  	[sflag:s9] =	ssyncset.done $0x0  }
0x9b: {  	s29 =	rddreg [dreg:$0x8];
	[sflag:s9] =	ssyncadd.s32 $0xFFFFD800  }
0x9c: {  	[spmem:s2] =	stream.indirect.scatter.add.f32 [tilespmem:s6], [sflag:$0x4], $0x80, s29, s4, $0xb8;
	[tilespmem:$0x1C080] =	vst v63  }
0x9d: {  	_ =	swait.ge [sflag:s1], $0x2800  }
0x9e: {  	[sflag:s1] =	ssyncset.done $0x0  }
0x9f: {  	s29 =	rddreg [dreg:$0x9];
	[sflag:s1] =	ssyncadd.s32 $0xFFFFD800  }
0xa0: {  	[tilespmem:s6], [sflag:$0x2] =	stream.indirect.gather [hbm4b:s20+s4], $0x80, s29, s4, $0xb8;
	[tilespmem:$0x1C080] =	vst v63  }
0xa1: {  	_ =	swait.ge [sflag:s10], $0x2800  }
0xa2: {  	[sflag:s10] =	ssyncset.done $0x0  }
0xa3: {  	s29 =	rddreg [dreg:$0xa];
	[sflag:s10] =	ssyncadd.s32 $0xFFFFD800  }
0xa4: {  	[spmem:s2] =	stream.indirect.scatter.add.f32 [tilespmem:s7], [sflag:$0x4], $0x80, s29, s4, $0xb8;
	[tilespmem:$0x1C080] =	vst v63  }
0xa5: {  	_ =	swait.ge [sflag:s1], $0x2800  }
0xa6: {  	[sflag:s1] =	ssyncset.done $0x0  }
0xa7: {  	s29 =	rddreg [dreg:$0xb];
	[sflag:s1] =	ssyncadd.s32 $0xFFFFD800  }
0xa8: {  	[tilespmem:s7], [sflag:$0x3] =	stream.indirect.gather [hbm4b:s20+s4], $0x80, s29, s4, $0xb8;
	[tilespmem:$0x1C080] =	vst v63  }
0xa9: {  	_ =	swait.ge [sflag:s8], $0x2800  }
0xaa: {  	[sflag:s8] =	ssyncset.done $0x0  }
0xab: {  	s29 =	rddreg [dreg:$0xc];
	[sflag:s8] =	ssyncadd.s32 $0xFFFFD800  }
0xac: {  	[spmem:s2] =	stream.indirect.scatter.add.f32 [tilespmem:s5], [sflag:$0x4], $0x80, s29, s4, $0xb8;
	[tilespmem:$0x1C080] =	vst v63  }
0xad: {  	_ =	swait.ge [sflag:s1], $0x2800  }
0xae: {  	[sflag:s1] =	ssyncset.done $0x0  }
0xaf: {  	s29 =	rddreg [dreg:$0xd];
	[sflag:s1] =	ssyncadd.s32 $0xFFFFD800  }
0xb0: {  	[tilespmem:s5], [sflag:$0x1] =	stream.indirect.gather [hbm4b:s20+s4], $0x80, s29, s4, $0xb8;
	[tilespmem:$0x1C080] =	vst v63  }
0xb1: {  	_ =	swait.ge [sflag:s9], $0x2800  }
0xb2: {  	[sflag:s9] =	ssyncset.done $0x0  }
0xb3: {  	s29 =	rddreg [dreg:$0xe];
	[sflag:s9] =	ssyncadd.s32 $0xFFFFD800  }
0xb4: {  	[spmem:s2] =	stream.indirect.scatter.add.f32 [tilespmem:s6], [sflag:$0x4], $0x80, s29, s4, $0xb8;
	[tilespmem:$0x1C080] =	vst v63  }
0xb5: {  	_ =	swait.ge [sflag:s1], $0x2800  }
0xb6: {  	[sflag:s1] =	ssyncset.done $0x0  }
0xb7: {  	s29 =	rddreg [dreg:$0xf];
	[sflag:s1] =	ssyncadd.s32 $0xFFFFD800  }
0xb8: {  	[tilespmem:s6], [sflag:$0x2] =	stream.indirect.gather [hbm4b:s20+s4], $0x80, s29, s4, $0xb8;
	[tilespmem:$0x1C080] =	vst v63  }
0xb9: {  	_ =	swait.ge [sflag:s10], $0x2800  }
0xba: {  	[sflag:s10] =	ssyncset.done $0x0  }
0xbb: {  	s29 =	rddreg [dreg:$0x10];
	[sflag:s10] =	ssyncadd.s32 $0xFFFFD800  }
0xbc: {  	[spmem:s2] =	stream.indirect.scatter.add.f32 [tilespmem:s7], [sflag:$0x4], $0x80, s29, s4, $0xb8;
	[tilespmem:$0x1C080] =	vst v63  }
0xbd: {  	_ =	swait.ge [sflag:s1], $0x2800  }
0xbe: {  	[sflag:s1] =	ssyncset.done $0x0  }
0xbf: {  	s29 =	rddreg [dreg:$0x11];
	[sflag:s1] =	ssyncadd.s32 $0xFFFFD800  }
0xc0: {  	[tilespmem:s7], [sflag:$0x3] =	stream.indirect.gather [hbm4b:s20+s4], $0x80, s29, s4, $0xb8;
	[tilespmem:$0x1C080] =	vst v63  }
0xc1: {  	_ =	swait.ge [sflag:s8], $0x2800  }
0xc2: {  	[sflag:s8] =	ssyncset.done $0x0  }
0xc3: {  	s29 =	rddreg [dreg:$0x12];
	[sflag:s8] =	ssyncadd.s32 $0xFFFFD800  }
0xc4: {  	[spmem:s2] =	stream.indirect.scatter.add.f32 [tilespmem:s5], [sflag:$0x4], $0x80, s29, s4, $0xb8;
	[tilespmem:$0x1C080] =	vst v63  }
0xc5: {  	_ =	swait.ge [sflag:s1], $0x2800  }
0xc6: {  	[sflag:s1] =	ssyncset.done $0x0  }
0xc7: {  	s29 =	rddreg [dreg:$0x13];
	[sflag:s1] =	ssyncadd.s32 $0xFFFFD800  }
0xc8: {  	[tilespmem:s5], [sflag:$0x1] =	stream.indirect.gather [hbm4b:s20+s4], $0x80, s29, s4, $0xb8;
	[tilespmem:$0x1C080] =	vst v63  }
0xc9: {  	_ =	swait.ge [sflag:s9], $0x2800  }
0xca: {  	[sflag:s9] =	ssyncset.done $0x0  }
0xcb: {  	s29 =	rddreg [dreg:$0x14];
	[sflag:s9] =	ssyncadd.s32 $0xFFFFD800  }
0xcc: {  	[spmem:s2] =	stream.indirect.scatter.add.f32 [tilespmem:s6], [sflag:$0x4], $0x80, s29, s4, $0xb8;
	[tilespmem:$0x1C080] =	vst v63  }
0xcd: {  	_ =	swait.ge [sflag:s1], $0x2800  }
0xce: {  	[sflag:s1] =	ssyncset.done $0x0  }
0xcf: {  	s29 =	rddreg [dreg:$0x15];
	[sflag:s1] =	ssyncadd.s32 $0xFFFFD800  }
0xd0: {  	[tilespmem:s6], [sflag:$0x2] =	stream.indirect.gather [hbm4b:s20+s4], $0x80, s29, s4, $0xb8;
	[tilespmem:$0x1C080] =	vst v63  }
0xd1: {  	_ =	swait.ge [sflag:s10], $0x2800  }
0xd2: {  	[sflag:s10] =	ssyncset.done $0x0  }
0xd3: {  	s29 =	rddreg [dreg:$0x16];
	[sflag:s10] =	ssyncadd.s32 $0xFFFFD800  }
0xd4: {  	[spmem:s2] =	stream.indirect.scatter.add.f32 [tilespmem:s7], [sflag:$0x4], $0x80, s29, s4, $0xb8;
	[tilespmem:$0x1C080] =	vst v63  }
0xd5: {  	_ =	swait.ge [sflag:s1], $0x2800  }
0xd6: {  	[sflag:s1] =	ssyncset.done $0x0  }
0xd7: {  	s29 =	rddreg [dreg:$0x17];
	[sflag:s1] =	ssyncadd.s32 $0xFFFFD800  }
0xd8: {  	[tilespmem:s7], [sflag:$0x3] =	stream.indirect.gather [hbm4b:s20+s4], $0x80, s29, s4, $0xb8;
	[tilespmem:$0x1C080] =	vst v63  }
0xd9: {  	_ =	swait.ge [sflag:s8], $0x2800  }
0xda: {  	[sflag:s8] =	ssyncset.done $0x0  }
0xdb: {  	s29 =	rddreg [dreg:$0x18];
	[sflag:s8] =	ssyncadd.s32 $0xFFFFD800  }
0xdc: {  	[spmem:s2] =	stream.indirect.scatter.add.f32 [tilespmem:s5], [sflag:$0x4], $0x80, s29, s4, $0xb8;
	[tilespmem:$0x1C080] =	vst v63  }
0xdd: {  	_ =	swait.ge [sflag:s1], $0x2800  }
0xde: {  	[sflag:s1] =	ssyncset.done $0x0  }
0xdf: {  	s29 =	rddreg [dreg:$0x19];
	[sflag:s1] =	ssyncadd.s32 $0xFFFFD800  }
0xe0: {  	[tilespmem:s5], [sflag:$0x1] =	stream.indirect.gather [hbm4b:s20+s4], $0x80, s29, s4, $0xb8;
	[tilespmem:$0x1C080] =	vst v63  }
0xe1: {  	_ =	swait.ge [sflag:s9], $0x2800  }
0xe2: {  	[sflag:s9] =	ssyncset.done $0x0  }
0xe3: {  	s29 =	rddreg [dreg:$0x1a];
	[sflag:s9] =	ssyncadd.s32 $0xFFFFD800  }
0xe4: {  	[spmem:s2] =	stream.indirect.scatter.add.f32 [tilespmem:s6], [sflag:$0x4], $0x80, s29, s4, $0xb8;
	[tilespmem:$0x1C080] =	vst v63  }
0xe5: {  	_ =	swait.ge [sflag:s1], $0x2800  }
0xe6: {  	[sflag:s1] =	ssyncset.done $0x0  }
0xe7: {  	s29 =	rddreg [dreg:$0x1b];
	[sflag:s1] =	ssyncadd.s32 $0xFFFFD800  }
0xe8: {  	[tilespmem:s6], [sflag:$0x2] =	stream.indirect.gather [hbm4b:s20+s4], $0x80, s29, s4, $0xb8;
	[tilespmem:$0x1C080] =	vst v63  }
0xe9: {  	_ =	swait.ge [sflag:s10], $0x2800  }
0xea: {  	[sflag:s10] =	ssyncset.done $0x0  }
0xeb: {  	s29 =	rddreg [dreg:$0x1c];
	[sflag:s10] =	ssyncadd.s32 $0xFFFFD800  }
0xec: {  	[spmem:s2] =	stream.indirect.scatter.add.f32 [tilespmem:s7], [sflag:$0x4], $0x80, s29, s4, $0xb8;
	[tilespmem:$0x1C080] =	vst v63  }
0xed: {  	_ =	swait.ge [sflag:s1], $0x2800  }
0xee: {  	[sflag:s1] =	ssyncset.done $0x0  }
0xef: {  	s29 =	rddreg [dreg:$0x1d];
	[sflag:s1] =	ssyncadd.s32 $0xFFFFD800  }
0xf0: {  	[tilespmem:s7], [sflag:$0x3] =	stream.indirect.gather [hbm4b:s20+s4], $0x80, s29, s4, $0xb8;
	[tilespmem:$0x1C080] =	vst v63  }
0xf1: {  	_ =	swait.ge [sflag:s8], $0x2800  }
0xf2: {  	[sflag:s8] =	ssyncset.done $0x0  }
0xf3: {  	s29 =	rddreg [dreg:$0x1e];
	[sflag:s8] =	ssyncadd.s32 $0xFFFFD800  }
0xf4: {  	[spmem:s2] =	stream.indirect.scatter.add.f32 [tilespmem:s5], [sflag:$0x4], $0x80, s29, s4, $0xb8;
	[tilespmem:$0x1C080] =	vst v63  }
0xf5: {  	_ =	swait.ge [sflag:s1], $0x2800  }
0xf6: {  	[sflag:s1] =	ssyncset.done $0x0  }
0xf7: {  	s29 =	rddreg [dreg:$0x1f];
	[sflag:s1] =	ssyncadd.s32 $0xFFFFD800  }
0xf8: {  	[tilespmem:s5], [sflag:$0x1] =	stream.indirect.gather [hbm4b:s20+s4], $0x80, s29, s4, $0xb8;
	[tilespmem:$0x1C080] =	vst v63  }
0xf9: {  	_ =	swait.ge [sflag:s9], $0x2800  }
0xfa: {  	s29 =	sld [smem:$0x7E6]  }
0xfb: {  	[sflag:s9] =	ssyncset.done $0x0  }
0xfc: {  	[sflag:s9] =	ssyncadd.s32 $0xFFFFD800  }
0xfd: {  	[spmem:s2] =	stream.indirect.scatter.add.f32 [tilespmem:s6], [sflag:$0x4], $0x80, s29, s4, $0xb8;
	[tilespmem:$0x1C080] =	vst v63  }
0xfe: {  	_ =	swait.ge [sflag:s1], $0x2800  }
0xff: {  	s29 =	sld [smem:$0x7E7]  }
0x100: {  	[sflag:s1] =	ssyncset.done $0x0  }
0x101: {  	[sflag:s1] =	ssyncadd.s32 $0xFFFFD800  }
0x102: {  	[tilespmem:s6], [sflag:$0x2] =	stream.indirect.gather [hbm4b:s20+s4], $0x80, s29, s4, $0xb8;
	[tilespmem:$0x1C080] =	vst v63  }
0x103: {  	_ =	swait.ge [sflag:s10], $0x2800  }
0x104: {  	s29 =	sld [smem:$0x7E8]  }
0x105: {  	[sflag:s10] =	ssyncset.done $0x0  }
0x106: {  	[sflag:s10] =	ssyncadd.s32 $0xFFFFD800  }
0x107: {  	[spmem:s2] =	stream.indirect.scatter.add.f32 [tilespmem:s7], [sflag:$0x4], $0x80, s29, s4, $0xb8;
	[tilespmem:$0x1C080] =	vst v63  }
0x108: {  	_ =	swait.ge [sflag:s1], $0x2800  }
0x109: {  	s29 =	sld [smem:$0x7F1]  }
0x10a: {  	[sflag:s1] =	ssyncset.done $0x0  }
0x10b: {  	[sflag:s1] =	ssyncadd.s32 $0xFFFFD800  }
0x10c: {  	[tilespmem:s7], [sflag:$0x3] =	stream.indirect.gather [hbm4b:s20+s4], $0x80, s29, s4, $0xb8;
	[tilespmem:$0x1C080] =	vst v63  }
0x10d: {  	_ =	swait.ge [sflag:s8], $0x2800  }
0x10e: {  	s29 =	sld [smem:$0x7F2]  }
0x10f: {  	[sflag:s8] =	ssyncset.done $0x0  }
0x110: {  	[sflag:s8] =	ssyncadd.s32 $0xFFFFD800  }
0x111: {  	[spmem:s2] =	stream.indirect.scatter.add.f32 [tilespmem:s5], [sflag:$0x4], $0x80, s29, s4, $0xb8;
	[tilespmem:$0x1C080] =	vst v63  }
0x112: {  	_ =	swait.ge [sflag:s1], $0x2800  }
0x113: {  	s29 =	sld [smem:$0x7F3]  }
0x114: {  	[sflag:s1] =	ssyncset.done $0x0  }
0x115: {  	[sflag:s1] =	ssyncadd.s32 $0xFFFFD800  }
0x116: {  	[tilespmem:s5], [sflag:$0x1] =	stream.indirect.gather [hbm4b:s20+s4], $0x80, s29, s4, $0xb8;
	[tilespmem:$0x1C080] =	vst v63  }
0x117: {  	_ =	swait.ge [sflag:s9], $0x2800  }
0x118: {  	[sflag:s9] =	ssyncset.done $0x0  }
0x119: {  	[sflag:s9] =	ssyncadd.s32 $0xFFFFD800  }
0x11a: {  	[spmem:s2] =	stream.indirect.scatter.add.f32 [tilespmem:s6], [sflag:$0x4], $0x80, s11, s4, $0xb8;
	[tilespmem:$0x1C080] =	vst v63  }
0x11b: {  	_ =	swait.ge [sflag:s1], $0x2800  }
0x11c: {  	[sflag:s1] =	ssyncset.done $0x0  }
0x11d: {  	[sflag:s1] =	ssyncadd.s32 $0xFFFFD800  }
0x11e: {  	[tilespmem:s6], [sflag:$0x2] =	stream.indirect.gather [hbm4b:s20+s4], $0x80, s12, s4, $0xb8;
	[tilespmem:$0x1C080] =	vst v63  }
0x11f: {  	_ =	swait.ge [sflag:s10], $0x2800  }
0x120: {  	[sflag:s10] =	ssyncset.done $0x0  }
0x121: {  	[sflag:s10] =	ssyncadd.s32 $0xFFFFD800  }
0x122: {  	[spmem:s2] =	stream.indirect.scatter.add.f32 [tilespmem:s7], [sflag:$0x4], $0x80, s13, s4, $0xb8;
	[tilespmem:$0x1C080] =	vst v63  }
0x123: {  	_ =	swait.ge [sflag:s1], $0x2800  }
0x124: {  	[sflag:s1] =	ssyncset.done $0x0  }
0x125: {  	[sflag:s1] =	ssyncadd.s32 $0xFFFFD800  }
0x126: {  	[tilespmem:s7], [sflag:$0x3] =	stream.indirect.gather [hbm4b:s20+s4], $0x80, s14, s4, $0xb8;
	[tilespmem:$0x1C080] =	vst v63  }
0x127: {  	_ =	swait.ge [sflag:s8], $0x2800  }
0x128: {  	[sflag:s8] =	ssyncset.done $0x0  }
0x129: {  	[sflag:s8] =	ssyncadd.s32 $0xFFFFD800  }
0x12a: {  	[spmem:s2] =	stream.indirect.scatter.add.f32 [tilespmem:s5], [sflag:$0x4], $0x80, s15, s4, $0xb8;
	[tilespmem:$0x1C080] =	vst v63  }
0x12b: {  	_ =	swait.ge [sflag:s1], $0x2800  }
0x12c: {  	[sflag:s1] =	ssyncset.done $0x0  }
0x12d: {  	[sflag:s1] =	ssyncadd.s32 $0xFFFFD800  }
0x12e: {  	[tilespmem:s5], [sflag:$0x1] =	stream.indirect.gather [hbm4b:s20+s4], $0x80, s16, s4, $0xb8;
	[tilespmem:$0x1C080] =	vst v63  }
0x12f: {  	_ =	swait.ge [sflag:s9], $0x2800  }
0x130: {  	[sflag:s9] =	ssyncset.done $0x0  }
0x131: {  	[sflag:s9] =	ssyncadd.s32 $0xFFFFD800  }
0x132: {  	[spmem:s2] =	stream.indirect.scatter.add.f32 [tilespmem:s6], [sflag:$0x4], $0x80, s17, s4, $0xb8;
	[tilespmem:$0x1C080] =	vst v63  }
0x133: {  	_ =	swait.ge [sflag:s1], $0x2800  }
0x134: {  	[sflag:s1] =	ssyncset.done $0x0  }
0x135: {  	[sflag:s1] =	ssyncadd.s32 $0xFFFFD800  }
0x136: {  	[tilespmem:s6], [sflag:$0x2] =	stream.indirect.gather [hbm4b:s20+s4], $0x80, s18, s4, $0xb8;
	[tilespmem:$0x1C080] =	vst v63  }
0x137: {  	_ =	swait.ge [sflag:s10], $0x2800  }
0x138: {  	[sflag:s10] =	ssyncset.done $0x0  }
0x139: {  	[sflag:s10] =	ssyncadd.s32 $0xFFFFD800  }
0x13a: {  	[spmem:s2] =	stream.indirect.scatter.add.f32 [tilespmem:s7], [sflag:$0x4], $0x80, s19, s4, $0xb8;
	[tilespmem:$0x1C080] =	vst v63  }
0x13b: {  	_ =	swait.ge [sflag:s1], $0x2800  }
0x13c: {  	[sflag:s1] =	ssyncset.done $0x0  }
0x13d: {  	[sflag:s1] =	ssyncadd.s32 $0xFFFFD800  }
0x13e: {  	[tilespmem:s7], [sflag:$0x3] =	stream.indirect.gather [hbm4b:s20+s4], $0x80, s21, s4, $0xb8;
	[tilespmem:$0x1C080] =	vst v63  }
0x13f: {  	_ =	swait.ge [sflag:s8], $0x2800  }
0x140: {  	[sflag:s8] =	ssyncset.done $0x0  }
0x141: {  	[sflag:s8] =	ssyncadd.s32 $0xFFFFD800  }
0x142: {  	[spmem:s2] =	stream.indirect.scatter.add.f32 [tilespmem:s5], [sflag:$0x4], $0x80, s22, s4, $0xb8;
	[tilespmem:$0x1C080] =	vst v63  }
0x143: {  	_ =	swait.ge [sflag:s1], $0x2800  }
0x144: {  	[sflag:s1] =	ssyncset.done $0x0  }
0x145: {  	[sflag:s1] =	ssyncadd.s32 $0xFFFFD800  }
0x146: {  	[tilespmem:s5], [sflag:$0x1] =	stream.indirect.gather [hbm4b:s20+s4], $0x80, s24, s4, $0xb8;
	[tilespmem:$0x1C080] =	vst v63  }
0x147: {  	_ =	swait.ge [sflag:s9], $0x2800  }
0x148: {  	[sflag:s9] =	ssyncset.done $0x0  }
0x149: {  	[sflag:s9] =	ssyncadd.s32 $0xFFFFD800  }
0x14a: {  	[spmem:s2] =	stream.indirect.scatter.add.f32 [tilespmem:s6], [sflag:$0x4], $0x80, s25, s4, $0xb8;
	[tilespmem:$0x1C080] =	vst v63  }
0x14b: {  	_ =	swait.ge [sflag:s1], $0x2800  }
0x14c: {  	[sflag:s1] =	ssyncset.done $0x0  }
0x14d: {  	[sflag:s1] =	ssyncadd.s32 $0xFFFFD800  }
0x14e: {  	_ =	swait.ge [sflag:s10], $0x2800  }
0x14f: {  	[sflag:s10] =	ssyncset.done $0x0  }
0x150: {  	[sflag:s10] =	ssyncadd.s32 $0xFFFFD800  }
0x151: {  	[spmem:s2] =	stream.indirect.scatter.add.f32 [tilespmem:s7], [sflag:$0x4], $0x80, s26, s4, $0xb8;
	[tilespmem:$0x1C080] =	vst v63  }
0x152: {  	_ =	swait.ge [sflag:s1], $0x2800  }
0x153: {  	[sflag:s1] =	ssyncset.done $0x0  }
0x154: {  	[sflag:s1] =	ssyncadd.s32 $0xFFFFD800  }
0x155: {  	_ =	swait.ge [sflag:s8], $0x2800  }
0x156: {  	[sflag:s8] =	ssyncset.done $0x0  }
0x157: {  	[sflag:s8] =	ssyncadd.s32 $0xFFFFD800  }
0x158: {  	[spmem:s2] =	stream.indirect.scatter.add.f32 [tilespmem:s5], [sflag:$0x4], $0x80, s28, s4, $0xb8;
	[tilespmem:$0x1C080] =	vst v63  }
0x159: {  	s31 =	simm.s32 $0x1F4;
	_ =	swait.ge [sflag:s1], $0x2800  }
0x15a: {  	s30 =	simm.s32 $0xFA;
	s29 =	rddreg [dreg:$0x5];
	[sflag:s1] =	ssyncset.done $0x0  }
.LBB2_2:
0x15b: {  	[sflag:s1] =	ssyncadd.s32 $0xFFFFD800;
	s29 =	sadd.s32 s30, s29  }
0x15c: {  	[tilespmem:s3], [sflag:$0x4] =	stream.linear.gather [hbm4b:s29+s3], $0x7D0, $0x38;
	[tilespmem:$0x1C080] =	vst v63  }
0x15d: {  	_ =	swait.ge [sflag:s1], $0x7D0  }
0x15e: {  	s29 =	rddreg [dreg:$0x4];
	[sflag:s1] =	ssyncset.done $0x0  }
0x15f: {  	[sflag:s1] =	ssyncadd.s32 $0xFFFFF830;
	s29 =	sadd.s32 s30, s29  }
0x160: {  	[tilespmem:s0], [sflag:$0x4] =	stream.linear.gather [hbm4b:s29+s3], $0x7D0, $0x38;
	[tilespmem:$0x1C080] =	vst v63  }
0x161: {  	_ =	swait.ge [sflag:s1], $0x7D0  }
0x162: {  	[sflag:s1] =	ssyncset.done $0x0  }
0x163: {  	[sflag:s1] =	ssyncadd.s32 $0xFFFFF830  }
0x164: {  	[tilespmem:s5], [sflag:$0x1] =	stream.indirect.gather [hbm4b:s20+s4], $0x80, s3, s4, $0xb8;
	[tilespmem:$0x1C080] =	vst v63  }
0x165: {  	s23 =	smov.u32 s31  }
0x166: {  	[tilespmem:s6], [sflag:$0x2] =	stream.indirect.gather [hbm4b:s20+s4], $0x80, s4, s4, $0xb8;
	[tilespmem:$0x1C080] =	vst v63  }
0x167: {  	s30 =	smov.u32 s23;
	s23 =	rddreg [dreg:$0x6]  }
0x168: {  	[tilespmem:s7], [sflag:$0x3] =	stream.indirect.gather [hbm4b:s20+s4], $0x80, s23, s4, $0xb8;
	[tilespmem:$0x1C080] =	vst v63  }
0x169: {  	_ =	swait.ge [sflag:s8], $0x2800  }
0x16a: {  	[sflag:s8] =	ssyncset.done $0x0  }
0x16b: {  	[sflag:s8] =	ssyncadd.s32 $0xFFFFD800  }
0x16c: {  	[spmem:s2] =	stream.indirect.scatter.add.f32 [tilespmem:s5], [sflag:$0x4], $0x80, s0, s4, $0xb8;
	[tilespmem:$0x1C080] =	vst v63  }
0x16d: {  	_ =	swait.ge [sflag:s1], $0x2800  }
0x16e: {  	[sflag:s1] =	ssyncset.done $0x0  }
0x16f: {  	s23 =	rddreg [dreg:$0x7];
	[sflag:s1] =	ssyncadd.s32 $0xFFFFD800  }
0x170: {  	[tilespmem:s5], [sflag:$0x1] =	stream.indirect.gather [hbm4b:s20+s4], $0x80, s23, s4, $0xb8;
	[tilespmem:$0x1C080] =	vst v63  }
0x171: {  	_ =	swait.ge [sflag:s9], $0x2800  }
0x172: {  	[sflag:s9] =	ssyncset.done $0x0  }
0x173: {  	s23 =	rddreg [dreg:$0x8];
	[sflag:s9] =	ssyncadd.s32 $0xFFFFD800  }
0x174: {  	[spmem:s2] =	stream.indirect.scatter.add.f32 [tilespmem:s6], [sflag:$0x4], $0x80, s23, s4, $0xb8;
	[tilespmem:$0x1C080] =	vst v63  }
0x175: {  	_ =	swait.ge [sflag:s1], $0x2800  }
0x176: {  	[sflag:s1] =	ssyncset.done $0x0  }
0x177: {  	s23 =	rddreg [dreg:$0x9];
	[sflag:s1] =	ssyncadd.s32 $0xFFFFD800  }
0x178: {  	[tilespmem:s6], [sflag:$0x2] =	stream.indirect.gather [hbm4b:s20+s4], $0x80, s23, s4, $0xb8;
	[tilespmem:$0x1C080] =	vst v63  }
0x179: {  	_ =	swait.ge [sflag:s10], $0x2800  }
0x17a: {  	[sflag:s10] =	ssyncset.done $0x0  }
0x17b: {  	s23 =	rddreg [dreg:$0xa];
	[sflag:s10] =	ssyncadd.s32 $0xFFFFD800  }
0x17c: {  	[spmem:s2] =	stream.indirect.scatter.add.f32 [tilespmem:s7], [sflag:$0x4], $0x80, s23, s4, $0xb8;
	[tilespmem:$0x1C080] =	vst v63  }
0x17d: {  	_ =	swait.ge [sflag:s1], $0x2800  }
0x17e: {  	[sflag:s1] =	ssyncset.done $0x0  }
0x17f: {  	s23 =	rddreg [dreg:$0xb];
	[sflag:s1] =	ssyncadd.s32 $0xFFFFD800  }
0x180: {  	[tilespmem:s7], [sflag:$0x3] =	stream.indirect.gather [hbm4b:s20+s4], $0x80, s23, s4, $0xb8;
	[tilespmem:$0x1C080] =	vst v63  }
0x181: {  	_ =	swait.ge [sflag:s8], $0x2800  }
0x182: {  	[sflag:s8] =	ssyncset.done $0x0  }
0x183: {  	s23 =	rddreg [dreg:$0xc];
	[sflag:s8] =	ssyncadd.s32 $0xFFFFD800  }
0x184: {  	[spmem:s2] =	stream.indirect.scatter.add.f32 [tilespmem:s5], [sflag:$0x4], $0x80, s23, s4, $0xb8;
	[tilespmem:$0x1C080] =	vst v63  }
0x185: {  	_ =	swait.ge [sflag:s1], $0x2800  }
0x186: {  	[sflag:s1] =	ssyncset.done $0x0  }
0x187: {  	s23 =	rddreg [dreg:$0xd];
	[sflag:s1] =	ssyncadd.s32 $0xFFFFD800  }
0x188: {  	[tilespmem:s5], [sflag:$0x1] =	stream.indirect.gather [hbm4b:s20+s4], $0x80, s23, s4, $0xb8;
	[tilespmem:$0x1C080] =	vst v63  }
0x189: {  	_ =	swait.ge [sflag:s9], $0x2800  }
0x18a: {  	[sflag:s9] =	ssyncset.done $0x0  }
0x18b: {  	s23 =	rddreg [dreg:$0xe];
	[sflag:s9] =	ssyncadd.s32 $0xFFFFD800  }
0x18c: {  	[spmem:s2] =	stream.indirect.scatter.add.f32 [tilespmem:s6], [sflag:$0x4], $0x80, s23, s4, $0xb8;
	[tilespmem:$0x1C080] =	vst v63  }
0x18d: {  	_ =	swait.ge [sflag:s1], $0x2800  }
0x18e: {  	[sflag:s1] =	ssyncset.done $0x0  }
0x18f: {  	s23 =	rddreg [dreg:$0xf];
	[sflag:s1] =	ssyncadd.s32 $0xFFFFD800  }
0x190: {  	[tilespmem:s6], [sflag:$0x2] =	stream.indirect.gather [hbm4b:s20+s4], $0x80, s23, s4, $0xb8;
	[tilespmem:$0x1C080] =	vst v63  }
0x191: {  	_ =	swait.ge [sflag:s10], $0x2800  }
0x192: {  	[sflag:s10] =	ssyncset.done $0x0  }
0x193: {  	s23 =	rddreg [dreg:$0x10];
	[sflag:s10] =	ssyncadd.s32 $0xFFFFD800  }
0x194: {  	[spmem:s2] =	stream.indirect.scatter.add.f32 [tilespmem:s7], [sflag:$0x4], $0x80, s23, s4, $0xb8;
	[tilespmem:$0x1C080] =	vst v63  }
0x195: {  	_ =	swait.ge [sflag:s1], $0x2800  }
0x196: {  	[sflag:s1] =	ssyncset.done $0x0  }
0x197: {  	s23 =	rddreg [dreg:$0x11];
	[sflag:s1] =	ssyncadd.s32 $0xFFFFD800  }
0x198: {  	[tilespmem:s7], [sflag:$0x3] =	stream.indirect.gather [hbm4b:s20+s4], $0x80, s23, s4, $0xb8;
	[tilespmem:$0x1C080] =	vst v63  }
0x199: {  	_ =	swait.ge [sflag:s8], $0x2800  }
0x19a: {  	[sflag:s8] =	ssyncset.done $0x0  }
0x19b: {  	s23 =	rddreg [dreg:$0x12];
	[sflag:s8] =	ssyncadd.s32 $0xFFFFD800  }
0x19c: {  	[spmem:s2] =	stream.indirect.scatter.add.f32 [tilespmem:s5], [sflag:$0x4], $0x80, s23, s4, $0xb8;
	[tilespmem:$0x1C080] =	vst v63  }
0x19d: {  	_ =	swait.ge [sflag:s1], $0x2800  }
0x19e: {  	[sflag:s1] =	ssyncset.done $0x0  }
0x19f: {  	s23 =	rddreg [dreg:$0x13];
	[sflag:s1] =	ssyncadd.s32 $0xFFFFD800  }
0x1a0: {  	[tilespmem:s5], [sflag:$0x1] =	stream.indirect.gather [hbm4b:s20+s4], $0x80, s23, s4, $0xb8;
	[tilespmem:$0x1C080] =	vst v63  }
0x1a1: {  	_ =	swait.ge [sflag:s9], $0x2800  }
0x1a2: {  	[sflag:s9] =	ssyncset.done $0x0  }
0x1a3: {  	s23 =	rddreg [dreg:$0x14];
	[sflag:s9] =	ssyncadd.s32 $0xFFFFD800  }
0x1a4: {  	[spmem:s2] =	stream.indirect.scatter.add.f32 [tilespmem:s6], [sflag:$0x4], $0x80, s23, s4, $0xb8;
	[tilespmem:$0x1C080] =	vst v63  }
0x1a5: {  	_ =	swait.ge [sflag:s1], $0x2800  }
0x1a6: {  	[sflag:s1] =	ssyncset.done $0x0  }
0x1a7: {  	s23 =	rddreg [dreg:$0x15];
	[sflag:s1] =	ssyncadd.s32 $0xFFFFD800  }
0x1a8: {  	[tilespmem:s6], [sflag:$0x2] =	stream.indirect.gather [hbm4b:s20+s4], $0x80, s23, s4, $0xb8;
	[tilespmem:$0x1C080] =	vst v63  }
0x1a9: {  	_ =	swait.ge [sflag:s10], $0x2800  }
0x1aa: {  	[sflag:s10] =	ssyncset.done $0x0  }
0x1ab: {  	s23 =	rddreg [dreg:$0x16];
	[sflag:s10] =	ssyncadd.s32 $0xFFFFD800  }
0x1ac: {  	[spmem:s2] =	stream.indirect.scatter.add.f32 [tilespmem:s7], [sflag:$0x4], $0x80, s23, s4, $0xb8;
	[tilespmem:$0x1C080] =	vst v63  }
0x1ad: {  	_ =	swait.ge [sflag:s1], $0x2800  }
0x1ae: {  	[sflag:s1] =	ssyncset.done $0x0  }
0x1af: {  	s23 =	rddreg [dreg:$0x17];
	[sflag:s1] =	ssyncadd.s32 $0xFFFFD800  }
0x1b0: {  	[tilespmem:s7], [sflag:$0x3] =	stream.indirect.gather [hbm4b:s20+s4], $0x80, s23, s4, $0xb8;
	[tilespmem:$0x1C080] =	vst v63  }
0x1b1: {  	_ =	swait.ge [sflag:s8], $0x2800  }
0x1b2: {  	[sflag:s8] =	ssyncset.done $0x0  }
0x1b3: {  	s23 =	rddreg [dreg:$0x18];
	[sflag:s8] =	ssyncadd.s32 $0xFFFFD800  }
0x1b4: {  	[spmem:s2] =	stream.indirect.scatter.add.f32 [tilespmem:s5], [sflag:$0x4], $0x80, s23, s4, $0xb8;
	[tilespmem:$0x1C080] =	vst v63  }
0x1b5: {  	_ =	swait.ge [sflag:s1], $0x2800  }
0x1b6: {  	[sflag:s1] =	ssyncset.done $0x0  }
0x1b7: {  	s23 =	rddreg [dreg:$0x19];
	[sflag:s1] =	ssyncadd.s32 $0xFFFFD800  }
0x1b8: {  	[tilespmem:s5], [sflag:$0x1] =	stream.indirect.gather [hbm4b:s20+s4], $0x80, s23, s4, $0xb8;
	[tilespmem:$0x1C080] =	vst v63  }
0x1b9: {  	_ =	swait.ge [sflag:s9], $0x2800  }
0x1ba: {  	[sflag:s9] =	ssyncset.done $0x0  }
0x1bb: {  	s23 =	rddreg [dreg:$0x1a];
	[sflag:s9] =	ssyncadd.s32 $0xFFFFD800  }
0x1bc: {  	[spmem:s2] =	stream.indirect.scatter.add.f32 [tilespmem:s6], [sflag:$0x4], $0x80, s23, s4, $0xb8;
	[tilespmem:$0x1C080] =	vst v63  }
0x1bd: {  	_ =	swait.ge [sflag:s1], $0x2800  }
0x1be: {  	[sflag:s1] =	ssyncset.done $0x0  }
0x1bf: {  	s23 =	rddreg [dreg:$0x1b];
	[sflag:s1] =	ssyncadd.s32 $0xFFFFD800  }
0x1c0: {  	[tilespmem:s6], [sflag:$0x2] =	stream.indirect.gather [hbm4b:s20+s4], $0x80, s23, s4, $0xb8;
	[tilespmem:$0x1C080] =	vst v63  }
0x1c1: {  	_ =	swait.ge [sflag:s10], $0x2800  }
0x1c2: {  	[sflag:s10] =	ssyncset.done $0x0  }
0x1c3: {  	s23 =	rddreg [dreg:$0x1c];
	[sflag:s10] =	ssyncadd.s32 $0xFFFFD800  }
0x1c4: {  	[spmem:s2] =	stream.indirect.scatter.add.f32 [tilespmem:s7], [sflag:$0x4], $0x80, s23, s4, $0xb8;
	[tilespmem:$0x1C080] =	vst v63  }
0x1c5: {  	_ =	swait.ge [sflag:s1], $0x2800  }
0x1c6: {  	[sflag:s1] =	ssyncset.done $0x0  }
0x1c7: {  	s23 =	rddreg [dreg:$0x1d];
	[sflag:s1] =	ssyncadd.s32 $0xFFFFD800  }
0x1c8: {  	[tilespmem:s7], [sflag:$0x3] =	stream.indirect.gather [hbm4b:s20+s4], $0x80, s23, s4, $0xb8;
	[tilespmem:$0x1C080] =	vst v63  }
0x1c9: {  	_ =	swait.ge [sflag:s8], $0x2800  }
0x1ca: {  	[sflag:s8] =	ssyncset.done $0x0  }
0x1cb: {  	s23 =	rddreg [dreg:$0x1e];
	[sflag:s8] =	ssyncadd.s32 $0xFFFFD800  }
0x1cc: {  	[spmem:s2] =	stream.indirect.scatter.add.f32 [tilespmem:s5], [sflag:$0x4], $0x80, s23, s4, $0xb8;
	[tilespmem:$0x1C080] =	vst v63  }
0x1cd: {  	_ =	swait.ge [sflag:s1], $0x2800  }
0x1ce: {  	[sflag:s1] =	ssyncset.done $0x0  }
0x1cf: {  	s23 =	rddreg [dreg:$0x1f];
	[sflag:s1] =	ssyncadd.s32 $0xFFFFD800  }
0x1d0: {  	[tilespmem:s5], [sflag:$0x1] =	stream.indirect.gather [hbm4b:s20+s4], $0x80, s23, s4, $0xb8;
	[tilespmem:$0x1C080] =	vst v63  }
0x1d1: {  	_ =	swait.ge [sflag:s9], $0x2800  }
0x1d2: {  	s23 =	sld [smem:$0x7E6]  }
0x1d3: {  	[sflag:s9] =	ssyncset.done $0x0  }
0x1d4: {  	[sflag:s9] =	ssyncadd.s32 $0xFFFFD800  }
0x1d5: {  	[spmem:s2] =	stream.indirect.scatter.add.f32 [tilespmem:s6], [sflag:$0x4], $0x80, s23, s4, $0xb8;
	[tilespmem:$0x1C080] =	vst v63  }
0x1d6: {  	_ =	swait.ge [sflag:s1], $0x2800  }
0x1d7: {  	s23 =	sld [smem:$0x7E7]  }
0x1d8: {  	[sflag:s1] =	ssyncset.done $0x0  }
0x1d9: {  	[sflag:s1] =	ssyncadd.s32 $0xFFFFD800  }
0x1da: {  	[tilespmem:s6], [sflag:$0x2] =	stream.indirect.gather [hbm4b:s20+s4], $0x80, s23, s4, $0xb8;
	[tilespmem:$0x1C080] =	vst v63  }
0x1db: {  	_ =	swait.ge [sflag:s10], $0x2800  }
0x1dc: {  	s23 =	sld [smem:$0x7E8]  }
0x1dd: {  	[sflag:s10] =	ssyncset.done $0x0  }
0x1de: {  	[sflag:s10] =	ssyncadd.s32 $0xFFFFD800  }
0x1df: {  	[spmem:s2] =	stream.indirect.scatter.add.f32 [tilespmem:s7], [sflag:$0x4], $0x80, s23, s4, $0xb8;
	[tilespmem:$0x1C080] =	vst v63  }
0x1e0: {  	_ =	swait.ge [sflag:s1], $0x2800  }
0x1e1: {  	s23 =	sld [smem:$0x7F1]  }
0x1e2: {  	[sflag:s1] =	ssyncset.done $0x0  }
0x1e3: {  	[sflag:s1] =	ssyncadd.s32 $0xFFFFD800  }
0x1e4: {  	[tilespmem:s7], [sflag:$0x3] =	stream.indirect.gather [hbm4b:s20+s4], $0x80, s23, s4, $0xb8;
	[tilespmem:$0x1C080] =	vst v63  }
0x1e5: {  	_ =	swait.ge [sflag:s8], $0x2800  }
0x1e6: {  	s23 =	sld [smem:$0x7F2]  }
0x1e7: {  	[sflag:s8] =	ssyncset.done $0x0  }
0x1e8: {  	[sflag:s8] =	ssyncadd.s32 $0xFFFFD800  }
0x1e9: {  	[spmem:s2] =	stream.indirect.scatter.add.f32 [tilespmem:s5], [sflag:$0x4], $0x80, s23, s4, $0xb8;
	[tilespmem:$0x1C080] =	vst v63  }
0x1ea: {  	_ =	swait.ge [sflag:s1], $0x2800  }
0x1eb: {  	s23 =	sld [smem:$0x7F3]  }
0x1ec: {  	[sflag:s1] =	ssyncset.done $0x0  }
0x1ed: {  	[sflag:s1] =	ssyncadd.s32 $0xFFFFD800  }
0x1ee: {  	[tilespmem:s5], [sflag:$0x1] =	stream.indirect.gather [hbm4b:s20+s4], $0x80, s23, s4, $0xb8;
	[tilespmem:$0x1C080] =	vst v63  }
0x1ef: {  	_ =	swait.ge [sflag:s9], $0x2800  }
0x1f0: {  	[sflag:s9] =	ssyncset.done $0x0  }
0x1f1: {  	[sflag:s9] =	ssyncadd.s32 $0xFFFFD800  }
0x1f2: {  	[spmem:s2] =	stream.indirect.scatter.add.f32 [tilespmem:s6], [sflag:$0x4], $0x80, s11, s4, $0xb8;
	[tilespmem:$0x1C080] =	vst v63  }
0x1f3: {  	_ =	swait.ge [sflag:s1], $0x2800  }
0x1f4: {  	[sflag:s1] =	ssyncset.done $0x0  }
0x1f5: {  	[sflag:s1] =	ssyncadd.s32 $0xFFFFD800  }
0x1f6: {  	[tilespmem:s6], [sflag:$0x2] =	stream.indirect.gather [hbm4b:s20+s4], $0x80, s12, s4, $0xb8;
	[tilespmem:$0x1C080] =	vst v63  }
0x1f7: {  	_ =	swait.ge [sflag:s10], $0x2800  }
0x1f8: {  	[sflag:s10] =	ssyncset.done $0x0  }
0x1f9: {  	[sflag:s10] =	ssyncadd.s32 $0xFFFFD800  }
0x1fa: {  	[spmem:s2] =	stream.indirect.scatter.add.f32 [tilespmem:s7], [sflag:$0x4], $0x80, s13, s4, $0xb8;
	[tilespmem:$0x1C080] =	vst v63  }
0x1fb: {  	_ =	swait.ge [sflag:s1], $0x2800  }
0x1fc: {  	[sflag:s1] =	ssyncset.done $0x0  }
0x1fd: {  	[sflag:s1] =	ssyncadd.s32 $0xFFFFD800  }
0x1fe: {  	[tilespmem:s7], [sflag:$0x3] =	stream.indirect.gather [hbm4b:s20+s4], $0x80, s14, s4, $0xb8;
	[tilespmem:$0x1C080] =	vst v63  }
0x1ff: {  	_ =	swait.ge [sflag:s8], $0x2800  }
0x200: {  	[sflag:s8] =	ssyncset.done $0x0  }
0x201: {  	[sflag:s8] =	ssyncadd.s32 $0xFFFFD800  }
0x202: {  	[spmem:s2] =	stream.indirect.scatter.add.f32 [tilespmem:s5], [sflag:$0x4], $0x80, s15, s4, $0xb8;
	[tilespmem:$0x1C080] =	vst v63  }
0x203: {  	_ =	swait.ge [sflag:s1], $0x2800  }
0x204: {  	[sflag:s1] =	ssyncset.done $0x0  }
0x205: {  	[sflag:s1] =	ssyncadd.s32 $0xFFFFD800  }
0x206: {  	[tilespmem:s5], [sflag:$0x1] =	stream.indirect.gather [hbm4b:s20+s4], $0x80, s16, s4, $0xb8;
	[tilespmem:$0x1C080] =	vst v63  }
0x207: {  	_ =	swait.ge [sflag:s9], $0x2800  }
0x208: {  	[sflag:s9] =	ssyncset.done $0x0  }
0x209: {  	[sflag:s9] =	ssyncadd.s32 $0xFFFFD800  }
0x20a: {  	[spmem:s2] =	stream.indirect.scatter.add.f32 [tilespmem:s6], [sflag:$0x4], $0x80, s17, s4, $0xb8;
	[tilespmem:$0x1C080] =	vst v63  }
0x20b: {  	_ =	swait.ge [sflag:s1], $0x2800  }
0x20c: {  	[sflag:s1] =	ssyncset.done $0x0  }
0x20d: {  	[sflag:s1] =	ssyncadd.s32 $0xFFFFD800  }
0x20e: {  	[tilespmem:s6], [sflag:$0x2] =	stream.indirect.gather [hbm4b:s20+s4], $0x80, s18, s4, $0xb8;
	[tilespmem:$0x1C080] =	vst v63  }
0x20f: {  	_ =	swait.ge [sflag:s10], $0x2800  }
0x210: {  	[sflag:s10] =	ssyncset.done $0x0  }
0x211: {  	[sflag:s10] =	ssyncadd.s32 $0xFFFFD800  }
0x212: {  	[spmem:s2] =	stream.indirect.scatter.add.f32 [tilespmem:s7], [sflag:$0x4], $0x80, s19, s4, $0xb8;
	[tilespmem:$0x1C080] =	vst v63  }
0x213: {  	_ =	swait.ge [sflag:s1], $0x2800  }
0x214: {  	[sflag:s1] =	ssyncset.done $0x0  }
0x215: {  	[sflag:s1] =	ssyncadd.s32 $0xFFFFD800  }
0x216: {  	[tilespmem:s7], [sflag:$0x3] =	stream.indirect.gather [hbm4b:s20+s4], $0x80, s21, s4, $0xb8;
	[tilespmem:$0x1C080] =	vst v63  }
0x217: {  	_ =	swait.ge [sflag:s8], $0x2800  }
0x218: {  	[sflag:s8] =	ssyncset.done $0x0  }
0x219: {  	[sflag:s8] =	ssyncadd.s32 $0xFFFFD800  }
0x21a: {  	[spmem:s2] =	stream.indirect.scatter.add.f32 [tilespmem:s5], [sflag:$0x4], $0x80, s22, s4, $0xb8;
	[tilespmem:$0x1C080] =	vst v63  }
0x21b: {  	_ =	swait.ge [sflag:s1], $0x2800  }
0x21c: {  	[sflag:s1] =	ssyncset.done $0x0  }
0x21d: {  	[sflag:s1] =	ssyncadd.s32 $0xFFFFD800  }
0x21e: {  	[tilespmem:s5], [sflag:$0x1] =	stream.indirect.gather [hbm4b:s20+s4], $0x80, s24, s4, $0xb8;
	[tilespmem:$0x1C080] =	vst v63  }
0x21f: {  	_ =	swait.ge [sflag:s9], $0x2800  }
0x220: {  	[sflag:s9] =	ssyncset.done $0x0  }
0x221: {  	[sflag:s9] =	ssyncadd.s32 $0xFFFFD800  }
0x222: {  	[spmem:s2] =	stream.indirect.scatter.add.f32 [tilespmem:s6], [sflag:$0x4], $0x80, s25, s4, $0xb8;
	[tilespmem:$0x1C080] =	vst v63  }
0x223: {  	_ =	swait.ge [sflag:s1], $0x2800  }
0x224: {  	[sflag:s1] =	ssyncset.done $0x0  }
0x225: {  	[sflag:s1] =	ssyncadd.s32 $0xFFFFD800  }
0x226: {  	_ =	swait.ge [sflag:s10], $0x2800  }
0x227: {  	[sflag:s10] =	ssyncset.done $0x0  }
0x228: {  	[sflag:s10] =	ssyncadd.s32 $0xFFFFD800  }
0x229: {  	[spmem:s2] =	stream.indirect.scatter.add.f32 [tilespmem:s7], [sflag:$0x4], $0x80, s26, s4, $0xb8;
	[tilespmem:$0x1C080] =	vst v63  }
0x22a: {  	_ =	swait.ge [sflag:s1], $0x2800  }
0x22b: {  	[sflag:s1] =	ssyncset.done $0x0  }
0x22c: {  	[sflag:s1] =	ssyncadd.s32 $0xFFFFD800  }
0x22d: {  	p1 =	sne.s32 s31, $0x3E8;
	_ =	swait.ge [sflag:s8], $0x2800  }
.Ltmp0:
0x22e: {  	[sflag:s8] =	ssyncset.done $0x0;
	(pc) =	sbr.rel @p1 .LBB2_2-.Ltmp0, $4  }
0x22f: {  	[sflag:s8] =	ssyncadd.s32 $0xFFFFD800  }
0x230: {  	[spmem:s2] =	stream.indirect.scatter.add.f32 [tilespmem:s5], [sflag:$0x4], $0x80, s28, s4, $0xb8;
	[tilespmem:$0x1C080] =	vst v63  }
0x231: {  	_ =	swait.ge [sflag:s1], $0x2800  }
0x232: {  	s31 =	sadd.s32 $0xFA, s31;
	s29 =	rddreg [dreg:$0x5];
	[sflag:s1] =	ssyncset.done $0x0  }
0x233: {  	[sflag:s1] =	ssyncadd.s32 $0xFFFFD800;
	s23 =	sadd.s32 s30, s29  }
0x234: {  	[tilespmem:s3], [sflag:$0x4] =	stream.linear.gather [hbm4b:s23+s3], $0x7D0, $0x38;
	[tilespmem:$0x1C080] =	vst v63  }
0x235: {  	_ =	swait.ge [sflag:s1], $0x7D0  }
0x236: {  	s29 =	rddreg [dreg:$0x4];
	[sflag:s1] =	ssyncset.done $0x0  }
0x237: {  	s23 =	sadd.s32 s30, s29;
	[sflag:s1] =	ssyncadd.s32 $0xFFFFF830  }
0x238: {  	[tilespmem:s0], [sflag:$0x4] =	stream.linear.gather [hbm4b:s23+s3], $0x7D0, $0x38;
	[tilespmem:$0x1C080] =	vst v63  }
0x239: {  	_ =	swait.ge [sflag:s1], $0x7D0  }
0x23a: {  	[sflag:s1] =	ssyncset.done $0x0  }
0x23b: {  	[sflag:s1] =	ssyncadd.s32 $0xFFFFF830  }
0x23c: {  	[tilespmem:s5], [sflag:$0x1] =	stream.indirect.gather [hbm4b:s20+s4], $0x80, s3, s4, $0xb8;
	[tilespmem:$0x1C080] =	vst v63  }
0x23d: {  	_ = 	snop  }
0x23e: {  	[tilespmem:s6], [sflag:$0x2] =	stream.indirect.gather [hbm4b:s20+s4], $0x80, s4, s4, $0xb8;
	[tilespmem:$0x1C080] =	vst v63  }
0x23f: {  	s29 =	rddreg [dreg:$0x6]  }
0x240: {  	[tilespmem:s7], [sflag:$0x3] =	stream.indirect.gather [hbm4b:s20+s4], $0x80, s29, s4, $0xb8;
	[tilespmem:$0x1C080] =	vst v63  }
0x241: {  	_ =	swait.ge [sflag:s8], $0x2800  }
0x242: {  	[sflag:s8] =	ssyncset.done $0x0  }
0x243: {  	[sflag:s8] =	ssyncadd.s32 $0xFFFFD800  }
0x244: {  	[spmem:s2] =	stream.indirect.scatter.add.f32 [tilespmem:s5], [sflag:$0x4], $0x80, s0, s4, $0xb8;
	[tilespmem:$0x1C080] =	vst v63  }
0x245: {  	_ =	swait.ge [sflag:s1], $0x2800  }
0x246: {  	[sflag:s1] =	ssyncset.done $0x0  }
0x247: {  	s29 =	rddreg [dreg:$0x7];
	[sflag:s1] =	ssyncadd.s32 $0xFFFFD800  }
0x248: {  	[tilespmem:s5], [sflag:$0x1] =	stream.indirect.gather [hbm4b:s20+s4], $0x80, s29, s4, $0xb8;
	[tilespmem:$0x1C080] =	vst v63  }
0x249: {  	_ =	swait.ge [sflag:s9], $0x2800  }
0x24a: {  	[sflag:s9] =	ssyncset.done $0x0  }
0x24b: {  	s29 =	rddreg [dreg:$0x8];
	[sflag:s9] =	ssyncadd.s32 $0xFFFFD800  }
0x24c: {  	[spmem:s2] =	stream.indirect.scatter.add.f32 [tilespmem:s6], [sflag:$0x4], $0x80, s29, s4, $0xb8;
	[tilespmem:$0x1C080] =	vst v63  }
0x24d: {  	_ =	swait.ge [sflag:s1], $0x2800  }
0x24e: {  	[sflag:s1] =	ssyncset.done $0x0  }
0x24f: {  	s29 =	rddreg [dreg:$0x9];
	[sflag:s1] =	ssyncadd.s32 $0xFFFFD800  }
0x250: {  	[tilespmem:s6], [sflag:$0x2] =	stream.indirect.gather [hbm4b:s20+s4], $0x80, s29, s4, $0xb8;
	[tilespmem:$0x1C080] =	vst v63  }
0x251: {  	_ =	swait.ge [sflag:s10], $0x2800  }
0x252: {  	[sflag:s10] =	ssyncset.done $0x0  }
0x253: {  	s29 =	rddreg [dreg:$0xa];
	[sflag:s10] =	ssyncadd.s32 $0xFFFFD800  }
0x254: {  	[spmem:s2] =	stream.indirect.scatter.add.f32 [tilespmem:s7], [sflag:$0x4], $0x80, s29, s4, $0xb8;
	[tilespmem:$0x1C080] =	vst v63  }
0x255: {  	_ =	swait.ge [sflag:s1], $0x2800  }
0x256: {  	[sflag:s1] =	ssyncset.done $0x0  }
0x257: {  	s29 =	rddreg [dreg:$0xb];
	[sflag:s1] =	ssyncadd.s32 $0xFFFFD800  }
0x258: {  	[tilespmem:s7], [sflag:$0x3] =	stream.indirect.gather [hbm4b:s20+s4], $0x80, s29, s4, $0xb8;
	[tilespmem:$0x1C080] =	vst v63  }
0x259: {  	_ =	swait.ge [sflag:s8], $0x2800  }
0x25a: {  	[sflag:s8] =	ssyncset.done $0x0  }
0x25b: {  	s29 =	rddreg [dreg:$0xc];
	[sflag:s8] =	ssyncadd.s32 $0xFFFFD800  }
0x25c: {  	[spmem:s2] =	stream.indirect.scatter.add.f32 [tilespmem:s5], [sflag:$0x4], $0x80, s29, s4, $0xb8;
	[tilespmem:$0x1C080] =	vst v63  }
0x25d: {  	_ =	swait.ge [sflag:s1], $0x2800  }
0x25e: {  	[sflag:s1] =	ssyncset.done $0x0  }
0x25f: {  	s29 =	rddreg [dreg:$0xd];
	[sflag:s1] =	ssyncadd.s32 $0xFFFFD800  }
0x260: {  	[tilespmem:s5], [sflag:$0x1] =	stream.indirect.gather [hbm4b:s20+s4], $0x80, s29, s4, $0xb8;
	[tilespmem:$0x1C080] =	vst v63  }
0x261: {  	_ =	swait.ge [sflag:s9], $0x2800  }
0x262: {  	[sflag:s9] =	ssyncset.done $0x0  }
0x263: {  	s29 =	rddreg [dreg:$0xe];
	[sflag:s9] =	ssyncadd.s32 $0xFFFFD800  }
0x264: {  	[spmem:s2] =	stream.indirect.scatter.add.f32 [tilespmem:s6], [sflag:$0x4], $0x80, s29, s4, $0xb8;
	[tilespmem:$0x1C080] =	vst v63  }
0x265: {  	_ =	swait.ge [sflag:s1], $0x2800  }
0x266: {  	[sflag:s1] =	ssyncset.done $0x0  }
0x267: {  	s29 =	rddreg [dreg:$0xf];
	[sflag:s1] =	ssyncadd.s32 $0xFFFFD800  }
0x268: {  	[tilespmem:s6], [sflag:$0x2] =	stream.indirect.gather [hbm4b:s20+s4], $0x80, s29, s4, $0xb8;
	[tilespmem:$0x1C080] =	vst v63  }
0x269: {  	_ =	swait.ge [sflag:s10], $0x2800  }
0x26a: {  	[sflag:s10] =	ssyncset.done $0x0  }
0x26b: {  	s29 =	rddreg [dreg:$0x10];
	[sflag:s10] =	ssyncadd.s32 $0xFFFFD800  }
0x26c: {  	[spmem:s2] =	stream.indirect.scatter.add.f32 [tilespmem:s7], [sflag:$0x4], $0x80, s29, s4, $0xb8;
	[tilespmem:$0x1C080] =	vst v63  }
0x26d: {  	_ =	swait.ge [sflag:s1], $0x2800  }
0x26e: {  	[sflag:s1] =	ssyncset.done $0x0  }
0x26f: {  	s29 =	rddreg [dreg:$0x11];
	[sflag:s1] =	ssyncadd.s32 $0xFFFFD800  }
0x270: {  	[tilespmem:s7], [sflag:$0x3] =	stream.indirect.gather [hbm4b:s20+s4], $0x80, s29, s4, $0xb8;
	[tilespmem:$0x1C080] =	vst v63  }
0x271: {  	_ =	swait.ge [sflag:s8], $0x2800  }
0x272: {  	[sflag:s8] =	ssyncset.done $0x0  }
0x273: {  	s29 =	rddreg [dreg:$0x12];
	[sflag:s8] =	ssyncadd.s32 $0xFFFFD800  }
0x274: {  	[spmem:s2] =	stream.indirect.scatter.add.f32 [tilespmem:s5], [sflag:$0x4], $0x80, s29, s4, $0xb8;
	[tilespmem:$0x1C080] =	vst v63  }
0x275: {  	_ =	swait.ge [sflag:s1], $0x2800  }
0x276: {  	[sflag:s1] =	ssyncset.done $0x0  }
0x277: {  	s29 =	rddreg [dreg:$0x13];
	[sflag:s1] =	ssyncadd.s32 $0xFFFFD800  }
0x278: {  	[tilespmem:s5], [sflag:$0x1] =	stream.indirect.gather [hbm4b:s20+s4], $0x80, s29, s4, $0xb8;
	[tilespmem:$0x1C080] =	vst v63  }
0x279: {  	_ =	swait.ge [sflag:s9], $0x2800  }
0x27a: {  	[sflag:s9] =	ssyncset.done $0x0  }
0x27b: {  	s29 =	rddreg [dreg:$0x14];
	[sflag:s9] =	ssyncadd.s32 $0xFFFFD800  }
0x27c: {  	[spmem:s2] =	stream.indirect.scatter.add.f32 [tilespmem:s6], [sflag:$0x4], $0x80, s29, s4, $0xb8;
	[tilespmem:$0x1C080] =	vst v63  }
0x27d: {  	_ =	swait.ge [sflag:s1], $0x2800  }
0x27e: {  	[sflag:s1] =	ssyncset.done $0x0  }
0x27f: {  	s29 =	rddreg [dreg:$0x15];
	[sflag:s1] =	ssyncadd.s32 $0xFFFFD800  }
0x280: {  	[tilespmem:s6], [sflag:$0x2] =	stream.indirect.gather [hbm4b:s20+s4], $0x80, s29, s4, $0xb8;
	[tilespmem:$0x1C080] =	vst v63  }
0x281: {  	_ =	swait.ge [sflag:s10], $0x2800  }
0x282: {  	[sflag:s10] =	ssyncset.done $0x0  }
0x283: {  	s29 =	rddreg [dreg:$0x16];
	[sflag:s10] =	ssyncadd.s32 $0xFFFFD800  }
0x284: {  	[spmem:s2] =	stream.indirect.scatter.add.f32 [tilespmem:s7], [sflag:$0x4], $0x80, s29, s4, $0xb8;
	[tilespmem:$0x1C080] =	vst v63  }
0x285: {  	_ =	swait.ge [sflag:s1], $0x2800  }
0x286: {  	[sflag:s1] =	ssyncset.done $0x0  }
0x287: {  	s29 =	rddreg [dreg:$0x17];
	[sflag:s1] =	ssyncadd.s32 $0xFFFFD800  }
0x288: {  	[tilespmem:s7], [sflag:$0x3] =	stream.indirect.gather [hbm4b:s20+s4], $0x80, s29, s4, $0xb8;
	[tilespmem:$0x1C080] =	vst v63  }
0x289: {  	_ =	swait.ge [sflag:s8], $0x2800  }
0x28a: {  	[sflag:s8] =	ssyncset.done $0x0  }
0x28b: {  	s29 =	rddreg [dreg:$0x18];
	[sflag:s8] =	ssyncadd.s32 $0xFFFFD800  }
0x28c: {  	[spmem:s2] =	stream.indirect.scatter.add.f32 [tilespmem:s5], [sflag:$0x4], $0x80, s29, s4, $0xb8;
	[tilespmem:$0x1C080] =	vst v63  }
0x28d: {  	_ =	swait.ge [sflag:s1], $0x2800  }
0x28e: {  	[sflag:s1] =	ssyncset.done $0x0  }
0x28f: {  	s29 =	rddreg [dreg:$0x19];
	[sflag:s1] =	ssyncadd.s32 $0xFFFFD800  }
0x290: {  	[tilespmem:s5], [sflag:$0x1] =	stream.indirect.gather [hbm4b:s20+s4], $0x80, s29, s4, $0xb8;
	[tilespmem:$0x1C080] =	vst v63  }
0x291: {  	_ =	swait.ge [sflag:s9], $0x2800  }
0x292: {  	[sflag:s9] =	ssyncset.done $0x0  }
0x293: {  	s29 =	rddreg [dreg:$0x1a];
	[sflag:s9] =	ssyncadd.s32 $0xFFFFD800  }
0x294: {  	[spmem:s2] =	stream.indirect.scatter.add.f32 [tilespmem:s6], [sflag:$0x4], $0x80, s29, s4, $0xb8;
	[tilespmem:$0x1C080] =	vst v63  }
0x295: {  	_ =	swait.ge [sflag:s1], $0x2800  }
0x296: {  	[sflag:s1] =	ssyncset.done $0x0  }
0x297: {  	s29 =	rddreg [dreg:$0x1b];
	[sflag:s1] =	ssyncadd.s32 $0xFFFFD800  }
0x298: {  	[tilespmem:s6], [sflag:$0x2] =	stream.indirect.gather [hbm4b:s20+s4], $0x80, s29, s4, $0xb8;
	[tilespmem:$0x1C080] =	vst v63  }
0x299: {  	_ =	swait.ge [sflag:s10], $0x2800  }
0x29a: {  	[sflag:s10] =	ssyncset.done $0x0  }
0x29b: {  	s29 =	rddreg [dreg:$0x1c];
	[sflag:s10] =	ssyncadd.s32 $0xFFFFD800  }
0x29c: {  	[spmem:s2] =	stream.indirect.scatter.add.f32 [tilespmem:s7], [sflag:$0x4], $0x80, s29, s4, $0xb8;
	[tilespmem:$0x1C080] =	vst v63  }
0x29d: {  	_ =	swait.ge [sflag:s1], $0x2800  }
0x29e: {  	[sflag:s1] =	ssyncset.done $0x0  }
0x29f: {  	s29 =	rddreg [dreg:$0x1d];
	[sflag:s1] =	ssyncadd.s32 $0xFFFFD800  }
0x2a0: {  	[tilespmem:s7], [sflag:$0x3] =	stream.indirect.gather [hbm4b:s20+s4], $0x80, s29, s4, $0xb8;
	[tilespmem:$0x1C080] =	vst v63  }
0x2a1: {  	_ =	swait.ge [sflag:s8], $0x2800  }
0x2a2: {  	[sflag:s8] =	ssyncset.done $0x0  }
0x2a3: {  	s29 =	rddreg [dreg:$0x1e];
	[sflag:s8] =	ssyncadd.s32 $0xFFFFD800  }
0x2a4: {  	[spmem:s2] =	stream.indirect.scatter.add.f32 [tilespmem:s5], [sflag:$0x4], $0x80, s29, s4, $0xb8;
	[tilespmem:$0x1C080] =	vst v63  }
0x2a5: {  	_ =	swait.ge [sflag:s1], $0x2800  }
0x2a6: {  	[sflag:s1] =	ssyncset.done $0x0  }
0x2a7: {  	s29 =	rddreg [dreg:$0x1f];
	[sflag:s1] =	ssyncadd.s32 $0xFFFFD800  }
0x2a8: {  	[tilespmem:s5], [sflag:$0x1] =	stream.indirect.gather [hbm4b:s20+s4], $0x80, s29, s4, $0xb8;
	[tilespmem:$0x1C080] =	vst v63  }
0x2a9: {  	_ =	swait.ge [sflag:s9], $0x2800  }
0x2aa: {  	s29 =	sld [smem:$0x7E6]  }
0x2ab: {  	[sflag:s9] =	ssyncset.done $0x0  }
0x2ac: {  	[sflag:s9] =	ssyncadd.s32 $0xFFFFD800  }
0x2ad: {  	[spmem:s2] =	stream.indirect.scatter.add.f32 [tilespmem:s6], [sflag:$0x4], $0x80, s29, s4, $0xb8;
	[tilespmem:$0x1C080] =	vst v63  }
0x2ae: {  	_ =	swait.ge [sflag:s1], $0x2800  }
0x2af: {  	s29 =	sld [smem:$0x7E7]  }
0x2b0: {  	[sflag:s1] =	ssyncset.done $0x0  }
0x2b1: {  	[sflag:s1] =	ssyncadd.s32 $0xFFFFD800  }
0x2b2: {  	[tilespmem:s6], [sflag:$0x2] =	stream.indirect.gather [hbm4b:s20+s4], $0x80, s29, s4, $0xb8;
	[tilespmem:$0x1C080] =	vst v63  }
0x2b3: {  	_ =	swait.ge [sflag:s10], $0x2800  }
0x2b4: {  	s29 =	sld [smem:$0x7E8]  }
0x2b5: {  	[sflag:s10] =	ssyncset.done $0x0  }
0x2b6: {  	[sflag:s10] =	ssyncadd.s32 $0xFFFFD800  }
0x2b7: {  	[spmem:s2] =	stream.indirect.scatter.add.f32 [tilespmem:s7], [sflag:$0x4], $0x80, s29, s4, $0xb8;
	[tilespmem:$0x1C080] =	vst v63  }
0x2b8: {  	_ =	swait.ge [sflag:s1], $0x2800  }
0x2b9: {  	s29 =	sld [smem:$0x7F1]  }
0x2ba: {  	[sflag:s1] =	ssyncset.done $0x0  }
0x2bb: {  	[sflag:s1] =	ssyncadd.s32 $0xFFFFD800  }
0x2bc: {  	[tilespmem:s7], [sflag:$0x3] =	stream.indirect.gather [hbm4b:s20+s4], $0x80, s29, s4, $0xb8;
	[tilespmem:$0x1C080] =	vst v63  }
0x2bd: {  	_ =	swait.ge [sflag:s8], $0x2800  }
0x2be: {  	s29 =	sld [smem:$0x7F2]  }
0x2bf: {  	[sflag:s8] =	ssyncset.done $0x0  }
0x2c0: {  	[sflag:s8] =	ssyncadd.s32 $0xFFFFD800  }
0x2c1: {  	[spmem:s2] =	stream.indirect.scatter.add.f32 [tilespmem:s5], [sflag:$0x4], $0x80, s29, s4, $0xb8;
	[tilespmem:$0x1C080] =	vst v63  }
0x2c2: {  	_ =	swait.ge [sflag:s1], $0x2800  }
0x2c3: {  	s29 =	sld [smem:$0x7F3]  }
0x2c4: {  	[sflag:s1] =	ssyncset.done $0x0  }
0x2c5: {  	[sflag:s1] =	ssyncadd.s32 $0xFFFFD800  }
0x2c6: {  	[tilespmem:s5], [sflag:$0x1] =	stream.indirect.gather [hbm4b:s20+s4], $0x80, s29, s4, $0xb8;
	[tilespmem:$0x1C080] =	vst v63  }
0x2c7: {  	_ =	swait.ge [sflag:s9], $0x2800  }
0x2c8: {  	[sflag:s9] =	ssyncset.done $0x0  }
0x2c9: {  	[sflag:s9] =	ssyncadd.s32 $0xFFFFD800  }
0x2ca: {  	[spmem:s2] =	stream.indirect.scatter.add.f32 [tilespmem:s6], [sflag:$0x4], $0x80, s11, s4, $0xb8;
	[tilespmem:$0x1C080] =	vst v63  }
0x2cb: {  	_ =	swait.ge [sflag:s1], $0x2800  }
0x2cc: {  	[sflag:s1] =	ssyncset.done $0x0  }
0x2cd: {  	[sflag:s1] =	ssyncadd.s32 $0xFFFFD800  }
0x2ce: {  	[tilespmem:s6], [sflag:$0x2] =	stream.indirect.gather [hbm4b:s20+s4], $0x80, s12, s4, $0xb8;
	[tilespmem:$0x1C080] =	vst v63  }
0x2cf: {  	_ =	swait.ge [sflag:s10], $0x2800  }
0x2d0: {  	[sflag:s10] =	ssyncset.done $0x0  }
0x2d1: {  	[sflag:s10] =	ssyncadd.s32 $0xFFFFD800  }
0x2d2: {  	[spmem:s2] =	stream.indirect.scatter.add.f32 [tilespmem:s7], [sflag:$0x4], $0x80, s13, s4, $0xb8;
	[tilespmem:$0x1C080] =	vst v63  }
0x2d3: {  	_ =	swait.ge [sflag:s1], $0x2800  }
0x2d4: {  	[sflag:s1] =	ssyncset.done $0x0  }
0x2d5: {  	[sflag:s1] =	ssyncadd.s32 $0xFFFFD800  }
0x2d6: {  	[tilespmem:s7], [sflag:$0x3] =	stream.indirect.gather [hbm4b:s20+s4], $0x80, s14, s4, $0xb8;
	[tilespmem:$0x1C080] =	vst v63  }
0x2d7: {  	_ =	swait.ge [sflag:s8], $0x2800  }
0x2d8: {  	[sflag:s8] =	ssyncset.done $0x0  }
0x2d9: {  	[sflag:s8] =	ssyncadd.s32 $0xFFFFD800  }
0x2da: {  	[spmem:s2] =	stream.indirect.scatter.add.f32 [tilespmem:s5], [sflag:$0x4], $0x80, s15, s4, $0xb8;
	[tilespmem:$0x1C080] =	vst v63  }
0x2db: {  	_ =	swait.ge [sflag:s1], $0x2800  }
0x2dc: {  	[sflag:s1] =	ssyncset.done $0x0  }
0x2dd: {  	[sflag:s1] =	ssyncadd.s32 $0xFFFFD800  }
0x2de: {  	[tilespmem:s5], [sflag:$0x1] =	stream.indirect.gather [hbm4b:s20+s4], $0x80, s16, s4, $0xb8;
	[tilespmem:$0x1C080] =	vst v63  }
0x2df: {  	_ =	swait.ge [sflag:s9], $0x2800  }
0x2e0: {  	[sflag:s9] =	ssyncset.done $0x0  }
0x2e1: {  	[sflag:s9] =	ssyncadd.s32 $0xFFFFD800  }
0x2e2: {  	[spmem:s2] =	stream.indirect.scatter.add.f32 [tilespmem:s6], [sflag:$0x4], $0x80, s17, s4, $0xb8;
	[tilespmem:$0x1C080] =	vst v63  }
0x2e3: {  	_ =	swait.ge [sflag:s1], $0x2800  }
0x2e4: {  	[sflag:s1] =	ssyncset.done $0x0  }
0x2e5: {  	[sflag:s1] =	ssyncadd.s32 $0xFFFFD800  }
0x2e6: {  	[tilespmem:s6], [sflag:$0x2] =	stream.indirect.gather [hbm4b:s20+s4], $0x80, s18, s4, $0xb8;
	[tilespmem:$0x1C080] =	vst v63  }
0x2e7: {  	_ =	swait.ge [sflag:s10], $0x2800  }
0x2e8: {  	[sflag:s10] =	ssyncset.done $0x0  }
0x2e9: {  	[sflag:s10] =	ssyncadd.s32 $0xFFFFD800  }
0x2ea: {  	[spmem:s2] =	stream.indirect.scatter.add.f32 [tilespmem:s7], [sflag:$0x4], $0x80, s19, s4, $0xb8;
	[tilespmem:$0x1C080] =	vst v63  }
0x2eb: {  	_ =	swait.ge [sflag:s1], $0x2800  }
0x2ec: {  	[sflag:s1] =	ssyncset.done $0x0  }
0x2ed: {  	[sflag:s1] =	ssyncadd.s32 $0xFFFFD800  }
0x2ee: {  	[tilespmem:s7], [sflag:$0x3] =	stream.indirect.gather [hbm4b:s20+s4], $0x80, s21, s4, $0xb8;
	[tilespmem:$0x1C080] =	vst v63  }
0x2ef: {  	_ =	swait.ge [sflag:s8], $0x2800  }
0x2f0: {  	[sflag:s8] =	ssyncset.done $0x0  }
0x2f1: {  	[sflag:s8] =	ssyncadd.s32 $0xFFFFD800  }
0x2f2: {  	[spmem:s2] =	stream.indirect.scatter.add.f32 [tilespmem:s5], [sflag:$0x4], $0x80, s22, s4, $0xb8;
	[tilespmem:$0x1C080] =	vst v63  }
0x2f3: {  	_ =	swait.ge [sflag:s1], $0x2800  }
0x2f4: {  	[sflag:s1] =	ssyncset.done $0x0  }
0x2f5: {  	[sflag:s1] =	ssyncadd.s32 $0xFFFFD800  }
0x2f6: {  	[tilespmem:s5], [sflag:$0x1] =	stream.indirect.gather [hbm4b:s20+s4], $0x80, s24, s4, $0xb8;
	[tilespmem:$0x1C080] =	vst v63  }
0x2f7: {  	_ =	swait.ge [sflag:s9], $0x2800  }
0x2f8: {  	[sflag:s9] =	ssyncset.done $0x0  }
0x2f9: {  	[sflag:s9] =	ssyncadd.s32 $0xFFFFD800  }
0x2fa: {  	[spmem:s2] =	stream.indirect.scatter.add.f32 [tilespmem:s6], [sflag:$0x4], $0x80, s25, s4, $0xb8;
	[tilespmem:$0x1C080] =	vst v63  }
0x2fb: {  	_ =	swait.ge [sflag:s1], $0x2800  }
0x2fc: {  	[sflag:s1] =	ssyncset.done $0x0  }
0x2fd: {  	[sflag:s1] =	ssyncadd.s32 $0xFFFFD800  }
0x2fe: {  	_ =	swait.ge [sflag:s10], $0x2800  }
0x2ff: {  	[sflag:s10] =	ssyncset.done $0x0  }
0x300: {  	[sflag:s10] =	ssyncadd.s32 $0xFFFFD800  }
0x301: {  	[spmem:s2] =	stream.indirect.scatter.add.f32 [tilespmem:s7], [sflag:$0x4], $0x80, s26, s4, $0xb8;
	[tilespmem:$0x1C080] =	vst v63  }
0x302: {  	_ =	swait.ge [sflag:s1], $0x2800  }
0x303: {  	[sflag:s1] =	ssyncset.done $0x0  }
0x304: {  	[sflag:s1] =	ssyncadd.s32 $0xFFFFD800  }
0x305: {  	_ =	swait.ge [sflag:s8], $0x2800  }
0x306: {  	[sflag:s8] =	ssyncset.done $0x0  }
0x307: {  	[sflag:s8] =	ssyncadd.s32 $0xFFFFD800  }
0x308: {  	[spmem:s2] =	stream.indirect.scatter.add.f32 [tilespmem:s5], [sflag:$0x4], $0x80, s28, s4, $0xb8;
	[tilespmem:$0x1C080] =	vst v63  }
0x309: {  	_ =	swait.ge [sflag:s1], $0x2800  }
0x30a: {  	[sflag:s1] =	ssyncset.done $0x0  }
0x30b: {  	[sflag:s1] =	ssyncadd.s32 $0xFFFFD800  }
0x30c: {  	[bflag:$0x0] =	sbarrier.arrive $0xFFFF  }
0x30d: {  	s23 =	sld [smem:$0x7E9]  }
0x30e: {  	s30 =	sld [smem:$0x7FD]  }
0x30f: {  	s29 =	sld [smem:$0x7D6];
	_ =	sdelay $0x2  }
0x310: {  	[hbm:s23], [sflag:s30] =	dma.local [spmem:s29], $0x500  }
0x311: {  	_ =	swait.ge [sflag:s1], $0x500  }
0x312: {  	s23 =	sld [smem:$0x7EA]  }
0x313: {  	s29 =	sld [smem:$0x7D7]  }
0x314: {  	[sflag:s1] =	ssyncset.done $0x0  }
0x315: {  	[sflag:s1] =	ssyncadd.s32 $0xFFFFFB00  }
0x316: {  	[hbm:s23], [sflag:s30] =	dma.local [spmem:s29], $0x500  }
0x317: {  	_ =	swait.ge [sflag:s1], $0x500  }
0x318: {  	s23 =	sld [smem:$0x7EB]  }
0x319: {  	s29 =	sld [smem:$0x7D8]  }
0x31a: {  	[sflag:s1] =	ssyncset.done $0x0  }
0x31b: {  	[sflag:s1] =	ssyncadd.s32 $0xFFFFFB00  }
0x31c: {  	[hbm:s23], [sflag:s30] =	dma.local [spmem:s29], $0x500  }
0x31d: {  	_ =	swait.ge [sflag:s1], $0x500  }
0x31e: {  	s23 =	sld [smem:$0x7EC]  }
0x31f: {  	s29 =	sld [smem:$0x7D9]  }
0x320: {  	[sflag:s1] =	ssyncset.done $0x0  }
0x321: {  	[sflag:s1] =	ssyncadd.s32 $0xFFFFFB00  }
0x322: {  	[hbm:s23], [sflag:s30] =	dma.local [spmem:s29], $0x500  }
0x323: {  	_ =	swait.ge [sflag:s1], $0x500  }
0x324: {  	s23 =	sld [smem:$0x7ED]  }
0x325: {  	s29 =	sld [smem:$0x7DA]  }
0x326: {  	[sflag:s1] =	ssyncset.done $0x0  }
0x327: {  	[sflag:s1] =	ssyncadd.s32 $0xFFFFFB00  }
0x328: {  	[hbm:s23], [sflag:s30] =	dma.local [spmem:s29], $0x500  }
0x329: {  	_ =	swait.ge [sflag:s1], $0x500  }
0x32a: {  	s23 =	sld [smem:$0x7EE]  }
0x32b: {  	s29 =	sld [smem:$0x7DB]  }
0x32c: {  	[sflag:s1] =	ssyncset.done $0x0  }
0x32d: {  	[sflag:s1] =	ssyncadd.s32 $0xFFFFFB00  }
0x32e: {  	[hbm:s23], [sflag:s30] =	dma.local [spmem:s29], $0x500  }
0x32f: {  	_ =	swait.ge [sflag:s1], $0x500  }
0x330: {  	s23 =	sld [smem:$0x7EF]  }
0x331: {  	s29 =	sld [smem:$0x7DC]  }
0x332: {  	[sflag:s1] =	ssyncset.done $0x0  }
0x333: {  	[sflag:s1] =	ssyncadd.s32 $0xFFFFFB00  }
0x334: {  	[hbm:s23], [sflag:s30] =	dma.local [spmem:s29], $0x500  }
0x335: {  	_ =	swait.ge [sflag:s1], $0x500  }
0x336: {  	s23 =	sld [smem:$0x7F0]  }
0x337: {  	s29 =	sld [smem:$0x7DD]  }
0x338: {  	[sflag:s1] =	ssyncset.done $0x0  }
0x339: {  	[sflag:s1] =	ssyncadd.s32 $0xFFFFFB00  }
0x33a: {  	[hbm:s23], [sflag:s30] =	dma.local @!p0 [spmem:s29], $0x500  }
0x33b: {  	s23 =	simm.s32 @!p0 $0x4  }
0x33c: {  	_ =	swait.ge @!p0 [sflag:s23], $0x500  }
0x33d: {  	s31 =	sld [smem:$0x7D5]  }
0x33e: {  	s29 =	sld [smem:$0x7F4];
	_ =	sdelay $0x1  }
0x33f: {  	s31 =	sadd.s32 $0x1, s31  }
0x340: {  	p1 =	sne.s32 s31, s29  }
.Ltmp1:
0x341: {  	_ = 	snop;
	(pc) =	sbr.rel @p1 .LBB2_1-.Ltmp1, $3  }
0x342: {  	_ =	sdelay $0x1  }
0x343: {  	[sflag:s23] =	ssyncset.done @!p0 $0x0  }
0x344: {  	[sflag:s23] =	ssyncadd.s32 @!p0 $0xFFFFFB00  }
0x345: {  	_ =	sfence.sel $0x180000  }
0x346: {  	[bflag:$0x0] =	sbarrier.arrive $0xFFFF  }
0x347: {  	_ =	strace $0x90000050  }
0x348: {  	s0 =	stileid.u32;
	[bflag:$0x2] =	sbarrier.arrive $0xFFFF  }
0x349: {  	p0 =	sne.s32 s0, $0x0;
	s0 =	rddreg [dreg:$0x3]  }
0x34a: {  	s0 =	sadd.s32 @!p0 $0x100000, s0  }
0x34b: {  	[sflag:s0] =	ssyncadd.tile.s32 @!p0 $0x1;
	_ =	shalt  }
.Lfunc_end2:
_tile_overlayer_lowered:
.L_overlay_start_2:
0x34c: {  	(tag) =	ssettag $0x2  }
0x34d: {  	s0 =	rddreg [dreg:$0x0];
	s2 =	stileid.u32  }
0x34e: {  	s1 =	rddreg [dreg:$0x1];
	p0 =	sne.s32 s2, $0x0  }
0x34f: {  	s3 =	rddreg [dreg:$0x2];
	[bflag:$0x3] =	sbarrier.arrive $0xFFFF;
	s2 =	simm.s32 @!p0 $0x1C04  }
0x350: {  	[timem:s3], [sflag:s2] =	dma.local @!p0 [hbm:s0], s1  }
0x351: {  	s0 =	simm.s32 @!p0 $0x4  }
0x352: {  	_ =	swait.ge @!p0 [sflag:s0], s1  }
0x353: {  	s1 =	ssub.s32 @!p0 $0x0, s1;
	[sflag:s0] =	ssyncset.done @!p0 $0x0  }
0x354: {  	[sflag:s0] =	ssyncadd.s32 @!p0 s1  }
0x355: {  	[bflag:$0x3] =	sbarrier.arrive $0xFFFF  }
0x356: {  	_ =	shalt  }

</sc_bundles>
